<compile_context>
chip_gen: v7x
topology: tpu7x:2x2x1
jax: 0.10.2.dev20260603
libtpu: 0.0.44.dev20260713+nightly
codegen_flags: <defaults>
</compile_context>

<pallas_src>
import functools

import jax
import jax.numpy as jnp
from jax import lax
from jax.experimental import pallas as pl
from jax.experimental.pallas import tpu as pltpu
from jax.experimental.pallas import tpu_sc as plsc

_VOCAB = 1000000
_CTX = 200
_EMB = 64
_BATCH = 1024

_NC = 2
_NS = 16
_NW = _NC * _NS
_ROWS = _BATCH * _CTX
_BPW = _BATCH // _NW
_CB = 4
_CHUNK = _CB * _CTX
_NCHUNK = _BPW // _CB
_GL = 100
_NG = _CHUNK // _GL
_LANES = 16


def _pos_encoding():
    positions = jnp.arange(_CTX, dtype=jnp.float32)
    indices = jnp.arange(_EMB // 2, dtype=jnp.float32)
    scaling_factor = 10000 ** (2 * indices / _EMB)
    angles = positions[:, None] / scaling_factor
    pe = jnp.zeros((_CTX, _EMB), dtype=jnp.float32)
    pe = pe.at[:, 0::2].set(jnp.sin(angles))
    pe = pe.at[:, 1::2].set(jnp.cos(angles))
    return pe


def _body(x_hbm, pe_hbm, table_hbm, out_hbm,
          idx0, idx1, idx2, rows0, rows1, pe_v,
          isem0, isem1, isem2, gsem0, gsem1, ssem0, ssem1):
    wid = lax.axis_index("s") * _NC + lax.axis_index("c")
    pltpu.sync_copy(pe_hbm, pe_v)
    idx = [idx0, idx1, idx2]
    isem = [isem0, isem1, isem2]
    rows = [rows0, rows1]
    gsem = [gsem0, gsem1]
    ssem = [ssem0, ssem1]

    def idx_copy(c):
        xrow = wid * (_BPW * _CTX // _GL) + c * _NG
        return pltpu.async_copy(
            x_hbm.at[pl.ds(xrow, _NG), :], idx[c % 3], isem[c % 3])

    def gather_copies(c):
        buf = rows[c % 2]
        return [
            pltpu.async_copy(
                table_hbm.at[idx[c % 3].at[j]],
                buf.at[j // 2, pl.ds((j % 2) * _GL, _GL), :],
                gsem[c % 2],
            )
            for j in range(_NG)
        ]

    def scatter_copy(c):
        b0 = wid * _BPW + c * _CB
        return pltpu.async_copy(
            rows[c % 2], out_hbm.at[pl.ds(b0, _CB), :, :], ssem[c % 2])

    def pe_add(c):
        buf = rows[c % 2]

        def pos_body(p, pcarry):
            for g in range(_EMB // _LANES):
                sl = pl.ds(g * _LANES, _LANES)
                pv = pe_v[p, sl]
                for r in range(_CB):
                    buf[r, p, sl] = buf[r, p, sl] + pv
            return pcarry

        lax.fori_loop(0, _CTX, pos_body, 0)

    idx_copy(0).wait()
    gathers = {0: gather_copies(0)}
    idx_pending = {1: idx_copy(1)}
    scatters = {}

    for c in range(_NCHUNK):
        if c + 1 < _NCHUNK:
            idx_pending.pop(c + 1).wait()
            if c >= 1:
                scatters.pop(c - 1).wait()
            gathers[c + 1] = gather_copies(c + 1)
        if c + 2 < _NCHUNK:
            idx_pending[c + 2] = idx_copy(c + 2)
        for cp in gathers.pop(c):
            cp.wait()
        pe_add(c)
        scatters[c] = scatter_copy(c)

    scatters.pop(_NCHUNK - 2).wait()
    scatters.pop(_NCHUNK - 1).wait()


_mesh = plsc.VectorSubcoreMesh(core_axis_name="c", subcore_axis_name="s")

_emb_call = functools.partial(
    pl.kernel,
    mesh=_mesh,
    out_type=jax.ShapeDtypeStruct((_BATCH, _CTX, _EMB), jnp.float32),
    compiler_params=pltpu.CompilerParams(use_tc_tiling_on_sc=False),
    scratch_types=[
        pltpu.VMEM((_NG, _GL), jnp.int32),
        pltpu.VMEM((_NG, _GL), jnp.int32),
        pltpu.VMEM((_NG, _GL), jnp.int32),
        pltpu.VMEM((_CB, _CTX, _EMB), jnp.float32),
        pltpu.VMEM((_CB, _CTX, _EMB), jnp.float32),
        pltpu.VMEM((_CTX, _EMB), jnp.float32),
        pltpu.SemaphoreType.DMA,
        pltpu.SemaphoreType.DMA,
        pltpu.SemaphoreType.DMA,
        pltpu.SemaphoreType.DMA,
        pltpu.SemaphoreType.DMA,
        pltpu.SemaphoreType.DMA,
        pltpu.SemaphoreType.DMA,
    ],
)(_body)


@jax.jit
def kernel(x, table):
    pe = _pos_encoding()
    x2 = x.reshape(_ROWS // _GL, _GL)
    return _emb_call(x2, pe, table)

# --- scband reference (transcript-rebuilt; emitter-appended) ---
"""Pipeline reference for scband-embedding-12567074308416 (READ-ONLY COPY).

The authoritative reference and input builder live on the scoring server;
editing this copy changes nothing except your own understanding.
"""

import jax, jax.numpy as jnp
import numpy as np

VOCAB = 1000000
CTX = 200
EMB = 64
PAD = 0
BATCH = 1024


def _sinusoidal_positional_encoding(context_size, embedding_size):
    positions = jnp.arange(context_size, dtype=jnp.float32)
    indices = jnp.arange(embedding_size // 2, dtype=jnp.float32)
    scaling_factor = 10000 ** (2 * indices / embedding_size)
    angles = positions[:, None] / scaling_factor
    pe = jnp.zeros((context_size, embedding_size), dtype=jnp.float32)
    pe = pe.at[:, 0::2].set(jnp.sin(angles))
    pe = pe.at[:, 1::2].set(jnp.cos(angles))
    return pe


def setup_inputs(seed: int = 0) -> dict:
    key = jax.random.key(seed)
    k1, k2 = jax.random.split(key)
    x = jax.random.randint(k1, (BATCH, CTX), 0, VOCAB, dtype=jnp.int32)
    table = jax.random.normal(k2, (VOCAB, EMB), dtype=jnp.float32)
    # padding_idx row is initialized to zeros in nn.Embedding
    table = table.at[PAD].set(0.0)
    return {"x": x, "table": table}


def reference(x, table):
    # padding_idx semantics: row PAD is always zero
    t = table.at[PAD].set(0.0)
    token_embeddings = jnp.take(t, x, axis=0)
    position_encoding = _sinusoidal_positional_encoding(CTX, EMB)[: x.shape[-1], :]
    return token_embeddings + position_encoding

if __name__ == "__main__":
    import jax
    _d = setup_inputs()
    print(jax.jit(kernel)(*tuple(_d.values())))

</pallas_src>

<mosaic_0001>
#map = affine_map<(d0, d1) -> (0, 0)>
#map1 = affine_map<(d0, d1) -> (0, 0, 0)>
module attributes {stable_mosaic.version = 14 : i64} {
  func.func @_body(%arg0: i32, %arg1: i32, %arg2: memref<2048x100xi32, #tpu.memory_space<hbm>>, %arg3: memref<200x64xf32, #tpu.memory_space<hbm>>, %arg4: memref<1000000x64xf32, #tpu.memory_space<hbm>>, %arg5: memref<1024x200x64xf32, #tpu.memory_space<hbm>>, %arg6: memref<8x100xi32, #tpu.memory_space<vmem>>, %arg7: memref<8x100xi32, #tpu.memory_space<vmem>>, %arg8: memref<8x100xi32, #tpu.memory_space<vmem>>, %arg9: memref<4x200x64xf32, #tpu.memory_space<vmem>>, %arg10: memref<4x200x64xf32, #tpu.memory_space<vmem>>, %arg11: memref<200x64xf32, #tpu.memory_space<vmem>>, %arg12: memref<!tpu.dma_semaphore, #tpu.memory_space<semaphore_mem>>, %arg13: memref<!tpu.dma_semaphore, #tpu.memory_space<semaphore_mem>>, %arg14: memref<!tpu.dma_semaphore, #tpu.memory_space<semaphore_mem>>, %arg15: memref<!tpu.dma_semaphore, #tpu.memory_space<semaphore_mem>>, %arg16: memref<!tpu.dma_semaphore, #tpu.memory_space<semaphore_mem>>, %arg17: memref<!tpu.dma_semaphore, #tpu.memory_space<semaphore_mem>>, %arg18: memref<!tpu.dma_semaphore, #tpu.memory_space<semaphore_mem>>) attributes {dimension_semantics = [#tpu.dimension_semantics<core_parallel>, #tpu.dimension_semantics<subcore_parallel>], iteration_bounds = array<i64: 2, 16>, scalar_prefetch = 0 : i64, scratch_operands = 13 : i64, tpu.core_type = #tpu.core_type<sc_vector_subcore>, window_params = [{transform_indices = #map}, {transform_indices = #map}, {transform_indices = #map}, {transform_indices = #map1}]} {
    %mul3A = arith.constant 2 : i32
    %mul3A_0 = arith.muli %arg1, %mul3A : i32
    %add3A = arith.addi %mul3A_0, %arg0 : i32
    "tpu.region"() ({
      %run_scoped3A = tpu.sem_alloc : memref<!tpu.dma_semaphore, #tpu.memory_space<semaphore_mem>>
      tpu.enqueue_dma source(%arg3 : memref<200x64xf32, #tpu.memory_space<hbm>>) target(%arg11 : memref<200x64xf32, #tpu.memory_space<vmem>>) target_semaphore(%run_scoped3A : memref<!tpu.dma_semaphore, #tpu.memory_space<semaphore_mem>>)
      tpu.wait_dma2 semaphore(%run_scoped3A : memref<!tpu.dma_semaphore, #tpu.memory_space<semaphore_mem>>) src(%arg3 : memref<200x64xf32, #tpu.memory_space<hbm>>) dst(%arg11 : memref<200x64xf32, #tpu.memory_space<vmem>>)
      tpu.yield
    }) : () -> ()
    %mul3A_1 = arith.constant 64 : i32
    %mul3A_2 = arith.muli %add3A, %mul3A_1 : i32
    %add3A_3 = arith.constant 0 : i32
    %add3A_4 = arith.addi %mul3A_2, %add3A_3 : i32
    %dma_start3A = arith.constant 0 : i32
    %dma_start3A_5 = tpu.memref_slice %arg2[%add3A_4, %dma_start3A] : memref<2048x100xi32, #tpu.memory_space<hbm>> -> memref<8x100xi32, #tpu.memory_space<hbm>>
    %dma_start3A_6 = arith.constant 0 : i32
    %dma_start3A_7 = tpu.memref_slice %arg2[%add3A_4, %dma_start3A_6] : memref<2048x100xi32, #tpu.memory_space<hbm>> -> memref<8x100xi32, #tpu.memory_space<hbm>>
    tpu.enqueue_dma source(%dma_start3A_7 : memref<8x100xi32, #tpu.memory_space<hbm>>) target(%arg6 : memref<8x100xi32, #tpu.memory_space<vmem>>) target_semaphore(%arg12 : memref<!tpu.dma_semaphore, #tpu.memory_space<semaphore_mem>>)
    %dma_wait3A = arith.constant 0 : i32
    %dma_wait3A_8 = tpu.memref_slice %arg2[%add3A_4, %dma_wait3A] : memref<2048x100xi32, #tpu.memory_space<hbm>> -> memref<8x100xi32, #tpu.memory_space<hbm>>
    %dma_wait3A_9 = arith.constant 0 : i32
    %dma_wait3A_10 = tpu.memref_slice %arg2[%add3A_4, %dma_wait3A_9] : memref<2048x100xi32, #tpu.memory_space<hbm>> -> memref<8x100xi32, #tpu.memory_space<hbm>>
    tpu.wait_dma2 semaphore(%arg12 : memref<!tpu.dma_semaphore, #tpu.memory_space<semaphore_mem>>) src(%dma_wait3A_10 : memref<8x100xi32, #tpu.memory_space<hbm>>) dst(%arg6 : memref<8x100xi32, #tpu.memory_space<vmem>>)
    %dma_start3A_11 = arith.constant 0 : i32
    %dma_start3A_12 = arith.constant 0 : i32
    %dma_start3A_13 = arith.constant 0 : i32
    %dma_start3A_14 = arith.constant 0 : i32
    %dma_start3A_15 = tpu.memref_slice %arg9[%dma_start3A_12, %dma_start3A_13, %dma_start3A_14] : memref<4x200x64xf32, #tpu.memory_space<vmem>> -> memref<1x100x64xf32, #tpu.memory_space<vmem>>
    %dma_start3A_16 = tpu.memref_squeeze %dma_start3A_15 : memref<1x100x64xf32, #tpu.memory_space<vmem>> -> memref<100x64xf32, #tpu.memory_space<vmem>>
    %dma_start3A_17 = arith.constant 0 : i32
    %dma_start3A_18 = tpu.memref_slice %arg6[%dma_start3A_11, %dma_start3A_17] : memref<8x100xi32, #tpu.memory_space<vmem>> -> memref<1x100xi32, #tpu.memory_space<vmem>>
    %dma_start3A_19 = tpu.memref_squeeze %dma_start3A_18 : memref<1x100xi32, #tpu.memory_space<vmem>> -> memref<100xi32, #tpu.memory_space<vmem>>
    %dma_start3A_20 = arith.constant 0 : i32
    %dma_start3A_21 = arith.constant 0 : i32
    %dma_start3A_22 = tpu.memref_slice %arg4[%dma_start3A_20, %dma_start3A_21] : memref<1000000x64xf32, #tpu.memory_space<hbm>> -> memref<1000000x64xf32, #tpu.memory_space<hbm>>
    tpu.enqueue_indirect_dma source(%dma_start3A_22 : memref<1000000x64xf32, #tpu.memory_space<hbm>>) target(%dma_start3A_16 : memref<100x64xf32, #tpu.memory_space<vmem>>) offsets(%dma_start3A_19 : memref<100xi32, #tpu.memory_space<vmem>>) semaphore(%arg15 : memref<!tpu.dma_semaphore, #tpu.memory_space<semaphore_mem>>)
    %dma_start3A_23 = arith.constant 1 : i32
    %dma_start3A_24 = arith.constant 0 : i32
    %dma_start3A_25 = arith.constant 100 : i32
    %dma_start3A_26 = arith.constant 0 : i32
    %dma_start3A_27 = tpu.memref_slice %arg9[%dma_start3A_24, %dma_start3A_25, %dma_start3A_26] : memref<4x200x64xf32, #tpu.memory_space<vmem>> -> memref<1x100x64xf32, #tpu.memory_space<vmem>>
    %dma_start3A_28 = tpu.memref_squeeze %dma_start3A_27 : memref<1x100x64xf32, #tpu.memory_space<vmem>> -> memref<100x64xf32, #tpu.memory_space<vmem>>
    %dma_start3A_29 = arith.constant 0 : i32
    %dma_start3A_30 = tpu.memref_slice %arg6[%dma_start3A_23, %dma_start3A_29] : memref<8x100xi32, #tpu.memory_space<vmem>> -> memref<1x100xi32, #tpu.memory_space<vmem>>
    %dma_start3A_31 = tpu.memref_squeeze %dma_start3A_30 : memref<1x100xi32, #tpu.memory_space<vmem>> -> memref<100xi32, #tpu.memory_space<vmem>>
    %dma_start3A_32 = arith.constant 0 : i32
    %dma_start3A_33 = arith.constant 0 : i32
    %dma_start3A_34 = tpu.memref_slice %arg4[%dma_start3A_32, %dma_start3A_33] : memref<1000000x64xf32, #tpu.memory_space<hbm>> -> memref<1000000x64xf32, #tpu.memory_space<hbm>>
    tpu.enqueue_indirect_dma source(%dma_start3A_34 : memref<1000000x64xf32, #tpu.memory_space<hbm>>) target(%dma_start3A_28 : memref<100x64xf32, #tpu.memory_space<vmem>>) offsets(%dma_start3A_31 : memref<100xi32, #tpu.memory_space<vmem>>) semaphore(%arg15 : memref<!tpu.dma_semaphore, #tpu.memory_space<semaphore_mem>>)
    %dma_start3A_35 = arith.constant 2 : i32
    %dma_start3A_36 = arith.constant 1 : i32
    %dma_start3A_37 = arith.constant 0 : i32
    %dma_start3A_38 = arith.constant 0 : i32
    %dma_start3A_39 = tpu.memref_slice %arg9[%dma_start3A_36, %dma_start3A_37, %dma_start3A_38] : memref<4x200x64xf32, #tpu.memory_space<vmem>> -> memref<1x100x64xf32, #tpu.memory_space<vmem>>
    %dma_start3A_40 = tpu.memref_squeeze %dma_start3A_39 : memref<1x100x64xf32, #tpu.memory_space<vmem>> -> memref<100x64xf32, #tpu.memory_space<vmem>>
    %dma_start3A_41 = arith.constant 0 : i32
    %dma_start3A_42 = tpu.memref_slice %arg6[%dma_start3A_35, %dma_start3A_41] : memref<8x100xi32, #tpu.memory_space<vmem>> -> memref<1x100xi32, #tpu.memory_space<vmem>>
    %dma_start3A_43 = tpu.memref_squeeze %dma_start3A_42 : memref<1x100xi32, #tpu.memory_space<vmem>> -> memref<100xi32, #tpu.memory_space<vmem>>
    %dma_start3A_44 = arith.constant 0 : i32
    %dma_start3A_45 = arith.constant 0 : i32
    %dma_start3A_46 = tpu.memref_slice %arg4[%dma_start3A_44, %dma_start3A_45] : memref<1000000x64xf32, #tpu.memory_space<hbm>> -> memref<1000000x64xf32, #tpu.memory_space<hbm>>
    tpu.enqueue_indirect_dma source(%dma_start3A_46 : memref<1000000x64xf32, #tpu.memory_space<hbm>>) target(%dma_start3A_40 : memref<100x64xf32, #tpu.memory_space<vmem>>) offsets(%dma_start3A_43 : memref<100xi32, #tpu.memory_space<vmem>>) semaphore(%arg15 : memref<!tpu.dma_semaphore, #tpu.memory_space<semaphore_mem>>)
    %dma_start3A_47 = arith.constant 3 : i32
    %dma_start3A_48 = arith.constant 1 : i32
    %dma_start3A_49 = arith.constant 100 : i32
    %dma_start3A_50 = arith.constant 0 : i32
    %dma_start3A_51 = tpu.memref_slice %arg9[%dma_start3A_48, %dma_start3A_49, %dma_start3A_50] : memref<4x200x64xf32, #tpu.memory_space<vmem>> -> memref<1x100x64xf32, #tpu.memory_space<vmem>>
    %dma_start3A_52 = tpu.memref_squeeze %dma_start3A_51 : memref<1x100x64xf32, #tpu.memory_space<vmem>> -> memref<100x64xf32, #tpu.memory_space<vmem>>
    %dma_start3A_53 = arith.constant 0 : i32
    %dma_start3A_54 = tpu.memref_slice %arg6[%dma_start3A_47, %dma_start3A_53] : memref<8x100xi32, #tpu.memory_space<vmem>> -> memref<1x100xi32, #tpu.memory_space<vmem>>
    %dma_start3A_55 = tpu.memref_squeeze %dma_start3A_54 : memref<1x100xi32, #tpu.memory_space<vmem>> -> memref<100xi32, #tpu.memory_space<vmem>>
    %dma_start3A_56 = arith.constant 0 : i32
    %dma_start3A_57 = arith.constant 0 : i32
    %dma_start3A_58 = tpu.memref_slice %arg4[%dma_start3A_56, %dma_start3A_57] : memref<1000000x64xf32, #tpu.memory_space<hbm>> -> memref<1000000x64xf32, #tpu.memory_space<hbm>>
    tpu.enqueue_indirect_dma source(%dma_start3A_58 : memref<1000000x64xf32, #tpu.memory_space<hbm>>) target(%dma_start3A_52 : memref<100x64xf32, #tpu.memory_space<vmem>>) offsets(%dma_start3A_55 : memref<100xi32, #tpu.memory_space<vmem>>) semaphore(%arg15 : memref<!tpu.dma_semaphore, #tpu.memory_space<semaphore_mem>>)
    %dma_start3A_59 = arith.constant 4 : i32
    %dma_start3A_60 = arith.constant 2 : i32
    %dma_start3A_61 = arith.constant 0 : i32
    %dma_start3A_62 = arith.constant 0 : i32
    %dma_start3A_63 = tpu.memref_slice %arg9[%dma_start3A_60, %dma_start3A_61, %dma_start3A_62] : memref<4x200x64xf32, #tpu.memory_space<vmem>> -> memref<1x100x64xf32, #tpu.memory_space<vmem>>
    %dma_start3A_64 = tpu.memref_squeeze %dma_start3A_63 : memref<1x100x64xf32, #tpu.memory_space<vmem>> -> memref<100x64xf32, #tpu.memory_space<vmem>>
    %dma_start3A_65 = arith.constant 0 : i32
    %dma_start3A_66 = tpu.memref_slice %arg6[%dma_start3A_59, %dma_start3A_65] : memref<8x100xi32, #tpu.memory_space<vmem>> -> memref<1x100xi32, #tpu.memory_space<vmem>>
    %dma_start3A_67 = tpu.memref_squeeze %dma_start3A_66 : memref<1x100xi32, #tpu.memory_space<vmem>> -> memref<100xi32, #tpu.memory_space<vmem>>
    %dma_start3A_68 = arith.constant 0 : i32
    %dma_start3A_69 = arith.constant 0 : i32
    %dma_start3A_70 = tpu.memref_slice %arg4[%dma_start3A_68, %dma_start3A_69] : memref<1000000x64xf32, #tpu.memory_space<hbm>> -> memref<1000000x64xf32, #tpu.memory_space<hbm>>
    tpu.enqueue_indirect_dma source(%dma_start3A_70 : memref<1000000x64xf32, #tpu.memory_space<hbm>>) target(%dma_start3A_64 : memref<100x64xf32, #tpu.memory_space<vmem>>) offsets(%dma_start3A_67 : memref<100xi32, #tpu.memory_space<vmem>>) semaphore(%arg15 : memref<!tpu.dma_semaphore, #tpu.memory_space<semaphore_mem>>)
    %dma_start3A_71 = arith.constant 5 : i32
    %dma_start3A_72 = arith.constant 2 : i32
    %dma_start3A_73 = arith.constant 100 : i32
    %dma_start3A_74 = arith.constant 0 : i32
    %dma_start3A_75 = tpu.memref_slice %arg9[%dma_start3A_72, %dma_start3A_73, %dma_start3A_74] : memref<4x200x64xf32, #tpu.memory_space<vmem>> -> memref<1x100x64xf32, #tpu.memory_space<vmem>>
    %dma_start3A_76 = tpu.memref_squeeze %dma_start3A_75 : memref<1x100x64xf32, #tpu.memory_space<vmem>> -> memref<100x64xf32, #tpu.memory_space<vmem>>
    %dma_start3A_77 = arith.constant 0 : i32
    %dma_start3A_78 = tpu.memref_slice %arg6[%dma_start3A_71, %dma_start3A_77] : memref<8x100xi32, #tpu.memory_space<vmem>> -> memref<1x100xi32, #tpu.memory_space<vmem>>
    %dma_start3A_79 = tpu.memref_squeeze %dma_start3A_78 : memref<1x100xi32, #tpu.memory_space<vmem>> -> memref<100xi32, #tpu.memory_space<vmem>>
    %dma_start3A_80 = arith.constant 0 : i32
    %dma_start3A_81 = arith.constant 0 : i32
    %dma_start3A_82 = tpu.memref_slice %arg4[%dma_start3A_80, %dma_start3A_81] : memref<1000000x64xf32, #tpu.memory_space<hbm>> -> memref<1000000x64xf32, #tpu.memory_space<hbm>>
    tpu.enqueue_indirect_dma source(%dma_start3A_82 : memref<1000000x64xf32, #tpu.memory_space<hbm>>) target(%dma_start3A_76 : memref<100x64xf32, #tpu.memory_space<vmem>>) offsets(%dma_start3A_79 : memref<100xi32, #tpu.memory_space<vmem>>) semaphore(%arg15 : memref<!tpu.dma_semaphore, #tpu.memory_space<semaphore_mem>>)
    %dma_start3A_83 = arith.constant 6 : i32
    %dma_start3A_84 = arith.constant 3 : i32
    %dma_start3A_85 = arith.constant 0 : i32
    %dma_start3A_86 = arith.constant 0 : i32
    %dma_start3A_87 = tpu.memref_slice %arg9[%dma_start3A_84, %dma_start3A_85, %dma_start3A_86] : memref<4x200x64xf32, #tpu.memory_space<vmem>> -> memref<1x100x64xf32, #tpu.memory_space<vmem>>
    %dma_start3A_88 = tpu.memref_squeeze %dma_start3A_87 : memref<1x100x64xf32, #tpu.memory_space<vmem>> -> memref<100x64xf32, #tpu.memory_space<vmem>>
    %dma_start3A_89 = arith.constant 0 : i32
    %dma_start3A_90 = tpu.memref_slice %arg6[%dma_start3A_83, %dma_start3A_89] : memref<8x100xi32, #tpu.memory_space<vmem>> -> memref<1x100xi32, #tpu.memory_space<vmem>>
    %dma_start3A_91 = tpu.memref_squeeze %dma_start3A_90 : memref<1x100xi32, #tpu.memory_space<vmem>> -> memref<100xi32, #tpu.memory_space<vmem>>
    %dma_start3A_92 = arith.constant 0 : i32
    %dma_start3A_93 = arith.constant 0 : i32
    %dma_start3A_94 = tpu.memref_slice %arg4[%dma_start3A_92, %dma_start3A_93] : memref<1000000x64xf32, #tpu.memory_space<hbm>> -> memref<1000000x64xf32, #tpu.memory_space<hbm>>
    tpu.enqueue_indirect_dma source(%dma_start3A_94 : memref<1000000x64xf32, #tpu.memory_space<hbm>>) target(%dma_start3A_88 : memref<100x64xf32, #tpu.memory_space<vmem>>) offsets(%dma_start3A_91 : memref<100xi32, #tpu.memory_space<vmem>>) semaphore(%arg15 : memref<!tpu.dma_semaphore, #tpu.memory_space<semaphore_mem>>)
    %dma_start3A_95 = arith.constant 7 : i32
    %dma_start3A_96 = arith.constant 3 : i32
    %dma_start3A_97 = arith.constant 100 : i32
    %dma_start3A_98 = arith.constant 0 : i32
    %dma_start3A_99 = tpu.memref_slice %arg9[%dma_start3A_96, %dma_start3A_97, %dma_start3A_98] : memref<4x200x64xf32, #tpu.memory_space<vmem>> -> memref<1x100x64xf32, #tpu.memory_space<vmem>>
    %dma_start3A_100 = tpu.memref_squeeze %dma_start3A_99 : memref<1x100x64xf32, #tpu.memory_space<vmem>> -> memref<100x64xf32, #tpu.memory_space<vmem>>
    %dma_start3A_101 = arith.constant 0 : i32
    %dma_start3A_102 = tpu.memref_slice %arg6[%dma_start3A_95, %dma_start3A_101] : memref<8x100xi32, #tpu.memory_space<vmem>> -> memref<1x100xi32, #tpu.memory_space<vmem>>
    %dma_start3A_103 = tpu.memref_squeeze %dma_start3A_102 : memref<1x100xi32, #tpu.memory_space<vmem>> -> memref<100xi32, #tpu.memory_space<vmem>>
    %dma_start3A_104 = arith.constant 0 : i32
    %dma_start3A_105 = arith.constant 0 : i32
    %dma_start3A_106 = tpu.memref_slice %arg4[%dma_start3A_104, %dma_start3A_105] : memref<1000000x64xf32, #tpu.memory_space<hbm>> -> memref<1000000x64xf32, #tpu.memory_space<hbm>>
    tpu.enqueue_indirect_dma source(%dma_start3A_106 : memref<1000000x64xf32, #tpu.memory_space<hbm>>) target(%dma_start3A_100 : memref<100x64xf32, #tpu.memory_space<vmem>>) offsets(%dma_start3A_103 : memref<100xi32, #tpu.memory_space<vmem>>) semaphore(%arg15 : memref<!tpu.dma_semaphore, #tpu.memory_space<semaphore_mem>>)
    %mul3A_107 = arith.constant 64 : i32
    %mul3A_108 = arith.muli %add3A, %mul3A_107 : i32
    %add3A_109 = arith.constant 8 : i32
    %add3A_110 = arith.addi %mul3A_108, %add3A_109 : i32
    %dma_start3A_111 = arith.constant 0 : i32
    %dma_start3A_112 = tpu.memref_slice %arg2[%add3A_110, %dma_start3A_111] : memref<2048x100xi32, #tpu.memory_space<hbm>> -> memref<8x100xi32, #tpu.memory_space<hbm>>
    %dma_start3A_113 = arith.constant 0 : i32
    %dma_start3A_114 = tpu.memref_slice %arg2[%add3A_110, %dma_start3A_113] : memref<2048x100xi32, #tpu.memory_space<hbm>> -> memref<8x100xi32, #tpu.memory_space<hbm>>
    tpu.enqueue_dma source(%dma_start3A_114 : memref<8x100xi32, #tpu.memory_space<hbm>>) target(%arg7 : memref<8x100xi32, #tpu.memory_space<vmem>>) target_semaphore(%arg13 : memref<!tpu.dma_semaphore, #tpu.memory_space<semaphore_mem>>)
    %dma_wait3A_115 = arith.constant 0 : i32
    %dma_wait3A_116 = tpu.memref_slice %arg2[%add3A_110, %dma_wait3A_115] : memref<2048x100xi32, #tpu.memory_space<hbm>> -> memref<8x100xi32, #tpu.memory_space<hbm>>
    %dma_wait3A_117 = arith.constant 0 : i32
    %dma_wait3A_118 = tpu.memref_slice %arg2[%add3A_110, %dma_wait3A_117] : memref<2048x100xi32, #tpu.memory_space<hbm>> -> memref<8x100xi32, #tpu.memory_space<hbm>>
    tpu.wait_dma2 semaphore(%arg13 : memref<!tpu.dma_semaphore, #tpu.memory_space<semaphore_mem>>) src(%dma_wait3A_118 : memref<8x100xi32, #tpu.memory_space<hbm>>) dst(%arg7 : memref<8x100xi32, #tpu.memory_space<vmem>>)
    %dma_start3A_119 = arith.constant 0 : i32
    %dma_start3A_120 = arith.constant 0 : i32
    %dma_start3A_121 = arith.constant 0 : i32
    %dma_start3A_122 = arith.constant 0 : i32
    %dma_start3A_123 = tpu.memref_slice %arg10[%dma_start3A_120, %dma_start3A_121, %dma_start3A_122] : memref<4x200x64xf32, #tpu.memory_space<vmem>> -> memref<1x100x64xf32, #tpu.memory_space<vmem>>
    %dma_start3A_124 = tpu.memref_squeeze %dma_start3A_123 : memref<1x100x64xf32, #tpu.memory_space<vmem>> -> memref<100x64xf32, #tpu.memory_space<vmem>>
    %dma_start3A_125 = arith.constant 0 : i32
    %dma_start3A_126 = tpu.memref_slice %arg7[%dma_start3A_119, %dma_start3A_125] : memref<8x100xi32, #tpu.memory_space<vmem>> -> memref<1x100xi32, #tpu.memory_space<vmem>>
    %dma_start3A_127 = tpu.memref_squeeze %dma_start3A_126 : memref<1x100xi32, #tpu.memory_space<vmem>> -> memref<100xi32, #tpu.memory_space<vmem>>
    %dma_start3A_128 = arith.constant 0 : i32
    %dma_start3A_129 = arith.constant 0 : i32
    %dma_start3A_130 = tpu.memref_slice %arg4[%dma_start3A_128, %dma_start3A_129] : memref<1000000x64xf32, #tpu.memory_space<hbm>> -> memref<1000000x64xf32, #tpu.memory_space<hbm>>
    tpu.enqueue_indirect_dma source(%dma_start3A_130 : memref<1000000x64xf32, #tpu.memory_space<hbm>>) target(%dma_start3A_124 : memref<100x64xf32, #tpu.memory_space<vmem>>) offsets(%dma_start3A_127 : memref<100xi32, #tpu.memory_space<vmem>>) semaphore(%arg16 : memref<!tpu.dma_semaphore, #tpu.memory_space<semaphore_mem>>)
    %dma_start3A_131 = arith.constant 1 : i32
    %dma_start3A_132 = arith.constant 0 : i32
    %dma_start3A_133 = arith.constant 100 : i32
    %dma_start3A_134 = arith.constant 0 : i32
    %dma_start3A_135 = tpu.memref_slice %arg10[%dma_start3A_132, %dma_start3A_133, %dma_start3A_134] : memref<4x200x64xf32, #tpu.memory_space<vmem>> -> memref<1x100x64xf32, #tpu.memory_space<vmem>>
    %dma_start3A_136 = tpu.memref_squeeze %dma_start3A_135 : memref<1x100x64xf32, #tpu.memory_space<vmem>> -> memref<100x64xf32, #tpu.memory_space<vmem>>
    %dma_start3A_137 = arith.constant 0 : i32
    %dma_start3A_138 = tpu.memref_slice %arg7[%dma_start3A_131, %dma_start3A_137] : memref<8x100xi32, #tpu.memory_space<vmem>> -> memref<1x100xi32, #tpu.memory_space<vmem>>
    %dma_start3A_139 = tpu.memref_squeeze %dma_start3A_138 : memref<1x100xi32, #tpu.memory_space<vmem>> -> memref<100xi32, #tpu.memory_space<vmem>>
    %dma_start3A_140 = arith.constant 0 : i32
    %dma_start3A_141 = arith.constant 0 : i32
    %dma_start3A_142 = tpu.memref_slice %arg4[%dma_start3A_140, %dma_start3A_141] : memref<1000000x64xf32, #tpu.memory_space<hbm>> -> memref<1000000x64xf32, #tpu.memory_space<hbm>>
    tpu.enqueue_indirect_dma source(%dma_start3A_142 : memref<1000000x64xf32, #tpu.memory_space<hbm>>) target(%dma_start3A_136 : memref<100x64xf32, #tpu.memory_space<vmem>>) offsets(%dma_start3A_139 : memref<100xi32, #tpu.memory_space<vmem>>) semaphore(%arg16 : memref<!tpu.dma_semaphore, #tpu.memory_space<semaphore_mem>>)
    %dma_start3A_143 = arith.constant 2 : i32
    %dma_start3A_144 = arith.constant 1 : i32
    %dma_start3A_145 = arith.constant 0 : i32
    %dma_start3A_146 = arith.constant 0 : i32
    %dma_start3A_147 = tpu.memref_slice %arg10[%dma_start3A_144, %dma_start3A_145, %dma_start3A_146] : memref<4x200x64xf32, #tpu.memory_space<vmem>> -> memref<1x100x64xf32, #tpu.memory_space<vmem>>
    %dma_start3A_148 = tpu.memref_squeeze %dma_start3A_147 : memref<1x100x64xf32, #tpu.memory_space<vmem>> -> memref<100x64xf32, #tpu.memory_space<vmem>>
    %dma_start3A_149 = arith.constant 0 : i32
    %dma_start3A_150 = tpu.memref_slice %arg7[%dma_start3A_143, %dma_start3A_149] : memref<8x100xi32, #tpu.memory_space<vmem>> -> memref<1x100xi32, #tpu.memory_space<vmem>>
    %dma_start3A_151 = tpu.memref_squeeze %dma_start3A_150 : memref<1x100xi32, #tpu.memory_space<vmem>> -> memref<100xi32, #tpu.memory_space<vmem>>
    %dma_start3A_152 = arith.constant 0 : i32
    %dma_start3A_153 = arith.constant 0 : i32
    %dma_start3A_154 = tpu.memref_slice %arg4[%dma_start3A_152, %dma_start3A_153] : memref<1000000x64xf32, #tpu.memory_space<hbm>> -> memref<1000000x64xf32, #tpu.memory_space<hbm>>
    tpu.enqueue_indirect_dma source(%dma_start3A_154 : memref<1000000x64xf32, #tpu.memory_space<hbm>>) target(%dma_start3A_148 : memref<100x64xf32, #tpu.memory_space<vmem>>) offsets(%dma_start3A_151 : memref<100xi32, #tpu.memory_space<vmem>>) semaphore(%arg16 : memref<!tpu.dma_semaphore, #tpu.memory_space<semaphore_mem>>)
    %dma_start3A_155 = arith.constant 3 : i32
    %dma_start3A_156 = arith.constant 1 : i32
    %dma_start3A_157 = arith.constant 100 : i32
    %dma_start3A_158 = arith.constant 0 : i32
    %dma_start3A_159 = tpu.memref_slice %arg10[%dma_start3A_156, %dma_start3A_157, %dma_start3A_158] : memref<4x200x64xf32, #tpu.memory_space<vmem>> -> memref<1x100x64xf32, #tpu.memory_space<vmem>>
    %dma_start3A_160 = tpu.memref_squeeze %dma_start3A_159 : memref<1x100x64xf32, #tpu.memory_space<vmem>> -> memref<100x64xf32, #tpu.memory_space<vmem>>
    %dma_start3A_161 = arith.constant 0 : i32
    %dma_start3A_162 = tpu.memref_slice %arg7[%dma_start3A_155, %dma_start3A_161] : memref<8x100xi32, #tpu.memory_space<vmem>> -> memref<1x100xi32, #tpu.memory_space<vmem>>
    %dma_start3A_163 = tpu.memref_squeeze %dma_start3A_162 : memref<1x100xi32, #tpu.memory_space<vmem>> -> memref<100xi32, #tpu.memory_space<vmem>>
    %dma_start3A_164 = arith.constant 0 : i32
    %dma_start3A_165 = arith.constant 0 : i32
    %dma_start3A_166 = tpu.memref_slice %arg4[%dma_start3A_164, %dma_start3A_165] : memref<1000000x64xf32, #tpu.memory_space<hbm>> -> memref<1000000x64xf32, #tpu.memory_space<hbm>>
    tpu.enqueue_indirect_dma source(%dma_start3A_166 : memref<1000000x64xf32, #tpu.memory_space<hbm>>) target(%dma_start3A_160 : memref<100x64xf32, #tpu.memory_space<vmem>>) offsets(%dma_start3A_163 : memref<100xi32, #tpu.memory_space<vmem>>) semaphore(%arg16 : memref<!tpu.dma_semaphore, #tpu.memory_space<semaphore_mem>>)
    %dma_start3A_167 = arith.constant 4 : i32
    %dma_start3A_168 = arith.constant 2 : i32
    %dma_start3A_169 = arith.constant 0 : i32
    %dma_start3A_170 = arith.constant 0 : i32
    %dma_start3A_171 = tpu.memref_slice %arg10[%dma_start3A_168, %dma_start3A_169, %dma_start3A_170] : memref<4x200x64xf32, #tpu.memory_space<vmem>> -> memref<1x100x64xf32, #tpu.memory_space<vmem>>
    %dma_start3A_172 = tpu.memref_squeeze %dma_start3A_171 : memref<1x100x64xf32, #tpu.memory_space<vmem>> -> memref<100x64xf32, #tpu.memory_space<vmem>>
    %dma_start3A_173 = arith.constant 0 : i32
    %dma_start3A_174 = tpu.memref_slice %arg7[%dma_start3A_167, %dma_start3A_173] : memref<8x100xi32, #tpu.memory_space<vmem>> -> memref<1x100xi32, #tpu.memory_space<vmem>>
    %dma_start3A_175 = tpu.memref_squeeze %dma_start3A_174 : memref<1x100xi32, #tpu.memory_space<vmem>> -> memref<100xi32, #tpu.memory_space<vmem>>
    %dma_start3A_176 = arith.constant 0 : i32
    %dma_start3A_177 = arith.constant 0 : i32
    %dma_start3A_178 = tpu.memref_slice %arg4[%dma_start3A_176, %dma_start3A_177] : memref<1000000x64xf32, #tpu.memory_space<hbm>> -> memref<1000000x64xf32, #tpu.memory_space<hbm>>
    tpu.enqueue_indirect_dma source(%dma_start3A_178 : memref<1000000x64xf32, #tpu.memory_space<hbm>>) target(%dma_start3A_172 : memref<100x64xf32, #tpu.memory_space<vmem>>) offsets(%dma_start3A_175 : memref<100xi32, #tpu.memory_space<vmem>>) semaphore(%arg16 : memref<!tpu.dma_semaphore, #tpu.memory_space<semaphore_mem>>)
    %dma_start3A_179 = arith.constant 5 : i32
    %dma_start3A_180 = arith.constant 2 : i32
    %dma_start3A_181 = arith.constant 100 : i32
    %dma_start3A_182 = arith.constant 0 : i32
    %dma_start3A_183 = tpu.memref_slice %arg10[%dma_start3A_180, %dma_start3A_181, %dma_start3A_182] : memref<4x200x64xf32, #tpu.memory_space<vmem>> -> memref<1x100x64xf32, #tpu.memory_space<vmem>>
    %dma_start3A_184 = tpu.memref_squeeze %dma_start3A_183 : memref<1x100x64xf32, #tpu.memory_space<vmem>> -> memref<100x64xf32, #tpu.memory_space<vmem>>
    %dma_start3A_185 = arith.constant 0 : i32
    %dma_start3A_186 = tpu.memref_slice %arg7[%dma_start3A_179, %dma_start3A_185] : memref<8x100xi32, #tpu.memory_space<vmem>> -> memref<1x100xi32, #tpu.memory_space<vmem>>
    %dma_start3A_187 = tpu.memref_squeeze %dma_start3A_186 : memref<1x100xi32, #tpu.memory_space<vmem>> -> memref<100xi32, #tpu.memory_space<vmem>>
    %dma_start3A_188 = arith.constant 0 : i32
    %dma_start3A_189 = arith.constant 0 : i32
    %dma_start3A_190 = tpu.memref_slice %arg4[%dma_start3A_188, %dma_start3A_189] : memref<1000000x64xf32, #tpu.memory_space<hbm>> -> memref<1000000x64xf32, #tpu.memory_space<hbm>>
    tpu.enqueue_indirect_dma source(%dma_start3A_190 : memref<1000000x64xf32, #tpu.memory_space<hbm>>) target(%dma_start3A_184 : memref<100x64xf32, #tpu.memory_space<vmem>>) offsets(%dma_start3A_187 : memref<100xi32, #tpu.memory_space<vmem>>) semaphore(%arg16 : memref<!tpu.dma_semaphore, #tpu.memory_space<semaphore_mem>>)
    %dma_start3A_191 = arith.constant 6 : i32
    %dma_start3A_192 = arith.constant 3 : i32
    %dma_start3A_193 = arith.constant 0 : i32
    %dma_start3A_194 = arith.constant 0 : i32
    %dma_start3A_195 = tpu.memref_slice %arg10[%dma_start3A_192, %dma_start3A_193, %dma_start3A_194] : memref<4x200x64xf32, #tpu.memory_space<vmem>> -> memref<1x100x64xf32, #tpu.memory_space<vmem>>
    %dma_start3A_196 = tpu.memref_squeeze %dma_start3A_195 : memref<1x100x64xf32, #tpu.memory_space<vmem>> -> memref<100x64xf32, #tpu.memory_space<vmem>>
    %dma_start3A_197 = arith.constant 0 : i32
    %dma_start3A_198 = tpu.memref_slice %arg7[%dma_start3A_191, %dma_start3A_197] : memref<8x100xi32, #tpu.memory_space<vmem>> -> memref<1x100xi32, #tpu.memory_space<vmem>>
    %dma_start3A_199 = tpu.memref_squeeze %dma_start3A_198 : memref<1x100xi32, #tpu.memory_space<vmem>> -> memref<100xi32, #tpu.memory_space<vmem>>
    %dma_start3A_200 = arith.constant 0 : i32
    %dma_start3A_201 = arith.constant 0 : i32
    %dma_start3A_202 = tpu.memref_slice %arg4[%dma_start3A_200, %dma_start3A_201] : memref<1000000x64xf32, #tpu.memory_space<hbm>> -> memref<1000000x64xf32, #tpu.memory_space<hbm>>
    tpu.enqueue_indirect_dma source(%dma_start3A_202 : memref<1000000x64xf32, #tpu.memory_space<hbm>>) target(%dma_start3A_196 : memref<100x64xf32, #tpu.memory_space<vmem>>) offsets(%dma_start3A_199 : memref<100xi32, #tpu.memory_space<vmem>>) semaphore(%arg16 : memref<!tpu.dma_semaphore, #tpu.memory_space<semaphore_mem>>)
    %dma_start3A_203 = arith.constant 7 : i32
    %dma_start3A_204 = arith.constant 3 : i32
    %dma_start3A_205 = arith.constant 100 : i32
    %dma_start3A_206 = arith.constant 0 : i32
    %dma_start3A_207 = tpu.memref_slice %arg10[%dma_start3A_204, %dma_start3A_205, %dma_start3A_206] : memref<4x200x64xf32, #tpu.memory_space<vmem>> -> memref<1x100x64xf32, #tpu.memory_space<vmem>>
    %dma_start3A_208 = tpu.memref_squeeze %dma_start3A_207 : memref<1x100x64xf32, #tpu.memory_space<vmem>> -> memref<100x64xf32, #tpu.memory_space<vmem>>
    %dma_start3A_209 = arith.constant 0 : i32
    %dma_start3A_210 = tpu.memref_slice %arg7[%dma_start3A_203, %dma_start3A_209] : memref<8x100xi32, #tpu.memory_space<vmem>> -> memref<1x100xi32, #tpu.memory_space<vmem>>
    %dma_start3A_211 = tpu.memref_squeeze %dma_start3A_210 : memref<1x100xi32, #tpu.memory_space<vmem>> -> memref<100xi32, #tpu.memory_space<vmem>>
    %dma_start3A_212 = arith.constant 0 : i32
    %dma_start3A_213 = arith.constant 0 : i32
    %dma_start3A_214 = tpu.memref_slice %arg4[%dma_start3A_212, %dma_start3A_213] : memref<1000000x64xf32, #tpu.memory_space<hbm>> -> memref<1000000x64xf32, #tpu.memory_space<hbm>>
    tpu.enqueue_indirect_dma source(%dma_start3A_214 : memref<1000000x64xf32, #tpu.memory_space<hbm>>) target(%dma_start3A_208 : memref<100x64xf32, #tpu.memory_space<vmem>>) offsets(%dma_start3A_211 : memref<100xi32, #tpu.memory_space<vmem>>) semaphore(%arg16 : memref<!tpu.dma_semaphore, #tpu.memory_space<semaphore_mem>>)
    %mul3A_215 = arith.constant 64 : i32
    %mul3A_216 = arith.muli %add3A, %mul3A_215 : i32
    %add3A_217 = arith.constant 16 : i32
    %add3A_218 = arith.addi %mul3A_216, %add3A_217 : i32
    %dma_start3A_219 = arith.constant 0 : i32
    %dma_start3A_220 = tpu.memref_slice %arg2[%add3A_218, %dma_start3A_219] : memref<2048x100xi32, #tpu.memory_space<hbm>> -> memref<8x100xi32, #tpu.memory_space<hbm>>
    %dma_start3A_221 = arith.constant 0 : i32
    %dma_start3A_222 = tpu.memref_slice %arg2[%add3A_218, %dma_start3A_221] : memref<2048x100xi32, #tpu.memory_space<hbm>> -> memref<8x100xi32, #tpu.memory_space<hbm>>
    tpu.enqueue_dma source(%dma_start3A_222 : memref<8x100xi32, #tpu.memory_space<hbm>>) target(%arg8 : memref<8x100xi32, #tpu.memory_space<vmem>>) target_semaphore(%arg14 : memref<!tpu.dma_semaphore, #tpu.memory_space<semaphore_mem>>)
    %dma_wait3A_223 = arith.constant 0 : i32
    %dma_wait3A_224 = arith.constant 0 : i32
    %dma_wait3A_225 = arith.constant 0 : i32
    %dma_wait3A_226 = arith.constant 0 : i32
    %dma_wait3A_227 = tpu.memref_slice %arg9[%dma_wait3A_224, %dma_wait3A_225, %dma_wait3A_226] : memref<4x200x64xf32, #tpu.memory_space<vmem>> -> memref<1x100x64xf32, #tpu.memory_space<vmem>>
    %dma_wait3A_228 = tpu.memref_squeeze %dma_wait3A_227 : memref<1x100x64xf32, #tpu.memory_space<vmem>> -> memref<100x64xf32, #tpu.memory_space<vmem>>
    %dma_wait3A_229 = arith.constant 0 : i32
    %dma_wait3A_230 = tpu.memref_slice %arg6[%dma_wait3A_223, %dma_wait3A_229] : memref<8x100xi32, #tpu.memory_space<vmem>> -> memref<1x100xi32, #tpu.memory_space<vmem>>
    %dma_wait3A_231 = tpu.memref_squeeze %dma_wait3A_230 : memref<1x100xi32, #tpu.memory_space<vmem>> -> memref<100xi32, #tpu.memory_space<vmem>>
    %dma_wait3A_232 = arith.constant 0 : i32
    %dma_wait3A_233 = arith.constant 0 : i32
    %dma_wait3A_234 = tpu.memref_slice %arg4[%dma_wait3A_232, %dma_wait3A_233] : memref<1000000x64xf32, #tpu.memory_space<hbm>> -> memref<1000000x64xf32, #tpu.memory_space<hbm>>
    tpu.wait_indirect_dma semaphore(%arg15 : memref<!tpu.dma_semaphore, #tpu.memory_space<semaphore_mem>>) src(%dma_wait3A_234 : memref<1000000x64xf32, #tpu.memory_space<hbm>>) dst(%dma_wait3A_228 : memref<100x64xf32, #tpu.memory_space<vmem>>)
    %dma_wait3A_235 = arith.constant 1 : i32
    %dma_wait3A_236 = arith.constant 0 : i32
    %dma_wait3A_237 = arith.constant 100 : i32
    %dma_wait3A_238 = arith.constant 0 : i32
    %dma_wait3A_239 = tpu.memref_slice %arg9[%dma_wait3A_236, %dma_wait3A_237, %dma_wait3A_238] : memref<4x200x64xf32, #tpu.memory_space<vmem>> -> memref<1x100x64xf32, #tpu.memory_space<vmem>>
    %dma_wait3A_240 = tpu.memref_squeeze %dma_wait3A_239 : memref<1x100x64xf32, #tpu.memory_space<vmem>> -> memref<100x64xf32, #tpu.memory_space<vmem>>
    %dma_wait3A_241 = arith.constant 0 : i32
    %dma_wait3A_242 = tpu.memref_slice %arg6[%dma_wait3A_235, %dma_wait3A_241] : memref<8x100xi32, #tpu.memory_space<vmem>> -> memref<1x100xi32, #tpu.memory_space<vmem>>
    %dma_wait3A_243 = tpu.memref_squeeze %dma_wait3A_242 : memref<1x100xi32, #tpu.memory_space<vmem>> -> memref<100xi32, #tpu.memory_space<vmem>>
    %dma_wait3A_244 = arith.constant 0 : i32
    %dma_wait3A_245 = arith.constant 0 : i32
    %dma_wait3A_246 = tpu.memref_slice %arg4[%dma_wait3A_244, %dma_wait3A_245] : memref<1000000x64xf32, #tpu.memory_space<hbm>> -> memref<1000000x64xf32, #tpu.memory_space<hbm>>
    tpu.wait_indirect_dma semaphore(%arg15 : memref<!tpu.dma_semaphore, #tpu.memory_space<semaphore_mem>>) src(%dma_wait3A_246 : memref<1000000x64xf32, #tpu.memory_space<hbm>>) dst(%dma_wait3A_240 : memref<100x64xf32, #tpu.memory_space<vmem>>)
    %dma_wait3A_247 = arith.constant 2 : i32
    %dma_wait3A_248 = arith.constant 1 : i32
    %dma_wait3A_249 = arith.constant 0 : i32
    %dma_wait3A_250 = arith.constant 0 : i32
    %dma_wait3A_251 = tpu.memref_slice %arg9[%dma_wait3A_248, %dma_wait3A_249, %dma_wait3A_250] : memref<4x200x64xf32, #tpu.memory_space<vmem>> -> memref<1x100x64xf32, #tpu.memory_space<vmem>>
    %dma_wait3A_252 = tpu.memref_squeeze %dma_wait3A_251 : memref<1x100x64xf32, #tpu.memory_space<vmem>> -> memref<100x64xf32, #tpu.memory_space<vmem>>
    %dma_wait3A_253 = arith.constant 0 : i32
    %dma_wait3A_254 = tpu.memref_slice %arg6[%dma_wait3A_247, %dma_wait3A_253] : memref<8x100xi32, #tpu.memory_space<vmem>> -> memref<1x100xi32, #tpu.memory_space<vmem>>
    %dma_wait3A_255 = tpu.memref_squeeze %dma_wait3A_254 : memref<1x100xi32, #tpu.memory_space<vmem>> -> memref<100xi32, #tpu.memory_space<vmem>>
    %dma_wait3A_256 = arith.constant 0 : i32
    %dma_wait3A_257 = arith.constant 0 : i32
    %dma_wait3A_258 = tpu.memref_slice %arg4[%dma_wait3A_256, %dma_wait3A_257] : memref<1000000x64xf32, #tpu.memory_space<hbm>> -> memref<1000000x64xf32, #tpu.memory_space<hbm>>
    tpu.wait_indirect_dma semaphore(%arg15 : memref<!tpu.dma_semaphore, #tpu.memory_space<semaphore_mem>>) src(%dma_wait3A_258 : memref<1000000x64xf32, #tpu.memory_space<hbm>>) dst(%dma_wait3A_252 : memref<100x64xf32, #tpu.memory_space<vmem>>)
    %dma_wait3A_259 = arith.constant 3 : i32
    %dma_wait3A_260 = arith.constant 1 : i32
    %dma_wait3A_261 = arith.constant 100 : i32
    %dma_wait3A_262 = arith.constant 0 : i32
    %dma_wait3A_263 = tpu.memref_slice %arg9[%dma_wait3A_260, %dma_wait3A_261, %dma_wait3A_262] : memref<4x200x64xf32, #tpu.memory_space<vmem>> -> memref<1x100x64xf32, #tpu.memory_space<vmem>>
    %dma_wait3A_264 = tpu.memref_squeeze %dma_wait3A_263 : memref<1x100x64xf32, #tpu.memory_space<vmem>> -> memref<100x64xf32, #tpu.memory_space<vmem>>
    %dma_wait3A_265 = arith.constant 0 : i32
    %dma_wait3A_266 = tpu.memref_slice %arg6[%dma_wait3A_259, %dma_wait3A_265] : memref<8x100xi32, #tpu.memory_space<vmem>> -> memref<1x100xi32, #tpu.memory_space<vmem>>
    %dma_wait3A_267 = tpu.memref_squeeze %dma_wait3A_266 : memref<1x100xi32, #tpu.memory_space<vmem>> -> memref<100xi32, #tpu.memory_space<vmem>>
    %dma_wait3A_268 = arith.constant 0 : i32
    %dma_wait3A_269 = arith.constant 0 : i32
    %dma_wait3A_270 = tpu.memref_slice %arg4[%dma_wait3A_268, %dma_wait3A_269] : memref<1000000x64xf32, #tpu.memory_space<hbm>> -> memref<1000000x64xf32, #tpu.memory_space<hbm>>
    tpu.wait_indirect_dma semaphore(%arg15 : memref<!tpu.dma_semaphore, #tpu.memory_space<semaphore_mem>>) src(%dma_wait3A_270 : memref<1000000x64xf32, #tpu.memory_space<hbm>>) dst(%dma_wait3A_264 : memref<100x64xf32, #tpu.memory_space<vmem>>)
    %dma_wait3A_271 = arith.constant 4 : i32
    %dma_wait3A_272 = arith.constant 2 : i32
    %dma_wait3A_273 = arith.constant 0 : i32
    %dma_wait3A_274 = arith.constant 0 : i32
    %dma_wait3A_275 = tpu.memref_slice %arg9[%dma_wait3A_272, %dma_wait3A_273, %dma_wait3A_274] : memref<4x200x64xf32, #tpu.memory_space<vmem>> -> memref<1x100x64xf32, #tpu.memory_space<vmem>>
    %dma_wait3A_276 = tpu.memref_squeeze %dma_wait3A_275 : memref<1x100x64xf32, #tpu.memory_space<vmem>> -> memref<100x64xf32, #tpu.memory_space<vmem>>
    %dma_wait3A_277 = arith.constant 0 : i32
    %dma_wait3A_278 = tpu.memref_slice %arg6[%dma_wait3A_271, %dma_wait3A_277] : memref<8x100xi32, #tpu.memory_space<vmem>> -> memref<1x100xi32, #tpu.memory_space<vmem>>
    %dma_wait3A_279 = tpu.memref_squeeze %dma_wait3A_278 : memref<1x100xi32, #tpu.memory_space<vmem>> -> memref<100xi32, #tpu.memory_space<vmem>>
    %dma_wait3A_280 = arith.constant 0 : i32
    %dma_wait3A_281 = arith.constant 0 : i32
    %dma_wait3A_282 = tpu.memref_slice %arg4[%dma_wait3A_280, %dma_wait3A_281] : memref<1000000x64xf32, #tpu.memory_space<hbm>> -> memref<1000000x64xf32, #tpu.memory_space<hbm>>
    tpu.wait_indirect_dma semaphore(%arg15 : memref<!tpu.dma_semaphore, #tpu.memory_space<semaphore_mem>>) src(%dma_wait3A_282 : memref<1000000x64xf32, #tpu.memory_space<hbm>>) dst(%dma_wait3A_276 : memref<100x64xf32, #tpu.memory_space<vmem>>)
    %dma_wait3A_283 = arith.constant 5 : i32
    %dma_wait3A_284 = arith.constant 2 : i32
    %dma_wait3A_285 = arith.constant 100 : i32
    %dma_wait3A_286 = arith.constant 0 : i32
    %dma_wait3A_287 = tpu.memref_slice %arg9[%dma_wait3A_284, %dma_wait3A_285, %dma_wait3A_286] : memref<4x200x64xf32, #tpu.memory_space<vmem>> -> memref<1x100x64xf32, #tpu.memory_space<vmem>>
    %dma_wait3A_288 = tpu.memref_squeeze %dma_wait3A_287 : memref<1x100x64xf32, #tpu.memory_space<vmem>> -> memref<100x64xf32, #tpu.memory_space<vmem>>
    %dma_wait3A_289 = arith.constant 0 : i32
    %dma_wait3A_290 = tpu.memref_slice %arg6[%dma_wait3A_283, %dma_wait3A_289] : memref<8x100xi32, #tpu.memory_space<vmem>> -> memref<1x100xi32, #tpu.memory_space<vmem>>
    %dma_wait3A_291 = tpu.memref_squeeze %dma_wait3A_290 : memref<1x100xi32, #tpu.memory_space<vmem>> -> memref<100xi32, #tpu.memory_space<vmem>>
    %dma_wait3A_292 = arith.constant 0 : i32
    %dma_wait3A_293 = arith.constant 0 : i32
    %dma_wait3A_294 = tpu.memref_slice %arg4[%dma_wait3A_292, %dma_wait3A_293] : memref<1000000x64xf32, #tpu.memory_space<hbm>> -> memref<1000000x64xf32, #tpu.memory_space<hbm>>
    tpu.wait_indirect_dma semaphore(%arg15 : memref<!tpu.dma_semaphore, #tpu.memory_space<semaphore_mem>>) src(%dma_wait3A_294 : memref<1000000x64xf32, #tpu.memory_space<hbm>>) dst(%dma_wait3A_288 : memref<100x64xf32, #tpu.memory_space<vmem>>)
    %dma_wait3A_295 = arith.constant 6 : i32
    %dma_wait3A_296 = arith.constant 3 : i32
    %dma_wait3A_297 = arith.constant 0 : i32
    %dma_wait3A_298 = arith.constant 0 : i32
    %dma_wait3A_299 = tpu.memref_slice %arg9[%dma_wait3A_296, %dma_wait3A_297, %dma_wait3A_298] : memref<4x200x64xf32, #tpu.memory_space<vmem>> -> memref<1x100x64xf32, #tpu.memory_space<vmem>>
    %dma_wait3A_300 = tpu.memref_squeeze %dma_wait3A_299 : memref<1x100x64xf32, #tpu.memory_space<vmem>> -> memref<100x64xf32, #tpu.memory_space<vmem>>
    %dma_wait3A_301 = arith.constant 0 : i32
    %dma_wait3A_302 = tpu.memref_slice %arg6[%dma_wait3A_295, %dma_wait3A_301] : memref<8x100xi32, #tpu.memory_space<vmem>> -> memref<1x100xi32, #tpu.memory_space<vmem>>
    %dma_wait3A_303 = tpu.memref_squeeze %dma_wait3A_302 : memref<1x100xi32, #tpu.memory_space<vmem>> -> memref<100xi32, #tpu.memory_space<vmem>>
    %dma_wait3A_304 = arith.constant 0 : i32
    %dma_wait3A_305 = arith.constant 0 : i32
    %dma_wait3A_306 = tpu.memref_slice %arg4[%dma_wait3A_304, %dma_wait3A_305] : memref<1000000x64xf32, #tpu.memory_space<hbm>> -> memref<1000000x64xf32, #tpu.memory_space<hbm>>
    tpu.wait_indirect_dma semaphore(%arg15 : memref<!tpu.dma_semaphore, #tpu.memory_space<semaphore_mem>>) src(%dma_wait3A_306 : memref<1000000x64xf32, #tpu.memory_space<hbm>>) dst(%dma_wait3A_300 : memref<100x64xf32, #tpu.memory_space<vmem>>)
    %dma_wait3A_307 = arith.constant 7 : i32
    %dma_wait3A_308 = arith.constant 3 : i32
    %dma_wait3A_309 = arith.constant 100 : i32
    %dma_wait3A_310 = arith.constant 0 : i32
    %dma_wait3A_311 = tpu.memref_slice %arg9[%dma_wait3A_308, %dma_wait3A_309, %dma_wait3A_310] : memref<4x200x64xf32, #tpu.memory_space<vmem>> -> memref<1x100x64xf32, #tpu.memory_space<vmem>>
    %dma_wait3A_312 = tpu.memref_squeeze %dma_wait3A_311 : memref<1x100x64xf32, #tpu.memory_space<vmem>> -> memref<100x64xf32, #tpu.memory_space<vmem>>
    %dma_wait3A_313 = arith.constant 0 : i32
    %dma_wait3A_314 = tpu.memref_slice %arg6[%dma_wait3A_307, %dma_wait3A_313] : memref<8x100xi32, #tpu.memory_space<vmem>> -> memref<1x100xi32, #tpu.memory_space<vmem>>
    %dma_wait3A_315 = tpu.memref_squeeze %dma_wait3A_314 : memref<1x100xi32, #tpu.memory_space<vmem>> -> memref<100xi32, #tpu.memory_space<vmem>>
    %dma_wait3A_316 = arith.constant 0 : i32
    %dma_wait3A_317 = arith.constant 0 : i32
    %dma_wait3A_318 = tpu.memref_slice %arg4[%dma_wait3A_316, %dma_wait3A_317] : memref<1000000x64xf32, #tpu.memory_space<hbm>> -> memref<1000000x64xf32, #tpu.memory_space<hbm>>
    tpu.wait_indirect_dma semaphore(%arg15 : memref<!tpu.dma_semaphore, #tpu.memory_space<semaphore_mem>>) src(%dma_wait3A_318 : memref<1000000x64xf32, #tpu.memory_space<hbm>>) dst(%dma_wait3A_312 : memref<100x64xf32, #tpu.memory_space<vmem>>)
    %scan3A = arith.constant 0 : i32
    %scan3A_319 = arith.constant 0 : i32
    %scan3A_320 = arith.constant 200 : i32
    %scan3A_321 = arith.addi %scan3A_319, %scan3A_320 : i32
    %scan3A_322 = arith.constant 1 : i32
    scf.for %scan3A_1806 = %scan3A_319 to %scan3A_321 step %scan3A_322  : i32 {
      %get3A = arith.index_cast %scan3A_1806 : i32 to index
      %get3A_1807 = arith.constant 0 : index
      %get3A_1808 = tpu.vector_load %arg11[%get3A, %get3A_1807] {strides = array<i32>} : memref<200x64xf32, #tpu.memory_space<vmem>>, vector<1x16xf32>,
      %get3A_1809 = vector.shape_cast %get3A_1808 : vector<1x16xf32> to vector<16xf32>
      %get3A_1810 = arith.constant 0 : i32
      %get3A_1811 = arith.index_cast %get3A_1810 : i32 to index
      %get3A_1812 = arith.index_cast %scan3A_1806 : i32 to index
      %get3A_1813 = arith.constant 0 : index
      %get3A_1814 = tpu.vector_load %arg9[%get3A_1811, %get3A_1812, %get3A_1813] {strides = array<i32>} : memref<4x200x64xf32, #tpu.memory_space<vmem>>, vector<1x1x16xf32>,
      %get3A_1815 = vector.shape_cast %get3A_1814 : vector<1x1x16xf32> to vector<16xf32>
      %add3A_1816 = arith.addf %get3A_1815, %get3A_1809 : vector<16xf32>
      %swap3A = arith.constant 0 : i32
      %swap3A_1817 = arith.index_cast %swap3A : i32 to index
      %swap3A_1818 = arith.index_cast %scan3A_1806 : i32 to index
      %swap3A_1819 = arith.constant 0 : index
      %swap3A_1820 = tpu.vector_load %arg9[%swap3A_1817, %swap3A_1818, %swap3A_1819] {strides = array<i32>} : memref<4x200x64xf32, #tpu.memory_space<vmem>>, vector<1x1x16xf32>,
      %swap3A_1821 = vector.shape_cast %swap3A_1820 : vector<1x1x16xf32> to vector<16xf32>
      %swap3A_1822 = vector.shape_cast %add3A_1816 : vector<16xf32> to vector<1x1x16xf32>
      tpu.vector_store %arg9[%swap3A_1817, %swap3A_1818, %swap3A_1819], %swap3A_1822 {strides = array<i32>} : memref<4x200x64xf32, #tpu.memory_space<vmem>>, vector<1x1x16xf32>,
      %get3A_1823 = arith.constant 1 : i32
      %get3A_1824 = arith.index_cast %get3A_1823 : i32 to index
      %get3A_1825 = arith.index_cast %scan3A_1806 : i32 to index
      %get3A_1826 = arith.constant 0 : index
      %get3A_1827 = tpu.vector_load %arg9[%get3A_1824, %get3A_1825, %get3A_1826] {strides = array<i32>} : memref<4x200x64xf32, #tpu.memory_space<vmem>>, vector<1x1x16xf32>,
      %get3A_1828 = vector.shape_cast %get3A_1827 : vector<1x1x16xf32> to vector<16xf32>
      %add3A_1829 = arith.addf %get3A_1828, %get3A_1809 : vector<16xf32>
      %swap3A_1830 = arith.constant 1 : i32
      %swap3A_1831 = arith.index_cast %swap3A_1830 : i32 to index
      %swap3A_1832 = arith.index_cast %scan3A_1806 : i32 to index
      %swap3A_1833 = arith.constant 0 : index
      %swap3A_1834 = tpu.vector_load %arg9[%swap3A_1831, %swap3A_1832, %swap3A_1833] {strides = array<i32>} : memref<4x200x64xf32, #tpu.memory_space<vmem>>, vector<1x1x16xf32>,
      %swap3A_1835 = vector.shape_cast %swap3A_1834 : vector<1x1x16xf32> to vector<16xf32>
      %swap3A_1836 = vector.shape_cast %add3A_1829 : vector<16xf32> to vector<1x1x16xf32>
      tpu.vector_store %arg9[%swap3A_1831, %swap3A_1832, %swap3A_1833], %swap3A_1836 {strides = array<i32>} : memref<4x200x64xf32, #tpu.memory_space<vmem>>, vector<1x1x16xf32>,
      %get3A_1837 = arith.constant 2 : i32
      %get3A_1838 = arith.index_cast %get3A_1837 : i32 to index
      %get3A_1839 = arith.index_cast %scan3A_1806 : i32 to index
      %get3A_1840 = arith.constant 0 : index
      %get3A_1841 = tpu.vector_load %arg9[%get3A_1838, %get3A_1839, %get3A_1840] {strides = array<i32>} : memref<4x200x64xf32, #tpu.memory_space<vmem>>, vector<1x1x16xf32>,
      %get3A_1842 = vector.shape_cast %get3A_1841 : vector<1x1x16xf32> to vector<16xf32>
      %add3A_1843 = arith.addf %get3A_1842, %get3A_1809 : vector<16xf32>
      %swap3A_1844 = arith.constant 2 : i32
      %swap3A_1845 = arith.index_cast %swap3A_1844 : i32 to index
      %swap3A_1846 = arith.index_cast %scan3A_1806 : i32 to index
      %swap3A_1847 = arith.constant 0 : index
      %swap3A_1848 = tpu.vector_load %arg9[%swap3A_1845, %swap3A_1846, %swap3A_1847] {strides = array<i32>} : memref<4x200x64xf32, #tpu.memory_space<vmem>>, vector<1x1x16xf32>,
      %swap3A_1849 = vector.shape_cast %swap3A_1848 : vector<1x1x16xf32> to vector<16xf32>
      %swap3A_1850 = vector.shape_cast %add3A_1843 : vector<16xf32> to vector<1x1x16xf32>
      tpu.vector_store %arg9[%swap3A_1845, %swap3A_1846, %swap3A_1847], %swap3A_1850 {strides = array<i32>} : memref<4x200x64xf32, #tpu.memory_space<vmem>>, vector<1x1x16xf32>,
      %get3A_1851 = arith.constant 3 : i32
      %get3A_1852 = arith.index_cast %get3A_1851 : i32 to index
      %get3A_1853 = arith.index_cast %scan3A_1806 : i32 to index
      %get3A_1854 = arith.constant 0 : index
      %get3A_1855 = tpu.vector_load %arg9[%get3A_1852, %get3A_1853, %get3A_1854] {strides = array<i32>} : memref<4x200x64xf32, #tpu.memory_space<vmem>>, vector<1x1x16xf32>,
      %get3A_1856 = vector.shape_cast %get3A_1855 : vector<1x1x16xf32> to vector<16xf32>
      %add3A_1857 = arith.addf %get3A_1856, %get3A_1809 : vector<16xf32>
      %swap3A_1858 = arith.constant 3 : i32
      %swap3A_1859 = arith.index_cast %swap3A_1858 : i32 to index
      %swap3A_1860 = arith.index_cast %scan3A_1806 : i32 to index
      %swap3A_1861 = arith.constant 0 : index
      %swap3A_1862 = tpu.vector_load %arg9[%swap3A_1859, %swap3A_1860, %swap3A_1861] {strides = array<i32>} : memref<4x200x64xf32, #tpu.memory_space<vmem>>, vector<1x1x16xf32>,
      %swap3A_1863 = vector.shape_cast %swap3A_1862 : vector<1x1x16xf32> to vector<16xf32>
      %swap3A_1864 = vector.shape_cast %add3A_1857 : vector<16xf32> to vector<1x1x16xf32>
      tpu.vector_store %arg9[%swap3A_1859, %swap3A_1860, %swap3A_1861], %swap3A_1864 {strides = array<i32>} : memref<4x200x64xf32, #tpu.memory_space<vmem>>, vector<1x1x16xf32>,
      %get3A_1865 = arith.index_cast %scan3A_1806 : i32 to index
      %get3A_1866 = arith.constant 16 : index
      %get3A_1867 = tpu.vector_load %arg11[%get3A_1865, %get3A_1866] {strides = array<i32>} : memref<200x64xf32, #tpu.memory_space<vmem>>, vector<1x16xf32>,
      %get3A_1868 = vector.shape_cast %get3A_1867 : vector<1x16xf32> to vector<16xf32>
      %get3A_1869 = arith.constant 0 : i32
      %get3A_1870 = arith.index_cast %get3A_1869 : i32 to index
      %get3A_1871 = arith.index_cast %scan3A_1806 : i32 to index
      %get3A_1872 = arith.constant 16 : index
      %get3A_1873 = tpu.vector_load %arg9[%get3A_1870, %get3A_1871, %get3A_1872] {strides = array<i32>} : memref<4x200x64xf32, #tpu.memory_space<vmem>>, vector<1x1x16xf32>,
      %get3A_1874 = vector.shape_cast %get3A_1873 : vector<1x1x16xf32> to vector<16xf32>
      %add3A_1875 = arith.addf %get3A_1874, %get3A_1868 : vector<16xf32>
      %swap3A_1876 = arith.constant 0 : i32
      %swap3A_1877 = arith.index_cast %swap3A_1876 : i32 to index
      %swap3A_1878 = arith.index_cast %scan3A_1806 : i32 to index
      %swap3A_1879 = arith.constant 16 : index
      %swap3A_1880 = tpu.vector_load %arg9[%swap3A_1877, %swap3A_1878, %swap3A_1879] {strides = array<i32>} : memref<4x200x64xf32, #tpu.memory_space<vmem>>, vector<1x1x16xf32>,
      %swap3A_1881 = vector.shape_cast %swap3A_1880 : vector<1x1x16xf32> to vector<16xf32>
      %swap3A_1882 = vector.shape_cast %add3A_1875 : vector<16xf32> to vector<1x1x16xf32>
      tpu.vector_store %arg9[%swap3A_1877, %swap3A_1878, %swap3A_1879], %swap3A_1882 {strides = array<i32>} : memref<4x200x64xf32, #tpu.memory_space<vmem>>, vector<1x1x16xf32>,
      %get3A_1883 = arith.constant 1 : i32
      %get3A_1884 = arith.index_cast %get3A_1883 : i32 to index
      %get3A_1885 = arith.index_cast %scan3A_1806 : i32 to index
      %get3A_1886 = arith.constant 16 : index
      %get3A_1887 = tpu.vector_load %arg9[%get3A_1884, %get3A_1885, %get3A_1886] {strides = array<i32>} : memref<4x200x64xf32, #tpu.memory_space<vmem>>, vector<1x1x16xf32>,
      %get3A_1888 = vector.shape_cast %get3A_1887 : vector<1x1x16xf32> to vector<16xf32>
      %add3A_1889 = arith.addf %get3A_1888, %get3A_1868 : vector<16xf32>
      %swap3A_1890 = arith.constant 1 : i32
      %swap3A_1891 = arith.index_cast %swap3A_1890 : i32 to index
      %swap3A_1892 = arith.index_cast %scan3A_1806 : i32 to index
      %swap3A_1893 = arith.constant 16 : index
      %swap3A_1894 = tpu.vector_load %arg9[%swap3A_1891, %swap3A_1892, %swap3A_1893] {strides = array<i32>} : memref<4x200x64xf32, #tpu.memory_space<vmem>>, vector<1x1x16xf32>,
      %swap3A_1895 = vector.shape_cast %swap3A_1894 : vector<1x1x16xf32> to vector<16xf32>
      %swap3A_1896 = vector.shape_cast %add3A_1889 : vector<16xf32> to vector<1x1x16xf32>
      tpu.vector_store %arg9[%swap3A_1891, %swap3A_1892, %swap3A_1893], %swap3A_1896 {strides = array<i32>} : memref<4x200x64xf32, #tpu.memory_space<vmem>>, vector<1x1x16xf32>,
      %get3A_1897 = arith.constant 2 : i32
      %get3A_1898 = arith.index_cast %get3A_1897 : i32 to index
      %get3A_1899 = arith.index_cast %scan3A_1806 : i32 to index
      %get3A_1900 = arith.constant 16 : index
      %get3A_1901 = tpu.vector_load %arg9[%get3A_1898, %get3A_1899, %get3A_1900] {strides = array<i32>} : memref<4x200x64xf32, #tpu.memory_space<vmem>>, vector<1x1x16xf32>,
      %get3A_1902 = vector.shape_cast %get3A_1901 : vector<1x1x16xf32> to vector<16xf32>
      %add3A_1903 = arith.addf %get3A_1902, %get3A_1868 : vector<16xf32>
      %swap3A_1904 = arith.constant 2 : i32
      %swap3A_1905 = arith.index_cast %swap3A_1904 : i32 to index
      %swap3A_1906 = arith.index_cast %scan3A_1806 : i32 to index
      %swap3A_1907 = arith.constant 16 : index
      %swap3A_1908 = tpu.vector_load %arg9[%swap3A_1905, %swap3A_1906, %swap3A_1907] {strides = array<i32>} : memref<4x200x64xf32, #tpu.memory_space<vmem>>, vector<1x1x16xf32>,
      %swap3A_1909 = vector.shape_cast %swap3A_1908 : vector<1x1x16xf32> to vector<16xf32>
      %swap3A_1910 = vector.shape_cast %add3A_1903 : vector<16xf32> to vector<1x1x16xf32>
      tpu.vector_store %arg9[%swap3A_1905, %swap3A_1906, %swap3A_1907], %swap3A_1910 {strides = array<i32>} : memref<4x200x64xf32, #tpu.memory_space<vmem>>, vector<1x1x16xf32>,
      %get3A_1911 = arith.constant 3 : i32
      %get3A_1912 = arith.index_cast %get3A_1911 : i32 to index
      %get3A_1913 = arith.index_cast %scan3A_1806 : i32 to index
      %get3A_1914 = arith.constant 16 : index
      %get3A_1915 = tpu.vector_load %arg9[%get3A_1912, %get3A_1913, %get3A_1914] {strides = array<i32>} : memref<4x200x64xf32, #tpu.memory_space<vmem>>, vector<1x1x16xf32>,
      %get3A_1916 = vector.shape_cast %get3A_1915 : vector<1x1x16xf32> to vector<16xf32>
      %add3A_1917 = arith.addf %get3A_1916, %get3A_1868 : vector<16xf32>
      %swap3A_1918 = arith.constant 3 : i32
      %swap3A_1919 = arith.index_cast %swap3A_1918 : i32 to index
      %swap3A_1920 = arith.index_cast %scan3A_1806 : i32 to index
      %swap3A_1921 = arith.constant 16 : index
      %swap3A_1922 = tpu.vector_load %arg9[%swap3A_1919, %swap3A_1920, %swap3A_1921] {strides = array<i32>} : memref<4x200x64xf32, #tpu.memory_space<vmem>>, vector<1x1x16xf32>,
      %swap3A_1923 = vector.shape_cast %swap3A_1922 : vector<1x1x16xf32> to vector<16xf32>
      %swap3A_1924 = vector.shape_cast %add3A_1917 : vector<16xf32> to vector<1x1x16xf32>
      tpu.vector_store %arg9[%swap3A_1919, %swap3A_1920, %swap3A_1921], %swap3A_1924 {strides = array<i32>} : memref<4x200x64xf32, #tpu.memory_space<vmem>>, vector<1x1x16xf32>,
      %get3A_1925 = arith.index_cast %scan3A_1806 : i32 to index
      %get3A_1926 = arith.constant 32 : index
      %get3A_1927 = tpu.vector_load %arg11[%get3A_1925, %get3A_1926] {strides = array<i32>} : memref<200x64xf32, #tpu.memory_space<vmem>>, vector<1x16xf32>,
      %get3A_1928 = vector.shape_cast %get3A_1927 : vector<1x16xf32> to vector<16xf32>
      %get3A_1929 = arith.constant 0 : i32
      %get3A_1930 = arith.index_cast %get3A_1929 : i32 to index
      %get3A_1931 = arith.index_cast %scan3A_1806 : i32 to index
      %get3A_1932 = arith.constant 32 : index
      %get3A_1933 = tpu.vector_load %arg9[%get3A_1930, %get3A_1931, %get3A_1932] {strides = array<i32>} : memref<4x200x64xf32, #tpu.memory_space<vmem>>, vector<1x1x16xf32>,
      %get3A_1934 = vector.shape_cast %get3A_1933 : vector<1x1x16xf32> to vector<16xf32>
      %add3A_1935 = arith.addf %get3A_1934, %get3A_1928 : vector<16xf32>
      %swap3A_1936 = arith.constant 0 : i32
      %swap3A_1937 = arith.index_cast %swap3A_1936 : i32 to index
      %swap3A_1938 = arith.index_cast %scan3A_1806 : i32 to index
      %swap3A_1939 = arith.constant 32 : index
      %swap3A_1940 = tpu.vector_load %arg9[%swap3A_1937, %swap3A_1938, %swap3A_1939] {strides = array<i32>} : memref<4x200x64xf32, #tpu.memory_space<vmem>>, vector<1x1x16xf32>,
      %swap3A_1941 = vector.shape_cast %swap3A_1940 : vector<1x1x16xf32> to vector<16xf32>
      %swap3A_1942 = vector.shape_cast %add3A_1935 : vector<16xf32> to vector<1x1x16xf32>
      tpu.vector_store %arg9[%swap3A_1937, %swap3A_1938, %swap3A_1939], %swap3A_1942 {strides = array<i32>} : memref<4x200x64xf32, #tpu.memory_space<vmem>>, vector<1x1x16xf32>,
      %get3A_1943 = arith.constant 1 : i32
      %get3A_1944 = arith.index_cast %get3A_1943 : i32 to index
      %get3A_1945 = arith.index_cast %scan3A_1806 : i32 to index
      %get3A_1946 = arith.constant 32 : index
      %get3A_1947 = tpu.vector_load %arg9[%get3A_1944, %get3A_1945, %get3A_1946] {strides = array<i32>} : memref<4x200x64xf32, #tpu.memory_space<vmem>>, vector<1x1x16xf32>,
      %get3A_1948 = vector.shape_cast %get3A_1947 : vector<1x1x16xf32> to vector<16xf32>
      %add3A_1949 = arith.addf %get3A_1948, %get3A_1928 : vector<16xf32>
      %swap3A_1950 = arith.constant 1 : i32
      %swap3A_1951 = arith.index_cast %swap3A_1950 : i32 to index
      %swap3A_1952 = arith.index_cast %scan3A_1806 : i32 to index
      %swap3A_1953 = arith.constant 32 : index
      %swap3A_1954 = tpu.vector_load %arg9[%swap3A_1951, %swap3A_1952, %swap3A_1953] {strides = array<i32>} : memref<4x200x64xf32, #tpu.memory_space<vmem>>, vector<1x1x16xf32>,
      %swap3A_1955 = vector.shape_cast %swap3A_1954 : vector<1x1x16xf32> to vector<16xf32>
      %swap3A_1956 = vector.shape_cast %add3A_1949 : vector<16xf32> to vector<1x1x16xf32>
      tpu.vector_store %arg9[%swap3A_1951, %swap3A_1952, %swap3A_1953], %swap3A_1956 {strides = array<i32>} : memref<4x200x64xf32, #tpu.memory_space<vmem>>, vector<1x1x16xf32>,
      %get3A_1957 = arith.constant 2 : i32
      %get3A_1958 = arith.index_cast %get3A_1957 : i32 to index
      %get3A_1959 = arith.index_cast %scan3A_1806 : i32 to index
      %get3A_1960 = arith.constant 32 : index
      %get3A_1961 = tpu.vector_load %arg9[%get3A_1958, %get3A_1959, %get3A_1960] {strides = array<i32>} : memref<4x200x64xf32, #tpu.memory_space<vmem>>, vector<1x1x16xf32>,
      %get3A_1962 = vector.shape_cast %get3A_1961 : vector<1x1x16xf32> to vector<16xf32>
      %add3A_1963 = arith.addf %get3A_1962, %get3A_1928 : vector<16xf32>
      %swap3A_1964 = arith.constant 2 : i32
      %swap3A_1965 = arith.index_cast %swap3A_1964 : i32 to index
      %swap3A_1966 = arith.index_cast %scan3A_1806 : i32 to index
      %swap3A_1967 = arith.constant 32 : index
      %swap3A_1968 = tpu.vector_load %arg9[%swap3A_1965, %swap3A_1966, %swap3A_1967] {strides = array<i32>} : memref<4x200x64xf32, #tpu.memory_space<vmem>>, vector<1x1x16xf32>,
      %swap3A_1969 = vector.shape_cast %swap3A_1968 : vector<1x1x16xf32> to vector<16xf32>
      %swap3A_1970 = vector.shape_cast %add3A_1963 : vector<16xf32> to vector<1x1x16xf32>
      tpu.vector_store %arg9[%swap3A_1965, %swap3A_1966, %swap3A_1967], %swap3A_1970 {strides = array<i32>} : memref<4x200x64xf32, #tpu.memory_space<vmem>>, vector<1x1x16xf32>,
      %get3A_1971 = arith.constant 3 : i32
      %get3A_1972 = arith.index_cast %get3A_1971 : i32 to index
      %get3A_1973 = arith.index_cast %scan3A_1806 : i32 to index
      %get3A_1974 = arith.constant 32 : index
      %get3A_1975 = tpu.vector_load %arg9[%get3A_1972, %get3A_1973, %get3A_1974] {strides = array<i32>} : memref<4x200x64xf32, #tpu.memory_space<vmem>>, vector<1x1x16xf32>,
      %get3A_1976 = vector.shape_cast %get3A_1975 : vector<1x1x16xf32> to vector<16xf32>
      %add3A_1977 = arith.addf %get3A_1976, %get3A_1928 : vector<16xf32>
      %swap3A_1978 = arith.constant 3 : i32
      %swap3A_1979 = arith.index_cast %swap3A_1978 : i32 to index
      %swap3A_1980 = arith.index_cast %scan3A_1806 : i32 to index
      %swap3A_1981 = arith.constant 32 : index
      %swap3A_1982 = tpu.vector_load %arg9[%swap3A_1979, %swap3A_1980, %swap3A_1981] {strides = array<i32>} : memref<4x200x64xf32, #tpu.memory_space<vmem>>, vector<1x1x16xf32>,
      %swap3A_1983 = vector.shape_cast %swap3A_1982 : vector<1x1x16xf32> to vector<16xf32>
      %swap3A_1984 = vector.shape_cast %add3A_1977 : vector<16xf32> to vector<1x1x16xf32>
      tpu.vector_store %arg9[%swap3A_1979, %swap3A_1980, %swap3A_1981], %swap3A_1984 {strides = array<i32>} : memref<4x200x64xf32, #tpu.memory_space<vmem>>, vector<1x1x16xf32>,
      %get3A_1985 = arith.index_cast %scan3A_1806 : i32 to index
      %get3A_1986 = arith.constant 48 : index
      %get3A_1987 = tpu.vector_load %arg11[%get3A_1985, %get3A_1986] {strides = array<i32>} : memref<200x64xf32, #tpu.memory_space<vmem>>, vector<1x16xf32>,
      %get3A_1988 = vector.shape_cast %get3A_1987 : vector<1x16xf32> to vector<16xf32>
      %get3A_1989 = arith.constant 0 : i32
      %get3A_1990 = arith.index_cast %get3A_1989 : i32 to index
      %get3A_1991 = arith.index_cast %scan3A_1806 : i32 to index
      %get3A_1992 = arith.constant 48 : index
      %get3A_1993 = tpu.vector_load %arg9[%get3A_1990, %get3A_1991, %get3A_1992] {strides = array<i32>} : memref<4x200x64xf32, #tpu.memory_space<vmem>>, vector<1x1x16xf32>,
      %get3A_1994 = vector.shape_cast %get3A_1993 : vector<1x1x16xf32> to vector<16xf32>
      %add3A_1995 = arith.addf %get3A_1994, %get3A_1988 : vector<16xf32>
      %swap3A_1996 = arith.constant 0 : i32
      %swap3A_1997 = arith.index_cast %swap3A_1996 : i32 to index
      %swap3A_1998 = arith.index_cast %scan3A_1806 : i32 to index
      %swap3A_1999 = arith.constant 48 : index
      %swap3A_2000 = tpu.vector_load %arg9[%swap3A_1997, %swap3A_1998, %swap3A_1999] {strides = array<i32>} : memref<4x200x64xf32, #tpu.memory_space<vmem>>, vector<1x1x16xf32>,
      %swap3A_2001 = vector.shape_cast %swap3A_2000 : vector<1x1x16xf32> to vector<16xf32>
      %swap3A_2002 = vector.shape_cast %add3A_1995 : vector<16xf32> to vector<1x1x16xf32>
      tpu.vector_store %arg9[%swap3A_1997, %swap3A_1998, %swap3A_1999], %swap3A_2002 {strides = array<i32>} : memref<4x200x64xf32, #tpu.memory_space<vmem>>, vector<1x1x16xf32>,
      %get3A_2003 = arith.constant 1 : i32
      %get3A_2004 = arith.index_cast %get3A_2003 : i32 to index
      %get3A_2005 = arith.index_cast %scan3A_1806 : i32 to index
      %get3A_2006 = arith.constant 48 : index
      %get3A_2007 = tpu.vector_load %arg9[%get3A_2004, %get3A_2005, %get3A_2006] {strides = array<i32>} : memref<4x200x64xf32, #tpu.memory_space<vmem>>, vector<1x1x16xf32>,
      %get3A_2008 = vector.shape_cast %get3A_2007 : vector<1x1x16xf32> to vector<16xf32>
      %add3A_2009 = arith.addf %get3A_2008, %get3A_1988 : vector<16xf32>
      %swap3A_2010 = arith.constant 1 : i32
      %swap3A_2011 = arith.index_cast %swap3A_2010 : i32 to index
      %swap3A_2012 = arith.index_cast %scan3A_1806 : i32 to index
      %swap3A_2013 = arith.constant 48 : index
      %swap3A_2014 = tpu.vector_load %arg9[%swap3A_2011, %swap3A_2012, %swap3A_2013] {strides = array<i32>} : memref<4x200x64xf32, #tpu.memory_space<vmem>>, vector<1x1x16xf32>,
      %swap3A_2015 = vector.shape_cast %swap3A_2014 : vector<1x1x16xf32> to vector<16xf32>
      %swap3A_2016 = vector.shape_cast %add3A_2009 : vector<16xf32> to vector<1x1x16xf32>
      tpu.vector_store %arg9[%swap3A_2011, %swap3A_2012, %swap3A_2013], %swap3A_2016 {strides = array<i32>} : memref<4x200x64xf32, #tpu.memory_space<vmem>>, vector<1x1x16xf32>,
      %get3A_2017 = arith.constant 2 : i32
      %get3A_2018 = arith.index_cast %get3A_2017 : i32 to index
      %get3A_2019 = arith.index_cast %scan3A_1806 : i32 to index
      %get3A_2020 = arith.constant 48 : index
      %get3A_2021 = tpu.vector_load %arg9[%get3A_2018, %get3A_2019, %get3A_2020] {strides = array<i32>} : memref<4x200x64xf32, #tpu.memory_space<vmem>>, vector<1x1x16xf32>,
      %get3A_2022 = vector.shape_cast %get3A_2021 : vector<1x1x16xf32> to vector<16xf32>
      %add3A_2023 = arith.addf %get3A_2022, %get3A_1988 : vector<16xf32>
      %swap3A_2024 = arith.constant 2 : i32
      %swap3A_2025 = arith.index_cast %swap3A_2024 : i32 to index
      %swap3A_2026 = arith.index_cast %scan3A_1806 : i32 to index
      %swap3A_2027 = arith.constant 48 : index
      %swap3A_2028 = tpu.vector_load %arg9[%swap3A_2025, %swap3A_2026, %swap3A_2027] {strides = array<i32>} : memref<4x200x64xf32, #tpu.memory_space<vmem>>, vector<1x1x16xf32>,
      %swap3A_2029 = vector.shape_cast %swap3A_2028 : vector<1x1x16xf32> to vector<16xf32>
      %swap3A_2030 = vector.shape_cast %add3A_2023 : vector<16xf32> to vector<1x1x16xf32>
      tpu.vector_store %arg9[%swap3A_2025, %swap3A_2026, %swap3A_2027], %swap3A_2030 {strides = array<i32>} : memref<4x200x64xf32, #tpu.memory_space<vmem>>, vector<1x1x16xf32>,
      %get3A_2031 = arith.constant 3 : i32
      %get3A_2032 = arith.index_cast %get3A_2031 : i32 to index
      %get3A_2033 = arith.index_cast %scan3A_1806 : i32 to index
      %get3A_2034 = arith.constant 48 : index
      %get3A_2035 = tpu.vector_load %arg9[%get3A_2032, %get3A_2033, %get3A_2034] {strides = array<i32>} : memref<4x200x64xf32, #tpu.memory_space<vmem>>, vector<1x1x16xf32>,
      %get3A_2036 = vector.shape_cast %get3A_2035 : vector<1x1x16xf32> to vector<16xf32>
      %add3A_2037 = arith.addf %get3A_2036, %get3A_1988 : vector<16xf32>
      %swap3A_2038 = arith.constant 3 : i32
      %swap3A_2039 = arith.index_cast %swap3A_2038 : i32 to index
      %swap3A_2040 = arith.index_cast %scan3A_1806 : i32 to index
      %swap3A_2041 = arith.constant 48 : index
      %swap3A_2042 = tpu.vector_load %arg9[%swap3A_2039, %swap3A_2040, %swap3A_2041] {strides = array<i32>} : memref<4x200x64xf32, #tpu.memory_space<vmem>>, vector<1x1x16xf32>,
      %swap3A_2043 = vector.shape_cast %swap3A_2042 : vector<1x1x16xf32> to vector<16xf32>
      %swap3A_2044 = vector.shape_cast %add3A_2037 : vector<16xf32> to vector<1x1x16xf32>
      tpu.vector_store %arg9[%swap3A_2039, %swap3A_2040, %swap3A_2041], %swap3A_2044 {strides = array<i32>} : memref<4x200x64xf32, #tpu.memory_space<vmem>>, vector<1x1x16xf32>,
    }
    %scan3A_323 = arith.constant 200 : i32
    %mul3A_324 = arith.constant 32 : i32
    %mul3A_325 = arith.muli %add3A, %mul3A_324 : i32
    %add3A_326 = arith.constant 0 : i32
    %add3A_327 = arith.addi %mul3A_325, %add3A_326 : i32
    %dma_start3A_328 = arith.constant 0 : i32
    %dma_start3A_329 = arith.constant 0 : i32
    %dma_start3A_330 = tpu.memref_slice %arg5[%add3A_327, %dma_start3A_328, %dma_start3A_329] : memref<1024x200x64xf32, #tpu.memory_space<hbm>> -> memref<4x200x64xf32, #tpu.memory_space<hbm>>
    %dma_start3A_331 = arith.constant 0 : i32
    %dma_start3A_332 = arith.constant 0 : i32
    %dma_start3A_333 = tpu.memref_slice %arg5[%add3A_327, %dma_start3A_331, %dma_start3A_332] : memref<1024x200x64xf32, #tpu.memory_space<hbm>> -> memref<4x200x64xf32, #tpu.memory_space<hbm>>
    tpu.enqueue_dma source(%arg9 : memref<4x200x64xf32, #tpu.memory_space<vmem>>) target(%dma_start3A_333 : memref<4x200x64xf32, #tpu.memory_space<hbm>>) target_semaphore(%arg17 : memref<!tpu.dma_semaphore, #tpu.memory_space<semaphore_mem>>)
    %dma_wait3A_334 = arith.constant 0 : i32
    %dma_wait3A_335 = tpu.memref_slice %arg2[%add3A_218, %dma_wait3A_334] : memref<2048x100xi32, #tpu.memory_space<hbm>> -> memref<8x100xi32, #tpu.memory_space<hbm>>
    %dma_wait3A_336 = arith.constant 0 : i32
    %dma_wait3A_337 = tpu.memref_slice %arg2[%add3A_218, %dma_wait3A_336] : memref<2048x100xi32, #tpu.memory_space<hbm>> -> memref<8x100xi32, #tpu.memory_space<hbm>>
    tpu.wait_dma2 semaphore(%arg14 : memref<!tpu.dma_semaphore, #tpu.memory_space<semaphore_mem>>) src(%dma_wait3A_337 : memref<8x100xi32, #tpu.memory_space<hbm>>) dst(%arg8 : memref<8x100xi32, #tpu.memory_space<vmem>>)
    %dma_wait3A_338 = arith.constant 0 : i32
    %dma_wait3A_339 = arith.constant 0 : i32
    %dma_wait3A_340 = tpu.memref_slice %arg5[%add3A_327, %dma_wait3A_338, %dma_wait3A_339] : memref<1024x200x64xf32, #tpu.memory_space<hbm>> -> memref<4x200x64xf32, #tpu.memory_space<hbm>>
    %dma_wait3A_341 = arith.constant 0 : i32
    %dma_wait3A_342 = arith.constant 0 : i32
    %dma_wait3A_343 = tpu.memref_slice %arg5[%add3A_327, %dma_wait3A_341, %dma_wait3A_342] : memref<1024x200x64xf32, #tpu.memory_space<hbm>> -> memref<4x200x64xf32, #tpu.memory_space<hbm>>
    tpu.wait_dma2 semaphore(%arg17 : memref<!tpu.dma_semaphore, #tpu.memory_space<semaphore_mem>>) src(%arg9 : memref<4x200x64xf32, #tpu.memory_space<vmem>>) dst(%dma_wait3A_343 : memref<4x200x64xf32, #tpu.memory_space<hbm>>)
    %dma_start3A_344 = arith.constant 0 : i32
    %dma_start3A_345 = arith.constant 0 : i32
    %dma_start3A_346 = arith.constant 0 : i32
    %dma_start3A_347 = arith.constant 0 : i32
    %dma_start3A_348 = tpu.memref_slice %arg9[%dma_start3A_345, %dma_start3A_346, %dma_start3A_347] : memref<4x200x64xf32, #tpu.memory_space<vmem>> -> memref<1x100x64xf32, #tpu.memory_space<vmem>>
    %dma_start3A_349 = tpu.memref_squeeze %dma_start3A_348 : memref<1x100x64xf32, #tpu.memory_space<vmem>> -> memref<100x64xf32, #tpu.memory_space<vmem>>
    %dma_start3A_350 = arith.constant 0 : i32
    %dma_start3A_351 = tpu.memref_slice %arg8[%dma_start3A_344, %dma_start3A_350] : memref<8x100xi32, #tpu.memory_space<vmem>> -> memref<1x100xi32, #tpu.memory_space<vmem>>
    %dma_start3A_352 = tpu.memref_squeeze %dma_start3A_351 : memref<1x100xi32, #tpu.memory_space<vmem>> -> memref<100xi32, #tpu.memory_space<vmem>>
    %dma_start3A_353 = arith.constant 0 : i32
    %dma_start3A_354 = arith.constant 0 : i32
    %dma_start3A_355 = tpu.memref_slice %arg4[%dma_start3A_353, %dma_start3A_354] : memref<1000000x64xf32, #tpu.memory_space<hbm>> -> memref<1000000x64xf32, #tpu.memory_space<hbm>>
    tpu.enqueue_indirect_dma source(%dma_start3A_355 : memref<1000000x64xf32, #tpu.memory_space<hbm>>) target(%dma_start3A_349 : memref<100x64xf32, #tpu.memory_space<vmem>>) offsets(%dma_start3A_352 : memref<100xi32, #tpu.memory_space<vmem>>) semaphore(%arg15 : memref<!tpu.dma_semaphore, #tpu.memory_space<semaphore_mem>>)
    %dma_start3A_356 = arith.constant 1 : i32
    %dma_start3A_357 = arith.constant 0 : i32
    %dma_start3A_358 = arith.constant 100 : i32
    %dma_start3A_359 = arith.constant 0 : i32
    %dma_start3A_360 = tpu.memref_slice %arg9[%dma_start3A_357, %dma_start3A_358, %dma_start3A_359] : memref<4x200x64xf32, #tpu.memory_space<vmem>> -> memref<1x100x64xf32, #tpu.memory_space<vmem>>
    %dma_start3A_361 = tpu.memref_squeeze %dma_start3A_360 : memref<1x100x64xf32, #tpu.memory_space<vmem>> -> memref<100x64xf32, #tpu.memory_space<vmem>>
    %dma_start3A_362 = arith.constant 0 : i32
    %dma_start3A_363 = tpu.memref_slice %arg8[%dma_start3A_356, %dma_start3A_362] : memref<8x100xi32, #tpu.memory_space<vmem>> -> memref<1x100xi32, #tpu.memory_space<vmem>>
    %dma_start3A_364 = tpu.memref_squeeze %dma_start3A_363 : memref<1x100xi32, #tpu.memory_space<vmem>> -> memref<100xi32, #tpu.memory_space<vmem>>
    %dma_start3A_365 = arith.constant 0 : i32
    %dma_start3A_366 = arith.constant 0 : i32
    %dma_start3A_367 = tpu.memref_slice %arg4[%dma_start3A_365, %dma_start3A_366] : memref<1000000x64xf32, #tpu.memory_space<hbm>> -> memref<1000000x64xf32, #tpu.memory_space<hbm>>
    tpu.enqueue_indirect_dma source(%dma_start3A_367 : memref<1000000x64xf32, #tpu.memory_space<hbm>>) target(%dma_start3A_361 : memref<100x64xf32, #tpu.memory_space<vmem>>) offsets(%dma_start3A_364 : memref<100xi32, #tpu.memory_space<vmem>>) semaphore(%arg15 : memref<!tpu.dma_semaphore, #tpu.memory_space<semaphore_mem>>)
    %dma_start3A_368 = arith.constant 2 : i32
    %dma_start3A_369 = arith.constant 1 : i32
    %dma_start3A_370 = arith.constant 0 : i32
    %dma_start3A_371 = arith.constant 0 : i32
    %dma_start3A_372 = tpu.memref_slice %arg9[%dma_start3A_369, %dma_start3A_370, %dma_start3A_371] : memref<4x200x64xf32, #tpu.memory_space<vmem>> -> memref<1x100x64xf32, #tpu.memory_space<vmem>>
    %dma_start3A_373 = tpu.memref_squeeze %dma_start3A_372 : memref<1x100x64xf32, #tpu.memory_space<vmem>> -> memref<100x64xf32, #tpu.memory_space<vmem>>
    %dma_start3A_374 = arith.constant 0 : i32
    %dma_start3A_375 = tpu.memref_slice %arg8[%dma_start3A_368, %dma_start3A_374] : memref<8x100xi32, #tpu.memory_space<vmem>> -> memref<1x100xi32, #tpu.memory_space<vmem>>
    %dma_start3A_376 = tpu.memref_squeeze %dma_start3A_375 : memref<1x100xi32, #tpu.memory_space<vmem>> -> memref<100xi32, #tpu.memory_space<vmem>>
    %dma_start3A_377 = arith.constant 0 : i32
    %dma_start3A_378 = arith.constant 0 : i32
    %dma_start3A_379 = tpu.memref_slice %arg4[%dma_start3A_377, %dma_start3A_378] : memref<1000000x64xf32, #tpu.memory_space<hbm>> -> memref<1000000x64xf32, #tpu.memory_space<hbm>>
    tpu.enqueue_indirect_dma source(%dma_start3A_379 : memref<1000000x64xf32, #tpu.memory_space<hbm>>) target(%dma_start3A_373 : memref<100x64xf32, #tpu.memory_space<vmem>>) offsets(%dma_start3A_376 : memref<100xi32, #tpu.memory_space<vmem>>) semaphore(%arg15 : memref<!tpu.dma_semaphore, #tpu.memory_space<semaphore_mem>>)
    %dma_start3A_380 = arith.constant 3 : i32
    %dma_start3A_381 = arith.constant 1 : i32
    %dma_start3A_382 = arith.constant 100 : i32
    %dma_start3A_383 = arith.constant 0 : i32
    %dma_start3A_384 = tpu.memref_slice %arg9[%dma_start3A_381, %dma_start3A_382, %dma_start3A_383] : memref<4x200x64xf32, #tpu.memory_space<vmem>> -> memref<1x100x64xf32, #tpu.memory_space<vmem>>
    %dma_start3A_385 = tpu.memref_squeeze %dma_start3A_384 : memref<1x100x64xf32, #tpu.memory_space<vmem>> -> memref<100x64xf32, #tpu.memory_space<vmem>>
    %dma_start3A_386 = arith.constant 0 : i32
    %dma_start3A_387 = tpu.memref_slice %arg8[%dma_start3A_380, %dma_start3A_386] : memref<8x100xi32, #tpu.memory_space<vmem>> -> memref<1x100xi32, #tpu.memory_space<vmem>>
    %dma_start3A_388 = tpu.memref_squeeze %dma_start3A_387 : memref<1x100xi32, #tpu.memory_space<vmem>> -> memref<100xi32, #tpu.memory_space<vmem>>
    %dma_start3A_389 = arith.constant 0 : i32
    %dma_start3A_390 = arith.constant 0 : i32
    %dma_start3A_391 = tpu.memref_slice %arg4[%dma_start3A_389, %dma_start3A_390] : memref<1000000x64xf32, #tpu.memory_space<hbm>> -> memref<1000000x64xf32, #tpu.memory_space<hbm>>
    tpu.enqueue_indirect_dma source(%dma_start3A_391 : memref<1000000x64xf32, #tpu.memory_space<hbm>>) target(%dma_start3A_385 : memref<100x64xf32, #tpu.memory_space<vmem>>) offsets(%dma_start3A_388 : memref<100xi32, #tpu.memory_space<vmem>>) semaphore(%arg15 : memref<!tpu.dma_semaphore, #tpu.memory_space<semaphore_mem>>)
    %dma_start3A_392 = arith.constant 4 : i32
    %dma_start3A_393 = arith.constant 2 : i32
    %dma_start3A_394 = arith.constant 0 : i32
    %dma_start3A_395 = arith.constant 0 : i32
    %dma_start3A_396 = tpu.memref_slice %arg9[%dma_start3A_393, %dma_start3A_394, %dma_start3A_395] : memref<4x200x64xf32, #tpu.memory_space<vmem>> -> memref<1x100x64xf32, #tpu.memory_space<vmem>>
    %dma_start3A_397 = tpu.memref_squeeze %dma_start3A_396 : memref<1x100x64xf32, #tpu.memory_space<vmem>> -> memref<100x64xf32, #tpu.memory_space<vmem>>
    %dma_start3A_398 = arith.constant 0 : i32
    %dma_start3A_399 = tpu.memref_slice %arg8[%dma_start3A_392, %dma_start3A_398] : memref<8x100xi32, #tpu.memory_space<vmem>> -> memref<1x100xi32, #tpu.memory_space<vmem>>
    %dma_start3A_400 = tpu.memref_squeeze %dma_start3A_399 : memref<1x100xi32, #tpu.memory_space<vmem>> -> memref<100xi32, #tpu.memory_space<vmem>>
    %dma_start3A_401 = arith.constant 0 : i32
    %dma_start3A_402 = arith.constant 0 : i32
    %dma_start3A_403 = tpu.memref_slice %arg4[%dma_start3A_401, %dma_start3A_402] : memref<1000000x64xf32, #tpu.memory_space<hbm>> -> memref<1000000x64xf32, #tpu.memory_space<hbm>>
    tpu.enqueue_indirect_dma source(%dma_start3A_403 : memref<1000000x64xf32, #tpu.memory_space<hbm>>) target(%dma_start3A_397 : memref<100x64xf32, #tpu.memory_space<vmem>>) offsets(%dma_start3A_400 : memref<100xi32, #tpu.memory_space<vmem>>) semaphore(%arg15 : memref<!tpu.dma_semaphore, #tpu.memory_space<semaphore_mem>>)
    %dma_start3A_404 = arith.constant 5 : i32
    %dma_start3A_405 = arith.constant 2 : i32
    %dma_start3A_406 = arith.constant 100 : i32
    %dma_start3A_407 = arith.constant 0 : i32
    %dma_start3A_408 = tpu.memref_slice %arg9[%dma_start3A_405, %dma_start3A_406, %dma_start3A_407] : memref<4x200x64xf32, #tpu.memory_space<vmem>> -> memref<1x100x64xf32, #tpu.memory_space<vmem>>
    %dma_start3A_409 = tpu.memref_squeeze %dma_start3A_408 : memref<1x100x64xf32, #tpu.memory_space<vmem>> -> memref<100x64xf32, #tpu.memory_space<vmem>>
    %dma_start3A_410 = arith.constant 0 : i32
    %dma_start3A_411 = tpu.memref_slice %arg8[%dma_start3A_404, %dma_start3A_410] : memref<8x100xi32, #tpu.memory_space<vmem>> -> memref<1x100xi32, #tpu.memory_space<vmem>>
    %dma_start3A_412 = tpu.memref_squeeze %dma_start3A_411 : memref<1x100xi32, #tpu.memory_space<vmem>> -> memref<100xi32, #tpu.memory_space<vmem>>
    %dma_start3A_413 = arith.constant 0 : i32
    %dma_start3A_414 = arith.constant 0 : i32
    %dma_start3A_415 = tpu.memref_slice %arg4[%dma_start3A_413, %dma_start3A_414] : memref<1000000x64xf32, #tpu.memory_space<hbm>> -> memref<1000000x64xf32, #tpu.memory_space<hbm>>
    tpu.enqueue_indirect_dma source(%dma_start3A_415 : memref<1000000x64xf32, #tpu.memory_space<hbm>>) target(%dma_start3A_409 : memref<100x64xf32, #tpu.memory_space<vmem>>) offsets(%dma_start3A_412 : memref<100xi32, #tpu.memory_space<vmem>>) semaphore(%arg15 : memref<!tpu.dma_semaphore, #tpu.memory_space<semaphore_mem>>)
    %dma_start3A_416 = arith.constant 6 : i32
    %dma_start3A_417 = arith.constant 3 : i32
    %dma_start3A_418 = arith.constant 0 : i32
    %dma_start3A_419 = arith.constant 0 : i32
    %dma_start3A_420 = tpu.memref_slice %arg9[%dma_start3A_417, %dma_start3A_418, %dma_start3A_419] : memref<4x200x64xf32, #tpu.memory_space<vmem>> -> memref<1x100x64xf32, #tpu.memory_space<vmem>>
    %dma_start3A_421 = tpu.memref_squeeze %dma_start3A_420 : memref<1x100x64xf32, #tpu.memory_space<vmem>> -> memref<100x64xf32, #tpu.memory_space<vmem>>
    %dma_start3A_422 = arith.constant 0 : i32
    %dma_start3A_423 = tpu.memref_slice %arg8[%dma_start3A_416, %dma_start3A_422] : memref<8x100xi32, #tpu.memory_space<vmem>> -> memref<1x100xi32, #tpu.memory_space<vmem>>
    %dma_start3A_424 = tpu.memref_squeeze %dma_start3A_423 : memref<1x100xi32, #tpu.memory_space<vmem>> -> memref<100xi32, #tpu.memory_space<vmem>>
    %dma_start3A_425 = arith.constant 0 : i32
    %dma_start3A_426 = arith.constant 0 : i32
    %dma_start3A_427 = tpu.memref_slice %arg4[%dma_start3A_425, %dma_start3A_426] : memref<1000000x64xf32, #tpu.memory_space<hbm>> -> memref<1000000x64xf32, #tpu.memory_space<hbm>>
    tpu.enqueue_indirect_dma source(%dma_start3A_427 : memref<1000000x64xf32, #tpu.memory_space<hbm>>) target(%dma_start3A_421 : memref<100x64xf32, #tpu.memory_space<vmem>>) offsets(%dma_start3A_424 : memref<100xi32, #tpu.memory_space<vmem>>) semaphore(%arg15 : memref<!tpu.dma_semaphore, #tpu.memory_space<semaphore_mem>>)
    %dma_start3A_428 = arith.constant 7 : i32
    %dma_start3A_429 = arith.constant 3 : i32
    %dma_start3A_430 = arith.constant 100 : i32
    %dma_start3A_431 = arith.constant 0 : i32
    %dma_start3A_432 = tpu.memref_slice %arg9[%dma_start3A_429, %dma_start3A_430, %dma_start3A_431] : memref<4x200x64xf32, #tpu.memory_space<vmem>> -> memref<1x100x64xf32, #tpu.memory_space<vmem>>
    %dma_start3A_433 = tpu.memref_squeeze %dma_start3A_432 : memref<1x100x64xf32, #tpu.memory_space<vmem>> -> memref<100x64xf32, #tpu.memory_space<vmem>>
    %dma_start3A_434 = arith.constant 0 : i32
    %dma_start3A_435 = tpu.memref_slice %arg8[%dma_start3A_428, %dma_start3A_434] : memref<8x100xi32, #tpu.memory_space<vmem>> -> memref<1x100xi32, #tpu.memory_space<vmem>>
    %dma_start3A_436 = tpu.memref_squeeze %dma_start3A_435 : memref<1x100xi32, #tpu.memory_space<vmem>> -> memref<100xi32, #tpu.memory_space<vmem>>
    %dma_start3A_437 = arith.constant 0 : i32
    %dma_start3A_438 = arith.constant 0 : i32
    %dma_start3A_439 = tpu.memref_slice %arg4[%dma_start3A_437, %dma_start3A_438] : memref<1000000x64xf32, #tpu.memory_space<hbm>> -> memref<1000000x64xf32, #tpu.memory_space<hbm>>
    tpu.enqueue_indirect_dma source(%dma_start3A_439 : memref<1000000x64xf32, #tpu.memory_space<hbm>>) target(%dma_start3A_433 : memref<100x64xf32, #tpu.memory_space<vmem>>) offsets(%dma_start3A_436 : memref<100xi32, #tpu.memory_space<vmem>>) semaphore(%arg15 : memref<!tpu.dma_semaphore, #tpu.memory_space<semaphore_mem>>)
    %mul3A_440 = arith.constant 64 : i32
    %mul3A_441 = arith.muli %add3A, %mul3A_440 : i32
    %add3A_442 = arith.constant 24 : i32
    %add3A_443 = arith.addi %mul3A_441, %add3A_442 : i32
    %dma_start3A_444 = arith.constant 0 : i32
    %dma_start3A_445 = tpu.memref_slice %arg2[%add3A_443, %dma_start3A_444] : memref<2048x100xi32, #tpu.memory_space<hbm>> -> memref<8x100xi32, #tpu.memory_space<hbm>>
    %dma_start3A_446 = arith.constant 0 : i32
    %dma_start3A_447 = tpu.memref_slice %arg2[%add3A_443, %dma_start3A_446] : memref<2048x100xi32, #tpu.memory_space<hbm>> -> memref<8x100xi32, #tpu.memory_space<hbm>>
    tpu.enqueue_dma source(%dma_start3A_447 : memref<8x100xi32, #tpu.memory_space<hbm>>) target(%arg6 : memref<8x100xi32, #tpu.memory_space<vmem>>) target_semaphore(%arg12 : memref<!tpu.dma_semaphore, #tpu.memory_space<semaphore_mem>>)
    %dma_wait3A_448 = arith.constant 0 : i32
    %dma_wait3A_449 = arith.constant 0 : i32
    %dma_wait3A_450 = arith.constant 0 : i32
    %dma_wait3A_451 = arith.constant 0 : i32
    %dma_wait3A_452 = tpu.memref_slice %arg10[%dma_wait3A_449, %dma_wait3A_450, %dma_wait3A_451] : memref<4x200x64xf32, #tpu.memory_space<vmem>> -> memref<1x100x64xf32, #tpu.memory_space<vmem>>
    %dma_wait3A_453 = tpu.memref_squeeze %dma_wait3A_452 : memref<1x100x64xf32, #tpu.memory_space<vmem>> -> memref<100x64xf32, #tpu.memory_space<vmem>>
    %dma_wait3A_454 = arith.constant 0 : i32
    %dma_wait3A_455 = tpu.memref_slice %arg7[%dma_wait3A_448, %dma_wait3A_454] : memref<8x100xi32, #tpu.memory_space<vmem>> -> memref<1x100xi32, #tpu.memory_space<vmem>>
    %dma_wait3A_456 = tpu.memref_squeeze %dma_wait3A_455 : memref<1x100xi32, #tpu.memory_space<vmem>> -> memref<100xi32, #tpu.memory_space<vmem>>
    %dma_wait3A_457 = arith.constant 0 : i32
    %dma_wait3A_458 = arith.constant 0 : i32
    %dma_wait3A_459 = tpu.memref_slice %arg4[%dma_wait3A_457, %dma_wait3A_458] : memref<1000000x64xf32, #tpu.memory_space<hbm>> -> memref<1000000x64xf32, #tpu.memory_space<hbm>>
    tpu.wait_indirect_dma semaphore(%arg16 : memref<!tpu.dma_semaphore, #tpu.memory_space<semaphore_mem>>) src(%dma_wait3A_459 : memref<1000000x64xf32, #tpu.memory_space<hbm>>) dst(%dma_wait3A_453 : memref<100x64xf32, #tpu.memory_space<vmem>>)
    %dma_wait3A_460 = arith.constant 1 : i32
    %dma_wait3A_461 = arith.constant 0 : i32
    %dma_wait3A_462 = arith.constant 100 : i32
    %dma_wait3A_463 = arith.constant 0 : i32
    %dma_wait3A_464 = tpu.memref_slice %arg10[%dma_wait3A_461, %dma_wait3A_462, %dma_wait3A_463] : memref<4x200x64xf32, #tpu.memory_space<vmem>> -> memref<1x100x64xf32, #tpu.memory_space<vmem>>
    %dma_wait3A_465 = tpu.memref_squeeze %dma_wait3A_464 : memref<1x100x64xf32, #tpu.memory_space<vmem>> -> memref<100x64xf32, #tpu.memory_space<vmem>>
    %dma_wait3A_466 = arith.constant 0 : i32
    %dma_wait3A_467 = tpu.memref_slice %arg7[%dma_wait3A_460, %dma_wait3A_466] : memref<8x100xi32, #tpu.memory_space<vmem>> -> memref<1x100xi32, #tpu.memory_space<vmem>>
    %dma_wait3A_468 = tpu.memref_squeeze %dma_wait3A_467 : memref<1x100xi32, #tpu.memory_space<vmem>> -> memref<100xi32, #tpu.memory_space<vmem>>
    %dma_wait3A_469 = arith.constant 0 : i32
    %dma_wait3A_470 = arith.constant 0 : i32
    %dma_wait3A_471 = tpu.memref_slice %arg4[%dma_wait3A_469, %dma_wait3A_470] : memref<1000000x64xf32, #tpu.memory_space<hbm>> -> memref<1000000x64xf32, #tpu.memory_space<hbm>>
    tpu.wait_indirect_dma semaphore(%arg16 : memref<!tpu.dma_semaphore, #tpu.memory_space<semaphore_mem>>) src(%dma_wait3A_471 : memref<1000000x64xf32, #tpu.memory_space<hbm>>) dst(%dma_wait3A_465 : memref<100x64xf32, #tpu.memory_space<vmem>>)
    %dma_wait3A_472 = arith.constant 2 : i32
    %dma_wait3A_473 = arith.constant 1 : i32
    %dma_wait3A_474 = arith.constant 0 : i32
    %dma_wait3A_475 = arith.constant 0 : i32
    %dma_wait3A_476 = tpu.memref_slice %arg10[%dma_wait3A_473, %dma_wait3A_474, %dma_wait3A_475] : memref<4x200x64xf32, #tpu.memory_space<vmem>> -> memref<1x100x64xf32, #tpu.memory_space<vmem>>
    %dma_wait3A_477 = tpu.memref_squeeze %dma_wait3A_476 : memref<1x100x64xf32, #tpu.memory_space<vmem>> -> memref<100x64xf32, #tpu.memory_space<vmem>>
    %dma_wait3A_478 = arith.constant 0 : i32
    %dma_wait3A_479 = tpu.memref_slice %arg7[%dma_wait3A_472, %dma_wait3A_478] : memref<8x100xi32, #tpu.memory_space<vmem>> -> memref<1x100xi32, #tpu.memory_space<vmem>>
    %dma_wait3A_480 = tpu.memref_squeeze %dma_wait3A_479 : memref<1x100xi32, #tpu.memory_space<vmem>> -> memref<100xi32, #tpu.memory_space<vmem>>
    %dma_wait3A_481 = arith.constant 0 : i32
    %dma_wait3A_482 = arith.constant 0 : i32
    %dma_wait3A_483 = tpu.memref_slice %arg4[%dma_wait3A_481, %dma_wait3A_482] : memref<1000000x64xf32, #tpu.memory_space<hbm>> -> memref<1000000x64xf32, #tpu.memory_space<hbm>>
    tpu.wait_indirect_dma semaphore(%arg16 : memref<!tpu.dma_semaphore, #tpu.memory_space<semaphore_mem>>) src(%dma_wait3A_483 : memref<1000000x64xf32, #tpu.memory_space<hbm>>) dst(%dma_wait3A_477 : memref<100x64xf32, #tpu.memory_space<vmem>>)
    %dma_wait3A_484 = arith.constant 3 : i32
    %dma_wait3A_485 = arith.constant 1 : i32
    %dma_wait3A_486 = arith.constant 100 : i32
    %dma_wait3A_487 = arith.constant 0 : i32
    %dma_wait3A_488 = tpu.memref_slice %arg10[%dma_wait3A_485, %dma_wait3A_486, %dma_wait3A_487] : memref<4x200x64xf32, #tpu.memory_space<vmem>> -> memref<1x100x64xf32, #tpu.memory_space<vmem>>
    %dma_wait3A_489 = tpu.memref_squeeze %dma_wait3A_488 : memref<1x100x64xf32, #tpu.memory_space<vmem>> -> memref<100x64xf32, #tpu.memory_space<vmem>>
    %dma_wait3A_490 = arith.constant 0 : i32
    %dma_wait3A_491 = tpu.memref_slice %arg7[%dma_wait3A_484, %dma_wait3A_490] : memref<8x100xi32, #tpu.memory_space<vmem>> -> memref<1x100xi32, #tpu.memory_space<vmem>>
    %dma_wait3A_492 = tpu.memref_squeeze %dma_wait3A_491 : memref<1x100xi32, #tpu.memory_space<vmem>> -> memref<100xi32, #tpu.memory_space<vmem>>
    %dma_wait3A_493 = arith.constant 0 : i32
    %dma_wait3A_494 = arith.constant 0 : i32
    %dma_wait3A_495 = tpu.memref_slice %arg4[%dma_wait3A_493, %dma_wait3A_494] : memref<1000000x64xf32, #tpu.memory_space<hbm>> -> memref<1000000x64xf32, #tpu.memory_space<hbm>>
    tpu.wait_indirect_dma semaphore(%arg16 : memref<!tpu.dma_semaphore, #tpu.memory_space<semaphore_mem>>) src(%dma_wait3A_495 : memref<1000000x64xf32, #tpu.memory_space<hbm>>) dst(%dma_wait3A_489 : memref<100x64xf32, #tpu.memory_space<vmem>>)
    %dma_wait3A_496 = arith.constant 4 : i32
    %dma_wait3A_497 = arith.constant 2 : i32
    %dma_wait3A_498 = arith.constant 0 : i32
    %dma_wait3A_499 = arith.constant 0 : i32
    %dma_wait3A_500 = tpu.memref_slice %arg10[%dma_wait3A_497, %dma_wait3A_498, %dma_wait3A_499] : memref<4x200x64xf32, #tpu.memory_space<vmem>> -> memref<1x100x64xf32, #tpu.memory_space<vmem>>
    %dma_wait3A_501 = tpu.memref_squeeze %dma_wait3A_500 : memref<1x100x64xf32, #tpu.memory_space<vmem>> -> memref<100x64xf32, #tpu.memory_space<vmem>>
    %dma_wait3A_502 = arith.constant 0 : i32
    %dma_wait3A_503 = tpu.memref_slice %arg7[%dma_wait3A_496, %dma_wait3A_502] : memref<8x100xi32, #tpu.memory_space<vmem>> -> memref<1x100xi32, #tpu.memory_space<vmem>>
    %dma_wait3A_504 = tpu.memref_squeeze %dma_wait3A_503 : memref<1x100xi32, #tpu.memory_space<vmem>> -> memref<100xi32, #tpu.memory_space<vmem>>
    %dma_wait3A_505 = arith.constant 0 : i32
    %dma_wait3A_506 = arith.constant 0 : i32
    %dma_wait3A_507 = tpu.memref_slice %arg4[%dma_wait3A_505, %dma_wait3A_506] : memref<1000000x64xf32, #tpu.memory_space<hbm>> -> memref<1000000x64xf32, #tpu.memory_space<hbm>>
    tpu.wait_indirect_dma semaphore(%arg16 : memref<!tpu.dma_semaphore, #tpu.memory_space<semaphore_mem>>) src(%dma_wait3A_507 : memref<1000000x64xf32, #tpu.memory_space<hbm>>) dst(%dma_wait3A_501 : memref<100x64xf32, #tpu.memory_space<vmem>>)
    %dma_wait3A_508 = arith.constant 5 : i32
    %dma_wait3A_509 = arith.constant 2 : i32
    %dma_wait3A_510 = arith.constant 100 : i32
    %dma_wait3A_511 = arith.constant 0 : i32
    %dma_wait3A_512 = tpu.memref_slice %arg10[%dma_wait3A_509, %dma_wait3A_510, %dma_wait3A_511] : memref<4x200x64xf32, #tpu.memory_space<vmem>> -> memref<1x100x64xf32, #tpu.memory_space<vmem>>
    %dma_wait3A_513 = tpu.memref_squeeze %dma_wait3A_512 : memref<1x100x64xf32, #tpu.memory_space<vmem>> -> memref<100x64xf32, #tpu.memory_space<vmem>>
    %dma_wait3A_514 = arith.constant 0 : i32
    %dma_wait3A_515 = tpu.memref_slice %arg7[%dma_wait3A_508, %dma_wait3A_514] : memref<8x100xi32, #tpu.memory_space<vmem>> -> memref<1x100xi32, #tpu.memory_space<vmem>>
    %dma_wait3A_516 = tpu.memref_squeeze %dma_wait3A_515 : memref<1x100xi32, #tpu.memory_space<vmem>> -> memref<100xi32, #tpu.memory_space<vmem>>
    %dma_wait3A_517 = arith.constant 0 : i32
    %dma_wait3A_518 = arith.constant 0 : i32
    %dma_wait3A_519 = tpu.memref_slice %arg4[%dma_wait3A_517, %dma_wait3A_518] : memref<1000000x64xf32, #tpu.memory_space<hbm>> -> memref<1000000x64xf32, #tpu.memory_space<hbm>>
    tpu.wait_indirect_dma semaphore(%arg16 : memref<!tpu.dma_semaphore, #tpu.memory_space<semaphore_mem>>) src(%dma_wait3A_519 : memref<1000000x64xf32, #tpu.memory_space<hbm>>) dst(%dma_wait3A_513 : memref<100x64xf32, #tpu.memory_space<vmem>>)
    %dma_wait3A_520 = arith.constant 6 : i32
    %dma_wait3A_521 = arith.constant 3 : i32
    %dma_wait3A_522 = arith.constant 0 : i32
    %dma_wait3A_523 = arith.constant 0 : i32
    %dma_wait3A_524 = tpu.memref_slice %arg10[%dma_wait3A_521, %dma_wait3A_522, %dma_wait3A_523] : memref<4x200x64xf32, #tpu.memory_space<vmem>> -> memref<1x100x64xf32, #tpu.memory_space<vmem>>
    %dma_wait3A_525 = tpu.memref_squeeze %dma_wait3A_524 : memref<1x100x64xf32, #tpu.memory_space<vmem>> -> memref<100x64xf32, #tpu.memory_space<vmem>>
    %dma_wait3A_526 = arith.constant 0 : i32
    %dma_wait3A_527 = tpu.memref_slice %arg7[%dma_wait3A_520, %dma_wait3A_526] : memref<8x100xi32, #tpu.memory_space<vmem>> -> memref<1x100xi32, #tpu.memory_space<vmem>>
    %dma_wait3A_528 = tpu.memref_squeeze %dma_wait3A_527 : memref<1x100xi32, #tpu.memory_space<vmem>> -> memref<100xi32, #tpu.memory_space<vmem>>
    %dma_wait3A_529 = arith.constant 0 : i32
    %dma_wait3A_530 = arith.constant 0 : i32
    %dma_wait3A_531 = tpu.memref_slice %arg4[%dma_wait3A_529, %dma_wait3A_530] : memref<1000000x64xf32, #tpu.memory_space<hbm>> -> memref<1000000x64xf32, #tpu.memory_space<hbm>>
    tpu.wait_indirect_dma semaphore(%arg16 : memref<!tpu.dma_semaphore, #tpu.memory_space<semaphore_mem>>) src(%dma_wait3A_531 : memref<1000000x64xf32, #tpu.memory_space<hbm>>) dst(%dma_wait3A_525 : memref<100x64xf32, #tpu.memory_space<vmem>>)
    %dma_wait3A_532 = arith.constant 7 : i32
    %dma_wait3A_533 = arith.constant 3 : i32
    %dma_wait3A_534 = arith.constant 100 : i32
    %dma_wait3A_535 = arith.constant 0 : i32
    %dma_wait3A_536 = tpu.memref_slice %arg10[%dma_wait3A_533, %dma_wait3A_534, %dma_wait3A_535] : memref<4x200x64xf32, #tpu.memory_space<vmem>> -> memref<1x100x64xf32, #tpu.memory_space<vmem>>
    %dma_wait3A_537 = tpu.memref_squeeze %dma_wait3A_536 : memref<1x100x64xf32, #tpu.memory_space<vmem>> -> memref<100x64xf32, #tpu.memory_space<vmem>>
    %dma_wait3A_538 = arith.constant 0 : i32
    %dma_wait3A_539 = tpu.memref_slice %arg7[%dma_wait3A_532, %dma_wait3A_538] : memref<8x100xi32, #tpu.memory_space<vmem>> -> memref<1x100xi32, #tpu.memory_space<vmem>>
    %dma_wait3A_540 = tpu.memref_squeeze %dma_wait3A_539 : memref<1x100xi32, #tpu.memory_space<vmem>> -> memref<100xi32, #tpu.memory_space<vmem>>
    %dma_wait3A_541 = arith.constant 0 : i32
    %dma_wait3A_542 = arith.constant 0 : i32
    %dma_wait3A_543 = tpu.memref_slice %arg4[%dma_wait3A_541, %dma_wait3A_542] : memref<1000000x64xf32, #tpu.memory_space<hbm>> -> memref<1000000x64xf32, #tpu.memory_space<hbm>>
    tpu.wait_indirect_dma semaphore(%arg16 : memref<!tpu.dma_semaphore, #tpu.memory_space<semaphore_mem>>) src(%dma_wait3A_543 : memref<1000000x64xf32, #tpu.memory_space<hbm>>) dst(%dma_wait3A_537 : memref<100x64xf32, #tpu.memory_space<vmem>>)
    %scan3A_544 = arith.constant 0 : i32
    %scan3A_545 = arith.constant 0 : i32
    %scan3A_546 = arith.constant 200 : i32
    %scan3A_547 = arith.addi %scan3A_545, %scan3A_546 : i32
    %scan3A_548 = arith.constant 1 : i32
    scf.for %scan3A_1806 = %scan3A_545 to %scan3A_547 step %scan3A_548  : i32 {
      %get3A = arith.index_cast %scan3A_1806 : i32 to index
      %get3A_1807 = arith.constant 0 : index
      %get3A_1808 = tpu.vector_load %arg11[%get3A, %get3A_1807] {strides = array<i32>} : memref<200x64xf32, #tpu.memory_space<vmem>>, vector<1x16xf32>,
      %get3A_1809 = vector.shape_cast %get3A_1808 : vector<1x16xf32> to vector<16xf32>
      %get3A_1810 = arith.constant 0 : i32
      %get3A_1811 = arith.index_cast %get3A_1810 : i32 to index
      %get3A_1812 = arith.index_cast %scan3A_1806 : i32 to index
      %get3A_1813 = arith.constant 0 : index
      %get3A_1814 = tpu.vector_load %arg10[%get3A_1811, %get3A_1812, %get3A_1813] {strides = array<i32>} : memref<4x200x64xf32, #tpu.memory_space<vmem>>, vector<1x1x16xf32>,
      %get3A_1815 = vector.shape_cast %get3A_1814 : vector<1x1x16xf32> to vector<16xf32>
      %add3A_1816 = arith.addf %get3A_1815, %get3A_1809 : vector<16xf32>
      %swap3A = arith.constant 0 : i32
      %swap3A_1817 = arith.index_cast %swap3A : i32 to index
      %swap3A_1818 = arith.index_cast %scan3A_1806 : i32 to index
      %swap3A_1819 = arith.constant 0 : index
      %swap3A_1820 = tpu.vector_load %arg10[%swap3A_1817, %swap3A_1818, %swap3A_1819] {strides = array<i32>} : memref<4x200x64xf32, #tpu.memory_space<vmem>>, vector<1x1x16xf32>,
      %swap3A_1821 = vector.shape_cast %swap3A_1820 : vector<1x1x16xf32> to vector<16xf32>
      %swap3A_1822 = vector.shape_cast %add3A_1816 : vector<16xf32> to vector<1x1x16xf32>
      tpu.vector_store %arg10[%swap3A_1817, %swap3A_1818, %swap3A_1819], %swap3A_1822 {strides = array<i32>} : memref<4x200x64xf32, #tpu.memory_space<vmem>>, vector<1x1x16xf32>,
      %get3A_1823 = arith.constant 1 : i32
      %get3A_1824 = arith.index_cast %get3A_1823 : i32 to index
      %get3A_1825 = arith.index_cast %scan3A_1806 : i32 to index
      %get3A_1826 = arith.constant 0 : index
      %get3A_1827 = tpu.vector_load %arg10[%get3A_1824, %get3A_1825, %get3A_1826] {strides = array<i32>} : memref<4x200x64xf32, #tpu.memory_space<vmem>>, vector<1x1x16xf32>,
      %get3A_1828 = vector.shape_cast %get3A_1827 : vector<1x1x16xf32> to vector<16xf32>
      %add3A_1829 = arith.addf %get3A_1828, %get3A_1809 : vector<16xf32>
      %swap3A_1830 = arith.constant 1 : i32
      %swap3A_1831 = arith.index_cast %swap3A_1830 : i32 to index
      %swap3A_1832 = arith.index_cast %scan3A_1806 : i32 to index
      %swap3A_1833 = arith.constant 0 : index
      %swap3A_1834 = tpu.vector_load %arg10[%swap3A_1831, %swap3A_1832, %swap3A_1833] {strides = array<i32>} : memref<4x200x64xf32, #tpu.memory_space<vmem>>, vector<1x1x16xf32>,
      %swap3A_1835 = vector.shape_cast %swap3A_1834 : vector<1x1x16xf32> to vector<16xf32>
      %swap3A_1836 = vector.shape_cast %add3A_1829 : vector<16xf32> to vector<1x1x16xf32>
      tpu.vector_store %arg10[%swap3A_1831, %swap3A_1832, %swap3A_1833], %swap3A_1836 {strides = array<i32>} : memref<4x200x64xf32, #tpu.memory_space<vmem>>, vector<1x1x16xf32>,
      %get3A_1837 = arith.constant 2 : i32
      %get3A_1838 = arith.index_cast %get3A_1837 : i32 to index
      %get3A_1839 = arith.index_cast %scan3A_1806 : i32 to index
      %get3A_1840 = arith.constant 0 : index
      %get3A_1841 = tpu.vector_load %arg10[%get3A_1838, %get3A_1839, %get3A_1840] {strides = array<i32>} : memref<4x200x64xf32, #tpu.memory_space<vmem>>, vector<1x1x16xf32>,
      %get3A_1842 = vector.shape_cast %get3A_1841 : vector<1x1x16xf32> to vector<16xf32>
      %add3A_1843 = arith.addf %get3A_1842, %get3A_1809 : vector<16xf32>
      %swap3A_1844 = arith.constant 2 : i32
      %swap3A_1845 = arith.index_cast %swap3A_1844 : i32 to index
      %swap3A_1846 = arith.index_cast %scan3A_1806 : i32 to index
      %swap3A_1847 = arith.constant 0 : index
      %swap3A_1848 = tpu.vector_load %arg10[%swap3A_1845, %swap3A_1846, %swap3A_1847] {strides = array<i32>} : memref<4x200x64xf32, #tpu.memory_space<vmem>>, vector<1x1x16xf32>,
      %swap3A_1849 = vector.shape_cast %swap3A_1848 : vector<1x1x16xf32> to vector<16xf32>
      %swap3A_1850 = vector.shape_cast %add3A_1843 : vector<16xf32> to vector<1x1x16xf32>
      tpu.vector_store %arg10[%swap3A_1845, %swap3A_1846, %swap3A_1847], %swap3A_1850 {strides = array<i32>} : memref<4x200x64xf32, #tpu.memory_space<vmem>>, vector<1x1x16xf32>,
      %get3A_1851 = arith.constant 3 : i32
      %get3A_1852 = arith.index_cast %get3A_1851 : i32 to index
      %get3A_1853 = arith.index_cast %scan3A_1806 : i32 to index
      %get3A_1854 = arith.constant 0 : index
      %get3A_1855 = tpu.vector_load %arg10[%get3A_1852, %get3A_1853, %get3A_1854] {strides = array<i32>} : memref<4x200x64xf32, #tpu.memory_space<vmem>>, vector<1x1x16xf32>,
      %get3A_1856 = vector.shape_cast %get3A_1855 : vector<1x1x16xf32> to vector<16xf32>
      %add3A_1857 = arith.addf %get3A_1856, %get3A_1809 : vector<16xf32>
      %swap3A_1858 = arith.constant 3 : i32
      %swap3A_1859 = arith.index_cast %swap3A_1858 : i32 to index
      %swap3A_1860 = arith.index_cast %scan3A_1806 : i32 to index
      %swap3A_1861 = arith.constant 0 : index
      %swap3A_1862 = tpu.vector_load %arg10[%swap3A_1859, %swap3A_1860, %swap3A_1861] {strides = array<i32>} : memref<4x200x64xf32, #tpu.memory_space<vmem>>, vector<1x1x16xf32>,
      %swap3A_1863 = vector.shape_cast %swap3A_1862 : vector<1x1x16xf32> to vector<16xf32>
      %swap3A_1864 = vector.shape_cast %add3A_1857 : vector<16xf32> to vector<1x1x16xf32>
      tpu.vector_store %arg10[%swap3A_1859, %swap3A_1860, %swap3A_1861], %swap3A_1864 {strides = array<i32>} : memref<4x200x64xf32, #tpu.memory_space<vmem>>, vector<1x1x16xf32>,
      %get3A_1865 = arith.index_cast %scan3A_1806 : i32 to index
      %get3A_1866 = arith.constant 16 : index
      %get3A_1867 = tpu.vector_load %arg11[%get3A_1865, %get3A_1866] {strides = array<i32>} : memref<200x64xf32, #tpu.memory_space<vmem>>, vector<1x16xf32>,
      %get3A_1868 = vector.shape_cast %get3A_1867 : vector<1x16xf32> to vector<16xf32>
      %get3A_1869 = arith.constant 0 : i32
      %get3A_1870 = arith.index_cast %get3A_1869 : i32 to index
      %get3A_1871 = arith.index_cast %scan3A_1806 : i32 to index
      %get3A_1872 = arith.constant 16 : index
      %get3A_1873 = tpu.vector_load %arg10[%get3A_1870, %get3A_1871, %get3A_1872] {strides = array<i32>} : memref<4x200x64xf32, #tpu.memory_space<vmem>>, vector<1x1x16xf32>,
      %get3A_1874 = vector.shape_cast %get3A_1873 : vector<1x1x16xf32> to vector<16xf32>
      %add3A_1875 = arith.addf %get3A_1874, %get3A_1868 : vector<16xf32>
      %swap3A_1876 = arith.constant 0 : i32
      %swap3A_1877 = arith.index_cast %swap3A_1876 : i32 to index
      %swap3A_1878 = arith.index_cast %scan3A_1806 : i32 to index
      %swap3A_1879 = arith.constant 16 : index
      %swap3A_1880 = tpu.vector_load %arg10[%swap3A_1877, %swap3A_1878, %swap3A_1879] {strides = array<i32>} : memref<4x200x64xf32, #tpu.memory_space<vmem>>, vector<1x1x16xf32>,
      %swap3A_1881 = vector.shape_cast %swap3A_1880 : vector<1x1x16xf32> to vector<16xf32>
      %swap3A_1882 = vector.shape_cast %add3A_1875 : vector<16xf32> to vector<1x1x16xf32>
      tpu.vector_store %arg10[%swap3A_1877, %swap3A_1878, %swap3A_1879], %swap3A_1882 {strides = array<i32>} : memref<4x200x64xf32, #tpu.memory_space<vmem>>, vector<1x1x16xf32>,
      %get3A_1883 = arith.constant 1 : i32
      %get3A_1884 = arith.index_cast %get3A_1883 : i32 to index
      %get3A_1885 = arith.index_cast %scan3A_1806 : i32 to index
      %get3A_1886 = arith.constant 16 : index
      %get3A_1887 = tpu.vector_load %arg10[%get3A_1884, %get3A_1885, %get3A_1886] {strides = array<i32>} : memref<4x200x64xf32, #tpu.memory_space<vmem>>, vector<1x1x16xf32>,
      %get3A_1888 = vector.shape_cast %get3A_1887 : vector<1x1x16xf32> to vector<16xf32>
      %add3A_1889 = arith.addf %get3A_1888, %get3A_1868 : vector<16xf32>
      %swap3A_1890 = arith.constant 1 : i32
      %swap3A_1891 = arith.index_cast %swap3A_1890 : i32 to index
      %swap3A_1892 = arith.index_cast %scan3A_1806 : i32 to index
      %swap3A_1893 = arith.constant 16 : index
      %swap3A_1894 = tpu.vector_load %arg10[%swap3A_1891, %swap3A_1892, %swap3A_1893] {strides = array<i32>} : memref<4x200x64xf32, #tpu.memory_space<vmem>>, vector<1x1x16xf32>,
      %swap3A_1895 = vector.shape_cast %swap3A_1894 : vector<1x1x16xf32> to vector<16xf32>
      %swap3A_1896 = vector.shape_cast %add3A_1889 : vector<16xf32> to vector<1x1x16xf32>
      tpu.vector_store %arg10[%swap3A_1891, %swap3A_1892, %swap3A_1893], %swap3A_1896 {strides = array<i32>} : memref<4x200x64xf32, #tpu.memory_space<vmem>>, vector<1x1x16xf32>,
      %get3A_1897 = arith.constant 2 : i32
      %get3A_1898 = arith.index_cast %get3A_1897 : i32 to index
      %get3A_1899 = arith.index_cast %scan3A_1806 : i32 to index
      %get3A_1900 = arith.constant 16 : index
      %get3A_1901 = tpu.vector_load %arg10[%get3A_1898, %get3A_1899, %get3A_1900] {strides = array<i32>} : memref<4x200x64xf32, #tpu.memory_space<vmem>>, vector<1x1x16xf32>,
      %get3A_1902 = vector.shape_cast %get3A_1901 : vector<1x1x16xf32> to vector<16xf32>
      %add3A_1903 = arith.addf %get3A_1902, %get3A_1868 : vector<16xf32>
      %swap3A_1904 = arith.constant 2 : i32
      %swap3A_1905 = arith.index_cast %swap3A_1904 : i32 to index
      %swap3A_1906 = arith.index_cast %scan3A_1806 : i32 to index
      %swap3A_1907 = arith.constant 16 : index
      %swap3A_1908 = tpu.vector_load %arg10[%swap3A_1905, %swap3A_1906, %swap3A_1907] {strides = array<i32>} : memref<4x200x64xf32, #tpu.memory_space<vmem>>, vector<1x1x16xf32>,
      %swap3A_1909 = vector.shape_cast %swap3A_1908 : vector<1x1x16xf32> to vector<16xf32>
      %swap3A_1910 = vector.shape_cast %add3A_1903 : vector<16xf32> to vector<1x1x16xf32>
      tpu.vector_store %arg10[%swap3A_1905, %swap3A_1906, %swap3A_1907], %swap3A_1910 {strides = array<i32>} : memref<4x200x64xf32, #tpu.memory_space<vmem>>, vector<1x1x16xf32>,
      %get3A_1911 = arith.constant 3 : i32
      %get3A_1912 = arith.index_cast %get3A_1911 : i32 to index
      %get3A_1913 = arith.index_cast %scan3A_1806 : i32 to index
      %get3A_1914 = arith.constant 16 : index
      %get3A_1915 = tpu.vector_load %arg10[%get3A_1912, %get3A_1913, %get3A_1914] {strides = array<i32>} : memref<4x200x64xf32, #tpu.memory_space<vmem>>, vector<1x1x16xf32>,
      %get3A_1916 = vector.shape_cast %get3A_1915 : vector<1x1x16xf32> to vector<16xf32>
      %add3A_1917 = arith.addf %get3A_1916, %get3A_1868 : vector<16xf32>
      %swap3A_1918 = arith.constant 3 : i32
      %swap3A_1919 = arith.index_cast %swap3A_1918 : i32 to index
      %swap3A_1920 = arith.index_cast %scan3A_1806 : i32 to index
      %swap3A_1921 = arith.constant 16 : index
      %swap3A_1922 = tpu.vector_load %arg10[%swap3A_1919, %swap3A_1920, %swap3A_1921] {strides = array<i32>} : memref<4x200x64xf32, #tpu.memory_space<vmem>>, vector<1x1x16xf32>,
      %swap3A_1923 = vector.shape_cast %swap3A_1922 : vector<1x1x16xf32> to vector<16xf32>
      %swap3A_1924 = vector.shape_cast %add3A_1917 : vector<16xf32> to vector<1x1x16xf32>
      tpu.vector_store %arg10[%swap3A_1919, %swap3A_1920, %swap3A_1921], %swap3A_1924 {strides = array<i32>} : memref<4x200x64xf32, #tpu.memory_space<vmem>>, vector<1x1x16xf32>,
      %get3A_1925 = arith.index_cast %scan3A_1806 : i32 to index
      %get3A_1926 = arith.constant 32 : index
      %get3A_1927 = tpu.vector_load %arg11[%get3A_1925, %get3A_1926] {strides = array<i32>} : memref<200x64xf32, #tpu.memory_space<vmem>>, vector<1x16xf32>,
      %get3A_1928 = vector.shape_cast %get3A_1927 : vector<1x16xf32> to vector<16xf32>
      %get3A_1929 = arith.constant 0 : i32
      %get3A_1930 = arith.index_cast %get3A_1929 : i32 to index
      %get3A_1931 = arith.index_cast %scan3A_1806 : i32 to index
      %get3A_1932 = arith.constant 32 : index
      %get3A_1933 = tpu.vector_load %arg10[%get3A_1930, %get3A_1931, %get3A_1932] {strides = array<i32>} : memref<4x200x64xf32, #tpu.memory_space<vmem>>, vector<1x1x16xf32>,
      %get3A_1934 = vector.shape_cast %get3A_1933 : vector<1x1x16xf32> to vector<16xf32>
      %add3A_1935 = arith.addf %get3A_1934, %get3A_1928 : vector<16xf32>
      %swap3A_1936 = arith.constant 0 : i32
      %swap3A_1937 = arith.index_cast %swap3A_1936 : i32 to index
      %swap3A_1938 = arith.index_cast %scan3A_1806 : i32 to index
      %swap3A_1939 = arith.constant 32 : index
      %swap3A_1940 = tpu.vector_load %arg10[%swap3A_1937, %swap3A_1938, %swap3A_1939] {strides = array<i32>} : memref<4x200x64xf32, #tpu.memory_space<vmem>>, vector<1x1x16xf32>,
      %swap3A_1941 = vector.shape_cast %swap3A_1940 : vector<1x1x16xf32> to vector<16xf32>
      %swap3A_1942 = vector.shape_cast %add3A_1935 : vector<16xf32> to vector<1x1x16xf32>
      tpu.vector_store %arg10[%swap3A_1937, %swap3A_1938, %swap3A_1939], %swap3A_1942 {strides = array<i32>} : memref<4x200x64xf32, #tpu.memory_space<vmem>>, vector<1x1x16xf32>,
      %get3A_1943 = arith.constant 1 : i32
      %get3A_1944 = arith.index_cast %get3A_1943 : i32 to index
      %get3A_1945 = arith.index_cast %scan3A_1806 : i32 to index
      %get3A_1946 = arith.constant 32 : index
      %get3A_1947 = tpu.vector_load %arg10[%get3A_1944, %get3A_1945, %get3A_1946] {strides = array<i32>} : memref<4x200x64xf32, #tpu.memory_space<vmem>>, vector<1x1x16xf32>,
      %get3A_1948 = vector.shape_cast %get3A_1947 : vector<1x1x16xf32> to vector<16xf32>
      %add3A_1949 = arith.addf %get3A_1948, %get3A_1928 : vector<16xf32>
      %swap3A_1950 = arith.constant 1 : i32
      %swap3A_1951 = arith.index_cast %swap3A_1950 : i32 to index
      %swap3A_1952 = arith.index_cast %scan3A_1806 : i32 to index
      %swap3A_1953 = arith.constant 32 : index
      %swap3A_1954 = tpu.vector_load %arg10[%swap3A_1951, %swap3A_1952, %swap3A_1953] {strides = array<i32>} : memref<4x200x64xf32, #tpu.memory_space<vmem>>, vector<1x1x16xf32>,
      %swap3A_1955 = vector.shape_cast %swap3A_1954 : vector<1x1x16xf32> to vector<16xf32>
      %swap3A_1956 = vector.shape_cast %add3A_1949 : vector<16xf32> to vector<1x1x16xf32>
      tpu.vector_store %arg10[%swap3A_1951, %swap3A_1952, %swap3A_1953], %swap3A_1956 {strides = array<i32>} : memref<4x200x64xf32, #tpu.memory_space<vmem>>, vector<1x1x16xf32>,
      %get3A_1957 = arith.constant 2 : i32
      %get3A_1958 = arith.index_cast %get3A_1957 : i32 to index
      %get3A_1959 = arith.index_cast %scan3A_1806 : i32 to index
      %get3A_1960 = arith.constant 32 : index
      %get3A_1961 = tpu.vector_load %arg10[%get3A_1958, %get3A_1959, %get3A_1960] {strides = array<i32>} : memref<4x200x64xf32, #tpu.memory_space<vmem>>, vector<1x1x16xf32>,
      %get3A_1962 = vector.shape_cast %get3A_1961 : vector<1x1x16xf32> to vector<16xf32>
      %add3A_1963 = arith.addf %get3A_1962, %get3A_1928 : vector<16xf32>
      %swap3A_1964 = arith.constant 2 : i32
      %swap3A_1965 = arith.index_cast %swap3A_1964 : i32 to index
      %swap3A_1966 = arith.index_cast %scan3A_1806 : i32 to index
      %swap3A_1967 = arith.constant 32 : index
      %swap3A_1968 = tpu.vector_load %arg10[%swap3A_1965, %swap3A_1966, %swap3A_1967] {strides = array<i32>} : memref<4x200x64xf32, #tpu.memory_space<vmem>>, vector<1x1x16xf32>,
      %swap3A_1969 = vector.shape_cast %swap3A_1968 : vector<1x1x16xf32> to vector<16xf32>
      %swap3A_1970 = vector.shape_cast %add3A_1963 : vector<16xf32> to vector<1x1x16xf32>
      tpu.vector_store %arg10[%swap3A_1965, %swap3A_1966, %swap3A_1967], %swap3A_1970 {strides = array<i32>} : memref<4x200x64xf32, #tpu.memory_space<vmem>>, vector<1x1x16xf32>,
      %get3A_1971 = arith.constant 3 : i32
      %get3A_1972 = arith.index_cast %get3A_1971 : i32 to index
      %get3A_1973 = arith.index_cast %scan3A_1806 : i32 to index
      %get3A_1974 = arith.constant 32 : index
      %get3A_1975 = tpu.vector_load %arg10[%get3A_1972, %get3A_1973, %get3A_1974] {strides = array<i32>} : memref<4x200x64xf32, #tpu.memory_space<vmem>>, vector<1x1x16xf32>,
      %get3A_1976 = vector.shape_cast %get3A_1975 : vector<1x1x16xf32> to vector<16xf32>
      %add3A_1977 = arith.addf %get3A_1976, %get3A_1928 : vector<16xf32>
      %swap3A_1978 = arith.constant 3 : i32
      %swap3A_1979 = arith.index_cast %swap3A_1978 : i32 to index
      %swap3A_1980 = arith.index_cast %scan3A_1806 : i32 to index
      %swap3A_1981 = arith.constant 32 : index
      %swap3A_1982 = tpu.vector_load %arg10[%swap3A_1979, %swap3A_1980, %swap3A_1981] {strides = array<i32>} : memref<4x200x64xf32, #tpu.memory_space<vmem>>, vector<1x1x16xf32>,
      %swap3A_1983 = vector.shape_cast %swap3A_1982 : vector<1x1x16xf32> to vector<16xf32>
      %swap3A_1984 = vector.shape_cast %add3A_1977 : vector<16xf32> to vector<1x1x16xf32>
      tpu.vector_store %arg10[%swap3A_1979, %swap3A_1980, %swap3A_1981], %swap3A_1984 {strides = array<i32>} : memref<4x200x64xf32, #tpu.memory_space<vmem>>, vector<1x1x16xf32>,
      %get3A_1985 = arith.index_cast %scan3A_1806 : i32 to index
      %get3A_1986 = arith.constant 48 : index
      %get3A_1987 = tpu.vector_load %arg11[%get3A_1985, %get3A_1986] {strides = array<i32>} : memref<200x64xf32, #tpu.memory_space<vmem>>, vector<1x16xf32>,
      %get3A_1988 = vector.shape_cast %get3A_1987 : vector<1x16xf32> to vector<16xf32>
      %get3A_1989 = arith.constant 0 : i32
      %get3A_1990 = arith.index_cast %get3A_1989 : i32 to index
      %get3A_1991 = arith.index_cast %scan3A_1806 : i32 to index
      %get3A_1992 = arith.constant 48 : index
      %get3A_1993 = tpu.vector_load %arg10[%get3A_1990, %get3A_1991, %get3A_1992] {strides = array<i32>} : memref<4x200x64xf32, #tpu.memory_space<vmem>>, vector<1x1x16xf32>,
      %get3A_1994 = vector.shape_cast %get3A_1993 : vector<1x1x16xf32> to vector<16xf32>
      %add3A_1995 = arith.addf %get3A_1994, %get3A_1988 : vector<16xf32>
      %swap3A_1996 = arith.constant 0 : i32
      %swap3A_1997 = arith.index_cast %swap3A_1996 : i32 to index
      %swap3A_1998 = arith.index_cast %scan3A_1806 : i32 to index
      %swap3A_1999 = arith.constant 48 : index
      %swap3A_2000 = tpu.vector_load %arg10[%swap3A_1997, %swap3A_1998, %swap3A_1999] {strides = array<i32>} : memref<4x200x64xf32, #tpu.memory_space<vmem>>, vector<1x1x16xf32>,
      %swap3A_2001 = vector.shape_cast %swap3A_2000 : vector<1x1x16xf32> to vector<16xf32>
      %swap3A_2002 = vector.shape_cast %add3A_1995 : vector<16xf32> to vector<1x1x16xf32>
      tpu.vector_store %arg10[%swap3A_1997, %swap3A_1998, %swap3A_1999], %swap3A_2002 {strides = array<i32>} : memref<4x200x64xf32, #tpu.memory_space<vmem>>, vector<1x1x16xf32>,
      %get3A_2003 = arith.constant 1 : i32
      %get3A_2004 = arith.index_cast %get3A_2003 : i32 to index
      %get3A_2005 = arith.index_cast %scan3A_1806 : i32 to index
      %get3A_2006 = arith.constant 48 : index
      %get3A_2007 = tpu.vector_load %arg10[%get3A_2004, %get3A_2005, %get3A_2006] {strides = array<i32>} : memref<4x200x64xf32, #tpu.memory_space<vmem>>, vector<1x1x16xf32>,
      %get3A_2008 = vector.shape_cast %get3A_2007 : vector<1x1x16xf32> to vector<16xf32>
      %add3A_2009 = arith.addf %get3A_2008, %get3A_1988 : vector<16xf32>
      %swap3A_2010 = arith.constant 1 : i32
      %swap3A_2011 = arith.index_cast %swap3A_2010 : i32 to index
      %swap3A_2012 = arith.index_cast %scan3A_1806 : i32 to index
      %swap3A_2013 = arith.constant 48 : index
      %swap3A_2014 = tpu.vector_load %arg10[%swap3A_2011, %swap3A_2012, %swap3A_2013] {strides = array<i32>} : memref<4x200x64xf32, #tpu.memory_space<vmem>>, vector<1x1x16xf32>,
      %swap3A_2015 = vector.shape_cast %swap3A_2014 : vector<1x1x16xf32> to vector<16xf32>
      %swap3A_2016 = vector.shape_cast %add3A_2009 : vector<16xf32> to vector<1x1x16xf32>
      tpu.vector_store %arg10[%swap3A_2011, %swap3A_2012, %swap3A_2013], %swap3A_2016 {strides = array<i32>} : memref<4x200x64xf32, #tpu.memory_space<vmem>>, vector<1x1x16xf32>,
      %get3A_2017 = arith.constant 2 : i32
      %get3A_2018 = arith.index_cast %get3A_2017 : i32 to index
      %get3A_2019 = arith.index_cast %scan3A_1806 : i32 to index
      %get3A_2020 = arith.constant 48 : index
      %get3A_2021 = tpu.vector_load %arg10[%get3A_2018, %get3A_2019, %get3A_2020] {strides = array<i32>} : memref<4x200x64xf32, #tpu.memory_space<vmem>>, vector<1x1x16xf32>,
      %get3A_2022 = vector.shape_cast %get3A_2021 : vector<1x1x16xf32> to vector<16xf32>
      %add3A_2023 = arith.addf %get3A_2022, %get3A_1988 : vector<16xf32>
      %swap3A_2024 = arith.constant 2 : i32
      %swap3A_2025 = arith.index_cast %swap3A_2024 : i32 to index
      %swap3A_2026 = arith.index_cast %scan3A_1806 : i32 to index
      %swap3A_2027 = arith.constant 48 : index
      %swap3A_2028 = tpu.vector_load %arg10[%swap3A_2025, %swap3A_2026, %swap3A_2027] {strides = array<i32>} : memref<4x200x64xf32, #tpu.memory_space<vmem>>, vector<1x1x16xf32>,
      %swap3A_2029 = vector.shape_cast %swap3A_2028 : vector<1x1x16xf32> to vector<16xf32>
      %swap3A_2030 = vector.shape_cast %add3A_2023 : vector<16xf32> to vector<1x1x16xf32>
      tpu.vector_store %arg10[%swap3A_2025, %swap3A_2026, %swap3A_2027], %swap3A_2030 {strides = array<i32>} : memref<4x200x64xf32, #tpu.memory_space<vmem>>, vector<1x1x16xf32>,
      %get3A_2031 = arith.constant 3 : i32
      %get3A_2032 = arith.index_cast %get3A_2031 : i32 to index
      %get3A_2033 = arith.index_cast %scan3A_1806 : i32 to index
      %get3A_2034 = arith.constant 48 : index
      %get3A_2035 = tpu.vector_load %arg10[%get3A_2032, %get3A_2033, %get3A_2034] {strides = array<i32>} : memref<4x200x64xf32, #tpu.memory_space<vmem>>, vector<1x1x16xf32>,
      %get3A_2036 = vector.shape_cast %get3A_2035 : vector<1x1x16xf32> to vector<16xf32>
      %add3A_2037 = arith.addf %get3A_2036, %get3A_1988 : vector<16xf32>
      %swap3A_2038 = arith.constant 3 : i32
      %swap3A_2039 = arith.index_cast %swap3A_2038 : i32 to index
      %swap3A_2040 = arith.index_cast %scan3A_1806 : i32 to index
      %swap3A_2041 = arith.constant 48 : index
      %swap3A_2042 = tpu.vector_load %arg10[%swap3A_2039, %swap3A_2040, %swap3A_2041] {strides = array<i32>} : memref<4x200x64xf32, #tpu.memory_space<vmem>>, vector<1x1x16xf32>,
      %swap3A_2043 = vector.shape_cast %swap3A_2042 : vector<1x1x16xf32> to vector<16xf32>
      %swap3A_2044 = vector.shape_cast %add3A_2037 : vector<16xf32> to vector<1x1x16xf32>
      tpu.vector_store %arg10[%swap3A_2039, %swap3A_2040, %swap3A_2041], %swap3A_2044 {strides = array<i32>} : memref<4x200x64xf32, #tpu.memory_space<vmem>>, vector<1x1x16xf32>,
    }
    %scan3A_549 = arith.constant 200 : i32
    %mul3A_550 = arith.constant 32 : i32
    %mul3A_551 = arith.muli %add3A, %mul3A_550 : i32
    %add3A_552 = arith.constant 4 : i32
    %add3A_553 = arith.addi %mul3A_551, %add3A_552 : i32
    %dma_start3A_554 = arith.constant 0 : i32
    %dma_start3A_555 = arith.constant 0 : i32
    %dma_start3A_556 = tpu.memref_slice %arg5[%add3A_553, %dma_start3A_554, %dma_start3A_555] : memref<1024x200x64xf32, #tpu.memory_space<hbm>> -> memref<4x200x64xf32, #tpu.memory_space<hbm>>
    %dma_start3A_557 = arith.constant 0 : i32
    %dma_start3A_558 = arith.constant 0 : i32
    %dma_start3A_559 = tpu.memref_slice %arg5[%add3A_553, %dma_start3A_557, %dma_start3A_558] : memref<1024x200x64xf32, #tpu.memory_space<hbm>> -> memref<4x200x64xf32, #tpu.memory_space<hbm>>
    tpu.enqueue_dma source(%arg10 : memref<4x200x64xf32, #tpu.memory_space<vmem>>) target(%dma_start3A_559 : memref<4x200x64xf32, #tpu.memory_space<hbm>>) target_semaphore(%arg18 : memref<!tpu.dma_semaphore, #tpu.memory_space<semaphore_mem>>)
    %dma_wait3A_560 = arith.constant 0 : i32
    %dma_wait3A_561 = tpu.memref_slice %arg2[%add3A_443, %dma_wait3A_560] : memref<2048x100xi32, #tpu.memory_space<hbm>> -> memref<8x100xi32, #tpu.memory_space<hbm>>
    %dma_wait3A_562 = arith.constant 0 : i32
    %dma_wait3A_563 = tpu.memref_slice %arg2[%add3A_443, %dma_wait3A_562] : memref<2048x100xi32, #tpu.memory_space<hbm>> -> memref<8x100xi32, #tpu.memory_space<hbm>>
    tpu.wait_dma2 semaphore(%arg12 : memref<!tpu.dma_semaphore, #tpu.memory_space<semaphore_mem>>) src(%dma_wait3A_563 : memref<8x100xi32, #tpu.memory_space<hbm>>) dst(%arg6 : memref<8x100xi32, #tpu.memory_space<vmem>>)
    %dma_wait3A_564 = arith.constant 0 : i32
    %dma_wait3A_565 = arith.constant 0 : i32
    %dma_wait3A_566 = tpu.memref_slice %arg5[%add3A_553, %dma_wait3A_564, %dma_wait3A_565] : memref<1024x200x64xf32, #tpu.memory_space<hbm>> -> memref<4x200x64xf32, #tpu.memory_space<hbm>>
    %dma_wait3A_567 = arith.constant 0 : i32
    %dma_wait3A_568 = arith.constant 0 : i32
    %dma_wait3A_569 = tpu.memref_slice %arg5[%add3A_553, %dma_wait3A_567, %dma_wait3A_568] : memref<1024x200x64xf32, #tpu.memory_space<hbm>> -> memref<4x200x64xf32, #tpu.memory_space<hbm>>
    tpu.wait_dma2 semaphore(%arg18 : memref<!tpu.dma_semaphore, #tpu.memory_space<semaphore_mem>>) src(%arg10 : memref<4x200x64xf32, #tpu.memory_space<vmem>>) dst(%dma_wait3A_569 : memref<4x200x64xf32, #tpu.memory_space<hbm>>)
    %dma_start3A_570 = arith.constant 0 : i32
    %dma_start3A_571 = arith.constant 0 : i32
    %dma_start3A_572 = arith.constant 0 : i32
    %dma_start3A_573 = arith.constant 0 : i32
    %dma_start3A_574 = tpu.memref_slice %arg10[%dma_start3A_571, %dma_start3A_572, %dma_start3A_573] : memref<4x200x64xf32, #tpu.memory_space<vmem>> -> memref<1x100x64xf32, #tpu.memory_space<vmem>>
    %dma_start3A_575 = tpu.memref_squeeze %dma_start3A_574 : memref<1x100x64xf32, #tpu.memory_space<vmem>> -> memref<100x64xf32, #tpu.memory_space<vmem>>
    %dma_start3A_576 = arith.constant 0 : i32
    %dma_start3A_577 = tpu.memref_slice %arg6[%dma_start3A_570, %dma_start3A_576] : memref<8x100xi32, #tpu.memory_space<vmem>> -> memref<1x100xi32, #tpu.memory_space<vmem>>
    %dma_start3A_578 = tpu.memref_squeeze %dma_start3A_577 : memref<1x100xi32, #tpu.memory_space<vmem>> -> memref<100xi32, #tpu.memory_space<vmem>>
    %dma_start3A_579 = arith.constant 0 : i32
    %dma_start3A_580 = arith.constant 0 : i32
    %dma_start3A_581 = tpu.memref_slice %arg4[%dma_start3A_579, %dma_start3A_580] : memref<1000000x64xf32, #tpu.memory_space<hbm>> -> memref<1000000x64xf32, #tpu.memory_space<hbm>>
    tpu.enqueue_indirect_dma source(%dma_start3A_581 : memref<1000000x64xf32, #tpu.memory_space<hbm>>) target(%dma_start3A_575 : memref<100x64xf32, #tpu.memory_space<vmem>>) offsets(%dma_start3A_578 : memref<100xi32, #tpu.memory_space<vmem>>) semaphore(%arg16 : memref<!tpu.dma_semaphore, #tpu.memory_space<semaphore_mem>>)
    %dma_start3A_582 = arith.constant 1 : i32
    %dma_start3A_583 = arith.constant 0 : i32
    %dma_start3A_584 = arith.constant 100 : i32
    %dma_start3A_585 = arith.constant 0 : i32
    %dma_start3A_586 = tpu.memref_slice %arg10[%dma_start3A_583, %dma_start3A_584, %dma_start3A_585] : memref<4x200x64xf32, #tpu.memory_space<vmem>> -> memref<1x100x64xf32, #tpu.memory_space<vmem>>
    %dma_start3A_587 = tpu.memref_squeeze %dma_start3A_586 : memref<1x100x64xf32, #tpu.memory_space<vmem>> -> memref<100x64xf32, #tpu.memory_space<vmem>>
    %dma_start3A_588 = arith.constant 0 : i32
    %dma_start3A_589 = tpu.memref_slice %arg6[%dma_start3A_582, %dma_start3A_588] : memref<8x100xi32, #tpu.memory_space<vmem>> -> memref<1x100xi32, #tpu.memory_space<vmem>>
    %dma_start3A_590 = tpu.memref_squeeze %dma_start3A_589 : memref<1x100xi32, #tpu.memory_space<vmem>> -> memref<100xi32, #tpu.memory_space<vmem>>
    %dma_start3A_591 = arith.constant 0 : i32
    %dma_start3A_592 = arith.constant 0 : i32
    %dma_start3A_593 = tpu.memref_slice %arg4[%dma_start3A_591, %dma_start3A_592] : memref<1000000x64xf32, #tpu.memory_space<hbm>> -> memref<1000000x64xf32, #tpu.memory_space<hbm>>
    tpu.enqueue_indirect_dma source(%dma_start3A_593 : memref<1000000x64xf32, #tpu.memory_space<hbm>>) target(%dma_start3A_587 : memref<100x64xf32, #tpu.memory_space<vmem>>) offsets(%dma_start3A_590 : memref<100xi32, #tpu.memory_space<vmem>>) semaphore(%arg16 : memref<!tpu.dma_semaphore, #tpu.memory_space<semaphore_mem>>)
    %dma_start3A_594 = arith.constant 2 : i32
    %dma_start3A_595 = arith.constant 1 : i32
    %dma_start3A_596 = arith.constant 0 : i32
    %dma_start3A_597 = arith.constant 0 : i32
    %dma_start3A_598 = tpu.memref_slice %arg10[%dma_start3A_595, %dma_start3A_596, %dma_start3A_597] : memref<4x200x64xf32, #tpu.memory_space<vmem>> -> memref<1x100x64xf32, #tpu.memory_space<vmem>>
    %dma_start3A_599 = tpu.memref_squeeze %dma_start3A_598 : memref<1x100x64xf32, #tpu.memory_space<vmem>> -> memref<100x64xf32, #tpu.memory_space<vmem>>
    %dma_start3A_600 = arith.constant 0 : i32
    %dma_start3A_601 = tpu.memref_slice %arg6[%dma_start3A_594, %dma_start3A_600] : memref<8x100xi32, #tpu.memory_space<vmem>> -> memref<1x100xi32, #tpu.memory_space<vmem>>
    %dma_start3A_602 = tpu.memref_squeeze %dma_start3A_601 : memref<1x100xi32, #tpu.memory_space<vmem>> -> memref<100xi32, #tpu.memory_space<vmem>>
    %dma_start3A_603 = arith.constant 0 : i32
    %dma_start3A_604 = arith.constant 0 : i32
    %dma_start3A_605 = tpu.memref_slice %arg4[%dma_start3A_603, %dma_start3A_604] : memref<1000000x64xf32, #tpu.memory_space<hbm>> -> memref<1000000x64xf32, #tpu.memory_space<hbm>>
    tpu.enqueue_indirect_dma source(%dma_start3A_605 : memref<1000000x64xf32, #tpu.memory_space<hbm>>) target(%dma_start3A_599 : memref<100x64xf32, #tpu.memory_space<vmem>>) offsets(%dma_start3A_602 : memref<100xi32, #tpu.memory_space<vmem>>) semaphore(%arg16 : memref<!tpu.dma_semaphore, #tpu.memory_space<semaphore_mem>>)
    %dma_start3A_606 = arith.constant 3 : i32
    %dma_start3A_607 = arith.constant 1 : i32
    %dma_start3A_608 = arith.constant 100 : i32
    %dma_start3A_609 = arith.constant 0 : i32
    %dma_start3A_610 = tpu.memref_slice %arg10[%dma_start3A_607, %dma_start3A_608, %dma_start3A_609] : memref<4x200x64xf32, #tpu.memory_space<vmem>> -> memref<1x100x64xf32, #tpu.memory_space<vmem>>
    %dma_start3A_611 = tpu.memref_squeeze %dma_start3A_610 : memref<1x100x64xf32, #tpu.memory_space<vmem>> -> memref<100x64xf32, #tpu.memory_space<vmem>>
    %dma_start3A_612 = arith.constant 0 : i32
    %dma_start3A_613 = tpu.memref_slice %arg6[%dma_start3A_606, %dma_start3A_612] : memref<8x100xi32, #tpu.memory_space<vmem>> -> memref<1x100xi32, #tpu.memory_space<vmem>>
    %dma_start3A_614 = tpu.memref_squeeze %dma_start3A_613 : memref<1x100xi32, #tpu.memory_space<vmem>> -> memref<100xi32, #tpu.memory_space<vmem>>
    %dma_start3A_615 = arith.constant 0 : i32
    %dma_start3A_616 = arith.constant 0 : i32
    %dma_start3A_617 = tpu.memref_slice %arg4[%dma_start3A_615, %dma_start3A_616] : memref<1000000x64xf32, #tpu.memory_space<hbm>> -> memref<1000000x64xf32, #tpu.memory_space<hbm>>
    tpu.enqueue_indirect_dma source(%dma_start3A_617 : memref<1000000x64xf32, #tpu.memory_space<hbm>>) target(%dma_start3A_611 : memref<100x64xf32, #tpu.memory_space<vmem>>) offsets(%dma_start3A_614 : memref<100xi32, #tpu.memory_space<vmem>>) semaphore(%arg16 : memref<!tpu.dma_semaphore, #tpu.memory_space<semaphore_mem>>)
    %dma_start3A_618 = arith.constant 4 : i32
    %dma_start3A_619 = arith.constant 2 : i32
    %dma_start3A_620 = arith.constant 0 : i32
    %dma_start3A_621 = arith.constant 0 : i32
    %dma_start3A_622 = tpu.memref_slice %arg10[%dma_start3A_619, %dma_start3A_620, %dma_start3A_621] : memref<4x200x64xf32, #tpu.memory_space<vmem>> -> memref<1x100x64xf32, #tpu.memory_space<vmem>>
    %dma_start3A_623 = tpu.memref_squeeze %dma_start3A_622 : memref<1x100x64xf32, #tpu.memory_space<vmem>> -> memref<100x64xf32, #tpu.memory_space<vmem>>
    %dma_start3A_624 = arith.constant 0 : i32
    %dma_start3A_625 = tpu.memref_slice %arg6[%dma_start3A_618, %dma_start3A_624] : memref<8x100xi32, #tpu.memory_space<vmem>> -> memref<1x100xi32, #tpu.memory_space<vmem>>
    %dma_start3A_626 = tpu.memref_squeeze %dma_start3A_625 : memref<1x100xi32, #tpu.memory_space<vmem>> -> memref<100xi32, #tpu.memory_space<vmem>>
    %dma_start3A_627 = arith.constant 0 : i32
    %dma_start3A_628 = arith.constant 0 : i32
    %dma_start3A_629 = tpu.memref_slice %arg4[%dma_start3A_627, %dma_start3A_628] : memref<1000000x64xf32, #tpu.memory_space<hbm>> -> memref<1000000x64xf32, #tpu.memory_space<hbm>>
    tpu.enqueue_indirect_dma source(%dma_start3A_629 : memref<1000000x64xf32, #tpu.memory_space<hbm>>) target(%dma_start3A_623 : memref<100x64xf32, #tpu.memory_space<vmem>>) offsets(%dma_start3A_626 : memref<100xi32, #tpu.memory_space<vmem>>) semaphore(%arg16 : memref<!tpu.dma_semaphore, #tpu.memory_space<semaphore_mem>>)
    %dma_start3A_630 = arith.constant 5 : i32
    %dma_start3A_631 = arith.constant 2 : i32
    %dma_start3A_632 = arith.constant 100 : i32
    %dma_start3A_633 = arith.constant 0 : i32
    %dma_start3A_634 = tpu.memref_slice %arg10[%dma_start3A_631, %dma_start3A_632, %dma_start3A_633] : memref<4x200x64xf32, #tpu.memory_space<vmem>> -> memref<1x100x64xf32, #tpu.memory_space<vmem>>
    %dma_start3A_635 = tpu.memref_squeeze %dma_start3A_634 : memref<1x100x64xf32, #tpu.memory_space<vmem>> -> memref<100x64xf32, #tpu.memory_space<vmem>>
    %dma_start3A_636 = arith.constant 0 : i32
    %dma_start3A_637 = tpu.memref_slice %arg6[%dma_start3A_630, %dma_start3A_636] : memref<8x100xi32, #tpu.memory_space<vmem>> -> memref<1x100xi32, #tpu.memory_space<vmem>>
    %dma_start3A_638 = tpu.memref_squeeze %dma_start3A_637 : memref<1x100xi32, #tpu.memory_space<vmem>> -> memref<100xi32, #tpu.memory_space<vmem>>
    %dma_start3A_639 = arith.constant 0 : i32
    %dma_start3A_640 = arith.constant 0 : i32
    %dma_start3A_641 = tpu.memref_slice %arg4[%dma_start3A_639, %dma_start3A_640] : memref<1000000x64xf32, #tpu.memory_space<hbm>> -> memref<1000000x64xf32, #tpu.memory_space<hbm>>
    tpu.enqueue_indirect_dma source(%dma_start3A_641 : memref<1000000x64xf32, #tpu.memory_space<hbm>>) target(%dma_start3A_635 : memref<100x64xf32, #tpu.memory_space<vmem>>) offsets(%dma_start3A_638 : memref<100xi32, #tpu.memory_space<vmem>>) semaphore(%arg16 : memref<!tpu.dma_semaphore, #tpu.memory_space<semaphore_mem>>)
    %dma_start3A_642 = arith.constant 6 : i32
    %dma_start3A_643 = arith.constant 3 : i32
    %dma_start3A_644 = arith.constant 0 : i32
    %dma_start3A_645 = arith.constant 0 : i32
    %dma_start3A_646 = tpu.memref_slice %arg10[%dma_start3A_643, %dma_start3A_644, %dma_start3A_645] : memref<4x200x64xf32, #tpu.memory_space<vmem>> -> memref<1x100x64xf32, #tpu.memory_space<vmem>>
    %dma_start3A_647 = tpu.memref_squeeze %dma_start3A_646 : memref<1x100x64xf32, #tpu.memory_space<vmem>> -> memref<100x64xf32, #tpu.memory_space<vmem>>
    %dma_start3A_648 = arith.constant 0 : i32
    %dma_start3A_649 = tpu.memref_slice %arg6[%dma_start3A_642, %dma_start3A_648] : memref<8x100xi32, #tpu.memory_space<vmem>> -> memref<1x100xi32, #tpu.memory_space<vmem>>
    %dma_start3A_650 = tpu.memref_squeeze %dma_start3A_649 : memref<1x100xi32, #tpu.memory_space<vmem>> -> memref<100xi32, #tpu.memory_space<vmem>>
    %dma_start3A_651 = arith.constant 0 : i32
    %dma_start3A_652 = arith.constant 0 : i32
    %dma_start3A_653 = tpu.memref_slice %arg4[%dma_start3A_651, %dma_start3A_652] : memref<1000000x64xf32, #tpu.memory_space<hbm>> -> memref<1000000x64xf32, #tpu.memory_space<hbm>>
    tpu.enqueue_indirect_dma source(%dma_start3A_653 : memref<1000000x64xf32, #tpu.memory_space<hbm>>) target(%dma_start3A_647 : memref<100x64xf32, #tpu.memory_space<vmem>>) offsets(%dma_start3A_650 : memref<100xi32, #tpu.memory_space<vmem>>) semaphore(%arg16 : memref<!tpu.dma_semaphore, #tpu.memory_space<semaphore_mem>>)
    %dma_start3A_654 = arith.constant 7 : i32
    %dma_start3A_655 = arith.constant 3 : i32
    %dma_start3A_656 = arith.constant 100 : i32
    %dma_start3A_657 = arith.constant 0 : i32
    %dma_start3A_658 = tpu.memref_slice %arg10[%dma_start3A_655, %dma_start3A_656, %dma_start3A_657] : memref<4x200x64xf32, #tpu.memory_space<vmem>> -> memref<1x100x64xf32, #tpu.memory_space<vmem>>
    %dma_start3A_659 = tpu.memref_squeeze %dma_start3A_658 : memref<1x100x64xf32, #tpu.memory_space<vmem>> -> memref<100x64xf32, #tpu.memory_space<vmem>>
    %dma_start3A_660 = arith.constant 0 : i32
    %dma_start3A_661 = tpu.memref_slice %arg6[%dma_start3A_654, %dma_start3A_660] : memref<8x100xi32, #tpu.memory_space<vmem>> -> memref<1x100xi32, #tpu.memory_space<vmem>>
    %dma_start3A_662 = tpu.memref_squeeze %dma_start3A_661 : memref<1x100xi32, #tpu.memory_space<vmem>> -> memref<100xi32, #tpu.memory_space<vmem>>
    %dma_start3A_663 = arith.constant 0 : i32
    %dma_start3A_664 = arith.constant 0 : i32
    %dma_start3A_665 = tpu.memref_slice %arg4[%dma_start3A_663, %dma_start3A_664] : memref<1000000x64xf32, #tpu.memory_space<hbm>> -> memref<1000000x64xf32, #tpu.memory_space<hbm>>
    tpu.enqueue_indirect_dma source(%dma_start3A_665 : memref<1000000x64xf32, #tpu.memory_space<hbm>>) target(%dma_start3A_659 : memref<100x64xf32, #tpu.memory_space<vmem>>) offsets(%dma_start3A_662 : memref<100xi32, #tpu.memory_space<vmem>>) semaphore(%arg16 : memref<!tpu.dma_semaphore, #tpu.memory_space<semaphore_mem>>)
    %mul3A_666 = arith.constant 64 : i32
    %mul3A_667 = arith.muli %add3A, %mul3A_666 : i32
    %add3A_668 = arith.constant 32 : i32
    %add3A_669 = arith.addi %mul3A_667, %add3A_668 : i32
    %dma_start3A_670 = arith.constant 0 : i32
    %dma_start3A_671 = tpu.memref_slice %arg2[%add3A_669, %dma_start3A_670] : memref<2048x100xi32, #tpu.memory_space<hbm>> -> memref<8x100xi32, #tpu.memory_space<hbm>>
    %dma_start3A_672 = arith.constant 0 : i32
    %dma_start3A_673 = tpu.memref_slice %arg2[%add3A_669, %dma_start3A_672] : memref<2048x100xi32, #tpu.memory_space<hbm>> -> memref<8x100xi32, #tpu.memory_space<hbm>>
    tpu.enqueue_dma source(%dma_start3A_673 : memref<8x100xi32, #tpu.memory_space<hbm>>) target(%arg7 : memref<8x100xi32, #tpu.memory_space<vmem>>) target_semaphore(%arg13 : memref<!tpu.dma_semaphore, #tpu.memory_space<semaphore_mem>>)
    %dma_wait3A_674 = arith.constant 0 : i32
    %dma_wait3A_675 = arith.constant 0 : i32
    %dma_wait3A_676 = arith.constant 0 : i32
    %dma_wait3A_677 = arith.constant 0 : i32
    %dma_wait3A_678 = tpu.memref_slice %arg9[%dma_wait3A_675, %dma_wait3A_676, %dma_wait3A_677] : memref<4x200x64xf32, #tpu.memory_space<vmem>> -> memref<1x100x64xf32, #tpu.memory_space<vmem>>
    %dma_wait3A_679 = tpu.memref_squeeze %dma_wait3A_678 : memref<1x100x64xf32, #tpu.memory_space<vmem>> -> memref<100x64xf32, #tpu.memory_space<vmem>>
    %dma_wait3A_680 = arith.constant 0 : i32
    %dma_wait3A_681 = tpu.memref_slice %arg8[%dma_wait3A_674, %dma_wait3A_680] : memref<8x100xi32, #tpu.memory_space<vmem>> -> memref<1x100xi32, #tpu.memory_space<vmem>>
    %dma_wait3A_682 = tpu.memref_squeeze %dma_wait3A_681 : memref<1x100xi32, #tpu.memory_space<vmem>> -> memref<100xi32, #tpu.memory_space<vmem>>
    %dma_wait3A_683 = arith.constant 0 : i32
    %dma_wait3A_684 = arith.constant 0 : i32
    %dma_wait3A_685 = tpu.memref_slice %arg4[%dma_wait3A_683, %dma_wait3A_684] : memref<1000000x64xf32, #tpu.memory_space<hbm>> -> memref<1000000x64xf32, #tpu.memory_space<hbm>>
    tpu.wait_indirect_dma semaphore(%arg15 : memref<!tpu.dma_semaphore, #tpu.memory_space<semaphore_mem>>) src(%dma_wait3A_685 : memref<1000000x64xf32, #tpu.memory_space<hbm>>) dst(%dma_wait3A_679 : memref<100x64xf32, #tpu.memory_space<vmem>>)
    %dma_wait3A_686 = arith.constant 1 : i32
    %dma_wait3A_687 = arith.constant 0 : i32
    %dma_wait3A_688 = arith.constant 100 : i32
    %dma_wait3A_689 = arith.constant 0 : i32
    %dma_wait3A_690 = tpu.memref_slice %arg9[%dma_wait3A_687, %dma_wait3A_688, %dma_wait3A_689] : memref<4x200x64xf32, #tpu.memory_space<vmem>> -> memref<1x100x64xf32, #tpu.memory_space<vmem>>
    %dma_wait3A_691 = tpu.memref_squeeze %dma_wait3A_690 : memref<1x100x64xf32, #tpu.memory_space<vmem>> -> memref<100x64xf32, #tpu.memory_space<vmem>>
    %dma_wait3A_692 = arith.constant 0 : i32
    %dma_wait3A_693 = tpu.memref_slice %arg8[%dma_wait3A_686, %dma_wait3A_692] : memref<8x100xi32, #tpu.memory_space<vmem>> -> memref<1x100xi32, #tpu.memory_space<vmem>>
    %dma_wait3A_694 = tpu.memref_squeeze %dma_wait3A_693 : memref<1x100xi32, #tpu.memory_space<vmem>> -> memref<100xi32, #tpu.memory_space<vmem>>
    %dma_wait3A_695 = arith.constant 0 : i32
    %dma_wait3A_696 = arith.constant 0 : i32
    %dma_wait3A_697 = tpu.memref_slice %arg4[%dma_wait3A_695, %dma_wait3A_696] : memref<1000000x64xf32, #tpu.memory_space<hbm>> -> memref<1000000x64xf32, #tpu.memory_space<hbm>>
    tpu.wait_indirect_dma semaphore(%arg15 : memref<!tpu.dma_semaphore, #tpu.memory_space<semaphore_mem>>) src(%dma_wait3A_697 : memref<1000000x64xf32, #tpu.memory_space<hbm>>) dst(%dma_wait3A_691 : memref<100x64xf32, #tpu.memory_space<vmem>>)
    %dma_wait3A_698 = arith.constant 2 : i32
    %dma_wait3A_699 = arith.constant 1 : i32
    %dma_wait3A_700 = arith.constant 0 : i32
    %dma_wait3A_701 = arith.constant 0 : i32
    %dma_wait3A_702 = tpu.memref_slice %arg9[%dma_wait3A_699, %dma_wait3A_700, %dma_wait3A_701] : memref<4x200x64xf32, #tpu.memory_space<vmem>> -> memref<1x100x64xf32, #tpu.memory_space<vmem>>
    %dma_wait3A_703 = tpu.memref_squeeze %dma_wait3A_702 : memref<1x100x64xf32, #tpu.memory_space<vmem>> -> memref<100x64xf32, #tpu.memory_space<vmem>>
    %dma_wait3A_704 = arith.constant 0 : i32
    %dma_wait3A_705 = tpu.memref_slice %arg8[%dma_wait3A_698, %dma_wait3A_704] : memref<8x100xi32, #tpu.memory_space<vmem>> -> memref<1x100xi32, #tpu.memory_space<vmem>>
    %dma_wait3A_706 = tpu.memref_squeeze %dma_wait3A_705 : memref<1x100xi32, #tpu.memory_space<vmem>> -> memref<100xi32, #tpu.memory_space<vmem>>
    %dma_wait3A_707 = arith.constant 0 : i32
    %dma_wait3A_708 = arith.constant 0 : i32
    %dma_wait3A_709 = tpu.memref_slice %arg4[%dma_wait3A_707, %dma_wait3A_708] : memref<1000000x64xf32, #tpu.memory_space<hbm>> -> memref<1000000x64xf32, #tpu.memory_space<hbm>>
    tpu.wait_indirect_dma semaphore(%arg15 : memref<!tpu.dma_semaphore, #tpu.memory_space<semaphore_mem>>) src(%dma_wait3A_709 : memref<1000000x64xf32, #tpu.memory_space<hbm>>) dst(%dma_wait3A_703 : memref<100x64xf32, #tpu.memory_space<vmem>>)
    %dma_wait3A_710 = arith.constant 3 : i32
    %dma_wait3A_711 = arith.constant 1 : i32
    %dma_wait3A_712 = arith.constant 100 : i32
    %dma_wait3A_713 = arith.constant 0 : i32
    %dma_wait3A_714 = tpu.memref_slice %arg9[%dma_wait3A_711, %dma_wait3A_712, %dma_wait3A_713] : memref<4x200x64xf32, #tpu.memory_space<vmem>> -> memref<1x100x64xf32, #tpu.memory_space<vmem>>
    %dma_wait3A_715 = tpu.memref_squeeze %dma_wait3A_714 : memref<1x100x64xf32, #tpu.memory_space<vmem>> -> memref<100x64xf32, #tpu.memory_space<vmem>>
    %dma_wait3A_716 = arith.constant 0 : i32
    %dma_wait3A_717 = tpu.memref_slice %arg8[%dma_wait3A_710, %dma_wait3A_716] : memref<8x100xi32, #tpu.memory_space<vmem>> -> memref<1x100xi32, #tpu.memory_space<vmem>>
    %dma_wait3A_718 = tpu.memref_squeeze %dma_wait3A_717 : memref<1x100xi32, #tpu.memory_space<vmem>> -> memref<100xi32, #tpu.memory_space<vmem>>
    %dma_wait3A_719 = arith.constant 0 : i32
    %dma_wait3A_720 = arith.constant 0 : i32
    %dma_wait3A_721 = tpu.memref_slice %arg4[%dma_wait3A_719, %dma_wait3A_720] : memref<1000000x64xf32, #tpu.memory_space<hbm>> -> memref<1000000x64xf32, #tpu.memory_space<hbm>>
    tpu.wait_indirect_dma semaphore(%arg15 : memref<!tpu.dma_semaphore, #tpu.memory_space<semaphore_mem>>) src(%dma_wait3A_721 : memref<1000000x64xf32, #tpu.memory_space<hbm>>) dst(%dma_wait3A_715 : memref<100x64xf32, #tpu.memory_space<vmem>>)
    %dma_wait3A_722 = arith.constant 4 : i32
    %dma_wait3A_723 = arith.constant 2 : i32
    %dma_wait3A_724 = arith.constant 0 : i32
    %dma_wait3A_725 = arith.constant 0 : i32
    %dma_wait3A_726 = tpu.memref_slice %arg9[%dma_wait3A_723, %dma_wait3A_724, %dma_wait3A_725] : memref<4x200x64xf32, #tpu.memory_space<vmem>> -> memref<1x100x64xf32, #tpu.memory_space<vmem>>
    %dma_wait3A_727 = tpu.memref_squeeze %dma_wait3A_726 : memref<1x100x64xf32, #tpu.memory_space<vmem>> -> memref<100x64xf32, #tpu.memory_space<vmem>>
    %dma_wait3A_728 = arith.constant 0 : i32
    %dma_wait3A_729 = tpu.memref_slice %arg8[%dma_wait3A_722, %dma_wait3A_728] : memref<8x100xi32, #tpu.memory_space<vmem>> -> memref<1x100xi32, #tpu.memory_space<vmem>>
    %dma_wait3A_730 = tpu.memref_squeeze %dma_wait3A_729 : memref<1x100xi32, #tpu.memory_space<vmem>> -> memref<100xi32, #tpu.memory_space<vmem>>
    %dma_wait3A_731 = arith.constant 0 : i32
    %dma_wait3A_732 = arith.constant 0 : i32
    %dma_wait3A_733 = tpu.memref_slice %arg4[%dma_wait3A_731, %dma_wait3A_732] : memref<1000000x64xf32, #tpu.memory_space<hbm>> -> memref<1000000x64xf32, #tpu.memory_space<hbm>>
    tpu.wait_indirect_dma semaphore(%arg15 : memref<!tpu.dma_semaphore, #tpu.memory_space<semaphore_mem>>) src(%dma_wait3A_733 : memref<1000000x64xf32, #tpu.memory_space<hbm>>) dst(%dma_wait3A_727 : memref<100x64xf32, #tpu.memory_space<vmem>>)
    %dma_wait3A_734 = arith.constant 5 : i32
    %dma_wait3A_735 = arith.constant 2 : i32
    %dma_wait3A_736 = arith.constant 100 : i32
    %dma_wait3A_737 = arith.constant 0 : i32
    %dma_wait3A_738 = tpu.memref_slice %arg9[%dma_wait3A_735, %dma_wait3A_736, %dma_wait3A_737] : memref<4x200x64xf32, #tpu.memory_space<vmem>> -> memref<1x100x64xf32, #tpu.memory_space<vmem>>
    %dma_wait3A_739 = tpu.memref_squeeze %dma_wait3A_738 : memref<1x100x64xf32, #tpu.memory_space<vmem>> -> memref<100x64xf32, #tpu.memory_space<vmem>>
    %dma_wait3A_740 = arith.constant 0 : i32
    %dma_wait3A_741 = tpu.memref_slice %arg8[%dma_wait3A_734, %dma_wait3A_740] : memref<8x100xi32, #tpu.memory_space<vmem>> -> memref<1x100xi32, #tpu.memory_space<vmem>>
    %dma_wait3A_742 = tpu.memref_squeeze %dma_wait3A_741 : memref<1x100xi32, #tpu.memory_space<vmem>> -> memref<100xi32, #tpu.memory_space<vmem>>
    %dma_wait3A_743 = arith.constant 0 : i32
    %dma_wait3A_744 = arith.constant 0 : i32
    %dma_wait3A_745 = tpu.memref_slice %arg4[%dma_wait3A_743, %dma_wait3A_744] : memref<1000000x64xf32, #tpu.memory_space<hbm>> -> memref<1000000x64xf32, #tpu.memory_space<hbm>>
    tpu.wait_indirect_dma semaphore(%arg15 : memref<!tpu.dma_semaphore, #tpu.memory_space<semaphore_mem>>) src(%dma_wait3A_745 : memref<1000000x64xf32, #tpu.memory_space<hbm>>) dst(%dma_wait3A_739 : memref<100x64xf32, #tpu.memory_space<vmem>>)
    %dma_wait3A_746 = arith.constant 6 : i32
    %dma_wait3A_747 = arith.constant 3 : i32
    %dma_wait3A_748 = arith.constant 0 : i32
    %dma_wait3A_749 = arith.constant 0 : i32
    %dma_wait3A_750 = tpu.memref_slice %arg9[%dma_wait3A_747, %dma_wait3A_748, %dma_wait3A_749] : memref<4x200x64xf32, #tpu.memory_space<vmem>> -> memref<1x100x64xf32, #tpu.memory_space<vmem>>
    %dma_wait3A_751 = tpu.memref_squeeze %dma_wait3A_750 : memref<1x100x64xf32, #tpu.memory_space<vmem>> -> memref<100x64xf32, #tpu.memory_space<vmem>>
    %dma_wait3A_752 = arith.constant 0 : i32
    %dma_wait3A_753 = tpu.memref_slice %arg8[%dma_wait3A_746, %dma_wait3A_752] : memref<8x100xi32, #tpu.memory_space<vmem>> -> memref<1x100xi32, #tpu.memory_space<vmem>>
    %dma_wait3A_754 = tpu.memref_squeeze %dma_wait3A_753 : memref<1x100xi32, #tpu.memory_space<vmem>> -> memref<100xi32, #tpu.memory_space<vmem>>
    %dma_wait3A_755 = arith.constant 0 : i32
    %dma_wait3A_756 = arith.constant 0 : i32
    %dma_wait3A_757 = tpu.memref_slice %arg4[%dma_wait3A_755, %dma_wait3A_756] : memref<1000000x64xf32, #tpu.memory_space<hbm>> -> memref<1000000x64xf32, #tpu.memory_space<hbm>>
    tpu.wait_indirect_dma semaphore(%arg15 : memref<!tpu.dma_semaphore, #tpu.memory_space<semaphore_mem>>) src(%dma_wait3A_757 : memref<1000000x64xf32, #tpu.memory_space<hbm>>) dst(%dma_wait3A_751 : memref<100x64xf32, #tpu.memory_space<vmem>>)
    %dma_wait3A_758 = arith.constant 7 : i32
    %dma_wait3A_759 = arith.constant 3 : i32
    %dma_wait3A_760 = arith.constant 100 : i32
    %dma_wait3A_761 = arith.constant 0 : i32
    %dma_wait3A_762 = tpu.memref_slice %arg9[%dma_wait3A_759, %dma_wait3A_760, %dma_wait3A_761] : memref<4x200x64xf32, #tpu.memory_space<vmem>> -> memref<1x100x64xf32, #tpu.memory_space<vmem>>
    %dma_wait3A_763 = tpu.memref_squeeze %dma_wait3A_762 : memref<1x100x64xf32, #tpu.memory_space<vmem>> -> memref<100x64xf32, #tpu.memory_space<vmem>>
    %dma_wait3A_764 = arith.constant 0 : i32
    %dma_wait3A_765 = tpu.memref_slice %arg8[%dma_wait3A_758, %dma_wait3A_764] : memref<8x100xi32, #tpu.memory_space<vmem>> -> memref<1x100xi32, #tpu.memory_space<vmem>>
    %dma_wait3A_766 = tpu.memref_squeeze %dma_wait3A_765 : memref<1x100xi32, #tpu.memory_space<vmem>> -> memref<100xi32, #tpu.memory_space<vmem>>
    %dma_wait3A_767 = arith.constant 0 : i32
    %dma_wait3A_768 = arith.constant 0 : i32
    %dma_wait3A_769 = tpu.memref_slice %arg4[%dma_wait3A_767, %dma_wait3A_768] : memref<1000000x64xf32, #tpu.memory_space<hbm>> -> memref<1000000x64xf32, #tpu.memory_space<hbm>>
    tpu.wait_indirect_dma semaphore(%arg15 : memref<!tpu.dma_semaphore, #tpu.memory_space<semaphore_mem>>) src(%dma_wait3A_769 : memref<1000000x64xf32, #tpu.memory_space<hbm>>) dst(%dma_wait3A_763 : memref<100x64xf32, #tpu.memory_space<vmem>>)
    %scan3A_770 = arith.constant 0 : i32
    %scan3A_771 = arith.constant 0 : i32
    %scan3A_772 = arith.constant 200 : i32
    %scan3A_773 = arith.addi %scan3A_771, %scan3A_772 : i32
    %scan3A_774 = arith.constant 1 : i32
    scf.for %scan3A_1806 = %scan3A_771 to %scan3A_773 step %scan3A_774  : i32 {
      %get3A = arith.index_cast %scan3A_1806 : i32 to index
      %get3A_1807 = arith.constant 0 : index
      %get3A_1808 = tpu.vector_load %arg11[%get3A, %get3A_1807] {strides = array<i32>} : memref<200x64xf32, #tpu.memory_space<vmem>>, vector<1x16xf32>,
      %get3A_1809 = vector.shape_cast %get3A_1808 : vector<1x16xf32> to vector<16xf32>
      %get3A_1810 = arith.constant 0 : i32
      %get3A_1811 = arith.index_cast %get3A_1810 : i32 to index
      %get3A_1812 = arith.index_cast %scan3A_1806 : i32 to index
      %get3A_1813 = arith.constant 0 : index
      %get3A_1814 = tpu.vector_load %arg9[%get3A_1811, %get3A_1812, %get3A_1813] {strides = array<i32>} : memref<4x200x64xf32, #tpu.memory_space<vmem>>, vector<1x1x16xf32>,
      %get3A_1815 = vector.shape_cast %get3A_1814 : vector<1x1x16xf32> to vector<16xf32>
      %add3A_1816 = arith.addf %get3A_1815, %get3A_1809 : vector<16xf32>
      %swap3A = arith.constant 0 : i32
      %swap3A_1817 = arith.index_cast %swap3A : i32 to index
      %swap3A_1818 = arith.index_cast %scan3A_1806 : i32 to index
      %swap3A_1819 = arith.constant 0 : index
      %swap3A_1820 = tpu.vector_load %arg9[%swap3A_1817, %swap3A_1818, %swap3A_1819] {strides = array<i32>} : memref<4x200x64xf32, #tpu.memory_space<vmem>>, vector<1x1x16xf32>,
      %swap3A_1821 = vector.shape_cast %swap3A_1820 : vector<1x1x16xf32> to vector<16xf32>
      %swap3A_1822 = vector.shape_cast %add3A_1816 : vector<16xf32> to vector<1x1x16xf32>
      tpu.vector_store %arg9[%swap3A_1817, %swap3A_1818, %swap3A_1819], %swap3A_1822 {strides = array<i32>} : memref<4x200x64xf32, #tpu.memory_space<vmem>>, vector<1x1x16xf32>,
      %get3A_1823 = arith.constant 1 : i32
      %get3A_1824 = arith.index_cast %get3A_1823 : i32 to index
      %get3A_1825 = arith.index_cast %scan3A_1806 : i32 to index
      %get3A_1826 = arith.constant 0 : index
      %get3A_1827 = tpu.vector_load %arg9[%get3A_1824, %get3A_1825, %get3A_1826] {strides = array<i32>} : memref<4x200x64xf32, #tpu.memory_space<vmem>>, vector<1x1x16xf32>,
      %get3A_1828 = vector.shape_cast %get3A_1827 : vector<1x1x16xf32> to vector<16xf32>
      %add3A_1829 = arith.addf %get3A_1828, %get3A_1809 : vector<16xf32>
      %swap3A_1830 = arith.constant 1 : i32
      %swap3A_1831 = arith.index_cast %swap3A_1830 : i32 to index
      %swap3A_1832 = arith.index_cast %scan3A_1806 : i32 to index
      %swap3A_1833 = arith.constant 0 : index
      %swap3A_1834 = tpu.vector_load %arg9[%swap3A_1831, %swap3A_1832, %swap3A_1833] {strides = array<i32>} : memref<4x200x64xf32, #tpu.memory_space<vmem>>, vector<1x1x16xf32>,
      %swap3A_1835 = vector.shape_cast %swap3A_1834 : vector<1x1x16xf32> to vector<16xf32>
      %swap3A_1836 = vector.shape_cast %add3A_1829 : vector<16xf32> to vector<1x1x16xf32>
      tpu.vector_store %arg9[%swap3A_1831, %swap3A_1832, %swap3A_1833], %swap3A_1836 {strides = array<i32>} : memref<4x200x64xf32, #tpu.memory_space<vmem>>, vector<1x1x16xf32>,
      %get3A_1837 = arith.constant 2 : i32
      %get3A_1838 = arith.index_cast %get3A_1837 : i32 to index
      %get3A_1839 = arith.index_cast %scan3A_1806 : i32 to index
      %get3A_1840 = arith.constant 0 : index
      %get3A_1841 = tpu.vector_load %arg9[%get3A_1838, %get3A_1839, %get3A_1840] {strides = array<i32>} : memref<4x200x64xf32, #tpu.memory_space<vmem>>, vector<1x1x16xf32>,
      %get3A_1842 = vector.shape_cast %get3A_1841 : vector<1x1x16xf32> to vector<16xf32>
      %add3A_1843 = arith.addf %get3A_1842, %get3A_1809 : vector<16xf32>
      %swap3A_1844 = arith.constant 2 : i32
      %swap3A_1845 = arith.index_cast %swap3A_1844 : i32 to index
      %swap3A_1846 = arith.index_cast %scan3A_1806 : i32 to index
      %swap3A_1847 = arith.constant 0 : index
      %swap3A_1848 = tpu.vector_load %arg9[%swap3A_1845, %swap3A_1846, %swap3A_1847] {strides = array<i32>} : memref<4x200x64xf32, #tpu.memory_space<vmem>>, vector<1x1x16xf32>,
      %swap3A_1849 = vector.shape_cast %swap3A_1848 : vector<1x1x16xf32> to vector<16xf32>
      %swap3A_1850 = vector.shape_cast %add3A_1843 : vector<16xf32> to vector<1x1x16xf32>
      tpu.vector_store %arg9[%swap3A_1845, %swap3A_1846, %swap3A_1847], %swap3A_1850 {strides = array<i32>} : memref<4x200x64xf32, #tpu.memory_space<vmem>>, vector<1x1x16xf32>,
      %get3A_1851 = arith.constant 3 : i32
      %get3A_1852 = arith.index_cast %get3A_1851 : i32 to index
      %get3A_1853 = arith.index_cast %scan3A_1806 : i32 to index
      %get3A_1854 = arith.constant 0 : index
      %get3A_1855 = tpu.vector_load %arg9[%get3A_1852, %get3A_1853, %get3A_1854] {strides = array<i32>} : memref<4x200x64xf32, #tpu.memory_space<vmem>>, vector<1x1x16xf32>,
      %get3A_1856 = vector.shape_cast %get3A_1855 : vector<1x1x16xf32> to vector<16xf32>
      %add3A_1857 = arith.addf %get3A_1856, %get3A_1809 : vector<16xf32>
      %swap3A_1858 = arith.constant 3 : i32
      %swap3A_1859 = arith.index_cast %swap3A_1858 : i32 to index
      %swap3A_1860 = arith.index_cast %scan3A_1806 : i32 to index
      %swap3A_1861 = arith.constant 0 : index
      %swap3A_1862 = tpu.vector_load %arg9[%swap3A_1859, %swap3A_1860, %swap3A_1861] {strides = array<i32>} : memref<4x200x64xf32, #tpu.memory_space<vmem>>, vector<1x1x16xf32>,
      %swap3A_1863 = vector.shape_cast %swap3A_1862 : vector<1x1x16xf32> to vector<16xf32>
      %swap3A_1864 = vector.shape_cast %add3A_1857 : vector<16xf32> to vector<1x1x16xf32>
      tpu.vector_store %arg9[%swap3A_1859, %swap3A_1860, %swap3A_1861], %swap3A_1864 {strides = array<i32>} : memref<4x200x64xf32, #tpu.memory_space<vmem>>, vector<1x1x16xf32>,
      %get3A_1865 = arith.index_cast %scan3A_1806 : i32 to index
      %get3A_1866 = arith.constant 16 : index
      %get3A_1867 = tpu.vector_load %arg11[%get3A_1865, %get3A_1866] {strides = array<i32>} : memref<200x64xf32, #tpu.memory_space<vmem>>, vector<1x16xf32>,
      %get3A_1868 = vector.shape_cast %get3A_1867 : vector<1x16xf32> to vector<16xf32>
      %get3A_1869 = arith.constant 0 : i32
      %get3A_1870 = arith.index_cast %get3A_1869 : i32 to index
      %get3A_1871 = arith.index_cast %scan3A_1806 : i32 to index
      %get3A_1872 = arith.constant 16 : index
      %get3A_1873 = tpu.vector_load %arg9[%get3A_1870, %get3A_1871, %get3A_1872] {strides = array<i32>} : memref<4x200x64xf32, #tpu.memory_space<vmem>>, vector<1x1x16xf32>,
      %get3A_1874 = vector.shape_cast %get3A_1873 : vector<1x1x16xf32> to vector<16xf32>
      %add3A_1875 = arith.addf %get3A_1874, %get3A_1868 : vector<16xf32>
      %swap3A_1876 = arith.constant 0 : i32
      %swap3A_1877 = arith.index_cast %swap3A_1876 : i32 to index
      %swap3A_1878 = arith.index_cast %scan3A_1806 : i32 to index
      %swap3A_1879 = arith.constant 16 : index
      %swap3A_1880 = tpu.vector_load %arg9[%swap3A_1877, %swap3A_1878, %swap3A_1879] {strides = array<i32>} : memref<4x200x64xf32, #tpu.memory_space<vmem>>, vector<1x1x16xf32>,
      %swap3A_1881 = vector.shape_cast %swap3A_1880 : vector<1x1x16xf32> to vector<16xf32>
      %swap3A_1882 = vector.shape_cast %add3A_1875 : vector<16xf32> to vector<1x1x16xf32>
      tpu.vector_store %arg9[%swap3A_1877, %swap3A_1878, %swap3A_1879], %swap3A_1882 {strides = array<i32>} : memref<4x200x64xf32, #tpu.memory_space<vmem>>, vector<1x1x16xf32>,
      %get3A_1883 = arith.constant 1 : i32
      %get3A_1884 = arith.index_cast %get3A_1883 : i32 to index
      %get3A_1885 = arith.index_cast %scan3A_1806 : i32 to index
      %get3A_1886 = arith.constant 16 : index
      %get3A_1887 = tpu.vector_load %arg9[%get3A_1884, %get3A_1885, %get3A_1886] {strides = array<i32>} : memref<4x200x64xf32, #tpu.memory_space<vmem>>, vector<1x1x16xf32>,
      %get3A_1888 = vector.shape_cast %get3A_1887 : vector<1x1x16xf32> to vector<16xf32>
      %add3A_1889 = arith.addf %get3A_1888, %get3A_1868 : vector<16xf32>
      %swap3A_1890 = arith.constant 1 : i32
      %swap3A_1891 = arith.index_cast %swap3A_1890 : i32 to index
      %swap3A_1892 = arith.index_cast %scan3A_1806 : i32 to index
      %swap3A_1893 = arith.constant 16 : index
      %swap3A_1894 = tpu.vector_load %arg9[%swap3A_1891, %swap3A_1892, %swap3A_1893] {strides = array<i32>} : memref<4x200x64xf32, #tpu.memory_space<vmem>>, vector<1x1x16xf32>,
      %swap3A_1895 = vector.shape_cast %swap3A_1894 : vector<1x1x16xf32> to vector<16xf32>
      %swap3A_1896 = vector.shape_cast %add3A_1889 : vector<16xf32> to vector<1x1x16xf32>
      tpu.vector_store %arg9[%swap3A_1891, %swap3A_1892, %swap3A_1893], %swap3A_1896 {strides = array<i32>} : memref<4x200x64xf32, #tpu.memory_space<vmem>>, vector<1x1x16xf32>,
      %get3A_1897 = arith.constant 2 : i32
      %get3A_1898 = arith.index_cast %get3A_1897 : i32 to index
      %get3A_1899 = arith.index_cast %scan3A_1806 : i32 to index
      %get3A_1900 = arith.constant 16 : index
      %get3A_1901 = tpu.vector_load %arg9[%get3A_1898, %get3A_1899, %get3A_1900] {strides = array<i32>} : memref<4x200x64xf32, #tpu.memory_space<vmem>>, vector<1x1x16xf32>,
      %get3A_1902 = vector.shape_cast %get3A_1901 : vector<1x1x16xf32> to vector<16xf32>
      %add3A_1903 = arith.addf %get3A_1902, %get3A_1868 : vector<16xf32>
      %swap3A_1904 = arith.constant 2 : i32
      %swap3A_1905 = arith.index_cast %swap3A_1904 : i32 to index
      %swap3A_1906 = arith.index_cast %scan3A_1806 : i32 to index
      %swap3A_1907 = arith.constant 16 : index
      %swap3A_1908 = tpu.vector_load %arg9[%swap3A_1905, %swap3A_1906, %swap3A_1907] {strides = array<i32>} : memref<4x200x64xf32, #tpu.memory_space<vmem>>, vector<1x1x16xf32>,
      %swap3A_1909 = vector.shape_cast %swap3A_1908 : vector<1x1x16xf32> to vector<16xf32>
      %swap3A_1910 = vector.shape_cast %add3A_1903 : vector<16xf32> to vector<1x1x16xf32>
      tpu.vector_store %arg9[%swap3A_1905, %swap3A_1906, %swap3A_1907], %swap3A_1910 {strides = array<i32>} : memref<4x200x64xf32, #tpu.memory_space<vmem>>, vector<1x1x16xf32>,
      %get3A_1911 = arith.constant 3 : i32
      %get3A_1912 = arith.index_cast %get3A_1911 : i32 to index
      %get3A_1913 = arith.index_cast %scan3A_1806 : i32 to index
      %get3A_1914 = arith.constant 16 : index
      %get3A_1915 = tpu.vector_load %arg9[%get3A_1912, %get3A_1913, %get3A_1914] {strides = array<i32>} : memref<4x200x64xf32, #tpu.memory_space<vmem>>, vector<1x1x16xf32>,
      %get3A_1916 = vector.shape_cast %get3A_1915 : vector<1x1x16xf32> to vector<16xf32>
      %add3A_1917 = arith.addf %get3A_1916, %get3A_1868 : vector<16xf32>
      %swap3A_1918 = arith.constant 3 : i32
      %swap3A_1919 = arith.index_cast %swap3A_1918 : i32 to index
      %swap3A_1920 = arith.index_cast %scan3A_1806 : i32 to index
      %swap3A_1921 = arith.constant 16 : index
      %swap3A_1922 = tpu.vector_load %arg9[%swap3A_1919, %swap3A_1920, %swap3A_1921] {strides = array<i32>} : memref<4x200x64xf32, #tpu.memory_space<vmem>>, vector<1x1x16xf32>,
      %swap3A_1923 = vector.shape_cast %swap3A_1922 : vector<1x1x16xf32> to vector<16xf32>
      %swap3A_1924 = vector.shape_cast %add3A_1917 : vector<16xf32> to vector<1x1x16xf32>
      tpu.vector_store %arg9[%swap3A_1919, %swap3A_1920, %swap3A_1921], %swap3A_1924 {strides = array<i32>} : memref<4x200x64xf32, #tpu.memory_space<vmem>>, vector<1x1x16xf32>,
      %get3A_1925 = arith.index_cast %scan3A_1806 : i32 to index
      %get3A_1926 = arith.constant 32 : index
      %get3A_1927 = tpu.vector_load %arg11[%get3A_1925, %get3A_1926] {strides = array<i32>} : memref<200x64xf32, #tpu.memory_space<vmem>>, vector<1x16xf32>,
      %get3A_1928 = vector.shape_cast %get3A_1927 : vector<1x16xf32> to vector<16xf32>
      %get3A_1929 = arith.constant 0 : i32
      %get3A_1930 = arith.index_cast %get3A_1929 : i32 to index
      %get3A_1931 = arith.index_cast %scan3A_1806 : i32 to index
      %get3A_1932 = arith.constant 32 : index
      %get3A_1933 = tpu.vector_load %arg9[%get3A_1930, %get3A_1931, %get3A_1932] {strides = array<i32>} : memref<4x200x64xf32, #tpu.memory_space<vmem>>, vector<1x1x16xf32>,
      %get3A_1934 = vector.shape_cast %get3A_1933 : vector<1x1x16xf32> to vector<16xf32>
      %add3A_1935 = arith.addf %get3A_1934, %get3A_1928 : vector<16xf32>
      %swap3A_1936 = arith.constant 0 : i32
      %swap3A_1937 = arith.index_cast %swap3A_1936 : i32 to index
      %swap3A_1938 = arith.index_cast %scan3A_1806 : i32 to index
      %swap3A_1939 = arith.constant 32 : index
      %swap3A_1940 = tpu.vector_load %arg9[%swap3A_1937, %swap3A_1938, %swap3A_1939] {strides = array<i32>} : memref<4x200x64xf32, #tpu.memory_space<vmem>>, vector<1x1x16xf32>,
      %swap3A_1941 = vector.shape_cast %swap3A_1940 : vector<1x1x16xf32> to vector<16xf32>
      %swap3A_1942 = vector.shape_cast %add3A_1935 : vector<16xf32> to vector<1x1x16xf32>
      tpu.vector_store %arg9[%swap3A_1937, %swap3A_1938, %swap3A_1939], %swap3A_1942 {strides = array<i32>} : memref<4x200x64xf32, #tpu.memory_space<vmem>>, vector<1x1x16xf32>,
      %get3A_1943 = arith.constant 1 : i32
      %get3A_1944 = arith.index_cast %get3A_1943 : i32 to index
      %get3A_1945 = arith.index_cast %scan3A_1806 : i32 to index
      %get3A_1946 = arith.constant 32 : index
      %get3A_1947 = tpu.vector_load %arg9[%get3A_1944, %get3A_1945, %get3A_1946] {strides = array<i32>} : memref<4x200x64xf32, #tpu.memory_space<vmem>>, vector<1x1x16xf32>,
      %get3A_1948 = vector.shape_cast %get3A_1947 : vector<1x1x16xf32> to vector<16xf32>
      %add3A_1949 = arith.addf %get3A_1948, %get3A_1928 : vector<16xf32>
      %swap3A_1950 = arith.constant 1 : i32
      %swap3A_1951 = arith.index_cast %swap3A_1950 : i32 to index
      %swap3A_1952 = arith.index_cast %scan3A_1806 : i32 to index
      %swap3A_1953 = arith.constant 32 : index
      %swap3A_1954 = tpu.vector_load %arg9[%swap3A_1951, %swap3A_1952, %swap3A_1953] {strides = array<i32>} : memref<4x200x64xf32, #tpu.memory_space<vmem>>, vector<1x1x16xf32>,
      %swap3A_1955 = vector.shape_cast %swap3A_1954 : vector<1x1x16xf32> to vector<16xf32>
      %swap3A_1956 = vector.shape_cast %add3A_1949 : vector<16xf32> to vector<1x1x16xf32>
      tpu.vector_store %arg9[%swap3A_1951, %swap3A_1952, %swap3A_1953], %swap3A_1956 {strides = array<i32>} : memref<4x200x64xf32, #tpu.memory_space<vmem>>, vector<1x1x16xf32>,
      %get3A_1957 = arith.constant 2 : i32
      %get3A_1958 = arith.index_cast %get3A_1957 : i32 to index
      %get3A_1959 = arith.index_cast %scan3A_1806 : i32 to index
      %get3A_1960 = arith.constant 32 : index
      %get3A_1961 = tpu.vector_load %arg9[%get3A_1958, %get3A_1959, %get3A_1960] {strides = array<i32>} : memref<4x200x64xf32, #tpu.memory_space<vmem>>, vector<1x1x16xf32>,
      %get3A_1962 = vector.shape_cast %get3A_1961 : vector<1x1x16xf32> to vector<16xf32>
      %add3A_1963 = arith.addf %get3A_1962, %get3A_1928 : vector<16xf32>
      %swap3A_1964 = arith.constant 2 : i32
      %swap3A_1965 = arith.index_cast %swap3A_1964 : i32 to index
      %swap3A_1966 = arith.index_cast %scan3A_1806 : i32 to index
      %swap3A_1967 = arith.constant 32 : index
      %swap3A_1968 = tpu.vector_load %arg9[%swap3A_1965, %swap3A_1966, %swap3A_1967] {strides = array<i32>} : memref<4x200x64xf32, #tpu.memory_space<vmem>>, vector<1x1x16xf32>,
      %swap3A_1969 = vector.shape_cast %swap3A_1968 : vector<1x1x16xf32> to vector<16xf32>
      %swap3A_1970 = vector.shape_cast %add3A_1963 : vector<16xf32> to vector<1x1x16xf32>
      tpu.vector_store %arg9[%swap3A_1965, %swap3A_1966, %swap3A_1967], %swap3A_1970 {strides = array<i32>} : memref<4x200x64xf32, #tpu.memory_space<vmem>>, vector<1x1x16xf32>,
      %get3A_1971 = arith.constant 3 : i32
      %get3A_1972 = arith.index_cast %get3A_1971 : i32 to index
      %get3A_1973 = arith.index_cast %scan3A_1806 : i32 to index
      %get3A_1974 = arith.constant 32 : index
      %get3A_1975 = tpu.vector_load %arg9[%get3A_1972, %get3A_1973, %get3A_1974] {strides = array<i32>} : memref<4x200x64xf32, #tpu.memory_space<vmem>>, vector<1x1x16xf32>,
      %get3A_1976 = vector.shape_cast %get3A_1975 : vector<1x1x16xf32> to vector<16xf32>
      %add3A_1977 = arith.addf %get3A_1976, %get3A_1928 : vector<16xf32>
      %swap3A_1978 = arith.constant 3 : i32
      %swap3A_1979 = arith.index_cast %swap3A_1978 : i32 to index
      %swap3A_1980 = arith.index_cast %scan3A_1806 : i32 to index
      %swap3A_1981 = arith.constant 32 : index
      %swap3A_1982 = tpu.vector_load %arg9[%swap3A_1979, %swap3A_1980, %swap3A_1981] {strides = array<i32>} : memref<4x200x64xf32, #tpu.memory_space<vmem>>, vector<1x1x16xf32>,
      %swap3A_1983 = vector.shape_cast %swap3A_1982 : vector<1x1x16xf32> to vector<16xf32>
      %swap3A_1984 = vector.shape_cast %add3A_1977 : vector<16xf32> to vector<1x1x16xf32>
      tpu.vector_store %arg9[%swap3A_1979, %swap3A_1980, %swap3A_1981], %swap3A_1984 {strides = array<i32>} : memref<4x200x64xf32, #tpu.memory_space<vmem>>, vector<1x1x16xf32>,
      %get3A_1985 = arith.index_cast %scan3A_1806 : i32 to index
      %get3A_1986 = arith.constant 48 : index
      %get3A_1987 = tpu.vector_load %arg11[%get3A_1985, %get3A_1986] {strides = array<i32>} : memref<200x64xf32, #tpu.memory_space<vmem>>, vector<1x16xf32>,
      %get3A_1988 = vector.shape_cast %get3A_1987 : vector<1x16xf32> to vector<16xf32>
      %get3A_1989 = arith.constant 0 : i32
      %get3A_1990 = arith.index_cast %get3A_1989 : i32 to index
      %get3A_1991 = arith.index_cast %scan3A_1806 : i32 to index
      %get3A_1992 = arith.constant 48 : index
      %get3A_1993 = tpu.vector_load %arg9[%get3A_1990, %get3A_1991, %get3A_1992] {strides = array<i32>} : memref<4x200x64xf32, #tpu.memory_space<vmem>>, vector<1x1x16xf32>,
      %get3A_1994 = vector.shape_cast %get3A_1993 : vector<1x1x16xf32> to vector<16xf32>
      %add3A_1995 = arith.addf %get3A_1994, %get3A_1988 : vector<16xf32>
      %swap3A_1996 = arith.constant 0 : i32
      %swap3A_1997 = arith.index_cast %swap3A_1996 : i32 to index
      %swap3A_1998 = arith.index_cast %scan3A_1806 : i32 to index
      %swap3A_1999 = arith.constant 48 : index
      %swap3A_2000 = tpu.vector_load %arg9[%swap3A_1997, %swap3A_1998, %swap3A_1999] {strides = array<i32>} : memref<4x200x64xf32, #tpu.memory_space<vmem>>, vector<1x1x16xf32>,
      %swap3A_2001 = vector.shape_cast %swap3A_2000 : vector<1x1x16xf32> to vector<16xf32>
      %swap3A_2002 = vector.shape_cast %add3A_1995 : vector<16xf32> to vector<1x1x16xf32>
      tpu.vector_store %arg9[%swap3A_1997, %swap3A_1998, %swap3A_1999], %swap3A_2002 {strides = array<i32>} : memref<4x200x64xf32, #tpu.memory_space<vmem>>, vector<1x1x16xf32>,
      %get3A_2003 = arith.constant 1 : i32
      %get3A_2004 = arith.index_cast %get3A_2003 : i32 to index
      %get3A_2005 = arith.index_cast %scan3A_1806 : i32 to index
      %get3A_2006 = arith.constant 48 : index
      %get3A_2007 = tpu.vector_load %arg9[%get3A_2004, %get3A_2005, %get3A_2006] {strides = array<i32>} : memref<4x200x64xf32, #tpu.memory_space<vmem>>, vector<1x1x16xf32>,
      %get3A_2008 = vector.shape_cast %get3A_2007 : vector<1x1x16xf32> to vector<16xf32>
      %add3A_2009 = arith.addf %get3A_2008, %get3A_1988 : vector<16xf32>
      %swap3A_2010 = arith.constant 1 : i32
      %swap3A_2011 = arith.index_cast %swap3A_2010 : i32 to index
      %swap3A_2012 = arith.index_cast %scan3A_1806 : i32 to index
      %swap3A_2013 = arith.constant 48 : index
      %swap3A_2014 = tpu.vector_load %arg9[%swap3A_2011, %swap3A_2012, %swap3A_2013] {strides = array<i32>} : memref<4x200x64xf32, #tpu.memory_space<vmem>>, vector<1x1x16xf32>,
      %swap3A_2015 = vector.shape_cast %swap3A_2014 : vector<1x1x16xf32> to vector<16xf32>
      %swap3A_2016 = vector.shape_cast %add3A_2009 : vector<16xf32> to vector<1x1x16xf32>
      tpu.vector_store %arg9[%swap3A_2011, %swap3A_2012, %swap3A_2013], %swap3A_2016 {strides = array<i32>} : memref<4x200x64xf32, #tpu.memory_space<vmem>>, vector<1x1x16xf32>,
      %get3A_2017 = arith.constant 2 : i32
      %get3A_2018 = arith.index_cast %get3A_2017 : i32 to index
      %get3A_2019 = arith.index_cast %scan3A_1806 : i32 to index
      %get3A_2020 = arith.constant 48 : index
      %get3A_2021 = tpu.vector_load %arg9[%get3A_2018, %get3A_2019, %get3A_2020] {strides = array<i32>} : memref<4x200x64xf32, #tpu.memory_space<vmem>>, vector<1x1x16xf32>,
      %get3A_2022 = vector.shape_cast %get3A_2021 : vector<1x1x16xf32> to vector<16xf32>
      %add3A_2023 = arith.addf %get3A_2022, %get3A_1988 : vector<16xf32>
      %swap3A_2024 = arith.constant 2 : i32
      %swap3A_2025 = arith.index_cast %swap3A_2024 : i32 to index
      %swap3A_2026 = arith.index_cast %scan3A_1806 : i32 to index
      %swap3A_2027 = arith.constant 48 : index
      %swap3A_2028 = tpu.vector_load %arg9[%swap3A_2025, %swap3A_2026, %swap3A_2027] {strides = array<i32>} : memref<4x200x64xf32, #tpu.memory_space<vmem>>, vector<1x1x16xf32>,
      %swap3A_2029 = vector.shape_cast %swap3A_2028 : vector<1x1x16xf32> to vector<16xf32>
      %swap3A_2030 = vector.shape_cast %add3A_2023 : vector<16xf32> to vector<1x1x16xf32>
      tpu.vector_store %arg9[%swap3A_2025, %swap3A_2026, %swap3A_2027], %swap3A_2030 {strides = array<i32>} : memref<4x200x64xf32, #tpu.memory_space<vmem>>, vector<1x1x16xf32>,
      %get3A_2031 = arith.constant 3 : i32
      %get3A_2032 = arith.index_cast %get3A_2031 : i32 to index
      %get3A_2033 = arith.index_cast %scan3A_1806 : i32 to index
      %get3A_2034 = arith.constant 48 : index
      %get3A_2035 = tpu.vector_load %arg9[%get3A_2032, %get3A_2033, %get3A_2034] {strides = array<i32>} : memref<4x200x64xf32, #tpu.memory_space<vmem>>, vector<1x1x16xf32>,
      %get3A_2036 = vector.shape_cast %get3A_2035 : vector<1x1x16xf32> to vector<16xf32>
      %add3A_2037 = arith.addf %get3A_2036, %get3A_1988 : vector<16xf32>
      %swap3A_2038 = arith.constant 3 : i32
      %swap3A_2039 = arith.index_cast %swap3A_2038 : i32 to index
      %swap3A_2040 = arith.index_cast %scan3A_1806 : i32 to index
      %swap3A_2041 = arith.constant 48 : index
      %swap3A_2042 = tpu.vector_load %arg9[%swap3A_2039, %swap3A_2040, %swap3A_2041] {strides = array<i32>} : memref<4x200x64xf32, #tpu.memory_space<vmem>>, vector<1x1x16xf32>,
      %swap3A_2043 = vector.shape_cast %swap3A_2042 : vector<1x1x16xf32> to vector<16xf32>
      %swap3A_2044 = vector.shape_cast %add3A_2037 : vector<16xf32> to vector<1x1x16xf32>
      tpu.vector_store %arg9[%swap3A_2039, %swap3A_2040, %swap3A_2041], %swap3A_2044 {strides = array<i32>} : memref<4x200x64xf32, #tpu.memory_space<vmem>>, vector<1x1x16xf32>,
    }
    %scan3A_775 = arith.constant 200 : i32
    %mul3A_776 = arith.constant 32 : i32
    %mul3A_777 = arith.muli %add3A, %mul3A_776 : i32
    %add3A_778 = arith.constant 8 : i32
    %add3A_779 = arith.addi %mul3A_777, %add3A_778 : i32
    %dma_start3A_780 = arith.constant 0 : i32
    %dma_start3A_781 = arith.constant 0 : i32
    %dma_start3A_782 = tpu.memref_slice %arg5[%add3A_779, %dma_start3A_780, %dma_start3A_781] : memref<1024x200x64xf32, #tpu.memory_space<hbm>> -> memref<4x200x64xf32, #tpu.memory_space<hbm>>
    %dma_start3A_783 = arith.constant 0 : i32
    %dma_start3A_784 = arith.constant 0 : i32
    %dma_start3A_785 = tpu.memref_slice %arg5[%add3A_779, %dma_start3A_783, %dma_start3A_784] : memref<1024x200x64xf32, #tpu.memory_space<hbm>> -> memref<4x200x64xf32, #tpu.memory_space<hbm>>
    tpu.enqueue_dma source(%arg9 : memref<4x200x64xf32, #tpu.memory_space<vmem>>) target(%dma_start3A_785 : memref<4x200x64xf32, #tpu.memory_space<hbm>>) target_semaphore(%arg17 : memref<!tpu.dma_semaphore, #tpu.memory_space<semaphore_mem>>)
    %dma_wait3A_786 = arith.constant 0 : i32
    %dma_wait3A_787 = tpu.memref_slice %arg2[%add3A_669, %dma_wait3A_786] : memref<2048x100xi32, #tpu.memory_space<hbm>> -> memref<8x100xi32, #tpu.memory_space<hbm>>
    %dma_wait3A_788 = arith.constant 0 : i32
    %dma_wait3A_789 = tpu.memref_slice %arg2[%add3A_669, %dma_wait3A_788] : memref<2048x100xi32, #tpu.memory_space<hbm>> -> memref<8x100xi32, #tpu.memory_space<hbm>>
    tpu.wait_dma2 semaphore(%arg13 : memref<!tpu.dma_semaphore, #tpu.memory_space<semaphore_mem>>) src(%dma_wait3A_789 : memref<8x100xi32, #tpu.memory_space<hbm>>) dst(%arg7 : memref<8x100xi32, #tpu.memory_space<vmem>>)
    %dma_wait3A_790 = arith.constant 0 : i32
    %dma_wait3A_791 = arith.constant 0 : i32
    %dma_wait3A_792 = tpu.memref_slice %arg5[%add3A_779, %dma_wait3A_790, %dma_wait3A_791] : memref<1024x200x64xf32, #tpu.memory_space<hbm>> -> memref<4x200x64xf32, #tpu.memory_space<hbm>>
    %dma_wait3A_793 = arith.constant 0 : i32
    %dma_wait3A_794 = arith.constant 0 : i32
    %dma_wait3A_795 = tpu.memref_slice %arg5[%add3A_779, %dma_wait3A_793, %dma_wait3A_794] : memref<1024x200x64xf32, #tpu.memory_space<hbm>> -> memref<4x200x64xf32, #tpu.memory_space<hbm>>
    tpu.wait_dma2 semaphore(%arg17 : memref<!tpu.dma_semaphore, #tpu.memory_space<semaphore_mem>>) src(%arg9 : memref<4x200x64xf32, #tpu.memory_space<vmem>>) dst(%dma_wait3A_795 : memref<4x200x64xf32, #tpu.memory_space<hbm>>)
    %dma_start3A_796 = arith.constant 0 : i32
    %dma_start3A_797 = arith.constant 0 : i32
    %dma_start3A_798 = arith.constant 0 : i32
    %dma_start3A_799 = arith.constant 0 : i32
    %dma_start3A_800 = tpu.memref_slice %arg9[%dma_start3A_797, %dma_start3A_798, %dma_start3A_799] : memref<4x200x64xf32, #tpu.memory_space<vmem>> -> memref<1x100x64xf32, #tpu.memory_space<vmem>>
    %dma_start3A_801 = tpu.memref_squeeze %dma_start3A_800 : memref<1x100x64xf32, #tpu.memory_space<vmem>> -> memref<100x64xf32, #tpu.memory_space<vmem>>
    %dma_start3A_802 = arith.constant 0 : i32
    %dma_start3A_803 = tpu.memref_slice %arg7[%dma_start3A_796, %dma_start3A_802] : memref<8x100xi32, #tpu.memory_space<vmem>> -> memref<1x100xi32, #tpu.memory_space<vmem>>
    %dma_start3A_804 = tpu.memref_squeeze %dma_start3A_803 : memref<1x100xi32, #tpu.memory_space<vmem>> -> memref<100xi32, #tpu.memory_space<vmem>>
    %dma_start3A_805 = arith.constant 0 : i32
    %dma_start3A_806 = arith.constant 0 : i32
    %dma_start3A_807 = tpu.memref_slice %arg4[%dma_start3A_805, %dma_start3A_806] : memref<1000000x64xf32, #tpu.memory_space<hbm>> -> memref<1000000x64xf32, #tpu.memory_space<hbm>>
    tpu.enqueue_indirect_dma source(%dma_start3A_807 : memref<1000000x64xf32, #tpu.memory_space<hbm>>) target(%dma_start3A_801 : memref<100x64xf32, #tpu.memory_space<vmem>>) offsets(%dma_start3A_804 : memref<100xi32, #tpu.memory_space<vmem>>) semaphore(%arg15 : memref<!tpu.dma_semaphore, #tpu.memory_space<semaphore_mem>>)
    %dma_start3A_808 = arith.constant 1 : i32
    %dma_start3A_809 = arith.constant 0 : i32
    %dma_start3A_810 = arith.constant 100 : i32
    %dma_start3A_811 = arith.constant 0 : i32
    %dma_start3A_812 = tpu.memref_slice %arg9[%dma_start3A_809, %dma_start3A_810, %dma_start3A_811] : memref<4x200x64xf32, #tpu.memory_space<vmem>> -> memref<1x100x64xf32, #tpu.memory_space<vmem>>
    %dma_start3A_813 = tpu.memref_squeeze %dma_start3A_812 : memref<1x100x64xf32, #tpu.memory_space<vmem>> -> memref<100x64xf32, #tpu.memory_space<vmem>>
    %dma_start3A_814 = arith.constant 0 : i32
    %dma_start3A_815 = tpu.memref_slice %arg7[%dma_start3A_808, %dma_start3A_814] : memref<8x100xi32, #tpu.memory_space<vmem>> -> memref<1x100xi32, #tpu.memory_space<vmem>>
    %dma_start3A_816 = tpu.memref_squeeze %dma_start3A_815 : memref<1x100xi32, #tpu.memory_space<vmem>> -> memref<100xi32, #tpu.memory_space<vmem>>
    %dma_start3A_817 = arith.constant 0 : i32
    %dma_start3A_818 = arith.constant 0 : i32
    %dma_start3A_819 = tpu.memref_slice %arg4[%dma_start3A_817, %dma_start3A_818] : memref<1000000x64xf32, #tpu.memory_space<hbm>> -> memref<1000000x64xf32, #tpu.memory_space<hbm>>
    tpu.enqueue_indirect_dma source(%dma_start3A_819 : memref<1000000x64xf32, #tpu.memory_space<hbm>>) target(%dma_start3A_813 : memref<100x64xf32, #tpu.memory_space<vmem>>) offsets(%dma_start3A_816 : memref<100xi32, #tpu.memory_space<vmem>>) semaphore(%arg15 : memref<!tpu.dma_semaphore, #tpu.memory_space<semaphore_mem>>)
    %dma_start3A_820 = arith.constant 2 : i32
    %dma_start3A_821 = arith.constant 1 : i32
    %dma_start3A_822 = arith.constant 0 : i32
    %dma_start3A_823 = arith.constant 0 : i32
    %dma_start3A_824 = tpu.memref_slice %arg9[%dma_start3A_821, %dma_start3A_822, %dma_start3A_823] : memref<4x200x64xf32, #tpu.memory_space<vmem>> -> memref<1x100x64xf32, #tpu.memory_space<vmem>>
    %dma_start3A_825 = tpu.memref_squeeze %dma_start3A_824 : memref<1x100x64xf32, #tpu.memory_space<vmem>> -> memref<100x64xf32, #tpu.memory_space<vmem>>
    %dma_start3A_826 = arith.constant 0 : i32
    %dma_start3A_827 = tpu.memref_slice %arg7[%dma_start3A_820, %dma_start3A_826] : memref<8x100xi32, #tpu.memory_space<vmem>> -> memref<1x100xi32, #tpu.memory_space<vmem>>
    %dma_start3A_828 = tpu.memref_squeeze %dma_start3A_827 : memref<1x100xi32, #tpu.memory_space<vmem>> -> memref<100xi32, #tpu.memory_space<vmem>>
    %dma_start3A_829 = arith.constant 0 : i32
    %dma_start3A_830 = arith.constant 0 : i32
    %dma_start3A_831 = tpu.memref_slice %arg4[%dma_start3A_829, %dma_start3A_830] : memref<1000000x64xf32, #tpu.memory_space<hbm>> -> memref<1000000x64xf32, #tpu.memory_space<hbm>>
    tpu.enqueue_indirect_dma source(%dma_start3A_831 : memref<1000000x64xf32, #tpu.memory_space<hbm>>) target(%dma_start3A_825 : memref<100x64xf32, #tpu.memory_space<vmem>>) offsets(%dma_start3A_828 : memref<100xi32, #tpu.memory_space<vmem>>) semaphore(%arg15 : memref<!tpu.dma_semaphore, #tpu.memory_space<semaphore_mem>>)
    %dma_start3A_832 = arith.constant 3 : i32
    %dma_start3A_833 = arith.constant 1 : i32
    %dma_start3A_834 = arith.constant 100 : i32
    %dma_start3A_835 = arith.constant 0 : i32
    %dma_start3A_836 = tpu.memref_slice %arg9[%dma_start3A_833, %dma_start3A_834, %dma_start3A_835] : memref<4x200x64xf32, #tpu.memory_space<vmem>> -> memref<1x100x64xf32, #tpu.memory_space<vmem>>
    %dma_start3A_837 = tpu.memref_squeeze %dma_start3A_836 : memref<1x100x64xf32, #tpu.memory_space<vmem>> -> memref<100x64xf32, #tpu.memory_space<vmem>>
    %dma_start3A_838 = arith.constant 0 : i32
    %dma_start3A_839 = tpu.memref_slice %arg7[%dma_start3A_832, %dma_start3A_838] : memref<8x100xi32, #tpu.memory_space<vmem>> -> memref<1x100xi32, #tpu.memory_space<vmem>>
    %dma_start3A_840 = tpu.memref_squeeze %dma_start3A_839 : memref<1x100xi32, #tpu.memory_space<vmem>> -> memref<100xi32, #tpu.memory_space<vmem>>
    %dma_start3A_841 = arith.constant 0 : i32
    %dma_start3A_842 = arith.constant 0 : i32
    %dma_start3A_843 = tpu.memref_slice %arg4[%dma_start3A_841, %dma_start3A_842] : memref<1000000x64xf32, #tpu.memory_space<hbm>> -> memref<1000000x64xf32, #tpu.memory_space<hbm>>
    tpu.enqueue_indirect_dma source(%dma_start3A_843 : memref<1000000x64xf32, #tpu.memory_space<hbm>>) target(%dma_start3A_837 : memref<100x64xf32, #tpu.memory_space<vmem>>) offsets(%dma_start3A_840 : memref<100xi32, #tpu.memory_space<vmem>>) semaphore(%arg15 : memref<!tpu.dma_semaphore, #tpu.memory_space<semaphore_mem>>)
    %dma_start3A_844 = arith.constant 4 : i32
    %dma_start3A_845 = arith.constant 2 : i32
    %dma_start3A_846 = arith.constant 0 : i32
    %dma_start3A_847 = arith.constant 0 : i32
    %dma_start3A_848 = tpu.memref_slice %arg9[%dma_start3A_845, %dma_start3A_846, %dma_start3A_847] : memref<4x200x64xf32, #tpu.memory_space<vmem>> -> memref<1x100x64xf32, #tpu.memory_space<vmem>>
    %dma_start3A_849 = tpu.memref_squeeze %dma_start3A_848 : memref<1x100x64xf32, #tpu.memory_space<vmem>> -> memref<100x64xf32, #tpu.memory_space<vmem>>
    %dma_start3A_850 = arith.constant 0 : i32
    %dma_start3A_851 = tpu.memref_slice %arg7[%dma_start3A_844, %dma_start3A_850] : memref<8x100xi32, #tpu.memory_space<vmem>> -> memref<1x100xi32, #tpu.memory_space<vmem>>
    %dma_start3A_852 = tpu.memref_squeeze %dma_start3A_851 : memref<1x100xi32, #tpu.memory_space<vmem>> -> memref<100xi32, #tpu.memory_space<vmem>>
    %dma_start3A_853 = arith.constant 0 : i32
    %dma_start3A_854 = arith.constant 0 : i32
    %dma_start3A_855 = tpu.memref_slice %arg4[%dma_start3A_853, %dma_start3A_854] : memref<1000000x64xf32, #tpu.memory_space<hbm>> -> memref<1000000x64xf32, #tpu.memory_space<hbm>>
    tpu.enqueue_indirect_dma source(%dma_start3A_855 : memref<1000000x64xf32, #tpu.memory_space<hbm>>) target(%dma_start3A_849 : memref<100x64xf32, #tpu.memory_space<vmem>>) offsets(%dma_start3A_852 : memref<100xi32, #tpu.memory_space<vmem>>) semaphore(%arg15 : memref<!tpu.dma_semaphore, #tpu.memory_space<semaphore_mem>>)
    %dma_start3A_856 = arith.constant 5 : i32
    %dma_start3A_857 = arith.constant 2 : i32
    %dma_start3A_858 = arith.constant 100 : i32
    %dma_start3A_859 = arith.constant 0 : i32
    %dma_start3A_860 = tpu.memref_slice %arg9[%dma_start3A_857, %dma_start3A_858, %dma_start3A_859] : memref<4x200x64xf32, #tpu.memory_space<vmem>> -> memref<1x100x64xf32, #tpu.memory_space<vmem>>
    %dma_start3A_861 = tpu.memref_squeeze %dma_start3A_860 : memref<1x100x64xf32, #tpu.memory_space<vmem>> -> memref<100x64xf32, #tpu.memory_space<vmem>>
    %dma_start3A_862 = arith.constant 0 : i32
    %dma_start3A_863 = tpu.memref_slice %arg7[%dma_start3A_856, %dma_start3A_862] : memref<8x100xi32, #tpu.memory_space<vmem>> -> memref<1x100xi32, #tpu.memory_space<vmem>>
    %dma_start3A_864 = tpu.memref_squeeze %dma_start3A_863 : memref<1x100xi32, #tpu.memory_space<vmem>> -> memref<100xi32, #tpu.memory_space<vmem>>
    %dma_start3A_865 = arith.constant 0 : i32
    %dma_start3A_866 = arith.constant 0 : i32
    %dma_start3A_867 = tpu.memref_slice %arg4[%dma_start3A_865, %dma_start3A_866] : memref<1000000x64xf32, #tpu.memory_space<hbm>> -> memref<1000000x64xf32, #tpu.memory_space<hbm>>
    tpu.enqueue_indirect_dma source(%dma_start3A_867 : memref<1000000x64xf32, #tpu.memory_space<hbm>>) target(%dma_start3A_861 : memref<100x64xf32, #tpu.memory_space<vmem>>) offsets(%dma_start3A_864 : memref<100xi32, #tpu.memory_space<vmem>>) semaphore(%arg15 : memref<!tpu.dma_semaphore, #tpu.memory_space<semaphore_mem>>)
    %dma_start3A_868 = arith.constant 6 : i32
    %dma_start3A_869 = arith.constant 3 : i32
    %dma_start3A_870 = arith.constant 0 : i32
    %dma_start3A_871 = arith.constant 0 : i32
    %dma_start3A_872 = tpu.memref_slice %arg9[%dma_start3A_869, %dma_start3A_870, %dma_start3A_871] : memref<4x200x64xf32, #tpu.memory_space<vmem>> -> memref<1x100x64xf32, #tpu.memory_space<vmem>>
    %dma_start3A_873 = tpu.memref_squeeze %dma_start3A_872 : memref<1x100x64xf32, #tpu.memory_space<vmem>> -> memref<100x64xf32, #tpu.memory_space<vmem>>
    %dma_start3A_874 = arith.constant 0 : i32
    %dma_start3A_875 = tpu.memref_slice %arg7[%dma_start3A_868, %dma_start3A_874] : memref<8x100xi32, #tpu.memory_space<vmem>> -> memref<1x100xi32, #tpu.memory_space<vmem>>
    %dma_start3A_876 = tpu.memref_squeeze %dma_start3A_875 : memref<1x100xi32, #tpu.memory_space<vmem>> -> memref<100xi32, #tpu.memory_space<vmem>>
    %dma_start3A_877 = arith.constant 0 : i32
    %dma_start3A_878 = arith.constant 0 : i32
    %dma_start3A_879 = tpu.memref_slice %arg4[%dma_start3A_877, %dma_start3A_878] : memref<1000000x64xf32, #tpu.memory_space<hbm>> -> memref<1000000x64xf32, #tpu.memory_space<hbm>>
    tpu.enqueue_indirect_dma source(%dma_start3A_879 : memref<1000000x64xf32, #tpu.memory_space<hbm>>) target(%dma_start3A_873 : memref<100x64xf32, #tpu.memory_space<vmem>>) offsets(%dma_start3A_876 : memref<100xi32, #tpu.memory_space<vmem>>) semaphore(%arg15 : memref<!tpu.dma_semaphore, #tpu.memory_space<semaphore_mem>>)
    %dma_start3A_880 = arith.constant 7 : i32
    %dma_start3A_881 = arith.constant 3 : i32
    %dma_start3A_882 = arith.constant 100 : i32
    %dma_start3A_883 = arith.constant 0 : i32
    %dma_start3A_884 = tpu.memref_slice %arg9[%dma_start3A_881, %dma_start3A_882, %dma_start3A_883] : memref<4x200x64xf32, #tpu.memory_space<vmem>> -> memref<1x100x64xf32, #tpu.memory_space<vmem>>
    %dma_start3A_885 = tpu.memref_squeeze %dma_start3A_884 : memref<1x100x64xf32, #tpu.memory_space<vmem>> -> memref<100x64xf32, #tpu.memory_space<vmem>>
    %dma_start3A_886 = arith.constant 0 : i32
    %dma_start3A_887 = tpu.memref_slice %arg7[%dma_start3A_880, %dma_start3A_886] : memref<8x100xi32, #tpu.memory_space<vmem>> -> memref<1x100xi32, #tpu.memory_space<vmem>>
    %dma_start3A_888 = tpu.memref_squeeze %dma_start3A_887 : memref<1x100xi32, #tpu.memory_space<vmem>> -> memref<100xi32, #tpu.memory_space<vmem>>
    %dma_start3A_889 = arith.constant 0 : i32
    %dma_start3A_890 = arith.constant 0 : i32
    %dma_start3A_891 = tpu.memref_slice %arg4[%dma_start3A_889, %dma_start3A_890] : memref<1000000x64xf32, #tpu.memory_space<hbm>> -> memref<1000000x64xf32, #tpu.memory_space<hbm>>
    tpu.enqueue_indirect_dma source(%dma_start3A_891 : memref<1000000x64xf32, #tpu.memory_space<hbm>>) target(%dma_start3A_885 : memref<100x64xf32, #tpu.memory_space<vmem>>) offsets(%dma_start3A_888 : memref<100xi32, #tpu.memory_space<vmem>>) semaphore(%arg15 : memref<!tpu.dma_semaphore, #tpu.memory_space<semaphore_mem>>)
    %mul3A_892 = arith.constant 64 : i32
    %mul3A_893 = arith.muli %add3A, %mul3A_892 : i32
    %add3A_894 = arith.constant 40 : i32
    %add3A_895 = arith.addi %mul3A_893, %add3A_894 : i32
    %dma_start3A_896 = arith.constant 0 : i32
    %dma_start3A_897 = tpu.memref_slice %arg2[%add3A_895, %dma_start3A_896] : memref<2048x100xi32, #tpu.memory_space<hbm>> -> memref<8x100xi32, #tpu.memory_space<hbm>>
    %dma_start3A_898 = arith.constant 0 : i32
    %dma_start3A_899 = tpu.memref_slice %arg2[%add3A_895, %dma_start3A_898] : memref<2048x100xi32, #tpu.memory_space<hbm>> -> memref<8x100xi32, #tpu.memory_space<hbm>>
    tpu.enqueue_dma source(%dma_start3A_899 : memref<8x100xi32, #tpu.memory_space<hbm>>) target(%arg8 : memref<8x100xi32, #tpu.memory_space<vmem>>) target_semaphore(%arg14 : memref<!tpu.dma_semaphore, #tpu.memory_space<semaphore_mem>>)
    %dma_wait3A_900 = arith.constant 0 : i32
    %dma_wait3A_901 = arith.constant 0 : i32
    %dma_wait3A_902 = arith.constant 0 : i32
    %dma_wait3A_903 = arith.constant 0 : i32
    %dma_wait3A_904 = tpu.memref_slice %arg10[%dma_wait3A_901, %dma_wait3A_902, %dma_wait3A_903] : memref<4x200x64xf32, #tpu.memory_space<vmem>> -> memref<1x100x64xf32, #tpu.memory_space<vmem>>
    %dma_wait3A_905 = tpu.memref_squeeze %dma_wait3A_904 : memref<1x100x64xf32, #tpu.memory_space<vmem>> -> memref<100x64xf32, #tpu.memory_space<vmem>>
    %dma_wait3A_906 = arith.constant 0 : i32
    %dma_wait3A_907 = tpu.memref_slice %arg6[%dma_wait3A_900, %dma_wait3A_906] : memref<8x100xi32, #tpu.memory_space<vmem>> -> memref<1x100xi32, #tpu.memory_space<vmem>>
    %dma_wait3A_908 = tpu.memref_squeeze %dma_wait3A_907 : memref<1x100xi32, #tpu.memory_space<vmem>> -> memref<100xi32, #tpu.memory_space<vmem>>
    %dma_wait3A_909 = arith.constant 0 : i32
    %dma_wait3A_910 = arith.constant 0 : i32
    %dma_wait3A_911 = tpu.memref_slice %arg4[%dma_wait3A_909, %dma_wait3A_910] : memref<1000000x64xf32, #tpu.memory_space<hbm>> -> memref<1000000x64xf32, #tpu.memory_space<hbm>>
    tpu.wait_indirect_dma semaphore(%arg16 : memref<!tpu.dma_semaphore, #tpu.memory_space<semaphore_mem>>) src(%dma_wait3A_911 : memref<1000000x64xf32, #tpu.memory_space<hbm>>) dst(%dma_wait3A_905 : memref<100x64xf32, #tpu.memory_space<vmem>>)
    %dma_wait3A_912 = arith.constant 1 : i32
    %dma_wait3A_913 = arith.constant 0 : i32
    %dma_wait3A_914 = arith.constant 100 : i32
    %dma_wait3A_915 = arith.constant 0 : i32
    %dma_wait3A_916 = tpu.memref_slice %arg10[%dma_wait3A_913, %dma_wait3A_914, %dma_wait3A_915] : memref<4x200x64xf32, #tpu.memory_space<vmem>> -> memref<1x100x64xf32, #tpu.memory_space<vmem>>
    %dma_wait3A_917 = tpu.memref_squeeze %dma_wait3A_916 : memref<1x100x64xf32, #tpu.memory_space<vmem>> -> memref<100x64xf32, #tpu.memory_space<vmem>>
    %dma_wait3A_918 = arith.constant 0 : i32
    %dma_wait3A_919 = tpu.memref_slice %arg6[%dma_wait3A_912, %dma_wait3A_918] : memref<8x100xi32, #tpu.memory_space<vmem>> -> memref<1x100xi32, #tpu.memory_space<vmem>>
    %dma_wait3A_920 = tpu.memref_squeeze %dma_wait3A_919 : memref<1x100xi32, #tpu.memory_space<vmem>> -> memref<100xi32, #tpu.memory_space<vmem>>
    %dma_wait3A_921 = arith.constant 0 : i32
    %dma_wait3A_922 = arith.constant 0 : i32
    %dma_wait3A_923 = tpu.memref_slice %arg4[%dma_wait3A_921, %dma_wait3A_922] : memref<1000000x64xf32, #tpu.memory_space<hbm>> -> memref<1000000x64xf32, #tpu.memory_space<hbm>>
    tpu.wait_indirect_dma semaphore(%arg16 : memref<!tpu.dma_semaphore, #tpu.memory_space<semaphore_mem>>) src(%dma_wait3A_923 : memref<1000000x64xf32, #tpu.memory_space<hbm>>) dst(%dma_wait3A_917 : memref<100x64xf32, #tpu.memory_space<vmem>>)
    %dma_wait3A_924 = arith.constant 2 : i32
    %dma_wait3A_925 = arith.constant 1 : i32
    %dma_wait3A_926 = arith.constant 0 : i32
    %dma_wait3A_927 = arith.constant 0 : i32
    %dma_wait3A_928 = tpu.memref_slice %arg10[%dma_wait3A_925, %dma_wait3A_926, %dma_wait3A_927] : memref<4x200x64xf32, #tpu.memory_space<vmem>> -> memref<1x100x64xf32, #tpu.memory_space<vmem>>
    %dma_wait3A_929 = tpu.memref_squeeze %dma_wait3A_928 : memref<1x100x64xf32, #tpu.memory_space<vmem>> -> memref<100x64xf32, #tpu.memory_space<vmem>>
    %dma_wait3A_930 = arith.constant 0 : i32
    %dma_wait3A_931 = tpu.memref_slice %arg6[%dma_wait3A_924, %dma_wait3A_930] : memref<8x100xi32, #tpu.memory_space<vmem>> -> memref<1x100xi32, #tpu.memory_space<vmem>>
    %dma_wait3A_932 = tpu.memref_squeeze %dma_wait3A_931 : memref<1x100xi32, #tpu.memory_space<vmem>> -> memref<100xi32, #tpu.memory_space<vmem>>
    %dma_wait3A_933 = arith.constant 0 : i32
    %dma_wait3A_934 = arith.constant 0 : i32
    %dma_wait3A_935 = tpu.memref_slice %arg4[%dma_wait3A_933, %dma_wait3A_934] : memref<1000000x64xf32, #tpu.memory_space<hbm>> -> memref<1000000x64xf32, #tpu.memory_space<hbm>>
    tpu.wait_indirect_dma semaphore(%arg16 : memref<!tpu.dma_semaphore, #tpu.memory_space<semaphore_mem>>) src(%dma_wait3A_935 : memref<1000000x64xf32, #tpu.memory_space<hbm>>) dst(%dma_wait3A_929 : memref<100x64xf32, #tpu.memory_space<vmem>>)
    %dma_wait3A_936 = arith.constant 3 : i32
    %dma_wait3A_937 = arith.constant 1 : i32
    %dma_wait3A_938 = arith.constant 100 : i32
    %dma_wait3A_939 = arith.constant 0 : i32
    %dma_wait3A_940 = tpu.memref_slice %arg10[%dma_wait3A_937, %dma_wait3A_938, %dma_wait3A_939] : memref<4x200x64xf32, #tpu.memory_space<vmem>> -> memref<1x100x64xf32, #tpu.memory_space<vmem>>
    %dma_wait3A_941 = tpu.memref_squeeze %dma_wait3A_940 : memref<1x100x64xf32, #tpu.memory_space<vmem>> -> memref<100x64xf32, #tpu.memory_space<vmem>>
    %dma_wait3A_942 = arith.constant 0 : i32
    %dma_wait3A_943 = tpu.memref_slice %arg6[%dma_wait3A_936, %dma_wait3A_942] : memref<8x100xi32, #tpu.memory_space<vmem>> -> memref<1x100xi32, #tpu.memory_space<vmem>>
    %dma_wait3A_944 = tpu.memref_squeeze %dma_wait3A_943 : memref<1x100xi32, #tpu.memory_space<vmem>> -> memref<100xi32, #tpu.memory_space<vmem>>
    %dma_wait3A_945 = arith.constant 0 : i32
    %dma_wait3A_946 = arith.constant 0 : i32
    %dma_wait3A_947 = tpu.memref_slice %arg4[%dma_wait3A_945, %dma_wait3A_946] : memref<1000000x64xf32, #tpu.memory_space<hbm>> -> memref<1000000x64xf32, #tpu.memory_space<hbm>>
    tpu.wait_indirect_dma semaphore(%arg16 : memref<!tpu.dma_semaphore, #tpu.memory_space<semaphore_mem>>) src(%dma_wait3A_947 : memref<1000000x64xf32, #tpu.memory_space<hbm>>) dst(%dma_wait3A_941 : memref<100x64xf32, #tpu.memory_space<vmem>>)
    %dma_wait3A_948 = arith.constant 4 : i32
    %dma_wait3A_949 = arith.constant 2 : i32
    %dma_wait3A_950 = arith.constant 0 : i32
    %dma_wait3A_951 = arith.constant 0 : i32
    %dma_wait3A_952 = tpu.memref_slice %arg10[%dma_wait3A_949, %dma_wait3A_950, %dma_wait3A_951] : memref<4x200x64xf32, #tpu.memory_space<vmem>> -> memref<1x100x64xf32, #tpu.memory_space<vmem>>
    %dma_wait3A_953 = tpu.memref_squeeze %dma_wait3A_952 : memref<1x100x64xf32, #tpu.memory_space<vmem>> -> memref<100x64xf32, #tpu.memory_space<vmem>>
    %dma_wait3A_954 = arith.constant 0 : i32
    %dma_wait3A_955 = tpu.memref_slice %arg6[%dma_wait3A_948, %dma_wait3A_954] : memref<8x100xi32, #tpu.memory_space<vmem>> -> memref<1x100xi32, #tpu.memory_space<vmem>>
    %dma_wait3A_956 = tpu.memref_squeeze %dma_wait3A_955 : memref<1x100xi32, #tpu.memory_space<vmem>> -> memref<100xi32, #tpu.memory_space<vmem>>
    %dma_wait3A_957 = arith.constant 0 : i32
    %dma_wait3A_958 = arith.constant 0 : i32
    %dma_wait3A_959 = tpu.memref_slice %arg4[%dma_wait3A_957, %dma_wait3A_958] : memref<1000000x64xf32, #tpu.memory_space<hbm>> -> memref<1000000x64xf32, #tpu.memory_space<hbm>>
    tpu.wait_indirect_dma semaphore(%arg16 : memref<!tpu.dma_semaphore, #tpu.memory_space<semaphore_mem>>) src(%dma_wait3A_959 : memref<1000000x64xf32, #tpu.memory_space<hbm>>) dst(%dma_wait3A_953 : memref<100x64xf32, #tpu.memory_space<vmem>>)
    %dma_wait3A_960 = arith.constant 5 : i32
    %dma_wait3A_961 = arith.constant 2 : i32
    %dma_wait3A_962 = arith.constant 100 : i32
    %dma_wait3A_963 = arith.constant 0 : i32
    %dma_wait3A_964 = tpu.memref_slice %arg10[%dma_wait3A_961, %dma_wait3A_962, %dma_wait3A_963] : memref<4x200x64xf32, #tpu.memory_space<vmem>> -> memref<1x100x64xf32, #tpu.memory_space<vmem>>
    %dma_wait3A_965 = tpu.memref_squeeze %dma_wait3A_964 : memref<1x100x64xf32, #tpu.memory_space<vmem>> -> memref<100x64xf32, #tpu.memory_space<vmem>>
    %dma_wait3A_966 = arith.constant 0 : i32
    %dma_wait3A_967 = tpu.memref_slice %arg6[%dma_wait3A_960, %dma_wait3A_966] : memref<8x100xi32, #tpu.memory_space<vmem>> -> memref<1x100xi32, #tpu.memory_space<vmem>>
    %dma_wait3A_968 = tpu.memref_squeeze %dma_wait3A_967 : memref<1x100xi32, #tpu.memory_space<vmem>> -> memref<100xi32, #tpu.memory_space<vmem>>
    %dma_wait3A_969 = arith.constant 0 : i32
    %dma_wait3A_970 = arith.constant 0 : i32
    %dma_wait3A_971 = tpu.memref_slice %arg4[%dma_wait3A_969, %dma_wait3A_970] : memref<1000000x64xf32, #tpu.memory_space<hbm>> -> memref<1000000x64xf32, #tpu.memory_space<hbm>>
    tpu.wait_indirect_dma semaphore(%arg16 : memref<!tpu.dma_semaphore, #tpu.memory_space<semaphore_mem>>) src(%dma_wait3A_971 : memref<1000000x64xf32, #tpu.memory_space<hbm>>) dst(%dma_wait3A_965 : memref<100x64xf32, #tpu.memory_space<vmem>>)
    %dma_wait3A_972 = arith.constant 6 : i32
    %dma_wait3A_973 = arith.constant 3 : i32
    %dma_wait3A_974 = arith.constant 0 : i32
    %dma_wait3A_975 = arith.constant 0 : i32
    %dma_wait3A_976 = tpu.memref_slice %arg10[%dma_wait3A_973, %dma_wait3A_974, %dma_wait3A_975] : memref<4x200x64xf32, #tpu.memory_space<vmem>> -> memref<1x100x64xf32, #tpu.memory_space<vmem>>
    %dma_wait3A_977 = tpu.memref_squeeze %dma_wait3A_976 : memref<1x100x64xf32, #tpu.memory_space<vmem>> -> memref<100x64xf32, #tpu.memory_space<vmem>>
    %dma_wait3A_978 = arith.constant 0 : i32
    %dma_wait3A_979 = tpu.memref_slice %arg6[%dma_wait3A_972, %dma_wait3A_978] : memref<8x100xi32, #tpu.memory_space<vmem>> -> memref<1x100xi32, #tpu.memory_space<vmem>>
    %dma_wait3A_980 = tpu.memref_squeeze %dma_wait3A_979 : memref<1x100xi32, #tpu.memory_space<vmem>> -> memref<100xi32, #tpu.memory_space<vmem>>
    %dma_wait3A_981 = arith.constant 0 : i32
    %dma_wait3A_982 = arith.constant 0 : i32
    %dma_wait3A_983 = tpu.memref_slice %arg4[%dma_wait3A_981, %dma_wait3A_982] : memref<1000000x64xf32, #tpu.memory_space<hbm>> -> memref<1000000x64xf32, #tpu.memory_space<hbm>>
    tpu.wait_indirect_dma semaphore(%arg16 : memref<!tpu.dma_semaphore, #tpu.memory_space<semaphore_mem>>) src(%dma_wait3A_983 : memref<1000000x64xf32, #tpu.memory_space<hbm>>) dst(%dma_wait3A_977 : memref<100x64xf32, #tpu.memory_space<vmem>>)
    %dma_wait3A_984 = arith.constant 7 : i32
    %dma_wait3A_985 = arith.constant 3 : i32
    %dma_wait3A_986 = arith.constant 100 : i32
    %dma_wait3A_987 = arith.constant 0 : i32
    %dma_wait3A_988 = tpu.memref_slice %arg10[%dma_wait3A_985, %dma_wait3A_986, %dma_wait3A_987] : memref<4x200x64xf32, #tpu.memory_space<vmem>> -> memref<1x100x64xf32, #tpu.memory_space<vmem>>
    %dma_wait3A_989 = tpu.memref_squeeze %dma_wait3A_988 : memref<1x100x64xf32, #tpu.memory_space<vmem>> -> memref<100x64xf32, #tpu.memory_space<vmem>>
    %dma_wait3A_990 = arith.constant 0 : i32
    %dma_wait3A_991 = tpu.memref_slice %arg6[%dma_wait3A_984, %dma_wait3A_990] : memref<8x100xi32, #tpu.memory_space<vmem>> -> memref<1x100xi32, #tpu.memory_space<vmem>>
    %dma_wait3A_992 = tpu.memref_squeeze %dma_wait3A_991 : memref<1x100xi32, #tpu.memory_space<vmem>> -> memref<100xi32, #tpu.memory_space<vmem>>
    %dma_wait3A_993 = arith.constant 0 : i32
    %dma_wait3A_994 = arith.constant 0 : i32
    %dma_wait3A_995 = tpu.memref_slice %arg4[%dma_wait3A_993, %dma_wait3A_994] : memref<1000000x64xf32, #tpu.memory_space<hbm>> -> memref<1000000x64xf32, #tpu.memory_space<hbm>>
    tpu.wait_indirect_dma semaphore(%arg16 : memref<!tpu.dma_semaphore, #tpu.memory_space<semaphore_mem>>) src(%dma_wait3A_995 : memref<1000000x64xf32, #tpu.memory_space<hbm>>) dst(%dma_wait3A_989 : memref<100x64xf32, #tpu.memory_space<vmem>>)
    %scan3A_996 = arith.constant 0 : i32
    %scan3A_997 = arith.constant 0 : i32
    %scan3A_998 = arith.constant 200 : i32
    %scan3A_999 = arith.addi %scan3A_997, %scan3A_998 : i32
    %scan3A_1000 = arith.constant 1 : i32
    scf.for %scan3A_1806 = %scan3A_997 to %scan3A_999 step %scan3A_1000  : i32 {
      %get3A = arith.index_cast %scan3A_1806 : i32 to index
      %get3A_1807 = arith.constant 0 : index
      %get3A_1808 = tpu.vector_load %arg11[%get3A, %get3A_1807] {strides = array<i32>} : memref<200x64xf32, #tpu.memory_space<vmem>>, vector<1x16xf32>,
      %get3A_1809 = vector.shape_cast %get3A_1808 : vector<1x16xf32> to vector<16xf32>
      %get3A_1810 = arith.constant 0 : i32
      %get3A_1811 = arith.index_cast %get3A_1810 : i32 to index
      %get3A_1812 = arith.index_cast %scan3A_1806 : i32 to index
      %get3A_1813 = arith.constant 0 : index
      %get3A_1814 = tpu.vector_load %arg10[%get3A_1811, %get3A_1812, %get3A_1813] {strides = array<i32>} : memref<4x200x64xf32, #tpu.memory_space<vmem>>, vector<1x1x16xf32>,
      %get3A_1815 = vector.shape_cast %get3A_1814 : vector<1x1x16xf32> to vector<16xf32>
      %add3A_1816 = arith.addf %get3A_1815, %get3A_1809 : vector<16xf32>
      %swap3A = arith.constant 0 : i32
      %swap3A_1817 = arith.index_cast %swap3A : i32 to index
      %swap3A_1818 = arith.index_cast %scan3A_1806 : i32 to index
      %swap3A_1819 = arith.constant 0 : index
      %swap3A_1820 = tpu.vector_load %arg10[%swap3A_1817, %swap3A_1818, %swap3A_1819] {strides = array<i32>} : memref<4x200x64xf32, #tpu.memory_space<vmem>>, vector<1x1x16xf32>,
      %swap3A_1821 = vector.shape_cast %swap3A_1820 : vector<1x1x16xf32> to vector<16xf32>
      %swap3A_1822 = vector.shape_cast %add3A_1816 : vector<16xf32> to vector<1x1x16xf32>
      tpu.vector_store %arg10[%swap3A_1817, %swap3A_1818, %swap3A_1819], %swap3A_1822 {strides = array<i32>} : memref<4x200x64xf32, #tpu.memory_space<vmem>>, vector<1x1x16xf32>,
      %get3A_1823 = arith.constant 1 : i32
      %get3A_1824 = arith.index_cast %get3A_1823 : i32 to index
      %get3A_1825 = arith.index_cast %scan3A_1806 : i32 to index
      %get3A_1826 = arith.constant 0 : index
      %get3A_1827 = tpu.vector_load %arg10[%get3A_1824, %get3A_1825, %get3A_1826] {strides = array<i32>} : memref<4x200x64xf32, #tpu.memory_space<vmem>>, vector<1x1x16xf32>,
      %get3A_1828 = vector.shape_cast %get3A_1827 : vector<1x1x16xf32> to vector<16xf32>
      %add3A_1829 = arith.addf %get3A_1828, %get3A_1809 : vector<16xf32>
      %swap3A_1830 = arith.constant 1 : i32
      %swap3A_1831 = arith.index_cast %swap3A_1830 : i32 to index
      %swap3A_1832 = arith.index_cast %scan3A_1806 : i32 to index
      %swap3A_1833 = arith.constant 0 : index
      %swap3A_1834 = tpu.vector_load %arg10[%swap3A_1831, %swap3A_1832, %swap3A_1833] {strides = array<i32>} : memref<4x200x64xf32, #tpu.memory_space<vmem>>, vector<1x1x16xf32>,
      %swap3A_1835 = vector.shape_cast %swap3A_1834 : vector<1x1x16xf32> to vector<16xf32>
      %swap3A_1836 = vector.shape_cast %add3A_1829 : vector<16xf32> to vector<1x1x16xf32>
      tpu.vector_store %arg10[%swap3A_1831, %swap3A_1832, %swap3A_1833], %swap3A_1836 {strides = array<i32>} : memref<4x200x64xf32, #tpu.memory_space<vmem>>, vector<1x1x16xf32>,
      %get3A_1837 = arith.constant 2 : i32
      %get3A_1838 = arith.index_cast %get3A_1837 : i32 to index
      %get3A_1839 = arith.index_cast %scan3A_1806 : i32 to index
      %get3A_1840 = arith.constant 0 : index
      %get3A_1841 = tpu.vector_load %arg10[%get3A_1838, %get3A_1839, %get3A_1840] {strides = array<i32>} : memref<4x200x64xf32, #tpu.memory_space<vmem>>, vector<1x1x16xf32>,
      %get3A_1842 = vector.shape_cast %get3A_1841 : vector<1x1x16xf32> to vector<16xf32>
      %add3A_1843 = arith.addf %get3A_1842, %get3A_1809 : vector<16xf32>
      %swap3A_1844 = arith.constant 2 : i32
      %swap3A_1845 = arith.index_cast %swap3A_1844 : i32 to index
      %swap3A_1846 = arith.index_cast %scan3A_1806 : i32 to index
      %swap3A_1847 = arith.constant 0 : index
      %swap3A_1848 = tpu.vector_load %arg10[%swap3A_1845, %swap3A_1846, %swap3A_1847] {strides = array<i32>} : memref<4x200x64xf32, #tpu.memory_space<vmem>>, vector<1x1x16xf32>,
      %swap3A_1849 = vector.shape_cast %swap3A_1848 : vector<1x1x16xf32> to vector<16xf32>
      %swap3A_1850 = vector.shape_cast %add3A_1843 : vector<16xf32> to vector<1x1x16xf32>
      tpu.vector_store %arg10[%swap3A_1845, %swap3A_1846, %swap3A_1847], %swap3A_1850 {strides = array<i32>} : memref<4x200x64xf32, #tpu.memory_space<vmem>>, vector<1x1x16xf32>,
      %get3A_1851 = arith.constant 3 : i32
      %get3A_1852 = arith.index_cast %get3A_1851 : i32 to index
      %get3A_1853 = arith.index_cast %scan3A_1806 : i32 to index
      %get3A_1854 = arith.constant 0 : index
      %get3A_1855 = tpu.vector_load %arg10[%get3A_1852, %get3A_1853, %get3A_1854] {strides = array<i32>} : memref<4x200x64xf32, #tpu.memory_space<vmem>>, vector<1x1x16xf32>,
      %get3A_1856 = vector.shape_cast %get3A_1855 : vector<1x1x16xf32> to vector<16xf32>
      %add3A_1857 = arith.addf %get3A_1856, %get3A_1809 : vector<16xf32>
      %swap3A_1858 = arith.constant 3 : i32
      %swap3A_1859 = arith.index_cast %swap3A_1858 : i32 to index
      %swap3A_1860 = arith.index_cast %scan3A_1806 : i32 to index
      %swap3A_1861 = arith.constant 0 : index
      %swap3A_1862 = tpu.vector_load %arg10[%swap3A_1859, %swap3A_1860, %swap3A_1861] {strides = array<i32>} : memref<4x200x64xf32, #tpu.memory_space<vmem>>, vector<1x1x16xf32>,
      %swap3A_1863 = vector.shape_cast %swap3A_1862 : vector<1x1x16xf32> to vector<16xf32>
      %swap3A_1864 = vector.shape_cast %add3A_1857 : vector<16xf32> to vector<1x1x16xf32>
      tpu.vector_store %arg10[%swap3A_1859, %swap3A_1860, %swap3A_1861], %swap3A_1864 {strides = array<i32>} : memref<4x200x64xf32, #tpu.memory_space<vmem>>, vector<1x1x16xf32>,
      %get3A_1865 = arith.index_cast %scan3A_1806 : i32 to index
      %get3A_1866 = arith.constant 16 : index
      %get3A_1867 = tpu.vector_load %arg11[%get3A_1865, %get3A_1866] {strides = array<i32>} : memref<200x64xf32, #tpu.memory_space<vmem>>, vector<1x16xf32>,
      %get3A_1868 = vector.shape_cast %get3A_1867 : vector<1x16xf32> to vector<16xf32>
      %get3A_1869 = arith.constant 0 : i32
      %get3A_1870 = arith.index_cast %get3A_1869 : i32 to index
      %get3A_1871 = arith.index_cast %scan3A_1806 : i32 to index
      %get3A_1872 = arith.constant 16 : index
      %get3A_1873 = tpu.vector_load %arg10[%get3A_1870, %get3A_1871, %get3A_1872] {strides = array<i32>} : memref<4x200x64xf32, #tpu.memory_space<vmem>>, vector<1x1x16xf32>,
      %get3A_1874 = vector.shape_cast %get3A_1873 : vector<1x1x16xf32> to vector<16xf32>
      %add3A_1875 = arith.addf %get3A_1874, %get3A_1868 : vector<16xf32>
      %swap3A_1876 = arith.constant 0 : i32
      %swap3A_1877 = arith.index_cast %swap3A_1876 : i32 to index
      %swap3A_1878 = arith.index_cast %scan3A_1806 : i32 to index
      %swap3A_1879 = arith.constant 16 : index
      %swap3A_1880 = tpu.vector_load %arg10[%swap3A_1877, %swap3A_1878, %swap3A_1879] {strides = array<i32>} : memref<4x200x64xf32, #tpu.memory_space<vmem>>, vector<1x1x16xf32>,
      %swap3A_1881 = vector.shape_cast %swap3A_1880 : vector<1x1x16xf32> to vector<16xf32>
      %swap3A_1882 = vector.shape_cast %add3A_1875 : vector<16xf32> to vector<1x1x16xf32>
      tpu.vector_store %arg10[%swap3A_1877, %swap3A_1878, %swap3A_1879], %swap3A_1882 {strides = array<i32>} : memref<4x200x64xf32, #tpu.memory_space<vmem>>, vector<1x1x16xf32>,
      %get3A_1883 = arith.constant 1 : i32
      %get3A_1884 = arith.index_cast %get3A_1883 : i32 to index
      %get3A_1885 = arith.index_cast %scan3A_1806 : i32 to index
      %get3A_1886 = arith.constant 16 : index
      %get3A_1887 = tpu.vector_load %arg10[%get3A_1884, %get3A_1885, %get3A_1886] {strides = array<i32>} : memref<4x200x64xf32, #tpu.memory_space<vmem>>, vector<1x1x16xf32>,
      %get3A_1888 = vector.shape_cast %get3A_1887 : vector<1x1x16xf32> to vector<16xf32>
      %add3A_1889 = arith.addf %get3A_1888, %get3A_1868 : vector<16xf32>
      %swap3A_1890 = arith.constant 1 : i32
      %swap3A_1891 = arith.index_cast %swap3A_1890 : i32 to index
      %swap3A_1892 = arith.index_cast %scan3A_1806 : i32 to index
      %swap3A_1893 = arith.constant 16 : index
      %swap3A_1894 = tpu.vector_load %arg10[%swap3A_1891, %swap3A_1892, %swap3A_1893] {strides = array<i32>} : memref<4x200x64xf32, #tpu.memory_space<vmem>>, vector<1x1x16xf32>,
      %swap3A_1895 = vector.shape_cast %swap3A_1894 : vector<1x1x16xf32> to vector<16xf32>
      %swap3A_1896 = vector.shape_cast %add3A_1889 : vector<16xf32> to vector<1x1x16xf32>
      tpu.vector_store %arg10[%swap3A_1891, %swap3A_1892, %swap3A_1893], %swap3A_1896 {strides = array<i32>} : memref<4x200x64xf32, #tpu.memory_space<vmem>>, vector<1x1x16xf32>,
      %get3A_1897 = arith.constant 2 : i32
      %get3A_1898 = arith.index_cast %get3A_1897 : i32 to index
      %get3A_1899 = arith.index_cast %scan3A_1806 : i32 to index
      %get3A_1900 = arith.constant 16 : index
      %get3A_1901 = tpu.vector_load %arg10[%get3A_1898, %get3A_1899, %get3A_1900] {strides = array<i32>} : memref<4x200x64xf32, #tpu.memory_space<vmem>>, vector<1x1x16xf32>,
      %get3A_1902 = vector.shape_cast %get3A_1901 : vector<1x1x16xf32> to vector<16xf32>
      %add3A_1903 = arith.addf %get3A_1902, %get3A_1868 : vector<16xf32>
      %swap3A_1904 = arith.constant 2 : i32
      %swap3A_1905 = arith.index_cast %swap3A_1904 : i32 to index
      %swap3A_1906 = arith.index_cast %scan3A_1806 : i32 to index
      %swap3A_1907 = arith.constant 16 : index
      %swap3A_1908 = tpu.vector_load %arg10[%swap3A_1905, %swap3A_1906, %swap3A_1907] {strides = array<i32>} : memref<4x200x64xf32, #tpu.memory_space<vmem>>, vector<1x1x16xf32>,
      %swap3A_1909 = vector.shape_cast %swap3A_1908 : vector<1x1x16xf32> to vector<16xf32>
      %swap3A_1910 = vector.shape_cast %add3A_1903 : vector<16xf32> to vector<1x1x16xf32>
      tpu.vector_store %arg10[%swap3A_1905, %swap3A_1906, %swap3A_1907], %swap3A_1910 {strides = array<i32>} : memref<4x200x64xf32, #tpu.memory_space<vmem>>, vector<1x1x16xf32>,
      %get3A_1911 = arith.constant 3 : i32
      %get3A_1912 = arith.index_cast %get3A_1911 : i32 to index
      %get3A_1913 = arith.index_cast %scan3A_1806 : i32 to index
      %get3A_1914 = arith.constant 16 : index
      %get3A_1915 = tpu.vector_load %arg10[%get3A_1912, %get3A_1913, %get3A_1914] {strides = array<i32>} : memref<4x200x64xf32, #tpu.memory_space<vmem>>, vector<1x1x16xf32>,
      %get3A_1916 = vector.shape_cast %get3A_1915 : vector<1x1x16xf32> to vector<16xf32>
      %add3A_1917 = arith.addf %get3A_1916, %get3A_1868 : vector<16xf32>
      %swap3A_1918 = arith.constant 3 : i32
      %swap3A_1919 = arith.index_cast %swap3A_1918 : i32 to index
      %swap3A_1920 = arith.index_cast %scan3A_1806 : i32 to index
      %swap3A_1921 = arith.constant 16 : index
      %swap3A_1922 = tpu.vector_load %arg10[%swap3A_1919, %swap3A_1920, %swap3A_1921] {strides = array<i32>} : memref<4x200x64xf32, #tpu.memory_space<vmem>>, vector<1x1x16xf32>,
      %swap3A_1923 = vector.shape_cast %swap3A_1922 : vector<1x1x16xf32> to vector<16xf32>
      %swap3A_1924 = vector.shape_cast %add3A_1917 : vector<16xf32> to vector<1x1x16xf32>
      tpu.vector_store %arg10[%swap3A_1919, %swap3A_1920, %swap3A_1921], %swap3A_1924 {strides = array<i32>} : memref<4x200x64xf32, #tpu.memory_space<vmem>>, vector<1x1x16xf32>,
      %get3A_1925 = arith.index_cast %scan3A_1806 : i32 to index
      %get3A_1926 = arith.constant 32 : index
      %get3A_1927 = tpu.vector_load %arg11[%get3A_1925, %get3A_1926] {strides = array<i32>} : memref<200x64xf32, #tpu.memory_space<vmem>>, vector<1x16xf32>,
      %get3A_1928 = vector.shape_cast %get3A_1927 : vector<1x16xf32> to vector<16xf32>
      %get3A_1929 = arith.constant 0 : i32
      %get3A_1930 = arith.index_cast %get3A_1929 : i32 to index
      %get3A_1931 = arith.index_cast %scan3A_1806 : i32 to index
      %get3A_1932 = arith.constant 32 : index
      %get3A_1933 = tpu.vector_load %arg10[%get3A_1930, %get3A_1931, %get3A_1932] {strides = array<i32>} : memref<4x200x64xf32, #tpu.memory_space<vmem>>, vector<1x1x16xf32>,
      %get3A_1934 = vector.shape_cast %get3A_1933 : vector<1x1x16xf32> to vector<16xf32>
      %add3A_1935 = arith.addf %get3A_1934, %get3A_1928 : vector<16xf32>
      %swap3A_1936 = arith.constant 0 : i32
      %swap3A_1937 = arith.index_cast %swap3A_1936 : i32 to index
      %swap3A_1938 = arith.index_cast %scan3A_1806 : i32 to index
      %swap3A_1939 = arith.constant 32 : index
      %swap3A_1940 = tpu.vector_load %arg10[%swap3A_1937, %swap3A_1938, %swap3A_1939] {strides = array<i32>} : memref<4x200x64xf32, #tpu.memory_space<vmem>>, vector<1x1x16xf32>,
      %swap3A_1941 = vector.shape_cast %swap3A_1940 : vector<1x1x16xf32> to vector<16xf32>
      %swap3A_1942 = vector.shape_cast %add3A_1935 : vector<16xf32> to vector<1x1x16xf32>
      tpu.vector_store %arg10[%swap3A_1937, %swap3A_1938, %swap3A_1939], %swap3A_1942 {strides = array<i32>} : memref<4x200x64xf32, #tpu.memory_space<vmem>>, vector<1x1x16xf32>,
      %get3A_1943 = arith.constant 1 : i32
      %get3A_1944 = arith.index_cast %get3A_1943 : i32 to index
      %get3A_1945 = arith.index_cast %scan3A_1806 : i32 to index
      %get3A_1946 = arith.constant 32 : index
      %get3A_1947 = tpu.vector_load %arg10[%get3A_1944, %get3A_1945, %get3A_1946] {strides = array<i32>} : memref<4x200x64xf32, #tpu.memory_space<vmem>>, vector<1x1x16xf32>,
      %get3A_1948 = vector.shape_cast %get3A_1947 : vector<1x1x16xf32> to vector<16xf32>
      %add3A_1949 = arith.addf %get3A_1948, %get3A_1928 : vector<16xf32>
      %swap3A_1950 = arith.constant 1 : i32
      %swap3A_1951 = arith.index_cast %swap3A_1950 : i32 to index
      %swap3A_1952 = arith.index_cast %scan3A_1806 : i32 to index
      %swap3A_1953 = arith.constant 32 : index
      %swap3A_1954 = tpu.vector_load %arg10[%swap3A_1951, %swap3A_1952, %swap3A_1953] {strides = array<i32>} : memref<4x200x64xf32, #tpu.memory_space<vmem>>, vector<1x1x16xf32>,
      %swap3A_1955 = vector.shape_cast %swap3A_1954 : vector<1x1x16xf32> to vector<16xf32>
      %swap3A_1956 = vector.shape_cast %add3A_1949 : vector<16xf32> to vector<1x1x16xf32>
      tpu.vector_store %arg10[%swap3A_1951, %swap3A_1952, %swap3A_1953], %swap3A_1956 {strides = array<i32>} : memref<4x200x64xf32, #tpu.memory_space<vmem>>, vector<1x1x16xf32>,
      %get3A_1957 = arith.constant 2 : i32
      %get3A_1958 = arith.index_cast %get3A_1957 : i32 to index
      %get3A_1959 = arith.index_cast %scan3A_1806 : i32 to index
      %get3A_1960 = arith.constant 32 : index
      %get3A_1961 = tpu.vector_load %arg10[%get3A_1958, %get3A_1959, %get3A_1960] {strides = array<i32>} : memref<4x200x64xf32, #tpu.memory_space<vmem>>, vector<1x1x16xf32>,
      %get3A_1962 = vector.shape_cast %get3A_1961 : vector<1x1x16xf32> to vector<16xf32>
      %add3A_1963 = arith.addf %get3A_1962, %get3A_1928 : vector<16xf32>
      %swap3A_1964 = arith.constant 2 : i32
      %swap3A_1965 = arith.index_cast %swap3A_1964 : i32 to index
      %swap3A_1966 = arith.index_cast %scan3A_1806 : i32 to index
      %swap3A_1967 = arith.constant 32 : index
      %swap3A_1968 = tpu.vector_load %arg10[%swap3A_1965, %swap3A_1966, %swap3A_1967] {strides = array<i32>} : memref<4x200x64xf32, #tpu.memory_space<vmem>>, vector<1x1x16xf32>,
      %swap3A_1969 = vector.shape_cast %swap3A_1968 : vector<1x1x16xf32> to vector<16xf32>
      %swap3A_1970 = vector.shape_cast %add3A_1963 : vector<16xf32> to vector<1x1x16xf32>
      tpu.vector_store %arg10[%swap3A_1965, %swap3A_1966, %swap3A_1967], %swap3A_1970 {strides = array<i32>} : memref<4x200x64xf32, #tpu.memory_space<vmem>>, vector<1x1x16xf32>,
      %get3A_1971 = arith.constant 3 : i32
      %get3A_1972 = arith.index_cast %get3A_1971 : i32 to index
      %get3A_1973 = arith.index_cast %scan3A_1806 : i32 to index
      %get3A_1974 = arith.constant 32 : index
      %get3A_1975 = tpu.vector_load %arg10[%get3A_1972, %get3A_1973, %get3A_1974] {strides = array<i32>} : memref<4x200x64xf32, #tpu.memory_space<vmem>>, vector<1x1x16xf32>,
      %get3A_1976 = vector.shape_cast %get3A_1975 : vector<1x1x16xf32> to vector<16xf32>
      %add3A_1977 = arith.addf %get3A_1976, %get3A_1928 : vector<16xf32>
      %swap3A_1978 = arith.constant 3 : i32
      %swap3A_1979 = arith.index_cast %swap3A_1978 : i32 to index
      %swap3A_1980 = arith.index_cast %scan3A_1806 : i32 to index
      %swap3A_1981 = arith.constant 32 : index
      %swap3A_1982 = tpu.vector_load %arg10[%swap3A_1979, %swap3A_1980, %swap3A_1981] {strides = array<i32>} : memref<4x200x64xf32, #tpu.memory_space<vmem>>, vector<1x1x16xf32>,
      %swap3A_1983 = vector.shape_cast %swap3A_1982 : vector<1x1x16xf32> to vector<16xf32>
      %swap3A_1984 = vector.shape_cast %add3A_1977 : vector<16xf32> to vector<1x1x16xf32>
      tpu.vector_store %arg10[%swap3A_1979, %swap3A_1980, %swap3A_1981], %swap3A_1984 {strides = array<i32>} : memref<4x200x64xf32, #tpu.memory_space<vmem>>, vector<1x1x16xf32>,
      %get3A_1985 = arith.index_cast %scan3A_1806 : i32 to index
      %get3A_1986 = arith.constant 48 : index
      %get3A_1987 = tpu.vector_load %arg11[%get3A_1985, %get3A_1986] {strides = array<i32>} : memref<200x64xf32, #tpu.memory_space<vmem>>, vector<1x16xf32>,
      %get3A_1988 = vector.shape_cast %get3A_1987 : vector<1x16xf32> to vector<16xf32>
      %get3A_1989 = arith.constant 0 : i32
      %get3A_1990 = arith.index_cast %get3A_1989 : i32 to index
      %get3A_1991 = arith.index_cast %scan3A_1806 : i32 to index
      %get3A_1992 = arith.constant 48 : index
      %get3A_1993 = tpu.vector_load %arg10[%get3A_1990, %get3A_1991, %get3A_1992] {strides = array<i32>} : memref<4x200x64xf32, #tpu.memory_space<vmem>>, vector<1x1x16xf32>,
      %get3A_1994 = vector.shape_cast %get3A_1993 : vector<1x1x16xf32> to vector<16xf32>
      %add3A_1995 = arith.addf %get3A_1994, %get3A_1988 : vector<16xf32>
      %swap3A_1996 = arith.constant 0 : i32
      %swap3A_1997 = arith.index_cast %swap3A_1996 : i32 to index
      %swap3A_1998 = arith.index_cast %scan3A_1806 : i32 to index
      %swap3A_1999 = arith.constant 48 : index
      %swap3A_2000 = tpu.vector_load %arg10[%swap3A_1997, %swap3A_1998, %swap3A_1999] {strides = array<i32>} : memref<4x200x64xf32, #tpu.memory_space<vmem>>, vector<1x1x16xf32>,
      %swap3A_2001 = vector.shape_cast %swap3A_2000 : vector<1x1x16xf32> to vector<16xf32>
      %swap3A_2002 = vector.shape_cast %add3A_1995 : vector<16xf32> to vector<1x1x16xf32>
      tpu.vector_store %arg10[%swap3A_1997, %swap3A_1998, %swap3A_1999], %swap3A_2002 {strides = array<i32>} : memref<4x200x64xf32, #tpu.memory_space<vmem>>, vector<1x1x16xf32>,
      %get3A_2003 = arith.constant 1 : i32
      %get3A_2004 = arith.index_cast %get3A_2003 : i32 to index
      %get3A_2005 = arith.index_cast %scan3A_1806 : i32 to index
      %get3A_2006 = arith.constant 48 : index
      %get3A_2007 = tpu.vector_load %arg10[%get3A_2004, %get3A_2005, %get3A_2006] {strides = array<i32>} : memref<4x200x64xf32, #tpu.memory_space<vmem>>, vector<1x1x16xf32>,
      %get3A_2008 = vector.shape_cast %get3A_2007 : vector<1x1x16xf32> to vector<16xf32>
      %add3A_2009 = arith.addf %get3A_2008, %get3A_1988 : vector<16xf32>
      %swap3A_2010 = arith.constant 1 : i32
      %swap3A_2011 = arith.index_cast %swap3A_2010 : i32 to index
      %swap3A_2012 = arith.index_cast %scan3A_1806 : i32 to index
      %swap3A_2013 = arith.constant 48 : index
      %swap3A_2014 = tpu.vector_load %arg10[%swap3A_2011, %swap3A_2012, %swap3A_2013] {strides = array<i32>} : memref<4x200x64xf32, #tpu.memory_space<vmem>>, vector<1x1x16xf32>,
      %swap3A_2015 = vector.shape_cast %swap3A_2014 : vector<1x1x16xf32> to vector<16xf32>
      %swap3A_2016 = vector.shape_cast %add3A_2009 : vector<16xf32> to vector<1x1x16xf32>
      tpu.vector_store %arg10[%swap3A_2011, %swap3A_2012, %swap3A_2013], %swap3A_2016 {strides = array<i32>} : memref<4x200x64xf32, #tpu.memory_space<vmem>>, vector<1x1x16xf32>,
      %get3A_2017 = arith.constant 2 : i32
      %get3A_2018 = arith.index_cast %get3A_2017 : i32 to index
      %get3A_2019 = arith.index_cast %scan3A_1806 : i32 to index
      %get3A_2020 = arith.constant 48 : index
      %get3A_2021 = tpu.vector_load %arg10[%get3A_2018, %get3A_2019, %get3A_2020] {strides = array<i32>} : memref<4x200x64xf32, #tpu.memory_space<vmem>>, vector<1x1x16xf32>,
      %get3A_2022 = vector.shape_cast %get3A_2021 : vector<1x1x16xf32> to vector<16xf32>
      %add3A_2023 = arith.addf %get3A_2022, %get3A_1988 : vector<16xf32>
      %swap3A_2024 = arith.constant 2 : i32
      %swap3A_2025 = arith.index_cast %swap3A_2024 : i32 to index
      %swap3A_2026 = arith.index_cast %scan3A_1806 : i32 to index
      %swap3A_2027 = arith.constant 48 : index
      %swap3A_2028 = tpu.vector_load %arg10[%swap3A_2025, %swap3A_2026, %swap3A_2027] {strides = array<i32>} : memref<4x200x64xf32, #tpu.memory_space<vmem>>, vector<1x1x16xf32>,
      %swap3A_2029 = vector.shape_cast %swap3A_2028 : vector<1x1x16xf32> to vector<16xf32>
      %swap3A_2030 = vector.shape_cast %add3A_2023 : vector<16xf32> to vector<1x1x16xf32>
      tpu.vector_store %arg10[%swap3A_2025, %swap3A_2026, %swap3A_2027], %swap3A_2030 {strides = array<i32>} : memref<4x200x64xf32, #tpu.memory_space<vmem>>, vector<1x1x16xf32>,
      %get3A_2031 = arith.constant 3 : i32
      %get3A_2032 = arith.index_cast %get3A_2031 : i32 to index
      %get3A_2033 = arith.index_cast %scan3A_1806 : i32 to index
      %get3A_2034 = arith.constant 48 : index
      %get3A_2035 = tpu.vector_load %arg10[%get3A_2032, %get3A_2033, %get3A_2034] {strides = array<i32>} : memref<4x200x64xf32, #tpu.memory_space<vmem>>, vector<1x1x16xf32>,
      %get3A_2036 = vector.shape_cast %get3A_2035 : vector<1x1x16xf32> to vector<16xf32>
      %add3A_2037 = arith.addf %get3A_2036, %get3A_1988 : vector<16xf32>
      %swap3A_2038 = arith.constant 3 : i32
      %swap3A_2039 = arith.index_cast %swap3A_2038 : i32 to index
      %swap3A_2040 = arith.index_cast %scan3A_1806 : i32 to index
      %swap3A_2041 = arith.constant 48 : index
      %swap3A_2042 = tpu.vector_load %arg10[%swap3A_2039, %swap3A_2040, %swap3A_2041] {strides = array<i32>} : memref<4x200x64xf32, #tpu.memory_space<vmem>>, vector<1x1x16xf32>,
      %swap3A_2043 = vector.shape_cast %swap3A_2042 : vector<1x1x16xf32> to vector<16xf32>
      %swap3A_2044 = vector.shape_cast %add3A_2037 : vector<16xf32> to vector<1x1x16xf32>
      tpu.vector_store %arg10[%swap3A_2039, %swap3A_2040, %swap3A_2041], %swap3A_2044 {strides = array<i32>} : memref<4x200x64xf32, #tpu.memory_space<vmem>>, vector<1x1x16xf32>,
    }
    %scan3A_1001 = arith.constant 200 : i32
    %mul3A_1002 = arith.constant 32 : i32
    %mul3A_1003 = arith.muli %add3A, %mul3A_1002 : i32
    %add3A_1004 = arith.constant 12 : i32
    %add3A_1005 = arith.addi %mul3A_1003, %add3A_1004 : i32
    %dma_start3A_1006 = arith.constant 0 : i32
    %dma_start3A_1007 = arith.constant 0 : i32
    %dma_start3A_1008 = tpu.memref_slice %arg5[%add3A_1005, %dma_start3A_1006, %dma_start3A_1007] : memref<1024x200x64xf32, #tpu.memory_space<hbm>> -> memref<4x200x64xf32, #tpu.memory_space<hbm>>
    %dma_start3A_1009 = arith.constant 0 : i32
    %dma_start3A_1010 = arith.constant 0 : i32
    %dma_start3A_1011 = tpu.memref_slice %arg5[%add3A_1005, %dma_start3A_1009, %dma_start3A_1010] : memref<1024x200x64xf32, #tpu.memory_space<hbm>> -> memref<4x200x64xf32, #tpu.memory_space<hbm>>
    tpu.enqueue_dma source(%arg10 : memref<4x200x64xf32, #tpu.memory_space<vmem>>) target(%dma_start3A_1011 : memref<4x200x64xf32, #tpu.memory_space<hbm>>) target_semaphore(%arg18 : memref<!tpu.dma_semaphore, #tpu.memory_space<semaphore_mem>>)
    %dma_wait3A_1012 = arith.constant 0 : i32
    %dma_wait3A_1013 = tpu.memref_slice %arg2[%add3A_895, %dma_wait3A_1012] : memref<2048x100xi32, #tpu.memory_space<hbm>> -> memref<8x100xi32, #tpu.memory_space<hbm>>
    %dma_wait3A_1014 = arith.constant 0 : i32
    %dma_wait3A_1015 = tpu.memref_slice %arg2[%add3A_895, %dma_wait3A_1014] : memref<2048x100xi32, #tpu.memory_space<hbm>> -> memref<8x100xi32, #tpu.memory_space<hbm>>
    tpu.wait_dma2 semaphore(%arg14 : memref<!tpu.dma_semaphore, #tpu.memory_space<semaphore_mem>>) src(%dma_wait3A_1015 : memref<8x100xi32, #tpu.memory_space<hbm>>) dst(%arg8 : memref<8x100xi32, #tpu.memory_space<vmem>>)
    %dma_wait3A_1016 = arith.constant 0 : i32
    %dma_wait3A_1017 = arith.constant 0 : i32
    %dma_wait3A_1018 = tpu.memref_slice %arg5[%add3A_1005, %dma_wait3A_1016, %dma_wait3A_1017] : memref<1024x200x64xf32, #tpu.memory_space<hbm>> -> memref<4x200x64xf32, #tpu.memory_space<hbm>>
    %dma_wait3A_1019 = arith.constant 0 : i32
    %dma_wait3A_1020 = arith.constant 0 : i32
    %dma_wait3A_1021 = tpu.memref_slice %arg5[%add3A_1005, %dma_wait3A_1019, %dma_wait3A_1020] : memref<1024x200x64xf32, #tpu.memory_space<hbm>> -> memref<4x200x64xf32, #tpu.memory_space<hbm>>
    tpu.wait_dma2 semaphore(%arg18 : memref<!tpu.dma_semaphore, #tpu.memory_space<semaphore_mem>>) src(%arg10 : memref<4x200x64xf32, #tpu.memory_space<vmem>>) dst(%dma_wait3A_1021 : memref<4x200x64xf32, #tpu.memory_space<hbm>>)
    %dma_start3A_1022 = arith.constant 0 : i32
    %dma_start3A_1023 = arith.constant 0 : i32
    %dma_start3A_1024 = arith.constant 0 : i32
    %dma_start3A_1025 = arith.constant 0 : i32
    %dma_start3A_1026 = tpu.memref_slice %arg10[%dma_start3A_1023, %dma_start3A_1024, %dma_start3A_1025] : memref<4x200x64xf32, #tpu.memory_space<vmem>> -> memref<1x100x64xf32, #tpu.memory_space<vmem>>
    %dma_start3A_1027 = tpu.memref_squeeze %dma_start3A_1026 : memref<1x100x64xf32, #tpu.memory_space<vmem>> -> memref<100x64xf32, #tpu.memory_space<vmem>>
    %dma_start3A_1028 = arith.constant 0 : i32
    %dma_start3A_1029 = tpu.memref_slice %arg8[%dma_start3A_1022, %dma_start3A_1028] : memref<8x100xi32, #tpu.memory_space<vmem>> -> memref<1x100xi32, #tpu.memory_space<vmem>>
    %dma_start3A_1030 = tpu.memref_squeeze %dma_start3A_1029 : memref<1x100xi32, #tpu.memory_space<vmem>> -> memref<100xi32, #tpu.memory_space<vmem>>
    %dma_start3A_1031 = arith.constant 0 : i32
    %dma_start3A_1032 = arith.constant 0 : i32
    %dma_start3A_1033 = tpu.memref_slice %arg4[%dma_start3A_1031, %dma_start3A_1032] : memref<1000000x64xf32, #tpu.memory_space<hbm>> -> memref<1000000x64xf32, #tpu.memory_space<hbm>>
    tpu.enqueue_indirect_dma source(%dma_start3A_1033 : memref<1000000x64xf32, #tpu.memory_space<hbm>>) target(%dma_start3A_1027 : memref<100x64xf32, #tpu.memory_space<vmem>>) offsets(%dma_start3A_1030 : memref<100xi32, #tpu.memory_space<vmem>>) semaphore(%arg16 : memref<!tpu.dma_semaphore, #tpu.memory_space<semaphore_mem>>)
    %dma_start3A_1034 = arith.constant 1 : i32
    %dma_start3A_1035 = arith.constant 0 : i32
    %dma_start3A_1036 = arith.constant 100 : i32
    %dma_start3A_1037 = arith.constant 0 : i32
    %dma_start3A_1038 = tpu.memref_slice %arg10[%dma_start3A_1035, %dma_start3A_1036, %dma_start3A_1037] : memref<4x200x64xf32, #tpu.memory_space<vmem>> -> memref<1x100x64xf32, #tpu.memory_space<vmem>>
    %dma_start3A_1039 = tpu.memref_squeeze %dma_start3A_1038 : memref<1x100x64xf32, #tpu.memory_space<vmem>> -> memref<100x64xf32, #tpu.memory_space<vmem>>
    %dma_start3A_1040 = arith.constant 0 : i32
    %dma_start3A_1041 = tpu.memref_slice %arg8[%dma_start3A_1034, %dma_start3A_1040] : memref<8x100xi32, #tpu.memory_space<vmem>> -> memref<1x100xi32, #tpu.memory_space<vmem>>
    %dma_start3A_1042 = tpu.memref_squeeze %dma_start3A_1041 : memref<1x100xi32, #tpu.memory_space<vmem>> -> memref<100xi32, #tpu.memory_space<vmem>>
    %dma_start3A_1043 = arith.constant 0 : i32
    %dma_start3A_1044 = arith.constant 0 : i32
    %dma_start3A_1045 = tpu.memref_slice %arg4[%dma_start3A_1043, %dma_start3A_1044] : memref<1000000x64xf32, #tpu.memory_space<hbm>> -> memref<1000000x64xf32, #tpu.memory_space<hbm>>
    tpu.enqueue_indirect_dma source(%dma_start3A_1045 : memref<1000000x64xf32, #tpu.memory_space<hbm>>) target(%dma_start3A_1039 : memref<100x64xf32, #tpu.memory_space<vmem>>) offsets(%dma_start3A_1042 : memref<100xi32, #tpu.memory_space<vmem>>) semaphore(%arg16 : memref<!tpu.dma_semaphore, #tpu.memory_space<semaphore_mem>>)
    %dma_start3A_1046 = arith.constant 2 : i32
    %dma_start3A_1047 = arith.constant 1 : i32
    %dma_start3A_1048 = arith.constant 0 : i32
    %dma_start3A_1049 = arith.constant 0 : i32
    %dma_start3A_1050 = tpu.memref_slice %arg10[%dma_start3A_1047, %dma_start3A_1048, %dma_start3A_1049] : memref<4x200x64xf32, #tpu.memory_space<vmem>> -> memref<1x100x64xf32, #tpu.memory_space<vmem>>
    %dma_start3A_1051 = tpu.memref_squeeze %dma_start3A_1050 : memref<1x100x64xf32, #tpu.memory_space<vmem>> -> memref<100x64xf32, #tpu.memory_space<vmem>>
    %dma_start3A_1052 = arith.constant 0 : i32
    %dma_start3A_1053 = tpu.memref_slice %arg8[%dma_start3A_1046, %dma_start3A_1052] : memref<8x100xi32, #tpu.memory_space<vmem>> -> memref<1x100xi32, #tpu.memory_space<vmem>>
    %dma_start3A_1054 = tpu.memref_squeeze %dma_start3A_1053 : memref<1x100xi32, #tpu.memory_space<vmem>> -> memref<100xi32, #tpu.memory_space<vmem>>
    %dma_start3A_1055 = arith.constant 0 : i32
    %dma_start3A_1056 = arith.constant 0 : i32
    %dma_start3A_1057 = tpu.memref_slice %arg4[%dma_start3A_1055, %dma_start3A_1056] : memref<1000000x64xf32, #tpu.memory_space<hbm>> -> memref<1000000x64xf32, #tpu.memory_space<hbm>>
    tpu.enqueue_indirect_dma source(%dma_start3A_1057 : memref<1000000x64xf32, #tpu.memory_space<hbm>>) target(%dma_start3A_1051 : memref<100x64xf32, #tpu.memory_space<vmem>>) offsets(%dma_start3A_1054 : memref<100xi32, #tpu.memory_space<vmem>>) semaphore(%arg16 : memref<!tpu.dma_semaphore, #tpu.memory_space<semaphore_mem>>)
    %dma_start3A_1058 = arith.constant 3 : i32
    %dma_start3A_1059 = arith.constant 1 : i32
    %dma_start3A_1060 = arith.constant 100 : i32
    %dma_start3A_1061 = arith.constant 0 : i32
    %dma_start3A_1062 = tpu.memref_slice %arg10[%dma_start3A_1059, %dma_start3A_1060, %dma_start3A_1061] : memref<4x200x64xf32, #tpu.memory_space<vmem>> -> memref<1x100x64xf32, #tpu.memory_space<vmem>>
    %dma_start3A_1063 = tpu.memref_squeeze %dma_start3A_1062 : memref<1x100x64xf32, #tpu.memory_space<vmem>> -> memref<100x64xf32, #tpu.memory_space<vmem>>
    %dma_start3A_1064 = arith.constant 0 : i32
    %dma_start3A_1065 = tpu.memref_slice %arg8[%dma_start3A_1058, %dma_start3A_1064] : memref<8x100xi32, #tpu.memory_space<vmem>> -> memref<1x100xi32, #tpu.memory_space<vmem>>
    %dma_start3A_1066 = tpu.memref_squeeze %dma_start3A_1065 : memref<1x100xi32, #tpu.memory_space<vmem>> -> memref<100xi32, #tpu.memory_space<vmem>>
    %dma_start3A_1067 = arith.constant 0 : i32
    %dma_start3A_1068 = arith.constant 0 : i32
    %dma_start3A_1069 = tpu.memref_slice %arg4[%dma_start3A_1067, %dma_start3A_1068] : memref<1000000x64xf32, #tpu.memory_space<hbm>> -> memref<1000000x64xf32, #tpu.memory_space<hbm>>
    tpu.enqueue_indirect_dma source(%dma_start3A_1069 : memref<1000000x64xf32, #tpu.memory_space<hbm>>) target(%dma_start3A_1063 : memref<100x64xf32, #tpu.memory_space<vmem>>) offsets(%dma_start3A_1066 : memref<100xi32, #tpu.memory_space<vmem>>) semaphore(%arg16 : memref<!tpu.dma_semaphore, #tpu.memory_space<semaphore_mem>>)
    %dma_start3A_1070 = arith.constant 4 : i32
    %dma_start3A_1071 = arith.constant 2 : i32
    %dma_start3A_1072 = arith.constant 0 : i32
    %dma_start3A_1073 = arith.constant 0 : i32
    %dma_start3A_1074 = tpu.memref_slice %arg10[%dma_start3A_1071, %dma_start3A_1072, %dma_start3A_1073] : memref<4x200x64xf32, #tpu.memory_space<vmem>> -> memref<1x100x64xf32, #tpu.memory_space<vmem>>
    %dma_start3A_1075 = tpu.memref_squeeze %dma_start3A_1074 : memref<1x100x64xf32, #tpu.memory_space<vmem>> -> memref<100x64xf32, #tpu.memory_space<vmem>>
    %dma_start3A_1076 = arith.constant 0 : i32
    %dma_start3A_1077 = tpu.memref_slice %arg8[%dma_start3A_1070, %dma_start3A_1076] : memref<8x100xi32, #tpu.memory_space<vmem>> -> memref<1x100xi32, #tpu.memory_space<vmem>>
    %dma_start3A_1078 = tpu.memref_squeeze %dma_start3A_1077 : memref<1x100xi32, #tpu.memory_space<vmem>> -> memref<100xi32, #tpu.memory_space<vmem>>
    %dma_start3A_1079 = arith.constant 0 : i32
    %dma_start3A_1080 = arith.constant 0 : i32
    %dma_start3A_1081 = tpu.memref_slice %arg4[%dma_start3A_1079, %dma_start3A_1080] : memref<1000000x64xf32, #tpu.memory_space<hbm>> -> memref<1000000x64xf32, #tpu.memory_space<hbm>>
    tpu.enqueue_indirect_dma source(%dma_start3A_1081 : memref<1000000x64xf32, #tpu.memory_space<hbm>>) target(%dma_start3A_1075 : memref<100x64xf32, #tpu.memory_space<vmem>>) offsets(%dma_start3A_1078 : memref<100xi32, #tpu.memory_space<vmem>>) semaphore(%arg16 : memref<!tpu.dma_semaphore, #tpu.memory_space<semaphore_mem>>)
    %dma_start3A_1082 = arith.constant 5 : i32
    %dma_start3A_1083 = arith.constant 2 : i32
    %dma_start3A_1084 = arith.constant 100 : i32
    %dma_start3A_1085 = arith.constant 0 : i32
    %dma_start3A_1086 = tpu.memref_slice %arg10[%dma_start3A_1083, %dma_start3A_1084, %dma_start3A_1085] : memref<4x200x64xf32, #tpu.memory_space<vmem>> -> memref<1x100x64xf32, #tpu.memory_space<vmem>>
    %dma_start3A_1087 = tpu.memref_squeeze %dma_start3A_1086 : memref<1x100x64xf32, #tpu.memory_space<vmem>> -> memref<100x64xf32, #tpu.memory_space<vmem>>
    %dma_start3A_1088 = arith.constant 0 : i32
    %dma_start3A_1089 = tpu.memref_slice %arg8[%dma_start3A_1082, %dma_start3A_1088] : memref<8x100xi32, #tpu.memory_space<vmem>> -> memref<1x100xi32, #tpu.memory_space<vmem>>
    %dma_start3A_1090 = tpu.memref_squeeze %dma_start3A_1089 : memref<1x100xi32, #tpu.memory_space<vmem>> -> memref<100xi32, #tpu.memory_space<vmem>>
    %dma_start3A_1091 = arith.constant 0 : i32
    %dma_start3A_1092 = arith.constant 0 : i32
    %dma_start3A_1093 = tpu.memref_slice %arg4[%dma_start3A_1091, %dma_start3A_1092] : memref<1000000x64xf32, #tpu.memory_space<hbm>> -> memref<1000000x64xf32, #tpu.memory_space<hbm>>
    tpu.enqueue_indirect_dma source(%dma_start3A_1093 : memref<1000000x64xf32, #tpu.memory_space<hbm>>) target(%dma_start3A_1087 : memref<100x64xf32, #tpu.memory_space<vmem>>) offsets(%dma_start3A_1090 : memref<100xi32, #tpu.memory_space<vmem>>) semaphore(%arg16 : memref<!tpu.dma_semaphore, #tpu.memory_space<semaphore_mem>>)
    %dma_start3A_1094 = arith.constant 6 : i32
    %dma_start3A_1095 = arith.constant 3 : i32
    %dma_start3A_1096 = arith.constant 0 : i32
    %dma_start3A_1097 = arith.constant 0 : i32
    %dma_start3A_1098 = tpu.memref_slice %arg10[%dma_start3A_1095, %dma_start3A_1096, %dma_start3A_1097] : memref<4x200x64xf32, #tpu.memory_space<vmem>> -> memref<1x100x64xf32, #tpu.memory_space<vmem>>
    %dma_start3A_1099 = tpu.memref_squeeze %dma_start3A_1098 : memref<1x100x64xf32, #tpu.memory_space<vmem>> -> memref<100x64xf32, #tpu.memory_space<vmem>>
    %dma_start3A_1100 = arith.constant 0 : i32
    %dma_start3A_1101 = tpu.memref_slice %arg8[%dma_start3A_1094, %dma_start3A_1100] : memref<8x100xi32, #tpu.memory_space<vmem>> -> memref<1x100xi32, #tpu.memory_space<vmem>>
    %dma_start3A_1102 = tpu.memref_squeeze %dma_start3A_1101 : memref<1x100xi32, #tpu.memory_space<vmem>> -> memref<100xi32, #tpu.memory_space<vmem>>
    %dma_start3A_1103 = arith.constant 0 : i32
    %dma_start3A_1104 = arith.constant 0 : i32
    %dma_start3A_1105 = tpu.memref_slice %arg4[%dma_start3A_1103, %dma_start3A_1104] : memref<1000000x64xf32, #tpu.memory_space<hbm>> -> memref<1000000x64xf32, #tpu.memory_space<hbm>>
    tpu.enqueue_indirect_dma source(%dma_start3A_1105 : memref<1000000x64xf32, #tpu.memory_space<hbm>>) target(%dma_start3A_1099 : memref<100x64xf32, #tpu.memory_space<vmem>>) offsets(%dma_start3A_1102 : memref<100xi32, #tpu.memory_space<vmem>>) semaphore(%arg16 : memref<!tpu.dma_semaphore, #tpu.memory_space<semaphore_mem>>)
    %dma_start3A_1106 = arith.constant 7 : i32
    %dma_start3A_1107 = arith.constant 3 : i32
    %dma_start3A_1108 = arith.constant 100 : i32
    %dma_start3A_1109 = arith.constant 0 : i32
    %dma_start3A_1110 = tpu.memref_slice %arg10[%dma_start3A_1107, %dma_start3A_1108, %dma_start3A_1109] : memref<4x200x64xf32, #tpu.memory_space<vmem>> -> memref<1x100x64xf32, #tpu.memory_space<vmem>>
    %dma_start3A_1111 = tpu.memref_squeeze %dma_start3A_1110 : memref<1x100x64xf32, #tpu.memory_space<vmem>> -> memref<100x64xf32, #tpu.memory_space<vmem>>
    %dma_start3A_1112 = arith.constant 0 : i32
    %dma_start3A_1113 = tpu.memref_slice %arg8[%dma_start3A_1106, %dma_start3A_1112] : memref<8x100xi32, #tpu.memory_space<vmem>> -> memref<1x100xi32, #tpu.memory_space<vmem>>
    %dma_start3A_1114 = tpu.memref_squeeze %dma_start3A_1113 : memref<1x100xi32, #tpu.memory_space<vmem>> -> memref<100xi32, #tpu.memory_space<vmem>>
    %dma_start3A_1115 = arith.constant 0 : i32
    %dma_start3A_1116 = arith.constant 0 : i32
    %dma_start3A_1117 = tpu.memref_slice %arg4[%dma_start3A_1115, %dma_start3A_1116] : memref<1000000x64xf32, #tpu.memory_space<hbm>> -> memref<1000000x64xf32, #tpu.memory_space<hbm>>
    tpu.enqueue_indirect_dma source(%dma_start3A_1117 : memref<1000000x64xf32, #tpu.memory_space<hbm>>) target(%dma_start3A_1111 : memref<100x64xf32, #tpu.memory_space<vmem>>) offsets(%dma_start3A_1114 : memref<100xi32, #tpu.memory_space<vmem>>) semaphore(%arg16 : memref<!tpu.dma_semaphore, #tpu.memory_space<semaphore_mem>>)
    %mul3A_1118 = arith.constant 64 : i32
    %mul3A_1119 = arith.muli %add3A, %mul3A_1118 : i32
    %add3A_1120 = arith.constant 48 : i32
    %add3A_1121 = arith.addi %mul3A_1119, %add3A_1120 : i32
    %dma_start3A_1122 = arith.constant 0 : i32
    %dma_start3A_1123 = tpu.memref_slice %arg2[%add3A_1121, %dma_start3A_1122] : memref<2048x100xi32, #tpu.memory_space<hbm>> -> memref<8x100xi32, #tpu.memory_space<hbm>>
    %dma_start3A_1124 = arith.constant 0 : i32
    %dma_start3A_1125 = tpu.memref_slice %arg2[%add3A_1121, %dma_start3A_1124] : memref<2048x100xi32, #tpu.memory_space<hbm>> -> memref<8x100xi32, #tpu.memory_space<hbm>>
    tpu.enqueue_dma source(%dma_start3A_1125 : memref<8x100xi32, #tpu.memory_space<hbm>>) target(%arg6 : memref<8x100xi32, #tpu.memory_space<vmem>>) target_semaphore(%arg12 : memref<!tpu.dma_semaphore, #tpu.memory_space<semaphore_mem>>)
    %dma_wait3A_1126 = arith.constant 0 : i32
    %dma_wait3A_1127 = arith.constant 0 : i32
    %dma_wait3A_1128 = arith.constant 0 : i32
    %dma_wait3A_1129 = arith.constant 0 : i32
    %dma_wait3A_1130 = tpu.memref_slice %arg9[%dma_wait3A_1127, %dma_wait3A_1128, %dma_wait3A_1129] : memref<4x200x64xf32, #tpu.memory_space<vmem>> -> memref<1x100x64xf32, #tpu.memory_space<vmem>>
    %dma_wait3A_1131 = tpu.memref_squeeze %dma_wait3A_1130 : memref<1x100x64xf32, #tpu.memory_space<vmem>> -> memref<100x64xf32, #tpu.memory_space<vmem>>
    %dma_wait3A_1132 = arith.constant 0 : i32
    %dma_wait3A_1133 = tpu.memref_slice %arg7[%dma_wait3A_1126, %dma_wait3A_1132] : memref<8x100xi32, #tpu.memory_space<vmem>> -> memref<1x100xi32, #tpu.memory_space<vmem>>
    %dma_wait3A_1134 = tpu.memref_squeeze %dma_wait3A_1133 : memref<1x100xi32, #tpu.memory_space<vmem>> -> memref<100xi32, #tpu.memory_space<vmem>>
    %dma_wait3A_1135 = arith.constant 0 : i32
    %dma_wait3A_1136 = arith.constant 0 : i32
    %dma_wait3A_1137 = tpu.memref_slice %arg4[%dma_wait3A_1135, %dma_wait3A_1136] : memref<1000000x64xf32, #tpu.memory_space<hbm>> -> memref<1000000x64xf32, #tpu.memory_space<hbm>>
    tpu.wait_indirect_dma semaphore(%arg15 : memref<!tpu.dma_semaphore, #tpu.memory_space<semaphore_mem>>) src(%dma_wait3A_1137 : memref<1000000x64xf32, #tpu.memory_space<hbm>>) dst(%dma_wait3A_1131 : memref<100x64xf32, #tpu.memory_space<vmem>>)
    %dma_wait3A_1138 = arith.constant 1 : i32
    %dma_wait3A_1139 = arith.constant 0 : i32
    %dma_wait3A_1140 = arith.constant 100 : i32
    %dma_wait3A_1141 = arith.constant 0 : i32
    %dma_wait3A_1142 = tpu.memref_slice %arg9[%dma_wait3A_1139, %dma_wait3A_1140, %dma_wait3A_1141] : memref<4x200x64xf32, #tpu.memory_space<vmem>> -> memref<1x100x64xf32, #tpu.memory_space<vmem>>
    %dma_wait3A_1143 = tpu.memref_squeeze %dma_wait3A_1142 : memref<1x100x64xf32, #tpu.memory_space<vmem>> -> memref<100x64xf32, #tpu.memory_space<vmem>>
    %dma_wait3A_1144 = arith.constant 0 : i32
    %dma_wait3A_1145 = tpu.memref_slice %arg7[%dma_wait3A_1138, %dma_wait3A_1144] : memref<8x100xi32, #tpu.memory_space<vmem>> -> memref<1x100xi32, #tpu.memory_space<vmem>>
    %dma_wait3A_1146 = tpu.memref_squeeze %dma_wait3A_1145 : memref<1x100xi32, #tpu.memory_space<vmem>> -> memref<100xi32, #tpu.memory_space<vmem>>
    %dma_wait3A_1147 = arith.constant 0 : i32
    %dma_wait3A_1148 = arith.constant 0 : i32
    %dma_wait3A_1149 = tpu.memref_slice %arg4[%dma_wait3A_1147, %dma_wait3A_1148] : memref<1000000x64xf32, #tpu.memory_space<hbm>> -> memref<1000000x64xf32, #tpu.memory_space<hbm>>
    tpu.wait_indirect_dma semaphore(%arg15 : memref<!tpu.dma_semaphore, #tpu.memory_space<semaphore_mem>>) src(%dma_wait3A_1149 : memref<1000000x64xf32, #tpu.memory_space<hbm>>) dst(%dma_wait3A_1143 : memref<100x64xf32, #tpu.memory_space<vmem>>)
    %dma_wait3A_1150 = arith.constant 2 : i32
    %dma_wait3A_1151 = arith.constant 1 : i32
    %dma_wait3A_1152 = arith.constant 0 : i32
    %dma_wait3A_1153 = arith.constant 0 : i32
    %dma_wait3A_1154 = tpu.memref_slice %arg9[%dma_wait3A_1151, %dma_wait3A_1152, %dma_wait3A_1153] : memref<4x200x64xf32, #tpu.memory_space<vmem>> -> memref<1x100x64xf32, #tpu.memory_space<vmem>>
    %dma_wait3A_1155 = tpu.memref_squeeze %dma_wait3A_1154 : memref<1x100x64xf32, #tpu.memory_space<vmem>> -> memref<100x64xf32, #tpu.memory_space<vmem>>
    %dma_wait3A_1156 = arith.constant 0 : i32
    %dma_wait3A_1157 = tpu.memref_slice %arg7[%dma_wait3A_1150, %dma_wait3A_1156] : memref<8x100xi32, #tpu.memory_space<vmem>> -> memref<1x100xi32, #tpu.memory_space<vmem>>
    %dma_wait3A_1158 = tpu.memref_squeeze %dma_wait3A_1157 : memref<1x100xi32, #tpu.memory_space<vmem>> -> memref<100xi32, #tpu.memory_space<vmem>>
    %dma_wait3A_1159 = arith.constant 0 : i32
    %dma_wait3A_1160 = arith.constant 0 : i32
    %dma_wait3A_1161 = tpu.memref_slice %arg4[%dma_wait3A_1159, %dma_wait3A_1160] : memref<1000000x64xf32, #tpu.memory_space<hbm>> -> memref<1000000x64xf32, #tpu.memory_space<hbm>>
    tpu.wait_indirect_dma semaphore(%arg15 : memref<!tpu.dma_semaphore, #tpu.memory_space<semaphore_mem>>) src(%dma_wait3A_1161 : memref<1000000x64xf32, #tpu.memory_space<hbm>>) dst(%dma_wait3A_1155 : memref<100x64xf32, #tpu.memory_space<vmem>>)
    %dma_wait3A_1162 = arith.constant 3 : i32
    %dma_wait3A_1163 = arith.constant 1 : i32
    %dma_wait3A_1164 = arith.constant 100 : i32
    %dma_wait3A_1165 = arith.constant 0 : i32
    %dma_wait3A_1166 = tpu.memref_slice %arg9[%dma_wait3A_1163, %dma_wait3A_1164, %dma_wait3A_1165] : memref<4x200x64xf32, #tpu.memory_space<vmem>> -> memref<1x100x64xf32, #tpu.memory_space<vmem>>
    %dma_wait3A_1167 = tpu.memref_squeeze %dma_wait3A_1166 : memref<1x100x64xf32, #tpu.memory_space<vmem>> -> memref<100x64xf32, #tpu.memory_space<vmem>>
    %dma_wait3A_1168 = arith.constant 0 : i32
    %dma_wait3A_1169 = tpu.memref_slice %arg7[%dma_wait3A_1162, %dma_wait3A_1168] : memref<8x100xi32, #tpu.memory_space<vmem>> -> memref<1x100xi32, #tpu.memory_space<vmem>>
    %dma_wait3A_1170 = tpu.memref_squeeze %dma_wait3A_1169 : memref<1x100xi32, #tpu.memory_space<vmem>> -> memref<100xi32, #tpu.memory_space<vmem>>
    %dma_wait3A_1171 = arith.constant 0 : i32
    %dma_wait3A_1172 = arith.constant 0 : i32
    %dma_wait3A_1173 = tpu.memref_slice %arg4[%dma_wait3A_1171, %dma_wait3A_1172] : memref<1000000x64xf32, #tpu.memory_space<hbm>> -> memref<1000000x64xf32, #tpu.memory_space<hbm>>
    tpu.wait_indirect_dma semaphore(%arg15 : memref<!tpu.dma_semaphore, #tpu.memory_space<semaphore_mem>>) src(%dma_wait3A_1173 : memref<1000000x64xf32, #tpu.memory_space<hbm>>) dst(%dma_wait3A_1167 : memref<100x64xf32, #tpu.memory_space<vmem>>)
    %dma_wait3A_1174 = arith.constant 4 : i32
    %dma_wait3A_1175 = arith.constant 2 : i32
    %dma_wait3A_1176 = arith.constant 0 : i32
    %dma_wait3A_1177 = arith.constant 0 : i32
    %dma_wait3A_1178 = tpu.memref_slice %arg9[%dma_wait3A_1175, %dma_wait3A_1176, %dma_wait3A_1177] : memref<4x200x64xf32, #tpu.memory_space<vmem>> -> memref<1x100x64xf32, #tpu.memory_space<vmem>>
    %dma_wait3A_1179 = tpu.memref_squeeze %dma_wait3A_1178 : memref<1x100x64xf32, #tpu.memory_space<vmem>> -> memref<100x64xf32, #tpu.memory_space<vmem>>
    %dma_wait3A_1180 = arith.constant 0 : i32
    %dma_wait3A_1181 = tpu.memref_slice %arg7[%dma_wait3A_1174, %dma_wait3A_1180] : memref<8x100xi32, #tpu.memory_space<vmem>> -> memref<1x100xi32, #tpu.memory_space<vmem>>
    %dma_wait3A_1182 = tpu.memref_squeeze %dma_wait3A_1181 : memref<1x100xi32, #tpu.memory_space<vmem>> -> memref<100xi32, #tpu.memory_space<vmem>>
    %dma_wait3A_1183 = arith.constant 0 : i32
    %dma_wait3A_1184 = arith.constant 0 : i32
    %dma_wait3A_1185 = tpu.memref_slice %arg4[%dma_wait3A_1183, %dma_wait3A_1184] : memref<1000000x64xf32, #tpu.memory_space<hbm>> -> memref<1000000x64xf32, #tpu.memory_space<hbm>>
    tpu.wait_indirect_dma semaphore(%arg15 : memref<!tpu.dma_semaphore, #tpu.memory_space<semaphore_mem>>) src(%dma_wait3A_1185 : memref<1000000x64xf32, #tpu.memory_space<hbm>>) dst(%dma_wait3A_1179 : memref<100x64xf32, #tpu.memory_space<vmem>>)
    %dma_wait3A_1186 = arith.constant 5 : i32
    %dma_wait3A_1187 = arith.constant 2 : i32
    %dma_wait3A_1188 = arith.constant 100 : i32
    %dma_wait3A_1189 = arith.constant 0 : i32
    %dma_wait3A_1190 = tpu.memref_slice %arg9[%dma_wait3A_1187, %dma_wait3A_1188, %dma_wait3A_1189] : memref<4x200x64xf32, #tpu.memory_space<vmem>> -> memref<1x100x64xf32, #tpu.memory_space<vmem>>
    %dma_wait3A_1191 = tpu.memref_squeeze %dma_wait3A_1190 : memref<1x100x64xf32, #tpu.memory_space<vmem>> -> memref<100x64xf32, #tpu.memory_space<vmem>>
    %dma_wait3A_1192 = arith.constant 0 : i32
    %dma_wait3A_1193 = tpu.memref_slice %arg7[%dma_wait3A_1186, %dma_wait3A_1192] : memref<8x100xi32, #tpu.memory_space<vmem>> -> memref<1x100xi32, #tpu.memory_space<vmem>>
    %dma_wait3A_1194 = tpu.memref_squeeze %dma_wait3A_1193 : memref<1x100xi32, #tpu.memory_space<vmem>> -> memref<100xi32, #tpu.memory_space<vmem>>
    %dma_wait3A_1195 = arith.constant 0 : i32
    %dma_wait3A_1196 = arith.constant 0 : i32
    %dma_wait3A_1197 = tpu.memref_slice %arg4[%dma_wait3A_1195, %dma_wait3A_1196] : memref<1000000x64xf32, #tpu.memory_space<hbm>> -> memref<1000000x64xf32, #tpu.memory_space<hbm>>
    tpu.wait_indirect_dma semaphore(%arg15 : memref<!tpu.dma_semaphore, #tpu.memory_space<semaphore_mem>>) src(%dma_wait3A_1197 : memref<1000000x64xf32, #tpu.memory_space<hbm>>) dst(%dma_wait3A_1191 : memref<100x64xf32, #tpu.memory_space<vmem>>)
    %dma_wait3A_1198 = arith.constant 6 : i32
    %dma_wait3A_1199 = arith.constant 3 : i32
    %dma_wait3A_1200 = arith.constant 0 : i32
    %dma_wait3A_1201 = arith.constant 0 : i32
    %dma_wait3A_1202 = tpu.memref_slice %arg9[%dma_wait3A_1199, %dma_wait3A_1200, %dma_wait3A_1201] : memref<4x200x64xf32, #tpu.memory_space<vmem>> -> memref<1x100x64xf32, #tpu.memory_space<vmem>>
    %dma_wait3A_1203 = tpu.memref_squeeze %dma_wait3A_1202 : memref<1x100x64xf32, #tpu.memory_space<vmem>> -> memref<100x64xf32, #tpu.memory_space<vmem>>
    %dma_wait3A_1204 = arith.constant 0 : i32
    %dma_wait3A_1205 = tpu.memref_slice %arg7[%dma_wait3A_1198, %dma_wait3A_1204] : memref<8x100xi32, #tpu.memory_space<vmem>> -> memref<1x100xi32, #tpu.memory_space<vmem>>
    %dma_wait3A_1206 = tpu.memref_squeeze %dma_wait3A_1205 : memref<1x100xi32, #tpu.memory_space<vmem>> -> memref<100xi32, #tpu.memory_space<vmem>>
    %dma_wait3A_1207 = arith.constant 0 : i32
    %dma_wait3A_1208 = arith.constant 0 : i32
    %dma_wait3A_1209 = tpu.memref_slice %arg4[%dma_wait3A_1207, %dma_wait3A_1208] : memref<1000000x64xf32, #tpu.memory_space<hbm>> -> memref<1000000x64xf32, #tpu.memory_space<hbm>>
    tpu.wait_indirect_dma semaphore(%arg15 : memref<!tpu.dma_semaphore, #tpu.memory_space<semaphore_mem>>) src(%dma_wait3A_1209 : memref<1000000x64xf32, #tpu.memory_space<hbm>>) dst(%dma_wait3A_1203 : memref<100x64xf32, #tpu.memory_space<vmem>>)
    %dma_wait3A_1210 = arith.constant 7 : i32
    %dma_wait3A_1211 = arith.constant 3 : i32
    %dma_wait3A_1212 = arith.constant 100 : i32
    %dma_wait3A_1213 = arith.constant 0 : i32
    %dma_wait3A_1214 = tpu.memref_slice %arg9[%dma_wait3A_1211, %dma_wait3A_1212, %dma_wait3A_1213] : memref<4x200x64xf32, #tpu.memory_space<vmem>> -> memref<1x100x64xf32, #tpu.memory_space<vmem>>
    %dma_wait3A_1215 = tpu.memref_squeeze %dma_wait3A_1214 : memref<1x100x64xf32, #tpu.memory_space<vmem>> -> memref<100x64xf32, #tpu.memory_space<vmem>>
    %dma_wait3A_1216 = arith.constant 0 : i32
    %dma_wait3A_1217 = tpu.memref_slice %arg7[%dma_wait3A_1210, %dma_wait3A_1216] : memref<8x100xi32, #tpu.memory_space<vmem>> -> memref<1x100xi32, #tpu.memory_space<vmem>>
    %dma_wait3A_1218 = tpu.memref_squeeze %dma_wait3A_1217 : memref<1x100xi32, #tpu.memory_space<vmem>> -> memref<100xi32, #tpu.memory_space<vmem>>
    %dma_wait3A_1219 = arith.constant 0 : i32
    %dma_wait3A_1220 = arith.constant 0 : i32
    %dma_wait3A_1221 = tpu.memref_slice %arg4[%dma_wait3A_1219, %dma_wait3A_1220] : memref<1000000x64xf32, #tpu.memory_space<hbm>> -> memref<1000000x64xf32, #tpu.memory_space<hbm>>
    tpu.wait_indirect_dma semaphore(%arg15 : memref<!tpu.dma_semaphore, #tpu.memory_space<semaphore_mem>>) src(%dma_wait3A_1221 : memref<1000000x64xf32, #tpu.memory_space<hbm>>) dst(%dma_wait3A_1215 : memref<100x64xf32, #tpu.memory_space<vmem>>)
    %scan3A_1222 = arith.constant 0 : i32
    %scan3A_1223 = arith.constant 0 : i32
    %scan3A_1224 = arith.constant 200 : i32
    %scan3A_1225 = arith.addi %scan3A_1223, %scan3A_1224 : i32
    %scan3A_1226 = arith.constant 1 : i32
    scf.for %scan3A_1806 = %scan3A_1223 to %scan3A_1225 step %scan3A_1226  : i32 {
      %get3A = arith.index_cast %scan3A_1806 : i32 to index
      %get3A_1807 = arith.constant 0 : index
      %get3A_1808 = tpu.vector_load %arg11[%get3A, %get3A_1807] {strides = array<i32>} : memref<200x64xf32, #tpu.memory_space<vmem>>, vector<1x16xf32>,
      %get3A_1809 = vector.shape_cast %get3A_1808 : vector<1x16xf32> to vector<16xf32>
      %get3A_1810 = arith.constant 0 : i32
      %get3A_1811 = arith.index_cast %get3A_1810 : i32 to index
      %get3A_1812 = arith.index_cast %scan3A_1806 : i32 to index
      %get3A_1813 = arith.constant 0 : index
      %get3A_1814 = tpu.vector_load %arg9[%get3A_1811, %get3A_1812, %get3A_1813] {strides = array<i32>} : memref<4x200x64xf32, #tpu.memory_space<vmem>>, vector<1x1x16xf32>,
      %get3A_1815 = vector.shape_cast %get3A_1814 : vector<1x1x16xf32> to vector<16xf32>
      %add3A_1816 = arith.addf %get3A_1815, %get3A_1809 : vector<16xf32>
      %swap3A = arith.constant 0 : i32
      %swap3A_1817 = arith.index_cast %swap3A : i32 to index
      %swap3A_1818 = arith.index_cast %scan3A_1806 : i32 to index
      %swap3A_1819 = arith.constant 0 : index
      %swap3A_1820 = tpu.vector_load %arg9[%swap3A_1817, %swap3A_1818, %swap3A_1819] {strides = array<i32>} : memref<4x200x64xf32, #tpu.memory_space<vmem>>, vector<1x1x16xf32>,
      %swap3A_1821 = vector.shape_cast %swap3A_1820 : vector<1x1x16xf32> to vector<16xf32>
      %swap3A_1822 = vector.shape_cast %add3A_1816 : vector<16xf32> to vector<1x1x16xf32>
      tpu.vector_store %arg9[%swap3A_1817, %swap3A_1818, %swap3A_1819], %swap3A_1822 {strides = array<i32>} : memref<4x200x64xf32, #tpu.memory_space<vmem>>, vector<1x1x16xf32>,
      %get3A_1823 = arith.constant 1 : i32
      %get3A_1824 = arith.index_cast %get3A_1823 : i32 to index
      %get3A_1825 = arith.index_cast %scan3A_1806 : i32 to index
      %get3A_1826 = arith.constant 0 : index
      %get3A_1827 = tpu.vector_load %arg9[%get3A_1824, %get3A_1825, %get3A_1826] {strides = array<i32>} : memref<4x200x64xf32, #tpu.memory_space<vmem>>, vector<1x1x16xf32>,
      %get3A_1828 = vector.shape_cast %get3A_1827 : vector<1x1x16xf32> to vector<16xf32>
      %add3A_1829 = arith.addf %get3A_1828, %get3A_1809 : vector<16xf32>
      %swap3A_1830 = arith.constant 1 : i32
      %swap3A_1831 = arith.index_cast %swap3A_1830 : i32 to index
      %swap3A_1832 = arith.index_cast %scan3A_1806 : i32 to index
      %swap3A_1833 = arith.constant 0 : index
      %swap3A_1834 = tpu.vector_load %arg9[%swap3A_1831, %swap3A_1832, %swap3A_1833] {strides = array<i32>} : memref<4x200x64xf32, #tpu.memory_space<vmem>>, vector<1x1x16xf32>,
      %swap3A_1835 = vector.shape_cast %swap3A_1834 : vector<1x1x16xf32> to vector<16xf32>
      %swap3A_1836 = vector.shape_cast %add3A_1829 : vector<16xf32> to vector<1x1x16xf32>
      tpu.vector_store %arg9[%swap3A_1831, %swap3A_1832, %swap3A_1833], %swap3A_1836 {strides = array<i32>} : memref<4x200x64xf32, #tpu.memory_space<vmem>>, vector<1x1x16xf32>,
      %get3A_1837 = arith.constant 2 : i32
      %get3A_1838 = arith.index_cast %get3A_1837 : i32 to index
      %get3A_1839 = arith.index_cast %scan3A_1806 : i32 to index
      %get3A_1840 = arith.constant 0 : index
      %get3A_1841 = tpu.vector_load %arg9[%get3A_1838, %get3A_1839, %get3A_1840] {strides = array<i32>} : memref<4x200x64xf32, #tpu.memory_space<vmem>>, vector<1x1x16xf32>,
      %get3A_1842 = vector.shape_cast %get3A_1841 : vector<1x1x16xf32> to vector<16xf32>
      %add3A_1843 = arith.addf %get3A_1842, %get3A_1809 : vector<16xf32>
      %swap3A_1844 = arith.constant 2 : i32
      %swap3A_1845 = arith.index_cast %swap3A_1844 : i32 to index
      %swap3A_1846 = arith.index_cast %scan3A_1806 : i32 to index
      %swap3A_1847 = arith.constant 0 : index
      %swap3A_1848 = tpu.vector_load %arg9[%swap3A_1845, %swap3A_1846, %swap3A_1847] {strides = array<i32>} : memref<4x200x64xf32, #tpu.memory_space<vmem>>, vector<1x1x16xf32>,
      %swap3A_1849 = vector.shape_cast %swap3A_1848 : vector<1x1x16xf32> to vector<16xf32>
      %swap3A_1850 = vector.shape_cast %add3A_1843 : vector<16xf32> to vector<1x1x16xf32>
      tpu.vector_store %arg9[%swap3A_1845, %swap3A_1846, %swap3A_1847], %swap3A_1850 {strides = array<i32>} : memref<4x200x64xf32, #tpu.memory_space<vmem>>, vector<1x1x16xf32>,
      %get3A_1851 = arith.constant 3 : i32
      %get3A_1852 = arith.index_cast %get3A_1851 : i32 to index
      %get3A_1853 = arith.index_cast %scan3A_1806 : i32 to index
      %get3A_1854 = arith.constant 0 : index
      %get3A_1855 = tpu.vector_load %arg9[%get3A_1852, %get3A_1853, %get3A_1854] {strides = array<i32>} : memref<4x200x64xf32, #tpu.memory_space<vmem>>, vector<1x1x16xf32>,
      %get3A_1856 = vector.shape_cast %get3A_1855 : vector<1x1x16xf32> to vector<16xf32>
      %add3A_1857 = arith.addf %get3A_1856, %get3A_1809 : vector<16xf32>
      %swap3A_1858 = arith.constant 3 : i32
      %swap3A_1859 = arith.index_cast %swap3A_1858 : i32 to index
      %swap3A_1860 = arith.index_cast %scan3A_1806 : i32 to index
      %swap3A_1861 = arith.constant 0 : index
      %swap3A_1862 = tpu.vector_load %arg9[%swap3A_1859, %swap3A_1860, %swap3A_1861] {strides = array<i32>} : memref<4x200x64xf32, #tpu.memory_space<vmem>>, vector<1x1x16xf32>,
      %swap3A_1863 = vector.shape_cast %swap3A_1862 : vector<1x1x16xf32> to vector<16xf32>
      %swap3A_1864 = vector.shape_cast %add3A_1857 : vector<16xf32> to vector<1x1x16xf32>
      tpu.vector_store %arg9[%swap3A_1859, %swap3A_1860, %swap3A_1861], %swap3A_1864 {strides = array<i32>} : memref<4x200x64xf32, #tpu.memory_space<vmem>>, vector<1x1x16xf32>,
      %get3A_1865 = arith.index_cast %scan3A_1806 : i32 to index
      %get3A_1866 = arith.constant 16 : index
      %get3A_1867 = tpu.vector_load %arg11[%get3A_1865, %get3A_1866] {strides = array<i32>} : memref<200x64xf32, #tpu.memory_space<vmem>>, vector<1x16xf32>,
      %get3A_1868 = vector.shape_cast %get3A_1867 : vector<1x16xf32> to vector<16xf32>
      %get3A_1869 = arith.constant 0 : i32
      %get3A_1870 = arith.index_cast %get3A_1869 : i32 to index
      %get3A_1871 = arith.index_cast %scan3A_1806 : i32 to index
      %get3A_1872 = arith.constant 16 : index
      %get3A_1873 = tpu.vector_load %arg9[%get3A_1870, %get3A_1871, %get3A_1872] {strides = array<i32>} : memref<4x200x64xf32, #tpu.memory_space<vmem>>, vector<1x1x16xf32>,
      %get3A_1874 = vector.shape_cast %get3A_1873 : vector<1x1x16xf32> to vector<16xf32>
      %add3A_1875 = arith.addf %get3A_1874, %get3A_1868 : vector<16xf32>
      %swap3A_1876 = arith.constant 0 : i32
      %swap3A_1877 = arith.index_cast %swap3A_1876 : i32 to index
      %swap3A_1878 = arith.index_cast %scan3A_1806 : i32 to index
      %swap3A_1879 = arith.constant 16 : index
      %swap3A_1880 = tpu.vector_load %arg9[%swap3A_1877, %swap3A_1878, %swap3A_1879] {strides = array<i32>} : memref<4x200x64xf32, #tpu.memory_space<vmem>>, vector<1x1x16xf32>,
      %swap3A_1881 = vector.shape_cast %swap3A_1880 : vector<1x1x16xf32> to vector<16xf32>
      %swap3A_1882 = vector.shape_cast %add3A_1875 : vector<16xf32> to vector<1x1x16xf32>
      tpu.vector_store %arg9[%swap3A_1877, %swap3A_1878, %swap3A_1879], %swap3A_1882 {strides = array<i32>} : memref<4x200x64xf32, #tpu.memory_space<vmem>>, vector<1x1x16xf32>,
      %get3A_1883 = arith.constant 1 : i32
      %get3A_1884 = arith.index_cast %get3A_1883 : i32 to index
      %get3A_1885 = arith.index_cast %scan3A_1806 : i32 to index
      %get3A_1886 = arith.constant 16 : index
      %get3A_1887 = tpu.vector_load %arg9[%get3A_1884, %get3A_1885, %get3A_1886] {strides = array<i32>} : memref<4x200x64xf32, #tpu.memory_space<vmem>>, vector<1x1x16xf32>,
      %get3A_1888 = vector.shape_cast %get3A_1887 : vector<1x1x16xf32> to vector<16xf32>
      %add3A_1889 = arith.addf %get3A_1888, %get3A_1868 : vector<16xf32>
      %swap3A_1890 = arith.constant 1 : i32
      %swap3A_1891 = arith.index_cast %swap3A_1890 : i32 to index
      %swap3A_1892 = arith.index_cast %scan3A_1806 : i32 to index
      %swap3A_1893 = arith.constant 16 : index
      %swap3A_1894 = tpu.vector_load %arg9[%swap3A_1891, %swap3A_1892, %swap3A_1893] {strides = array<i32>} : memref<4x200x64xf32, #tpu.memory_space<vmem>>, vector<1x1x16xf32>,
      %swap3A_1895 = vector.shape_cast %swap3A_1894 : vector<1x1x16xf32> to vector<16xf32>
      %swap3A_1896 = vector.shape_cast %add3A_1889 : vector<16xf32> to vector<1x1x16xf32>
      tpu.vector_store %arg9[%swap3A_1891, %swap3A_1892, %swap3A_1893], %swap3A_1896 {strides = array<i32>} : memref<4x200x64xf32, #tpu.memory_space<vmem>>, vector<1x1x16xf32>,
      %get3A_1897 = arith.constant 2 : i32
      %get3A_1898 = arith.index_cast %get3A_1897 : i32 to index
      %get3A_1899 = arith.index_cast %scan3A_1806 : i32 to index
      %get3A_1900 = arith.constant 16 : index
      %get3A_1901 = tpu.vector_load %arg9[%get3A_1898, %get3A_1899, %get3A_1900] {strides = array<i32>} : memref<4x200x64xf32, #tpu.memory_space<vmem>>, vector<1x1x16xf32>,
      %get3A_1902 = vector.shape_cast %get3A_1901 : vector<1x1x16xf32> to vector<16xf32>
      %add3A_1903 = arith.addf %get3A_1902, %get3A_1868 : vector<16xf32>
      %swap3A_1904 = arith.constant 2 : i32
      %swap3A_1905 = arith.index_cast %swap3A_1904 : i32 to index
      %swap3A_1906 = arith.index_cast %scan3A_1806 : i32 to index
      %swap3A_1907 = arith.constant 16 : index
      %swap3A_1908 = tpu.vector_load %arg9[%swap3A_1905, %swap3A_1906, %swap3A_1907] {strides = array<i32>} : memref<4x200x64xf32, #tpu.memory_space<vmem>>, vector<1x1x16xf32>,
      %swap3A_1909 = vector.shape_cast %swap3A_1908 : vector<1x1x16xf32> to vector<16xf32>
      %swap3A_1910 = vector.shape_cast %add3A_1903 : vector<16xf32> to vector<1x1x16xf32>
      tpu.vector_store %arg9[%swap3A_1905, %swap3A_1906, %swap3A_1907], %swap3A_1910 {strides = array<i32>} : memref<4x200x64xf32, #tpu.memory_space<vmem>>, vector<1x1x16xf32>,
      %get3A_1911 = arith.constant 3 : i32
      %get3A_1912 = arith.index_cast %get3A_1911 : i32 to index
      %get3A_1913 = arith.index_cast %scan3A_1806 : i32 to index
      %get3A_1914 = arith.constant 16 : index
      %get3A_1915 = tpu.vector_load %arg9[%get3A_1912, %get3A_1913, %get3A_1914] {strides = array<i32>} : memref<4x200x64xf32, #tpu.memory_space<vmem>>, vector<1x1x16xf32>,
      %get3A_1916 = vector.shape_cast %get3A_1915 : vector<1x1x16xf32> to vector<16xf32>
      %add3A_1917 = arith.addf %get3A_1916, %get3A_1868 : vector<16xf32>
      %swap3A_1918 = arith.constant 3 : i32
      %swap3A_1919 = arith.index_cast %swap3A_1918 : i32 to index
      %swap3A_1920 = arith.index_cast %scan3A_1806 : i32 to index
      %swap3A_1921 = arith.constant 16 : index
      %swap3A_1922 = tpu.vector_load %arg9[%swap3A_1919, %swap3A_1920, %swap3A_1921] {strides = array<i32>} : memref<4x200x64xf32, #tpu.memory_space<vmem>>, vector<1x1x16xf32>,
      %swap3A_1923 = vector.shape_cast %swap3A_1922 : vector<1x1x16xf32> to vector<16xf32>
      %swap3A_1924 = vector.shape_cast %add3A_1917 : vector<16xf32> to vector<1x1x16xf32>
      tpu.vector_store %arg9[%swap3A_1919, %swap3A_1920, %swap3A_1921], %swap3A_1924 {strides = array<i32>} : memref<4x200x64xf32, #tpu.memory_space<vmem>>, vector<1x1x16xf32>,
      %get3A_1925 = arith.index_cast %scan3A_1806 : i32 to index
      %get3A_1926 = arith.constant 32 : index
      %get3A_1927 = tpu.vector_load %arg11[%get3A_1925, %get3A_1926] {strides = array<i32>} : memref<200x64xf32, #tpu.memory_space<vmem>>, vector<1x16xf32>,
      %get3A_1928 = vector.shape_cast %get3A_1927 : vector<1x16xf32> to vector<16xf32>
      %get3A_1929 = arith.constant 0 : i32
      %get3A_1930 = arith.index_cast %get3A_1929 : i32 to index
      %get3A_1931 = arith.index_cast %scan3A_1806 : i32 to index
      %get3A_1932 = arith.constant 32 : index
      %get3A_1933 = tpu.vector_load %arg9[%get3A_1930, %get3A_1931, %get3A_1932] {strides = array<i32>} : memref<4x200x64xf32, #tpu.memory_space<vmem>>, vector<1x1x16xf32>,
      %get3A_1934 = vector.shape_cast %get3A_1933 : vector<1x1x16xf32> to vector<16xf32>
      %add3A_1935 = arith.addf %get3A_1934, %get3A_1928 : vector<16xf32>
      %swap3A_1936 = arith.constant 0 : i32
      %swap3A_1937 = arith.index_cast %swap3A_1936 : i32 to index
      %swap3A_1938 = arith.index_cast %scan3A_1806 : i32 to index
      %swap3A_1939 = arith.constant 32 : index
      %swap3A_1940 = tpu.vector_load %arg9[%swap3A_1937, %swap3A_1938, %swap3A_1939] {strides = array<i32>} : memref<4x200x64xf32, #tpu.memory_space<vmem>>, vector<1x1x16xf32>,
      %swap3A_1941 = vector.shape_cast %swap3A_1940 : vector<1x1x16xf32> to vector<16xf32>
      %swap3A_1942 = vector.shape_cast %add3A_1935 : vector<16xf32> to vector<1x1x16xf32>
      tpu.vector_store %arg9[%swap3A_1937, %swap3A_1938, %swap3A_1939], %swap3A_1942 {strides = array<i32>} : memref<4x200x64xf32, #tpu.memory_space<vmem>>, vector<1x1x16xf32>,
      %get3A_1943 = arith.constant 1 : i32
      %get3A_1944 = arith.index_cast %get3A_1943 : i32 to index
      %get3A_1945 = arith.index_cast %scan3A_1806 : i32 to index
      %get3A_1946 = arith.constant 32 : index
      %get3A_1947 = tpu.vector_load %arg9[%get3A_1944, %get3A_1945, %get3A_1946] {strides = array<i32>} : memref<4x200x64xf32, #tpu.memory_space<vmem>>, vector<1x1x16xf32>,
      %get3A_1948 = vector.shape_cast %get3A_1947 : vector<1x1x16xf32> to vector<16xf32>
      %add3A_1949 = arith.addf %get3A_1948, %get3A_1928 : vector<16xf32>
      %swap3A_1950 = arith.constant 1 : i32
      %swap3A_1951 = arith.index_cast %swap3A_1950 : i32 to index
      %swap3A_1952 = arith.index_cast %scan3A_1806 : i32 to index
      %swap3A_1953 = arith.constant 32 : index
      %swap3A_1954 = tpu.vector_load %arg9[%swap3A_1951, %swap3A_1952, %swap3A_1953] {strides = array<i32>} : memref<4x200x64xf32, #tpu.memory_space<vmem>>, vector<1x1x16xf32>,
      %swap3A_1955 = vector.shape_cast %swap3A_1954 : vector<1x1x16xf32> to vector<16xf32>
      %swap3A_1956 = vector.shape_cast %add3A_1949 : vector<16xf32> to vector<1x1x16xf32>
      tpu.vector_store %arg9[%swap3A_1951, %swap3A_1952, %swap3A_1953], %swap3A_1956 {strides = array<i32>} : memref<4x200x64xf32, #tpu.memory_space<vmem>>, vector<1x1x16xf32>,
      %get3A_1957 = arith.constant 2 : i32
      %get3A_1958 = arith.index_cast %get3A_1957 : i32 to index
      %get3A_1959 = arith.index_cast %scan3A_1806 : i32 to index
      %get3A_1960 = arith.constant 32 : index
      %get3A_1961 = tpu.vector_load %arg9[%get3A_1958, %get3A_1959, %get3A_1960] {strides = array<i32>} : memref<4x200x64xf32, #tpu.memory_space<vmem>>, vector<1x1x16xf32>,
      %get3A_1962 = vector.shape_cast %get3A_1961 : vector<1x1x16xf32> to vector<16xf32>
      %add3A_1963 = arith.addf %get3A_1962, %get3A_1928 : vector<16xf32>
      %swap3A_1964 = arith.constant 2 : i32
      %swap3A_1965 = arith.index_cast %swap3A_1964 : i32 to index
      %swap3A_1966 = arith.index_cast %scan3A_1806 : i32 to index
      %swap3A_1967 = arith.constant 32 : index
      %swap3A_1968 = tpu.vector_load %arg9[%swap3A_1965, %swap3A_1966, %swap3A_1967] {strides = array<i32>} : memref<4x200x64xf32, #tpu.memory_space<vmem>>, vector<1x1x16xf32>,
      %swap3A_1969 = vector.shape_cast %swap3A_1968 : vector<1x1x16xf32> to vector<16xf32>
      %swap3A_1970 = vector.shape_cast %add3A_1963 : vector<16xf32> to vector<1x1x16xf32>
      tpu.vector_store %arg9[%swap3A_1965, %swap3A_1966, %swap3A_1967], %swap3A_1970 {strides = array<i32>} : memref<4x200x64xf32, #tpu.memory_space<vmem>>, vector<1x1x16xf32>,
      %get3A_1971 = arith.constant 3 : i32
      %get3A_1972 = arith.index_cast %get3A_1971 : i32 to index
      %get3A_1973 = arith.index_cast %scan3A_1806 : i32 to index
      %get3A_1974 = arith.constant 32 : index
      %get3A_1975 = tpu.vector_load %arg9[%get3A_1972, %get3A_1973, %get3A_1974] {strides = array<i32>} : memref<4x200x64xf32, #tpu.memory_space<vmem>>, vector<1x1x16xf32>,
      %get3A_1976 = vector.shape_cast %get3A_1975 : vector<1x1x16xf32> to vector<16xf32>
      %add3A_1977 = arith.addf %get3A_1976, %get3A_1928 : vector<16xf32>
      %swap3A_1978 = arith.constant 3 : i32
      %swap3A_1979 = arith.index_cast %swap3A_1978 : i32 to index
      %swap3A_1980 = arith.index_cast %scan3A_1806 : i32 to index
      %swap3A_1981 = arith.constant 32 : index
      %swap3A_1982 = tpu.vector_load %arg9[%swap3A_1979, %swap3A_1980, %swap3A_1981] {strides = array<i32>} : memref<4x200x64xf32, #tpu.memory_space<vmem>>, vector<1x1x16xf32>,
      %swap3A_1983 = vector.shape_cast %swap3A_1982 : vector<1x1x16xf32> to vector<16xf32>
      %swap3A_1984 = vector.shape_cast %add3A_1977 : vector<16xf32> to vector<1x1x16xf32>
      tpu.vector_store %arg9[%swap3A_1979, %swap3A_1980, %swap3A_1981], %swap3A_1984 {strides = array<i32>} : memref<4x200x64xf32, #tpu.memory_space<vmem>>, vector<1x1x16xf32>,
      %get3A_1985 = arith.index_cast %scan3A_1806 : i32 to index
      %get3A_1986 = arith.constant 48 : index
      %get3A_1987 = tpu.vector_load %arg11[%get3A_1985, %get3A_1986] {strides = array<i32>} : memref<200x64xf32, #tpu.memory_space<vmem>>, vector<1x16xf32>,
      %get3A_1988 = vector.shape_cast %get3A_1987 : vector<1x16xf32> to vector<16xf32>
      %get3A_1989 = arith.constant 0 : i32
      %get3A_1990 = arith.index_cast %get3A_1989 : i32 to index
      %get3A_1991 = arith.index_cast %scan3A_1806 : i32 to index
      %get3A_1992 = arith.constant 48 : index
      %get3A_1993 = tpu.vector_load %arg9[%get3A_1990, %get3A_1991, %get3A_1992] {strides = array<i32>} : memref<4x200x64xf32, #tpu.memory_space<vmem>>, vector<1x1x16xf32>,
      %get3A_1994 = vector.shape_cast %get3A_1993 : vector<1x1x16xf32> to vector<16xf32>
      %add3A_1995 = arith.addf %get3A_1994, %get3A_1988 : vector<16xf32>
      %swap3A_1996 = arith.constant 0 : i32
      %swap3A_1997 = arith.index_cast %swap3A_1996 : i32 to index
      %swap3A_1998 = arith.index_cast %scan3A_1806 : i32 to index
      %swap3A_1999 = arith.constant 48 : index
      %swap3A_2000 = tpu.vector_load %arg9[%swap3A_1997, %swap3A_1998, %swap3A_1999] {strides = array<i32>} : memref<4x200x64xf32, #tpu.memory_space<vmem>>, vector<1x1x16xf32>,
      %swap3A_2001 = vector.shape_cast %swap3A_2000 : vector<1x1x16xf32> to vector<16xf32>
      %swap3A_2002 = vector.shape_cast %add3A_1995 : vector<16xf32> to vector<1x1x16xf32>
      tpu.vector_store %arg9[%swap3A_1997, %swap3A_1998, %swap3A_1999], %swap3A_2002 {strides = array<i32>} : memref<4x200x64xf32, #tpu.memory_space<vmem>>, vector<1x1x16xf32>,
      %get3A_2003 = arith.constant 1 : i32
      %get3A_2004 = arith.index_cast %get3A_2003 : i32 to index
      %get3A_2005 = arith.index_cast %scan3A_1806 : i32 to index
      %get3A_2006 = arith.constant 48 : index
      %get3A_2007 = tpu.vector_load %arg9[%get3A_2004, %get3A_2005, %get3A_2006] {strides = array<i32>} : memref<4x200x64xf32, #tpu.memory_space<vmem>>, vector<1x1x16xf32>,
      %get3A_2008 = vector.shape_cast %get3A_2007 : vector<1x1x16xf32> to vector<16xf32>
      %add3A_2009 = arith.addf %get3A_2008, %get3A_1988 : vector<16xf32>
      %swap3A_2010 = arith.constant 1 : i32
      %swap3A_2011 = arith.index_cast %swap3A_2010 : i32 to index
      %swap3A_2012 = arith.index_cast %scan3A_1806 : i32 to index
      %swap3A_2013 = arith.constant 48 : index
      %swap3A_2014 = tpu.vector_load %arg9[%swap3A_2011, %swap3A_2012, %swap3A_2013] {strides = array<i32>} : memref<4x200x64xf32, #tpu.memory_space<vmem>>, vector<1x1x16xf32>,
      %swap3A_2015 = vector.shape_cast %swap3A_2014 : vector<1x1x16xf32> to vector<16xf32>
      %swap3A_2016 = vector.shape_cast %add3A_2009 : vector<16xf32> to vector<1x1x16xf32>
      tpu.vector_store %arg9[%swap3A_2011, %swap3A_2012, %swap3A_2013], %swap3A_2016 {strides = array<i32>} : memref<4x200x64xf32, #tpu.memory_space<vmem>>, vector<1x1x16xf32>,
      %get3A_2017 = arith.constant 2 : i32
      %get3A_2018 = arith.index_cast %get3A_2017 : i32 to index
      %get3A_2019 = arith.index_cast %scan3A_1806 : i32 to index
      %get3A_2020 = arith.constant 48 : index
      %get3A_2021 = tpu.vector_load %arg9[%get3A_2018, %get3A_2019, %get3A_2020] {strides = array<i32>} : memref<4x200x64xf32, #tpu.memory_space<vmem>>, vector<1x1x16xf32>,
      %get3A_2022 = vector.shape_cast %get3A_2021 : vector<1x1x16xf32> to vector<16xf32>
      %add3A_2023 = arith.addf %get3A_2022, %get3A_1988 : vector<16xf32>
      %swap3A_2024 = arith.constant 2 : i32
      %swap3A_2025 = arith.index_cast %swap3A_2024 : i32 to index
      %swap3A_2026 = arith.index_cast %scan3A_1806 : i32 to index
      %swap3A_2027 = arith.constant 48 : index
      %swap3A_2028 = tpu.vector_load %arg9[%swap3A_2025, %swap3A_2026, %swap3A_2027] {strides = array<i32>} : memref<4x200x64xf32, #tpu.memory_space<vmem>>, vector<1x1x16xf32>,
      %swap3A_2029 = vector.shape_cast %swap3A_2028 : vector<1x1x16xf32> to vector<16xf32>
      %swap3A_2030 = vector.shape_cast %add3A_2023 : vector<16xf32> to vector<1x1x16xf32>
      tpu.vector_store %arg9[%swap3A_2025, %swap3A_2026, %swap3A_2027], %swap3A_2030 {strides = array<i32>} : memref<4x200x64xf32, #tpu.memory_space<vmem>>, vector<1x1x16xf32>,
      %get3A_2031 = arith.constant 3 : i32
      %get3A_2032 = arith.index_cast %get3A_2031 : i32 to index
      %get3A_2033 = arith.index_cast %scan3A_1806 : i32 to index
      %get3A_2034 = arith.constant 48 : index
      %get3A_2035 = tpu.vector_load %arg9[%get3A_2032, %get3A_2033, %get3A_2034] {strides = array<i32>} : memref<4x200x64xf32, #tpu.memory_space<vmem>>, vector<1x1x16xf32>,
      %get3A_2036 = vector.shape_cast %get3A_2035 : vector<1x1x16xf32> to vector<16xf32>
      %add3A_2037 = arith.addf %get3A_2036, %get3A_1988 : vector<16xf32>
      %swap3A_2038 = arith.constant 3 : i32
      %swap3A_2039 = arith.index_cast %swap3A_2038 : i32 to index
      %swap3A_2040 = arith.index_cast %scan3A_1806 : i32 to index
      %swap3A_2041 = arith.constant 48 : index
      %swap3A_2042 = tpu.vector_load %arg9[%swap3A_2039, %swap3A_2040, %swap3A_2041] {strides = array<i32>} : memref<4x200x64xf32, #tpu.memory_space<vmem>>, vector<1x1x16xf32>,
      %swap3A_2043 = vector.shape_cast %swap3A_2042 : vector<1x1x16xf32> to vector<16xf32>
      %swap3A_2044 = vector.shape_cast %add3A_2037 : vector<16xf32> to vector<1x1x16xf32>
      tpu.vector_store %arg9[%swap3A_2039, %swap3A_2040, %swap3A_2041], %swap3A_2044 {strides = array<i32>} : memref<4x200x64xf32, #tpu.memory_space<vmem>>, vector<1x1x16xf32>,
    }
    %scan3A_1227 = arith.constant 200 : i32
    %mul3A_1228 = arith.constant 32 : i32
    %mul3A_1229 = arith.muli %add3A, %mul3A_1228 : i32
    %add3A_1230 = arith.constant 16 : i32
    %add3A_1231 = arith.addi %mul3A_1229, %add3A_1230 : i32
    %dma_start3A_1232 = arith.constant 0 : i32
    %dma_start3A_1233 = arith.constant 0 : i32
    %dma_start3A_1234 = tpu.memref_slice %arg5[%add3A_1231, %dma_start3A_1232, %dma_start3A_1233] : memref<1024x200x64xf32, #tpu.memory_space<hbm>> -> memref<4x200x64xf32, #tpu.memory_space<hbm>>
    %dma_start3A_1235 = arith.constant 0 : i32
    %dma_start3A_1236 = arith.constant 0 : i32
    %dma_start3A_1237 = tpu.memref_slice %arg5[%add3A_1231, %dma_start3A_1235, %dma_start3A_1236] : memref<1024x200x64xf32, #tpu.memory_space<hbm>> -> memref<4x200x64xf32, #tpu.memory_space<hbm>>
    tpu.enqueue_dma source(%arg9 : memref<4x200x64xf32, #tpu.memory_space<vmem>>) target(%dma_start3A_1237 : memref<4x200x64xf32, #tpu.memory_space<hbm>>) target_semaphore(%arg17 : memref<!tpu.dma_semaphore, #tpu.memory_space<semaphore_mem>>)
    %dma_wait3A_1238 = arith.constant 0 : i32
    %dma_wait3A_1239 = tpu.memref_slice %arg2[%add3A_1121, %dma_wait3A_1238] : memref<2048x100xi32, #tpu.memory_space<hbm>> -> memref<8x100xi32, #tpu.memory_space<hbm>>
    %dma_wait3A_1240 = arith.constant 0 : i32
    %dma_wait3A_1241 = tpu.memref_slice %arg2[%add3A_1121, %dma_wait3A_1240] : memref<2048x100xi32, #tpu.memory_space<hbm>> -> memref<8x100xi32, #tpu.memory_space<hbm>>
    tpu.wait_dma2 semaphore(%arg12 : memref<!tpu.dma_semaphore, #tpu.memory_space<semaphore_mem>>) src(%dma_wait3A_1241 : memref<8x100xi32, #tpu.memory_space<hbm>>) dst(%arg6 : memref<8x100xi32, #tpu.memory_space<vmem>>)
    %dma_wait3A_1242 = arith.constant 0 : i32
    %dma_wait3A_1243 = arith.constant 0 : i32
    %dma_wait3A_1244 = tpu.memref_slice %arg5[%add3A_1231, %dma_wait3A_1242, %dma_wait3A_1243] : memref<1024x200x64xf32, #tpu.memory_space<hbm>> -> memref<4x200x64xf32, #tpu.memory_space<hbm>>
    %dma_wait3A_1245 = arith.constant 0 : i32
    %dma_wait3A_1246 = arith.constant 0 : i32
    %dma_wait3A_1247 = tpu.memref_slice %arg5[%add3A_1231, %dma_wait3A_1245, %dma_wait3A_1246] : memref<1024x200x64xf32, #tpu.memory_space<hbm>> -> memref<4x200x64xf32, #tpu.memory_space<hbm>>
    tpu.wait_dma2 semaphore(%arg17 : memref<!tpu.dma_semaphore, #tpu.memory_space<semaphore_mem>>) src(%arg9 : memref<4x200x64xf32, #tpu.memory_space<vmem>>) dst(%dma_wait3A_1247 : memref<4x200x64xf32, #tpu.memory_space<hbm>>)
    %dma_start3A_1248 = arith.constant 0 : i32
    %dma_start3A_1249 = arith.constant 0 : i32
    %dma_start3A_1250 = arith.constant 0 : i32
    %dma_start3A_1251 = arith.constant 0 : i32
    %dma_start3A_1252 = tpu.memref_slice %arg9[%dma_start3A_1249, %dma_start3A_1250, %dma_start3A_1251] : memref<4x200x64xf32, #tpu.memory_space<vmem>> -> memref<1x100x64xf32, #tpu.memory_space<vmem>>
    %dma_start3A_1253 = tpu.memref_squeeze %dma_start3A_1252 : memref<1x100x64xf32, #tpu.memory_space<vmem>> -> memref<100x64xf32, #tpu.memory_space<vmem>>
    %dma_start3A_1254 = arith.constant 0 : i32
    %dma_start3A_1255 = tpu.memref_slice %arg6[%dma_start3A_1248, %dma_start3A_1254] : memref<8x100xi32, #tpu.memory_space<vmem>> -> memref<1x100xi32, #tpu.memory_space<vmem>>
    %dma_start3A_1256 = tpu.memref_squeeze %dma_start3A_1255 : memref<1x100xi32, #tpu.memory_space<vmem>> -> memref<100xi32, #tpu.memory_space<vmem>>
    %dma_start3A_1257 = arith.constant 0 : i32
    %dma_start3A_1258 = arith.constant 0 : i32
    %dma_start3A_1259 = tpu.memref_slice %arg4[%dma_start3A_1257, %dma_start3A_1258] : memref<1000000x64xf32, #tpu.memory_space<hbm>> -> memref<1000000x64xf32, #tpu.memory_space<hbm>>
    tpu.enqueue_indirect_dma source(%dma_start3A_1259 : memref<1000000x64xf32, #tpu.memory_space<hbm>>) target(%dma_start3A_1253 : memref<100x64xf32, #tpu.memory_space<vmem>>) offsets(%dma_start3A_1256 : memref<100xi32, #tpu.memory_space<vmem>>) semaphore(%arg15 : memref<!tpu.dma_semaphore, #tpu.memory_space<semaphore_mem>>)
    %dma_start3A_1260 = arith.constant 1 : i32
    %dma_start3A_1261 = arith.constant 0 : i32
    %dma_start3A_1262 = arith.constant 100 : i32
    %dma_start3A_1263 = arith.constant 0 : i32
    %dma_start3A_1264 = tpu.memref_slice %arg9[%dma_start3A_1261, %dma_start3A_1262, %dma_start3A_1263] : memref<4x200x64xf32, #tpu.memory_space<vmem>> -> memref<1x100x64xf32, #tpu.memory_space<vmem>>
    %dma_start3A_1265 = tpu.memref_squeeze %dma_start3A_1264 : memref<1x100x64xf32, #tpu.memory_space<vmem>> -> memref<100x64xf32, #tpu.memory_space<vmem>>
    %dma_start3A_1266 = arith.constant 0 : i32
    %dma_start3A_1267 = tpu.memref_slice %arg6[%dma_start3A_1260, %dma_start3A_1266] : memref<8x100xi32, #tpu.memory_space<vmem>> -> memref<1x100xi32, #tpu.memory_space<vmem>>
    %dma_start3A_1268 = tpu.memref_squeeze %dma_start3A_1267 : memref<1x100xi32, #tpu.memory_space<vmem>> -> memref<100xi32, #tpu.memory_space<vmem>>
    %dma_start3A_1269 = arith.constant 0 : i32
    %dma_start3A_1270 = arith.constant 0 : i32
    %dma_start3A_1271 = tpu.memref_slice %arg4[%dma_start3A_1269, %dma_start3A_1270] : memref<1000000x64xf32, #tpu.memory_space<hbm>> -> memref<1000000x64xf32, #tpu.memory_space<hbm>>
    tpu.enqueue_indirect_dma source(%dma_start3A_1271 : memref<1000000x64xf32, #tpu.memory_space<hbm>>) target(%dma_start3A_1265 : memref<100x64xf32, #tpu.memory_space<vmem>>) offsets(%dma_start3A_1268 : memref<100xi32, #tpu.memory_space<vmem>>) semaphore(%arg15 : memref<!tpu.dma_semaphore, #tpu.memory_space<semaphore_mem>>)
    %dma_start3A_1272 = arith.constant 2 : i32
    %dma_start3A_1273 = arith.constant 1 : i32
    %dma_start3A_1274 = arith.constant 0 : i32
    %dma_start3A_1275 = arith.constant 0 : i32
    %dma_start3A_1276 = tpu.memref_slice %arg9[%dma_start3A_1273, %dma_start3A_1274, %dma_start3A_1275] : memref<4x200x64xf32, #tpu.memory_space<vmem>> -> memref<1x100x64xf32, #tpu.memory_space<vmem>>
    %dma_start3A_1277 = tpu.memref_squeeze %dma_start3A_1276 : memref<1x100x64xf32, #tpu.memory_space<vmem>> -> memref<100x64xf32, #tpu.memory_space<vmem>>
    %dma_start3A_1278 = arith.constant 0 : i32
    %dma_start3A_1279 = tpu.memref_slice %arg6[%dma_start3A_1272, %dma_start3A_1278] : memref<8x100xi32, #tpu.memory_space<vmem>> -> memref<1x100xi32, #tpu.memory_space<vmem>>
    %dma_start3A_1280 = tpu.memref_squeeze %dma_start3A_1279 : memref<1x100xi32, #tpu.memory_space<vmem>> -> memref<100xi32, #tpu.memory_space<vmem>>
    %dma_start3A_1281 = arith.constant 0 : i32
    %dma_start3A_1282 = arith.constant 0 : i32
    %dma_start3A_1283 = tpu.memref_slice %arg4[%dma_start3A_1281, %dma_start3A_1282] : memref<1000000x64xf32, #tpu.memory_space<hbm>> -> memref<1000000x64xf32, #tpu.memory_space<hbm>>
    tpu.enqueue_indirect_dma source(%dma_start3A_1283 : memref<1000000x64xf32, #tpu.memory_space<hbm>>) target(%dma_start3A_1277 : memref<100x64xf32, #tpu.memory_space<vmem>>) offsets(%dma_start3A_1280 : memref<100xi32, #tpu.memory_space<vmem>>) semaphore(%arg15 : memref<!tpu.dma_semaphore, #tpu.memory_space<semaphore_mem>>)
    %dma_start3A_1284 = arith.constant 3 : i32
    %dma_start3A_1285 = arith.constant 1 : i32
    %dma_start3A_1286 = arith.constant 100 : i32
    %dma_start3A_1287 = arith.constant 0 : i32
    %dma_start3A_1288 = tpu.memref_slice %arg9[%dma_start3A_1285, %dma_start3A_1286, %dma_start3A_1287] : memref<4x200x64xf32, #tpu.memory_space<vmem>> -> memref<1x100x64xf32, #tpu.memory_space<vmem>>
    %dma_start3A_1289 = tpu.memref_squeeze %dma_start3A_1288 : memref<1x100x64xf32, #tpu.memory_space<vmem>> -> memref<100x64xf32, #tpu.memory_space<vmem>>
    %dma_start3A_1290 = arith.constant 0 : i32
    %dma_start3A_1291 = tpu.memref_slice %arg6[%dma_start3A_1284, %dma_start3A_1290] : memref<8x100xi32, #tpu.memory_space<vmem>> -> memref<1x100xi32, #tpu.memory_space<vmem>>
    %dma_start3A_1292 = tpu.memref_squeeze %dma_start3A_1291 : memref<1x100xi32, #tpu.memory_space<vmem>> -> memref<100xi32, #tpu.memory_space<vmem>>
    %dma_start3A_1293 = arith.constant 0 : i32
    %dma_start3A_1294 = arith.constant 0 : i32
    %dma_start3A_1295 = tpu.memref_slice %arg4[%dma_start3A_1293, %dma_start3A_1294] : memref<1000000x64xf32, #tpu.memory_space<hbm>> -> memref<1000000x64xf32, #tpu.memory_space<hbm>>
    tpu.enqueue_indirect_dma source(%dma_start3A_1295 : memref<1000000x64xf32, #tpu.memory_space<hbm>>) target(%dma_start3A_1289 : memref<100x64xf32, #tpu.memory_space<vmem>>) offsets(%dma_start3A_1292 : memref<100xi32, #tpu.memory_space<vmem>>) semaphore(%arg15 : memref<!tpu.dma_semaphore, #tpu.memory_space<semaphore_mem>>)
    %dma_start3A_1296 = arith.constant 4 : i32
    %dma_start3A_1297 = arith.constant 2 : i32
    %dma_start3A_1298 = arith.constant 0 : i32
    %dma_start3A_1299 = arith.constant 0 : i32
    %dma_start3A_1300 = tpu.memref_slice %arg9[%dma_start3A_1297, %dma_start3A_1298, %dma_start3A_1299] : memref<4x200x64xf32, #tpu.memory_space<vmem>> -> memref<1x100x64xf32, #tpu.memory_space<vmem>>
    %dma_start3A_1301 = tpu.memref_squeeze %dma_start3A_1300 : memref<1x100x64xf32, #tpu.memory_space<vmem>> -> memref<100x64xf32, #tpu.memory_space<vmem>>
    %dma_start3A_1302 = arith.constant 0 : i32
    %dma_start3A_1303 = tpu.memref_slice %arg6[%dma_start3A_1296, %dma_start3A_1302] : memref<8x100xi32, #tpu.memory_space<vmem>> -> memref<1x100xi32, #tpu.memory_space<vmem>>
    %dma_start3A_1304 = tpu.memref_squeeze %dma_start3A_1303 : memref<1x100xi32, #tpu.memory_space<vmem>> -> memref<100xi32, #tpu.memory_space<vmem>>
    %dma_start3A_1305 = arith.constant 0 : i32
    %dma_start3A_1306 = arith.constant 0 : i32
    %dma_start3A_1307 = tpu.memref_slice %arg4[%dma_start3A_1305, %dma_start3A_1306] : memref<1000000x64xf32, #tpu.memory_space<hbm>> -> memref<1000000x64xf32, #tpu.memory_space<hbm>>
    tpu.enqueue_indirect_dma source(%dma_start3A_1307 : memref<1000000x64xf32, #tpu.memory_space<hbm>>) target(%dma_start3A_1301 : memref<100x64xf32, #tpu.memory_space<vmem>>) offsets(%dma_start3A_1304 : memref<100xi32, #tpu.memory_space<vmem>>) semaphore(%arg15 : memref<!tpu.dma_semaphore, #tpu.memory_space<semaphore_mem>>)
    %dma_start3A_1308 = arith.constant 5 : i32
    %dma_start3A_1309 = arith.constant 2 : i32
    %dma_start3A_1310 = arith.constant 100 : i32
    %dma_start3A_1311 = arith.constant 0 : i32
    %dma_start3A_1312 = tpu.memref_slice %arg9[%dma_start3A_1309, %dma_start3A_1310, %dma_start3A_1311] : memref<4x200x64xf32, #tpu.memory_space<vmem>> -> memref<1x100x64xf32, #tpu.memory_space<vmem>>
    %dma_start3A_1313 = tpu.memref_squeeze %dma_start3A_1312 : memref<1x100x64xf32, #tpu.memory_space<vmem>> -> memref<100x64xf32, #tpu.memory_space<vmem>>
    %dma_start3A_1314 = arith.constant 0 : i32
    %dma_start3A_1315 = tpu.memref_slice %arg6[%dma_start3A_1308, %dma_start3A_1314] : memref<8x100xi32, #tpu.memory_space<vmem>> -> memref<1x100xi32, #tpu.memory_space<vmem>>
    %dma_start3A_1316 = tpu.memref_squeeze %dma_start3A_1315 : memref<1x100xi32, #tpu.memory_space<vmem>> -> memref<100xi32, #tpu.memory_space<vmem>>
    %dma_start3A_1317 = arith.constant 0 : i32
    %dma_start3A_1318 = arith.constant 0 : i32
    %dma_start3A_1319 = tpu.memref_slice %arg4[%dma_start3A_1317, %dma_start3A_1318] : memref<1000000x64xf32, #tpu.memory_space<hbm>> -> memref<1000000x64xf32, #tpu.memory_space<hbm>>
    tpu.enqueue_indirect_dma source(%dma_start3A_1319 : memref<1000000x64xf32, #tpu.memory_space<hbm>>) target(%dma_start3A_1313 : memref<100x64xf32, #tpu.memory_space<vmem>>) offsets(%dma_start3A_1316 : memref<100xi32, #tpu.memory_space<vmem>>) semaphore(%arg15 : memref<!tpu.dma_semaphore, #tpu.memory_space<semaphore_mem>>)
    %dma_start3A_1320 = arith.constant 6 : i32
    %dma_start3A_1321 = arith.constant 3 : i32
    %dma_start3A_1322 = arith.constant 0 : i32
    %dma_start3A_1323 = arith.constant 0 : i32
    %dma_start3A_1324 = tpu.memref_slice %arg9[%dma_start3A_1321, %dma_start3A_1322, %dma_start3A_1323] : memref<4x200x64xf32, #tpu.memory_space<vmem>> -> memref<1x100x64xf32, #tpu.memory_space<vmem>>
    %dma_start3A_1325 = tpu.memref_squeeze %dma_start3A_1324 : memref<1x100x64xf32, #tpu.memory_space<vmem>> -> memref<100x64xf32, #tpu.memory_space<vmem>>
    %dma_start3A_1326 = arith.constant 0 : i32
    %dma_start3A_1327 = tpu.memref_slice %arg6[%dma_start3A_1320, %dma_start3A_1326] : memref<8x100xi32, #tpu.memory_space<vmem>> -> memref<1x100xi32, #tpu.memory_space<vmem>>
    %dma_start3A_1328 = tpu.memref_squeeze %dma_start3A_1327 : memref<1x100xi32, #tpu.memory_space<vmem>> -> memref<100xi32, #tpu.memory_space<vmem>>
    %dma_start3A_1329 = arith.constant 0 : i32
    %dma_start3A_1330 = arith.constant 0 : i32
    %dma_start3A_1331 = tpu.memref_slice %arg4[%dma_start3A_1329, %dma_start3A_1330] : memref<1000000x64xf32, #tpu.memory_space<hbm>> -> memref<1000000x64xf32, #tpu.memory_space<hbm>>
    tpu.enqueue_indirect_dma source(%dma_start3A_1331 : memref<1000000x64xf32, #tpu.memory_space<hbm>>) target(%dma_start3A_1325 : memref<100x64xf32, #tpu.memory_space<vmem>>) offsets(%dma_start3A_1328 : memref<100xi32, #tpu.memory_space<vmem>>) semaphore(%arg15 : memref<!tpu.dma_semaphore, #tpu.memory_space<semaphore_mem>>)
    %dma_start3A_1332 = arith.constant 7 : i32
    %dma_start3A_1333 = arith.constant 3 : i32
    %dma_start3A_1334 = arith.constant 100 : i32
    %dma_start3A_1335 = arith.constant 0 : i32
    %dma_start3A_1336 = tpu.memref_slice %arg9[%dma_start3A_1333, %dma_start3A_1334, %dma_start3A_1335] : memref<4x200x64xf32, #tpu.memory_space<vmem>> -> memref<1x100x64xf32, #tpu.memory_space<vmem>>
    %dma_start3A_1337 = tpu.memref_squeeze %dma_start3A_1336 : memref<1x100x64xf32, #tpu.memory_space<vmem>> -> memref<100x64xf32, #tpu.memory_space<vmem>>
    %dma_start3A_1338 = arith.constant 0 : i32
    %dma_start3A_1339 = tpu.memref_slice %arg6[%dma_start3A_1332, %dma_start3A_1338] : memref<8x100xi32, #tpu.memory_space<vmem>> -> memref<1x100xi32, #tpu.memory_space<vmem>>
    %dma_start3A_1340 = tpu.memref_squeeze %dma_start3A_1339 : memref<1x100xi32, #tpu.memory_space<vmem>> -> memref<100xi32, #tpu.memory_space<vmem>>
    %dma_start3A_1341 = arith.constant 0 : i32
    %dma_start3A_1342 = arith.constant 0 : i32
    %dma_start3A_1343 = tpu.memref_slice %arg4[%dma_start3A_1341, %dma_start3A_1342] : memref<1000000x64xf32, #tpu.memory_space<hbm>> -> memref<1000000x64xf32, #tpu.memory_space<hbm>>
    tpu.enqueue_indirect_dma source(%dma_start3A_1343 : memref<1000000x64xf32, #tpu.memory_space<hbm>>) target(%dma_start3A_1337 : memref<100x64xf32, #tpu.memory_space<vmem>>) offsets(%dma_start3A_1340 : memref<100xi32, #tpu.memory_space<vmem>>) semaphore(%arg15 : memref<!tpu.dma_semaphore, #tpu.memory_space<semaphore_mem>>)
    %mul3A_1344 = arith.constant 64 : i32
    %mul3A_1345 = arith.muli %add3A, %mul3A_1344 : i32
    %add3A_1346 = arith.constant 56 : i32
    %add3A_1347 = arith.addi %mul3A_1345, %add3A_1346 : i32
    %dma_start3A_1348 = arith.constant 0 : i32
    %dma_start3A_1349 = tpu.memref_slice %arg2[%add3A_1347, %dma_start3A_1348] : memref<2048x100xi32, #tpu.memory_space<hbm>> -> memref<8x100xi32, #tpu.memory_space<hbm>>
    %dma_start3A_1350 = arith.constant 0 : i32
    %dma_start3A_1351 = tpu.memref_slice %arg2[%add3A_1347, %dma_start3A_1350] : memref<2048x100xi32, #tpu.memory_space<hbm>> -> memref<8x100xi32, #tpu.memory_space<hbm>>
    tpu.enqueue_dma source(%dma_start3A_1351 : memref<8x100xi32, #tpu.memory_space<hbm>>) target(%arg7 : memref<8x100xi32, #tpu.memory_space<vmem>>) target_semaphore(%arg13 : memref<!tpu.dma_semaphore, #tpu.memory_space<semaphore_mem>>)
    %dma_wait3A_1352 = arith.constant 0 : i32
    %dma_wait3A_1353 = arith.constant 0 : i32
    %dma_wait3A_1354 = arith.constant 0 : i32
    %dma_wait3A_1355 = arith.constant 0 : i32
    %dma_wait3A_1356 = tpu.memref_slice %arg10[%dma_wait3A_1353, %dma_wait3A_1354, %dma_wait3A_1355] : memref<4x200x64xf32, #tpu.memory_space<vmem>> -> memref<1x100x64xf32, #tpu.memory_space<vmem>>
    %dma_wait3A_1357 = tpu.memref_squeeze %dma_wait3A_1356 : memref<1x100x64xf32, #tpu.memory_space<vmem>> -> memref<100x64xf32, #tpu.memory_space<vmem>>
    %dma_wait3A_1358 = arith.constant 0 : i32
    %dma_wait3A_1359 = tpu.memref_slice %arg8[%dma_wait3A_1352, %dma_wait3A_1358] : memref<8x100xi32, #tpu.memory_space<vmem>> -> memref<1x100xi32, #tpu.memory_space<vmem>>
    %dma_wait3A_1360 = tpu.memref_squeeze %dma_wait3A_1359 : memref<1x100xi32, #tpu.memory_space<vmem>> -> memref<100xi32, #tpu.memory_space<vmem>>
    %dma_wait3A_1361 = arith.constant 0 : i32
    %dma_wait3A_1362 = arith.constant 0 : i32
    %dma_wait3A_1363 = tpu.memref_slice %arg4[%dma_wait3A_1361, %dma_wait3A_1362] : memref<1000000x64xf32, #tpu.memory_space<hbm>> -> memref<1000000x64xf32, #tpu.memory_space<hbm>>
    tpu.wait_indirect_dma semaphore(%arg16 : memref<!tpu.dma_semaphore, #tpu.memory_space<semaphore_mem>>) src(%dma_wait3A_1363 : memref<1000000x64xf32, #tpu.memory_space<hbm>>) dst(%dma_wait3A_1357 : memref<100x64xf32, #tpu.memory_space<vmem>>)
    %dma_wait3A_1364 = arith.constant 1 : i32
    %dma_wait3A_1365 = arith.constant 0 : i32
    %dma_wait3A_1366 = arith.constant 100 : i32
    %dma_wait3A_1367 = arith.constant 0 : i32
    %dma_wait3A_1368 = tpu.memref_slice %arg10[%dma_wait3A_1365, %dma_wait3A_1366, %dma_wait3A_1367] : memref<4x200x64xf32, #tpu.memory_space<vmem>> -> memref<1x100x64xf32, #tpu.memory_space<vmem>>
    %dma_wait3A_1369 = tpu.memref_squeeze %dma_wait3A_1368 : memref<1x100x64xf32, #tpu.memory_space<vmem>> -> memref<100x64xf32, #tpu.memory_space<vmem>>
    %dma_wait3A_1370 = arith.constant 0 : i32
    %dma_wait3A_1371 = tpu.memref_slice %arg8[%dma_wait3A_1364, %dma_wait3A_1370] : memref<8x100xi32, #tpu.memory_space<vmem>> -> memref<1x100xi32, #tpu.memory_space<vmem>>
    %dma_wait3A_1372 = tpu.memref_squeeze %dma_wait3A_1371 : memref<1x100xi32, #tpu.memory_space<vmem>> -> memref<100xi32, #tpu.memory_space<vmem>>
    %dma_wait3A_1373 = arith.constant 0 : i32
    %dma_wait3A_1374 = arith.constant 0 : i32
    %dma_wait3A_1375 = tpu.memref_slice %arg4[%dma_wait3A_1373, %dma_wait3A_1374] : memref<1000000x64xf32, #tpu.memory_space<hbm>> -> memref<1000000x64xf32, #tpu.memory_space<hbm>>
    tpu.wait_indirect_dma semaphore(%arg16 : memref<!tpu.dma_semaphore, #tpu.memory_space<semaphore_mem>>) src(%dma_wait3A_1375 : memref<1000000x64xf32, #tpu.memory_space<hbm>>) dst(%dma_wait3A_1369 : memref<100x64xf32, #tpu.memory_space<vmem>>)
    %dma_wait3A_1376 = arith.constant 2 : i32
    %dma_wait3A_1377 = arith.constant 1 : i32
    %dma_wait3A_1378 = arith.constant 0 : i32
    %dma_wait3A_1379 = arith.constant 0 : i32
    %dma_wait3A_1380 = tpu.memref_slice %arg10[%dma_wait3A_1377, %dma_wait3A_1378, %dma_wait3A_1379] : memref<4x200x64xf32, #tpu.memory_space<vmem>> -> memref<1x100x64xf32, #tpu.memory_space<vmem>>
    %dma_wait3A_1381 = tpu.memref_squeeze %dma_wait3A_1380 : memref<1x100x64xf32, #tpu.memory_space<vmem>> -> memref<100x64xf32, #tpu.memory_space<vmem>>
    %dma_wait3A_1382 = arith.constant 0 : i32
    %dma_wait3A_1383 = tpu.memref_slice %arg8[%dma_wait3A_1376, %dma_wait3A_1382] : memref<8x100xi32, #tpu.memory_space<vmem>> -> memref<1x100xi32, #tpu.memory_space<vmem>>
    %dma_wait3A_1384 = tpu.memref_squeeze %dma_wait3A_1383 : memref<1x100xi32, #tpu.memory_space<vmem>> -> memref<100xi32, #tpu.memory_space<vmem>>
    %dma_wait3A_1385 = arith.constant 0 : i32
    %dma_wait3A_1386 = arith.constant 0 : i32
    %dma_wait3A_1387 = tpu.memref_slice %arg4[%dma_wait3A_1385, %dma_wait3A_1386] : memref<1000000x64xf32, #tpu.memory_space<hbm>> -> memref<1000000x64xf32, #tpu.memory_space<hbm>>
    tpu.wait_indirect_dma semaphore(%arg16 : memref<!tpu.dma_semaphore, #tpu.memory_space<semaphore_mem>>) src(%dma_wait3A_1387 : memref<1000000x64xf32, #tpu.memory_space<hbm>>) dst(%dma_wait3A_1381 : memref<100x64xf32, #tpu.memory_space<vmem>>)
    %dma_wait3A_1388 = arith.constant 3 : i32
    %dma_wait3A_1389 = arith.constant 1 : i32
    %dma_wait3A_1390 = arith.constant 100 : i32
    %dma_wait3A_1391 = arith.constant 0 : i32
    %dma_wait3A_1392 = tpu.memref_slice %arg10[%dma_wait3A_1389, %dma_wait3A_1390, %dma_wait3A_1391] : memref<4x200x64xf32, #tpu.memory_space<vmem>> -> memref<1x100x64xf32, #tpu.memory_space<vmem>>
    %dma_wait3A_1393 = tpu.memref_squeeze %dma_wait3A_1392 : memref<1x100x64xf32, #tpu.memory_space<vmem>> -> memref<100x64xf32, #tpu.memory_space<vmem>>
    %dma_wait3A_1394 = arith.constant 0 : i32
    %dma_wait3A_1395 = tpu.memref_slice %arg8[%dma_wait3A_1388, %dma_wait3A_1394] : memref<8x100xi32, #tpu.memory_space<vmem>> -> memref<1x100xi32, #tpu.memory_space<vmem>>
    %dma_wait3A_1396 = tpu.memref_squeeze %dma_wait3A_1395 : memref<1x100xi32, #tpu.memory_space<vmem>> -> memref<100xi32, #tpu.memory_space<vmem>>
    %dma_wait3A_1397 = arith.constant 0 : i32
    %dma_wait3A_1398 = arith.constant 0 : i32
    %dma_wait3A_1399 = tpu.memref_slice %arg4[%dma_wait3A_1397, %dma_wait3A_1398] : memref<1000000x64xf32, #tpu.memory_space<hbm>> -> memref<1000000x64xf32, #tpu.memory_space<hbm>>
    tpu.wait_indirect_dma semaphore(%arg16 : memref<!tpu.dma_semaphore, #tpu.memory_space<semaphore_mem>>) src(%dma_wait3A_1399 : memref<1000000x64xf32, #tpu.memory_space<hbm>>) dst(%dma_wait3A_1393 : memref<100x64xf32, #tpu.memory_space<vmem>>)
    %dma_wait3A_1400 = arith.constant 4 : i32
    %dma_wait3A_1401 = arith.constant 2 : i32
    %dma_wait3A_1402 = arith.constant 0 : i32
    %dma_wait3A_1403 = arith.constant 0 : i32
    %dma_wait3A_1404 = tpu.memref_slice %arg10[%dma_wait3A_1401, %dma_wait3A_1402, %dma_wait3A_1403] : memref<4x200x64xf32, #tpu.memory_space<vmem>> -> memref<1x100x64xf32, #tpu.memory_space<vmem>>
    %dma_wait3A_1405 = tpu.memref_squeeze %dma_wait3A_1404 : memref<1x100x64xf32, #tpu.memory_space<vmem>> -> memref<100x64xf32, #tpu.memory_space<vmem>>
    %dma_wait3A_1406 = arith.constant 0 : i32
    %dma_wait3A_1407 = tpu.memref_slice %arg8[%dma_wait3A_1400, %dma_wait3A_1406] : memref<8x100xi32, #tpu.memory_space<vmem>> -> memref<1x100xi32, #tpu.memory_space<vmem>>
    %dma_wait3A_1408 = tpu.memref_squeeze %dma_wait3A_1407 : memref<1x100xi32, #tpu.memory_space<vmem>> -> memref<100xi32, #tpu.memory_space<vmem>>
    %dma_wait3A_1409 = arith.constant 0 : i32
    %dma_wait3A_1410 = arith.constant 0 : i32
    %dma_wait3A_1411 = tpu.memref_slice %arg4[%dma_wait3A_1409, %dma_wait3A_1410] : memref<1000000x64xf32, #tpu.memory_space<hbm>> -> memref<1000000x64xf32, #tpu.memory_space<hbm>>
    tpu.wait_indirect_dma semaphore(%arg16 : memref<!tpu.dma_semaphore, #tpu.memory_space<semaphore_mem>>) src(%dma_wait3A_1411 : memref<1000000x64xf32, #tpu.memory_space<hbm>>) dst(%dma_wait3A_1405 : memref<100x64xf32, #tpu.memory_space<vmem>>)
    %dma_wait3A_1412 = arith.constant 5 : i32
    %dma_wait3A_1413 = arith.constant 2 : i32
    %dma_wait3A_1414 = arith.constant 100 : i32
    %dma_wait3A_1415 = arith.constant 0 : i32
    %dma_wait3A_1416 = tpu.memref_slice %arg10[%dma_wait3A_1413, %dma_wait3A_1414, %dma_wait3A_1415] : memref<4x200x64xf32, #tpu.memory_space<vmem>> -> memref<1x100x64xf32, #tpu.memory_space<vmem>>
    %dma_wait3A_1417 = tpu.memref_squeeze %dma_wait3A_1416 : memref<1x100x64xf32, #tpu.memory_space<vmem>> -> memref<100x64xf32, #tpu.memory_space<vmem>>
    %dma_wait3A_1418 = arith.constant 0 : i32
    %dma_wait3A_1419 = tpu.memref_slice %arg8[%dma_wait3A_1412, %dma_wait3A_1418] : memref<8x100xi32, #tpu.memory_space<vmem>> -> memref<1x100xi32, #tpu.memory_space<vmem>>
    %dma_wait3A_1420 = tpu.memref_squeeze %dma_wait3A_1419 : memref<1x100xi32, #tpu.memory_space<vmem>> -> memref<100xi32, #tpu.memory_space<vmem>>
    %dma_wait3A_1421 = arith.constant 0 : i32
    %dma_wait3A_1422 = arith.constant 0 : i32
    %dma_wait3A_1423 = tpu.memref_slice %arg4[%dma_wait3A_1421, %dma_wait3A_1422] : memref<1000000x64xf32, #tpu.memory_space<hbm>> -> memref<1000000x64xf32, #tpu.memory_space<hbm>>
    tpu.wait_indirect_dma semaphore(%arg16 : memref<!tpu.dma_semaphore, #tpu.memory_space<semaphore_mem>>) src(%dma_wait3A_1423 : memref<1000000x64xf32, #tpu.memory_space<hbm>>) dst(%dma_wait3A_1417 : memref<100x64xf32, #tpu.memory_space<vmem>>)
    %dma_wait3A_1424 = arith.constant 6 : i32
    %dma_wait3A_1425 = arith.constant 3 : i32
    %dma_wait3A_1426 = arith.constant 0 : i32
    %dma_wait3A_1427 = arith.constant 0 : i32
    %dma_wait3A_1428 = tpu.memref_slice %arg10[%dma_wait3A_1425, %dma_wait3A_1426, %dma_wait3A_1427] : memref<4x200x64xf32, #tpu.memory_space<vmem>> -> memref<1x100x64xf32, #tpu.memory_space<vmem>>
    %dma_wait3A_1429 = tpu.memref_squeeze %dma_wait3A_1428 : memref<1x100x64xf32, #tpu.memory_space<vmem>> -> memref<100x64xf32, #tpu.memory_space<vmem>>
    %dma_wait3A_1430 = arith.constant 0 : i32
    %dma_wait3A_1431 = tpu.memref_slice %arg8[%dma_wait3A_1424, %dma_wait3A_1430] : memref<8x100xi32, #tpu.memory_space<vmem>> -> memref<1x100xi32, #tpu.memory_space<vmem>>
    %dma_wait3A_1432 = tpu.memref_squeeze %dma_wait3A_1431 : memref<1x100xi32, #tpu.memory_space<vmem>> -> memref<100xi32, #tpu.memory_space<vmem>>
    %dma_wait3A_1433 = arith.constant 0 : i32
    %dma_wait3A_1434 = arith.constant 0 : i32
    %dma_wait3A_1435 = tpu.memref_slice %arg4[%dma_wait3A_1433, %dma_wait3A_1434] : memref<1000000x64xf32, #tpu.memory_space<hbm>> -> memref<1000000x64xf32, #tpu.memory_space<hbm>>
    tpu.wait_indirect_dma semaphore(%arg16 : memref<!tpu.dma_semaphore, #tpu.memory_space<semaphore_mem>>) src(%dma_wait3A_1435 : memref<1000000x64xf32, #tpu.memory_space<hbm>>) dst(%dma_wait3A_1429 : memref<100x64xf32, #tpu.memory_space<vmem>>)
    %dma_wait3A_1436 = arith.constant 7 : i32
    %dma_wait3A_1437 = arith.constant 3 : i32
    %dma_wait3A_1438 = arith.constant 100 : i32
    %dma_wait3A_1439 = arith.constant 0 : i32
    %dma_wait3A_1440 = tpu.memref_slice %arg10[%dma_wait3A_1437, %dma_wait3A_1438, %dma_wait3A_1439] : memref<4x200x64xf32, #tpu.memory_space<vmem>> -> memref<1x100x64xf32, #tpu.memory_space<vmem>>
    %dma_wait3A_1441 = tpu.memref_squeeze %dma_wait3A_1440 : memref<1x100x64xf32, #tpu.memory_space<vmem>> -> memref<100x64xf32, #tpu.memory_space<vmem>>
    %dma_wait3A_1442 = arith.constant 0 : i32
    %dma_wait3A_1443 = tpu.memref_slice %arg8[%dma_wait3A_1436, %dma_wait3A_1442] : memref<8x100xi32, #tpu.memory_space<vmem>> -> memref<1x100xi32, #tpu.memory_space<vmem>>
    %dma_wait3A_1444 = tpu.memref_squeeze %dma_wait3A_1443 : memref<1x100xi32, #tpu.memory_space<vmem>> -> memref<100xi32, #tpu.memory_space<vmem>>
    %dma_wait3A_1445 = arith.constant 0 : i32
    %dma_wait3A_1446 = arith.constant 0 : i32
    %dma_wait3A_1447 = tpu.memref_slice %arg4[%dma_wait3A_1445, %dma_wait3A_1446] : memref<1000000x64xf32, #tpu.memory_space<hbm>> -> memref<1000000x64xf32, #tpu.memory_space<hbm>>
    tpu.wait_indirect_dma semaphore(%arg16 : memref<!tpu.dma_semaphore, #tpu.memory_space<semaphore_mem>>) src(%dma_wait3A_1447 : memref<1000000x64xf32, #tpu.memory_space<hbm>>) dst(%dma_wait3A_1441 : memref<100x64xf32, #tpu.memory_space<vmem>>)
    %scan3A_1448 = arith.constant 0 : i32
    %scan3A_1449 = arith.constant 0 : i32
    %scan3A_1450 = arith.constant 200 : i32
    %scan3A_1451 = arith.addi %scan3A_1449, %scan3A_1450 : i32
    %scan3A_1452 = arith.constant 1 : i32
    scf.for %scan3A_1806 = %scan3A_1449 to %scan3A_1451 step %scan3A_1452  : i32 {
      %get3A = arith.index_cast %scan3A_1806 : i32 to index
      %get3A_1807 = arith.constant 0 : index
      %get3A_1808 = tpu.vector_load %arg11[%get3A, %get3A_1807] {strides = array<i32>} : memref<200x64xf32, #tpu.memory_space<vmem>>, vector<1x16xf32>,
      %get3A_1809 = vector.shape_cast %get3A_1808 : vector<1x16xf32> to vector<16xf32>
      %get3A_1810 = arith.constant 0 : i32
      %get3A_1811 = arith.index_cast %get3A_1810 : i32 to index
      %get3A_1812 = arith.index_cast %scan3A_1806 : i32 to index
      %get3A_1813 = arith.constant 0 : index
      %get3A_1814 = tpu.vector_load %arg10[%get3A_1811, %get3A_1812, %get3A_1813] {strides = array<i32>} : memref<4x200x64xf32, #tpu.memory_space<vmem>>, vector<1x1x16xf32>,
      %get3A_1815 = vector.shape_cast %get3A_1814 : vector<1x1x16xf32> to vector<16xf32>
      %add3A_1816 = arith.addf %get3A_1815, %get3A_1809 : vector<16xf32>
      %swap3A = arith.constant 0 : i32
      %swap3A_1817 = arith.index_cast %swap3A : i32 to index
      %swap3A_1818 = arith.index_cast %scan3A_1806 : i32 to index
      %swap3A_1819 = arith.constant 0 : index
      %swap3A_1820 = tpu.vector_load %arg10[%swap3A_1817, %swap3A_1818, %swap3A_1819] {strides = array<i32>} : memref<4x200x64xf32, #tpu.memory_space<vmem>>, vector<1x1x16xf32>,
      %swap3A_1821 = vector.shape_cast %swap3A_1820 : vector<1x1x16xf32> to vector<16xf32>
      %swap3A_1822 = vector.shape_cast %add3A_1816 : vector<16xf32> to vector<1x1x16xf32>
      tpu.vector_store %arg10[%swap3A_1817, %swap3A_1818, %swap3A_1819], %swap3A_1822 {strides = array<i32>} : memref<4x200x64xf32, #tpu.memory_space<vmem>>, vector<1x1x16xf32>,
      %get3A_1823 = arith.constant 1 : i32
      %get3A_1824 = arith.index_cast %get3A_1823 : i32 to index
      %get3A_1825 = arith.index_cast %scan3A_1806 : i32 to index
      %get3A_1826 = arith.constant 0 : index
      %get3A_1827 = tpu.vector_load %arg10[%get3A_1824, %get3A_1825, %get3A_1826] {strides = array<i32>} : memref<4x200x64xf32, #tpu.memory_space<vmem>>, vector<1x1x16xf32>,
      %get3A_1828 = vector.shape_cast %get3A_1827 : vector<1x1x16xf32> to vector<16xf32>
      %add3A_1829 = arith.addf %get3A_1828, %get3A_1809 : vector<16xf32>
      %swap3A_1830 = arith.constant 1 : i32
      %swap3A_1831 = arith.index_cast %swap3A_1830 : i32 to index
      %swap3A_1832 = arith.index_cast %scan3A_1806 : i32 to index
      %swap3A_1833 = arith.constant 0 : index
      %swap3A_1834 = tpu.vector_load %arg10[%swap3A_1831, %swap3A_1832, %swap3A_1833] {strides = array<i32>} : memref<4x200x64xf32, #tpu.memory_space<vmem>>, vector<1x1x16xf32>,
      %swap3A_1835 = vector.shape_cast %swap3A_1834 : vector<1x1x16xf32> to vector<16xf32>
      %swap3A_1836 = vector.shape_cast %add3A_1829 : vector<16xf32> to vector<1x1x16xf32>
      tpu.vector_store %arg10[%swap3A_1831, %swap3A_1832, %swap3A_1833], %swap3A_1836 {strides = array<i32>} : memref<4x200x64xf32, #tpu.memory_space<vmem>>, vector<1x1x16xf32>,
      %get3A_1837 = arith.constant 2 : i32
      %get3A_1838 = arith.index_cast %get3A_1837 : i32 to index
      %get3A_1839 = arith.index_cast %scan3A_1806 : i32 to index
      %get3A_1840 = arith.constant 0 : index
      %get3A_1841 = tpu.vector_load %arg10[%get3A_1838, %get3A_1839, %get3A_1840] {strides = array<i32>} : memref<4x200x64xf32, #tpu.memory_space<vmem>>, vector<1x1x16xf32>,
      %get3A_1842 = vector.shape_cast %get3A_1841 : vector<1x1x16xf32> to vector<16xf32>
      %add3A_1843 = arith.addf %get3A_1842, %get3A_1809 : vector<16xf32>
      %swap3A_1844 = arith.constant 2 : i32
      %swap3A_1845 = arith.index_cast %swap3A_1844 : i32 to index
      %swap3A_1846 = arith.index_cast %scan3A_1806 : i32 to index
      %swap3A_1847 = arith.constant 0 : index
      %swap3A_1848 = tpu.vector_load %arg10[%swap3A_1845, %swap3A_1846, %swap3A_1847] {strides = array<i32>} : memref<4x200x64xf32, #tpu.memory_space<vmem>>, vector<1x1x16xf32>,
      %swap3A_1849 = vector.shape_cast %swap3A_1848 : vector<1x1x16xf32> to vector<16xf32>
      %swap3A_1850 = vector.shape_cast %add3A_1843 : vector<16xf32> to vector<1x1x16xf32>
      tpu.vector_store %arg10[%swap3A_1845, %swap3A_1846, %swap3A_1847], %swap3A_1850 {strides = array<i32>} : memref<4x200x64xf32, #tpu.memory_space<vmem>>, vector<1x1x16xf32>,
      %get3A_1851 = arith.constant 3 : i32
      %get3A_1852 = arith.index_cast %get3A_1851 : i32 to index
      %get3A_1853 = arith.index_cast %scan3A_1806 : i32 to index
      %get3A_1854 = arith.constant 0 : index
      %get3A_1855 = tpu.vector_load %arg10[%get3A_1852, %get3A_1853, %get3A_1854] {strides = array<i32>} : memref<4x200x64xf32, #tpu.memory_space<vmem>>, vector<1x1x16xf32>,
      %get3A_1856 = vector.shape_cast %get3A_1855 : vector<1x1x16xf32> to vector<16xf32>
      %add3A_1857 = arith.addf %get3A_1856, %get3A_1809 : vector<16xf32>
      %swap3A_1858 = arith.constant 3 : i32
      %swap3A_1859 = arith.index_cast %swap3A_1858 : i32 to index
      %swap3A_1860 = arith.index_cast %scan3A_1806 : i32 to index
      %swap3A_1861 = arith.constant 0 : index
      %swap3A_1862 = tpu.vector_load %arg10[%swap3A_1859, %swap3A_1860, %swap3A_1861] {strides = array<i32>} : memref<4x200x64xf32, #tpu.memory_space<vmem>>, vector<1x1x16xf32>,
      %swap3A_1863 = vector.shape_cast %swap3A_1862 : vector<1x1x16xf32> to vector<16xf32>
      %swap3A_1864 = vector.shape_cast %add3A_1857 : vector<16xf32> to vector<1x1x16xf32>
      tpu.vector_store %arg10[%swap3A_1859, %swap3A_1860, %swap3A_1861], %swap3A_1864 {strides = array<i32>} : memref<4x200x64xf32, #tpu.memory_space<vmem>>, vector<1x1x16xf32>,
      %get3A_1865 = arith.index_cast %scan3A_1806 : i32 to index
      %get3A_1866 = arith.constant 16 : index
      %get3A_1867 = tpu.vector_load %arg11[%get3A_1865, %get3A_1866] {strides = array<i32>} : memref<200x64xf32, #tpu.memory_space<vmem>>, vector<1x16xf32>,
      %get3A_1868 = vector.shape_cast %get3A_1867 : vector<1x16xf32> to vector<16xf32>
      %get3A_1869 = arith.constant 0 : i32
      %get3A_1870 = arith.index_cast %get3A_1869 : i32 to index
      %get3A_1871 = arith.index_cast %scan3A_1806 : i32 to index
      %get3A_1872 = arith.constant 16 : index
      %get3A_1873 = tpu.vector_load %arg10[%get3A_1870, %get3A_1871, %get3A_1872] {strides = array<i32>} : memref<4x200x64xf32, #tpu.memory_space<vmem>>, vector<1x1x16xf32>,
      %get3A_1874 = vector.shape_cast %get3A_1873 : vector<1x1x16xf32> to vector<16xf32>
      %add3A_1875 = arith.addf %get3A_1874, %get3A_1868 : vector<16xf32>
      %swap3A_1876 = arith.constant 0 : i32
      %swap3A_1877 = arith.index_cast %swap3A_1876 : i32 to index
      %swap3A_1878 = arith.index_cast %scan3A_1806 : i32 to index
      %swap3A_1879 = arith.constant 16 : index
      %swap3A_1880 = tpu.vector_load %arg10[%swap3A_1877, %swap3A_1878, %swap3A_1879] {strides = array<i32>} : memref<4x200x64xf32, #tpu.memory_space<vmem>>, vector<1x1x16xf32>,
      %swap3A_1881 = vector.shape_cast %swap3A_1880 : vector<1x1x16xf32> to vector<16xf32>
      %swap3A_1882 = vector.shape_cast %add3A_1875 : vector<16xf32> to vector<1x1x16xf32>
      tpu.vector_store %arg10[%swap3A_1877, %swap3A_1878, %swap3A_1879], %swap3A_1882 {strides = array<i32>} : memref<4x200x64xf32, #tpu.memory_space<vmem>>, vector<1x1x16xf32>,
      %get3A_1883 = arith.constant 1 : i32
      %get3A_1884 = arith.index_cast %get3A_1883 : i32 to index
      %get3A_1885 = arith.index_cast %scan3A_1806 : i32 to index
      %get3A_1886 = arith.constant 16 : index
      %get3A_1887 = tpu.vector_load %arg10[%get3A_1884, %get3A_1885, %get3A_1886] {strides = array<i32>} : memref<4x200x64xf32, #tpu.memory_space<vmem>>, vector<1x1x16xf32>,
      %get3A_1888 = vector.shape_cast %get3A_1887 : vector<1x1x16xf32> to vector<16xf32>
      %add3A_1889 = arith.addf %get3A_1888, %get3A_1868 : vector<16xf32>
      %swap3A_1890 = arith.constant 1 : i32
      %swap3A_1891 = arith.index_cast %swap3A_1890 : i32 to index
      %swap3A_1892 = arith.index_cast %scan3A_1806 : i32 to index
      %swap3A_1893 = arith.constant 16 : index
      %swap3A_1894 = tpu.vector_load %arg10[%swap3A_1891, %swap3A_1892, %swap3A_1893] {strides = array<i32>} : memref<4x200x64xf32, #tpu.memory_space<vmem>>, vector<1x1x16xf32>,
      %swap3A_1895 = vector.shape_cast %swap3A_1894 : vector<1x1x16xf32> to vector<16xf32>
      %swap3A_1896 = vector.shape_cast %add3A_1889 : vector<16xf32> to vector<1x1x16xf32>
      tpu.vector_store %arg10[%swap3A_1891, %swap3A_1892, %swap3A_1893], %swap3A_1896 {strides = array<i32>} : memref<4x200x64xf32, #tpu.memory_space<vmem>>, vector<1x1x16xf32>,
      %get3A_1897 = arith.constant 2 : i32
      %get3A_1898 = arith.index_cast %get3A_1897 : i32 to index
      %get3A_1899 = arith.index_cast %scan3A_1806 : i32 to index
      %get3A_1900 = arith.constant 16 : index
      %get3A_1901 = tpu.vector_load %arg10[%get3A_1898, %get3A_1899, %get3A_1900] {strides = array<i32>} : memref<4x200x64xf32, #tpu.memory_space<vmem>>, vector<1x1x16xf32>,
      %get3A_1902 = vector.shape_cast %get3A_1901 : vector<1x1x16xf32> to vector<16xf32>
      %add3A_1903 = arith.addf %get3A_1902, %get3A_1868 : vector<16xf32>
      %swap3A_1904 = arith.constant 2 : i32
      %swap3A_1905 = arith.index_cast %swap3A_1904 : i32 to index
      %swap3A_1906 = arith.index_cast %scan3A_1806 : i32 to index
      %swap3A_1907 = arith.constant 16 : index
      %swap3A_1908 = tpu.vector_load %arg10[%swap3A_1905, %swap3A_1906, %swap3A_1907] {strides = array<i32>} : memref<4x200x64xf32, #tpu.memory_space<vmem>>, vector<1x1x16xf32>,
      %swap3A_1909 = vector.shape_cast %swap3A_1908 : vector<1x1x16xf32> to vector<16xf32>
      %swap3A_1910 = vector.shape_cast %add3A_1903 : vector<16xf32> to vector<1x1x16xf32>
      tpu.vector_store %arg10[%swap3A_1905, %swap3A_1906, %swap3A_1907], %swap3A_1910 {strides = array<i32>} : memref<4x200x64xf32, #tpu.memory_space<vmem>>, vector<1x1x16xf32>,
      %get3A_1911 = arith.constant 3 : i32
      %get3A_1912 = arith.index_cast %get3A_1911 : i32 to index
      %get3A_1913 = arith.index_cast %scan3A_1806 : i32 to index
      %get3A_1914 = arith.constant 16 : index
      %get3A_1915 = tpu.vector_load %arg10[%get3A_1912, %get3A_1913, %get3A_1914] {strides = array<i32>} : memref<4x200x64xf32, #tpu.memory_space<vmem>>, vector<1x1x16xf32>,
      %get3A_1916 = vector.shape_cast %get3A_1915 : vector<1x1x16xf32> to vector<16xf32>
      %add3A_1917 = arith.addf %get3A_1916, %get3A_1868 : vector<16xf32>
      %swap3A_1918 = arith.constant 3 : i32
      %swap3A_1919 = arith.index_cast %swap3A_1918 : i32 to index
      %swap3A_1920 = arith.index_cast %scan3A_1806 : i32 to index
      %swap3A_1921 = arith.constant 16 : index
      %swap3A_1922 = tpu.vector_load %arg10[%swap3A_1919, %swap3A_1920, %swap3A_1921] {strides = array<i32>} : memref<4x200x64xf32, #tpu.memory_space<vmem>>, vector<1x1x16xf32>,
      %swap3A_1923 = vector.shape_cast %swap3A_1922 : vector<1x1x16xf32> to vector<16xf32>
      %swap3A_1924 = vector.shape_cast %add3A_1917 : vector<16xf32> to vector<1x1x16xf32>
      tpu.vector_store %arg10[%swap3A_1919, %swap3A_1920, %swap3A_1921], %swap3A_1924 {strides = array<i32>} : memref<4x200x64xf32, #tpu.memory_space<vmem>>, vector<1x1x16xf32>,
      %get3A_1925 = arith.index_cast %scan3A_1806 : i32 to index
      %get3A_1926 = arith.constant 32 : index
      %get3A_1927 = tpu.vector_load %arg11[%get3A_1925, %get3A_1926] {strides = array<i32>} : memref<200x64xf32, #tpu.memory_space<vmem>>, vector<1x16xf32>,
      %get3A_1928 = vector.shape_cast %get3A_1927 : vector<1x16xf32> to vector<16xf32>
      %get3A_1929 = arith.constant 0 : i32
      %get3A_1930 = arith.index_cast %get3A_1929 : i32 to index
      %get3A_1931 = arith.index_cast %scan3A_1806 : i32 to index
      %get3A_1932 = arith.constant 32 : index
      %get3A_1933 = tpu.vector_load %arg10[%get3A_1930, %get3A_1931, %get3A_1932] {strides = array<i32>} : memref<4x200x64xf32, #tpu.memory_space<vmem>>, vector<1x1x16xf32>,
      %get3A_1934 = vector.shape_cast %get3A_1933 : vector<1x1x16xf32> to vector<16xf32>
      %add3A_1935 = arith.addf %get3A_1934, %get3A_1928 : vector<16xf32>
      %swap3A_1936 = arith.constant 0 : i32
      %swap3A_1937 = arith.index_cast %swap3A_1936 : i32 to index
      %swap3A_1938 = arith.index_cast %scan3A_1806 : i32 to index
      %swap3A_1939 = arith.constant 32 : index
      %swap3A_1940 = tpu.vector_load %arg10[%swap3A_1937, %swap3A_1938, %swap3A_1939] {strides = array<i32>} : memref<4x200x64xf32, #tpu.memory_space<vmem>>, vector<1x1x16xf32>,
      %swap3A_1941 = vector.shape_cast %swap3A_1940 : vector<1x1x16xf32> to vector<16xf32>
      %swap3A_1942 = vector.shape_cast %add3A_1935 : vector<16xf32> to vector<1x1x16xf32>
      tpu.vector_store %arg10[%swap3A_1937, %swap3A_1938, %swap3A_1939], %swap3A_1942 {strides = array<i32>} : memref<4x200x64xf32, #tpu.memory_space<vmem>>, vector<1x1x16xf32>,
      %get3A_1943 = arith.constant 1 : i32
      %get3A_1944 = arith.index_cast %get3A_1943 : i32 to index
      %get3A_1945 = arith.index_cast %scan3A_1806 : i32 to index
      %get3A_1946 = arith.constant 32 : index
      %get3A_1947 = tpu.vector_load %arg10[%get3A_1944, %get3A_1945, %get3A_1946] {strides = array<i32>} : memref<4x200x64xf32, #tpu.memory_space<vmem>>, vector<1x1x16xf32>,
      %get3A_1948 = vector.shape_cast %get3A_1947 : vector<1x1x16xf32> to vector<16xf32>
      %add3A_1949 = arith.addf %get3A_1948, %get3A_1928 : vector<16xf32>
      %swap3A_1950 = arith.constant 1 : i32
      %swap3A_1951 = arith.index_cast %swap3A_1950 : i32 to index
      %swap3A_1952 = arith.index_cast %scan3A_1806 : i32 to index
      %swap3A_1953 = arith.constant 32 : index
      %swap3A_1954 = tpu.vector_load %arg10[%swap3A_1951, %swap3A_1952, %swap3A_1953] {strides = array<i32>} : memref<4x200x64xf32, #tpu.memory_space<vmem>>, vector<1x1x16xf32>,
      %swap3A_1955 = vector.shape_cast %swap3A_1954 : vector<1x1x16xf32> to vector<16xf32>
      %swap3A_1956 = vector.shape_cast %add3A_1949 : vector<16xf32> to vector<1x1x16xf32>
      tpu.vector_store %arg10[%swap3A_1951, %swap3A_1952, %swap3A_1953], %swap3A_1956 {strides = array<i32>} : memref<4x200x64xf32, #tpu.memory_space<vmem>>, vector<1x1x16xf32>,
      %get3A_1957 = arith.constant 2 : i32
      %get3A_1958 = arith.index_cast %get3A_1957 : i32 to index
      %get3A_1959 = arith.index_cast %scan3A_1806 : i32 to index
      %get3A_1960 = arith.constant 32 : index
      %get3A_1961 = tpu.vector_load %arg10[%get3A_1958, %get3A_1959, %get3A_1960] {strides = array<i32>} : memref<4x200x64xf32, #tpu.memory_space<vmem>>, vector<1x1x16xf32>,
      %get3A_1962 = vector.shape_cast %get3A_1961 : vector<1x1x16xf32> to vector<16xf32>
      %add3A_1963 = arith.addf %get3A_1962, %get3A_1928 : vector<16xf32>
      %swap3A_1964 = arith.constant 2 : i32
      %swap3A_1965 = arith.index_cast %swap3A_1964 : i32 to index
      %swap3A_1966 = arith.index_cast %scan3A_1806 : i32 to index
      %swap3A_1967 = arith.constant 32 : index
      %swap3A_1968 = tpu.vector_load %arg10[%swap3A_1965, %swap3A_1966, %swap3A_1967] {strides = array<i32>} : memref<4x200x64xf32, #tpu.memory_space<vmem>>, vector<1x1x16xf32>,
      %swap3A_1969 = vector.shape_cast %swap3A_1968 : vector<1x1x16xf32> to vector<16xf32>
      %swap3A_1970 = vector.shape_cast %add3A_1963 : vector<16xf32> to vector<1x1x16xf32>
      tpu.vector_store %arg10[%swap3A_1965, %swap3A_1966, %swap3A_1967], %swap3A_1970 {strides = array<i32>} : memref<4x200x64xf32, #tpu.memory_space<vmem>>, vector<1x1x16xf32>,
      %get3A_1971 = arith.constant 3 : i32
      %get3A_1972 = arith.index_cast %get3A_1971 : i32 to index
      %get3A_1973 = arith.index_cast %scan3A_1806 : i32 to index
      %get3A_1974 = arith.constant 32 : index
      %get3A_1975 = tpu.vector_load %arg10[%get3A_1972, %get3A_1973, %get3A_1974] {strides = array<i32>} : memref<4x200x64xf32, #tpu.memory_space<vmem>>, vector<1x1x16xf32>,
      %get3A_1976 = vector.shape_cast %get3A_1975 : vector<1x1x16xf32> to vector<16xf32>
      %add3A_1977 = arith.addf %get3A_1976, %get3A_1928 : vector<16xf32>
      %swap3A_1978 = arith.constant 3 : i32
      %swap3A_1979 = arith.index_cast %swap3A_1978 : i32 to index
      %swap3A_1980 = arith.index_cast %scan3A_1806 : i32 to index
      %swap3A_1981 = arith.constant 32 : index
      %swap3A_1982 = tpu.vector_load %arg10[%swap3A_1979, %swap3A_1980, %swap3A_1981] {strides = array<i32>} : memref<4x200x64xf32, #tpu.memory_space<vmem>>, vector<1x1x16xf32>,
      %swap3A_1983 = vector.shape_cast %swap3A_1982 : vector<1x1x16xf32> to vector<16xf32>
      %swap3A_1984 = vector.shape_cast %add3A_1977 : vector<16xf32> to vector<1x1x16xf32>
      tpu.vector_store %arg10[%swap3A_1979, %swap3A_1980, %swap3A_1981], %swap3A_1984 {strides = array<i32>} : memref<4x200x64xf32, #tpu.memory_space<vmem>>, vector<1x1x16xf32>,
      %get3A_1985 = arith.index_cast %scan3A_1806 : i32 to index
      %get3A_1986 = arith.constant 48 : index
      %get3A_1987 = tpu.vector_load %arg11[%get3A_1985, %get3A_1986] {strides = array<i32>} : memref<200x64xf32, #tpu.memory_space<vmem>>, vector<1x16xf32>,
      %get3A_1988 = vector.shape_cast %get3A_1987 : vector<1x16xf32> to vector<16xf32>
      %get3A_1989 = arith.constant 0 : i32
      %get3A_1990 = arith.index_cast %get3A_1989 : i32 to index
      %get3A_1991 = arith.index_cast %scan3A_1806 : i32 to index
      %get3A_1992 = arith.constant 48 : index
      %get3A_1993 = tpu.vector_load %arg10[%get3A_1990, %get3A_1991, %get3A_1992] {strides = array<i32>} : memref<4x200x64xf32, #tpu.memory_space<vmem>>, vector<1x1x16xf32>,
      %get3A_1994 = vector.shape_cast %get3A_1993 : vector<1x1x16xf32> to vector<16xf32>
      %add3A_1995 = arith.addf %get3A_1994, %get3A_1988 : vector<16xf32>
      %swap3A_1996 = arith.constant 0 : i32
      %swap3A_1997 = arith.index_cast %swap3A_1996 : i32 to index
      %swap3A_1998 = arith.index_cast %scan3A_1806 : i32 to index
      %swap3A_1999 = arith.constant 48 : index
      %swap3A_2000 = tpu.vector_load %arg10[%swap3A_1997, %swap3A_1998, %swap3A_1999] {strides = array<i32>} : memref<4x200x64xf32, #tpu.memory_space<vmem>>, vector<1x1x16xf32>,
      %swap3A_2001 = vector.shape_cast %swap3A_2000 : vector<1x1x16xf32> to vector<16xf32>
      %swap3A_2002 = vector.shape_cast %add3A_1995 : vector<16xf32> to vector<1x1x16xf32>
      tpu.vector_store %arg10[%swap3A_1997, %swap3A_1998, %swap3A_1999], %swap3A_2002 {strides = array<i32>} : memref<4x200x64xf32, #tpu.memory_space<vmem>>, vector<1x1x16xf32>,
      %get3A_2003 = arith.constant 1 : i32
      %get3A_2004 = arith.index_cast %get3A_2003 : i32 to index
      %get3A_2005 = arith.index_cast %scan3A_1806 : i32 to index
      %get3A_2006 = arith.constant 48 : index
      %get3A_2007 = tpu.vector_load %arg10[%get3A_2004, %get3A_2005, %get3A_2006] {strides = array<i32>} : memref<4x200x64xf32, #tpu.memory_space<vmem>>, vector<1x1x16xf32>,
      %get3A_2008 = vector.shape_cast %get3A_2007 : vector<1x1x16xf32> to vector<16xf32>
      %add3A_2009 = arith.addf %get3A_2008, %get3A_1988 : vector<16xf32>
      %swap3A_2010 = arith.constant 1 : i32
      %swap3A_2011 = arith.index_cast %swap3A_2010 : i32 to index
      %swap3A_2012 = arith.index_cast %scan3A_1806 : i32 to index
      %swap3A_2013 = arith.constant 48 : index
      %swap3A_2014 = tpu.vector_load %arg10[%swap3A_2011, %swap3A_2012, %swap3A_2013] {strides = array<i32>} : memref<4x200x64xf32, #tpu.memory_space<vmem>>, vector<1x1x16xf32>,
      %swap3A_2015 = vector.shape_cast %swap3A_2014 : vector<1x1x16xf32> to vector<16xf32>
      %swap3A_2016 = vector.shape_cast %add3A_2009 : vector<16xf32> to vector<1x1x16xf32>
      tpu.vector_store %arg10[%swap3A_2011, %swap3A_2012, %swap3A_2013], %swap3A_2016 {strides = array<i32>} : memref<4x200x64xf32, #tpu.memory_space<vmem>>, vector<1x1x16xf32>,
      %get3A_2017 = arith.constant 2 : i32
      %get3A_2018 = arith.index_cast %get3A_2017 : i32 to index
      %get3A_2019 = arith.index_cast %scan3A_1806 : i32 to index
      %get3A_2020 = arith.constant 48 : index
      %get3A_2021 = tpu.vector_load %arg10[%get3A_2018, %get3A_2019, %get3A_2020] {strides = array<i32>} : memref<4x200x64xf32, #tpu.memory_space<vmem>>, vector<1x1x16xf32>,
      %get3A_2022 = vector.shape_cast %get3A_2021 : vector<1x1x16xf32> to vector<16xf32>
      %add3A_2023 = arith.addf %get3A_2022, %get3A_1988 : vector<16xf32>
      %swap3A_2024 = arith.constant 2 : i32
      %swap3A_2025 = arith.index_cast %swap3A_2024 : i32 to index
      %swap3A_2026 = arith.index_cast %scan3A_1806 : i32 to index
      %swap3A_2027 = arith.constant 48 : index
      %swap3A_2028 = tpu.vector_load %arg10[%swap3A_2025, %swap3A_2026, %swap3A_2027] {strides = array<i32>} : memref<4x200x64xf32, #tpu.memory_space<vmem>>, vector<1x1x16xf32>,
      %swap3A_2029 = vector.shape_cast %swap3A_2028 : vector<1x1x16xf32> to vector<16xf32>
      %swap3A_2030 = vector.shape_cast %add3A_2023 : vector<16xf32> to vector<1x1x16xf32>
      tpu.vector_store %arg10[%swap3A_2025, %swap3A_2026, %swap3A_2027], %swap3A_2030 {strides = array<i32>} : memref<4x200x64xf32, #tpu.memory_space<vmem>>, vector<1x1x16xf32>,
      %get3A_2031 = arith.constant 3 : i32
      %get3A_2032 = arith.index_cast %get3A_2031 : i32 to index
      %get3A_2033 = arith.index_cast %scan3A_1806 : i32 to index
      %get3A_2034 = arith.constant 48 : index
      %get3A_2035 = tpu.vector_load %arg10[%get3A_2032, %get3A_2033, %get3A_2034] {strides = array<i32>} : memref<4x200x64xf32, #tpu.memory_space<vmem>>, vector<1x1x16xf32>,
      %get3A_2036 = vector.shape_cast %get3A_2035 : vector<1x1x16xf32> to vector<16xf32>
      %add3A_2037 = arith.addf %get3A_2036, %get3A_1988 : vector<16xf32>
      %swap3A_2038 = arith.constant 3 : i32
      %swap3A_2039 = arith.index_cast %swap3A_2038 : i32 to index
      %swap3A_2040 = arith.index_cast %scan3A_1806 : i32 to index
      %swap3A_2041 = arith.constant 48 : index
      %swap3A_2042 = tpu.vector_load %arg10[%swap3A_2039, %swap3A_2040, %swap3A_2041] {strides = array<i32>} : memref<4x200x64xf32, #tpu.memory_space<vmem>>, vector<1x1x16xf32>,
      %swap3A_2043 = vector.shape_cast %swap3A_2042 : vector<1x1x16xf32> to vector<16xf32>
      %swap3A_2044 = vector.shape_cast %add3A_2037 : vector<16xf32> to vector<1x1x16xf32>
      tpu.vector_store %arg10[%swap3A_2039, %swap3A_2040, %swap3A_2041], %swap3A_2044 {strides = array<i32>} : memref<4x200x64xf32, #tpu.memory_space<vmem>>, vector<1x1x16xf32>,
    }
    %scan3A_1453 = arith.constant 200 : i32
    %mul3A_1454 = arith.constant 32 : i32
    %mul3A_1455 = arith.muli %add3A, %mul3A_1454 : i32
    %add3A_1456 = arith.constant 20 : i32
    %add3A_1457 = arith.addi %mul3A_1455, %add3A_1456 : i32
    %dma_start3A_1458 = arith.constant 0 : i32
    %dma_start3A_1459 = arith.constant 0 : i32
    %dma_start3A_1460 = tpu.memref_slice %arg5[%add3A_1457, %dma_start3A_1458, %dma_start3A_1459] : memref<1024x200x64xf32, #tpu.memory_space<hbm>> -> memref<4x200x64xf32, #tpu.memory_space<hbm>>
    %dma_start3A_1461 = arith.constant 0 : i32
    %dma_start3A_1462 = arith.constant 0 : i32
    %dma_start3A_1463 = tpu.memref_slice %arg5[%add3A_1457, %dma_start3A_1461, %dma_start3A_1462] : memref<1024x200x64xf32, #tpu.memory_space<hbm>> -> memref<4x200x64xf32, #tpu.memory_space<hbm>>
    tpu.enqueue_dma source(%arg10 : memref<4x200x64xf32, #tpu.memory_space<vmem>>) target(%dma_start3A_1463 : memref<4x200x64xf32, #tpu.memory_space<hbm>>) target_semaphore(%arg18 : memref<!tpu.dma_semaphore, #tpu.memory_space<semaphore_mem>>)
    %dma_wait3A_1464 = arith.constant 0 : i32
    %dma_wait3A_1465 = tpu.memref_slice %arg2[%add3A_1347, %dma_wait3A_1464] : memref<2048x100xi32, #tpu.memory_space<hbm>> -> memref<8x100xi32, #tpu.memory_space<hbm>>
    %dma_wait3A_1466 = arith.constant 0 : i32
    %dma_wait3A_1467 = tpu.memref_slice %arg2[%add3A_1347, %dma_wait3A_1466] : memref<2048x100xi32, #tpu.memory_space<hbm>> -> memref<8x100xi32, #tpu.memory_space<hbm>>
    tpu.wait_dma2 semaphore(%arg13 : memref<!tpu.dma_semaphore, #tpu.memory_space<semaphore_mem>>) src(%dma_wait3A_1467 : memref<8x100xi32, #tpu.memory_space<hbm>>) dst(%arg7 : memref<8x100xi32, #tpu.memory_space<vmem>>)
    %dma_wait3A_1468 = arith.constant 0 : i32
    %dma_wait3A_1469 = arith.constant 0 : i32
    %dma_wait3A_1470 = tpu.memref_slice %arg5[%add3A_1457, %dma_wait3A_1468, %dma_wait3A_1469] : memref<1024x200x64xf32, #tpu.memory_space<hbm>> -> memref<4x200x64xf32, #tpu.memory_space<hbm>>
    %dma_wait3A_1471 = arith.constant 0 : i32
    %dma_wait3A_1472 = arith.constant 0 : i32
    %dma_wait3A_1473 = tpu.memref_slice %arg5[%add3A_1457, %dma_wait3A_1471, %dma_wait3A_1472] : memref<1024x200x64xf32, #tpu.memory_space<hbm>> -> memref<4x200x64xf32, #tpu.memory_space<hbm>>
    tpu.wait_dma2 semaphore(%arg18 : memref<!tpu.dma_semaphore, #tpu.memory_space<semaphore_mem>>) src(%arg10 : memref<4x200x64xf32, #tpu.memory_space<vmem>>) dst(%dma_wait3A_1473 : memref<4x200x64xf32, #tpu.memory_space<hbm>>)
    %dma_start3A_1474 = arith.constant 0 : i32
    %dma_start3A_1475 = arith.constant 0 : i32
    %dma_start3A_1476 = arith.constant 0 : i32
    %dma_start3A_1477 = arith.constant 0 : i32
    %dma_start3A_1478 = tpu.memref_slice %arg10[%dma_start3A_1475, %dma_start3A_1476, %dma_start3A_1477] : memref<4x200x64xf32, #tpu.memory_space<vmem>> -> memref<1x100x64xf32, #tpu.memory_space<vmem>>
    %dma_start3A_1479 = tpu.memref_squeeze %dma_start3A_1478 : memref<1x100x64xf32, #tpu.memory_space<vmem>> -> memref<100x64xf32, #tpu.memory_space<vmem>>
    %dma_start3A_1480 = arith.constant 0 : i32
    %dma_start3A_1481 = tpu.memref_slice %arg7[%dma_start3A_1474, %dma_start3A_1480] : memref<8x100xi32, #tpu.memory_space<vmem>> -> memref<1x100xi32, #tpu.memory_space<vmem>>
    %dma_start3A_1482 = tpu.memref_squeeze %dma_start3A_1481 : memref<1x100xi32, #tpu.memory_space<vmem>> -> memref<100xi32, #tpu.memory_space<vmem>>
    %dma_start3A_1483 = arith.constant 0 : i32
    %dma_start3A_1484 = arith.constant 0 : i32
    %dma_start3A_1485 = tpu.memref_slice %arg4[%dma_start3A_1483, %dma_start3A_1484] : memref<1000000x64xf32, #tpu.memory_space<hbm>> -> memref<1000000x64xf32, #tpu.memory_space<hbm>>
    tpu.enqueue_indirect_dma source(%dma_start3A_1485 : memref<1000000x64xf32, #tpu.memory_space<hbm>>) target(%dma_start3A_1479 : memref<100x64xf32, #tpu.memory_space<vmem>>) offsets(%dma_start3A_1482 : memref<100xi32, #tpu.memory_space<vmem>>) semaphore(%arg16 : memref<!tpu.dma_semaphore, #tpu.memory_space<semaphore_mem>>)
    %dma_start3A_1486 = arith.constant 1 : i32
    %dma_start3A_1487 = arith.constant 0 : i32
    %dma_start3A_1488 = arith.constant 100 : i32
    %dma_start3A_1489 = arith.constant 0 : i32
    %dma_start3A_1490 = tpu.memref_slice %arg10[%dma_start3A_1487, %dma_start3A_1488, %dma_start3A_1489] : memref<4x200x64xf32, #tpu.memory_space<vmem>> -> memref<1x100x64xf32, #tpu.memory_space<vmem>>
    %dma_start3A_1491 = tpu.memref_squeeze %dma_start3A_1490 : memref<1x100x64xf32, #tpu.memory_space<vmem>> -> memref<100x64xf32, #tpu.memory_space<vmem>>
    %dma_start3A_1492 = arith.constant 0 : i32
    %dma_start3A_1493 = tpu.memref_slice %arg7[%dma_start3A_1486, %dma_start3A_1492] : memref<8x100xi32, #tpu.memory_space<vmem>> -> memref<1x100xi32, #tpu.memory_space<vmem>>
    %dma_start3A_1494 = tpu.memref_squeeze %dma_start3A_1493 : memref<1x100xi32, #tpu.memory_space<vmem>> -> memref<100xi32, #tpu.memory_space<vmem>>
    %dma_start3A_1495 = arith.constant 0 : i32
    %dma_start3A_1496 = arith.constant 0 : i32
    %dma_start3A_1497 = tpu.memref_slice %arg4[%dma_start3A_1495, %dma_start3A_1496] : memref<1000000x64xf32, #tpu.memory_space<hbm>> -> memref<1000000x64xf32, #tpu.memory_space<hbm>>
    tpu.enqueue_indirect_dma source(%dma_start3A_1497 : memref<1000000x64xf32, #tpu.memory_space<hbm>>) target(%dma_start3A_1491 : memref<100x64xf32, #tpu.memory_space<vmem>>) offsets(%dma_start3A_1494 : memref<100xi32, #tpu.memory_space<vmem>>) semaphore(%arg16 : memref<!tpu.dma_semaphore, #tpu.memory_space<semaphore_mem>>)
    %dma_start3A_1498 = arith.constant 2 : i32
    %dma_start3A_1499 = arith.constant 1 : i32
    %dma_start3A_1500 = arith.constant 0 : i32
    %dma_start3A_1501 = arith.constant 0 : i32
    %dma_start3A_1502 = tpu.memref_slice %arg10[%dma_start3A_1499, %dma_start3A_1500, %dma_start3A_1501] : memref<4x200x64xf32, #tpu.memory_space<vmem>> -> memref<1x100x64xf32, #tpu.memory_space<vmem>>
    %dma_start3A_1503 = tpu.memref_squeeze %dma_start3A_1502 : memref<1x100x64xf32, #tpu.memory_space<vmem>> -> memref<100x64xf32, #tpu.memory_space<vmem>>
    %dma_start3A_1504 = arith.constant 0 : i32
    %dma_start3A_1505 = tpu.memref_slice %arg7[%dma_start3A_1498, %dma_start3A_1504] : memref<8x100xi32, #tpu.memory_space<vmem>> -> memref<1x100xi32, #tpu.memory_space<vmem>>
    %dma_start3A_1506 = tpu.memref_squeeze %dma_start3A_1505 : memref<1x100xi32, #tpu.memory_space<vmem>> -> memref<100xi32, #tpu.memory_space<vmem>>
    %dma_start3A_1507 = arith.constant 0 : i32
    %dma_start3A_1508 = arith.constant 0 : i32
    %dma_start3A_1509 = tpu.memref_slice %arg4[%dma_start3A_1507, %dma_start3A_1508] : memref<1000000x64xf32, #tpu.memory_space<hbm>> -> memref<1000000x64xf32, #tpu.memory_space<hbm>>
    tpu.enqueue_indirect_dma source(%dma_start3A_1509 : memref<1000000x64xf32, #tpu.memory_space<hbm>>) target(%dma_start3A_1503 : memref<100x64xf32, #tpu.memory_space<vmem>>) offsets(%dma_start3A_1506 : memref<100xi32, #tpu.memory_space<vmem>>) semaphore(%arg16 : memref<!tpu.dma_semaphore, #tpu.memory_space<semaphore_mem>>)
    %dma_start3A_1510 = arith.constant 3 : i32
    %dma_start3A_1511 = arith.constant 1 : i32
    %dma_start3A_1512 = arith.constant 100 : i32
    %dma_start3A_1513 = arith.constant 0 : i32
    %dma_start3A_1514 = tpu.memref_slice %arg10[%dma_start3A_1511, %dma_start3A_1512, %dma_start3A_1513] : memref<4x200x64xf32, #tpu.memory_space<vmem>> -> memref<1x100x64xf32, #tpu.memory_space<vmem>>
    %dma_start3A_1515 = tpu.memref_squeeze %dma_start3A_1514 : memref<1x100x64xf32, #tpu.memory_space<vmem>> -> memref<100x64xf32, #tpu.memory_space<vmem>>
    %dma_start3A_1516 = arith.constant 0 : i32
    %dma_start3A_1517 = tpu.memref_slice %arg7[%dma_start3A_1510, %dma_start3A_1516] : memref<8x100xi32, #tpu.memory_space<vmem>> -> memref<1x100xi32, #tpu.memory_space<vmem>>
    %dma_start3A_1518 = tpu.memref_squeeze %dma_start3A_1517 : memref<1x100xi32, #tpu.memory_space<vmem>> -> memref<100xi32, #tpu.memory_space<vmem>>
    %dma_start3A_1519 = arith.constant 0 : i32
    %dma_start3A_1520 = arith.constant 0 : i32
    %dma_start3A_1521 = tpu.memref_slice %arg4[%dma_start3A_1519, %dma_start3A_1520] : memref<1000000x64xf32, #tpu.memory_space<hbm>> -> memref<1000000x64xf32, #tpu.memory_space<hbm>>
    tpu.enqueue_indirect_dma source(%dma_start3A_1521 : memref<1000000x64xf32, #tpu.memory_space<hbm>>) target(%dma_start3A_1515 : memref<100x64xf32, #tpu.memory_space<vmem>>) offsets(%dma_start3A_1518 : memref<100xi32, #tpu.memory_space<vmem>>) semaphore(%arg16 : memref<!tpu.dma_semaphore, #tpu.memory_space<semaphore_mem>>)
    %dma_start3A_1522 = arith.constant 4 : i32
    %dma_start3A_1523 = arith.constant 2 : i32
    %dma_start3A_1524 = arith.constant 0 : i32
    %dma_start3A_1525 = arith.constant 0 : i32
    %dma_start3A_1526 = tpu.memref_slice %arg10[%dma_start3A_1523, %dma_start3A_1524, %dma_start3A_1525] : memref<4x200x64xf32, #tpu.memory_space<vmem>> -> memref<1x100x64xf32, #tpu.memory_space<vmem>>
    %dma_start3A_1527 = tpu.memref_squeeze %dma_start3A_1526 : memref<1x100x64xf32, #tpu.memory_space<vmem>> -> memref<100x64xf32, #tpu.memory_space<vmem>>
    %dma_start3A_1528 = arith.constant 0 : i32
    %dma_start3A_1529 = tpu.memref_slice %arg7[%dma_start3A_1522, %dma_start3A_1528] : memref<8x100xi32, #tpu.memory_space<vmem>> -> memref<1x100xi32, #tpu.memory_space<vmem>>
    %dma_start3A_1530 = tpu.memref_squeeze %dma_start3A_1529 : memref<1x100xi32, #tpu.memory_space<vmem>> -> memref<100xi32, #tpu.memory_space<vmem>>
    %dma_start3A_1531 = arith.constant 0 : i32
    %dma_start3A_1532 = arith.constant 0 : i32
    %dma_start3A_1533 = tpu.memref_slice %arg4[%dma_start3A_1531, %dma_start3A_1532] : memref<1000000x64xf32, #tpu.memory_space<hbm>> -> memref<1000000x64xf32, #tpu.memory_space<hbm>>
    tpu.enqueue_indirect_dma source(%dma_start3A_1533 : memref<1000000x64xf32, #tpu.memory_space<hbm>>) target(%dma_start3A_1527 : memref<100x64xf32, #tpu.memory_space<vmem>>) offsets(%dma_start3A_1530 : memref<100xi32, #tpu.memory_space<vmem>>) semaphore(%arg16 : memref<!tpu.dma_semaphore, #tpu.memory_space<semaphore_mem>>)
    %dma_start3A_1534 = arith.constant 5 : i32
    %dma_start3A_1535 = arith.constant 2 : i32
    %dma_start3A_1536 = arith.constant 100 : i32
    %dma_start3A_1537 = arith.constant 0 : i32
    %dma_start3A_1538 = tpu.memref_slice %arg10[%dma_start3A_1535, %dma_start3A_1536, %dma_start3A_1537] : memref<4x200x64xf32, #tpu.memory_space<vmem>> -> memref<1x100x64xf32, #tpu.memory_space<vmem>>
    %dma_start3A_1539 = tpu.memref_squeeze %dma_start3A_1538 : memref<1x100x64xf32, #tpu.memory_space<vmem>> -> memref<100x64xf32, #tpu.memory_space<vmem>>
    %dma_start3A_1540 = arith.constant 0 : i32
    %dma_start3A_1541 = tpu.memref_slice %arg7[%dma_start3A_1534, %dma_start3A_1540] : memref<8x100xi32, #tpu.memory_space<vmem>> -> memref<1x100xi32, #tpu.memory_space<vmem>>
    %dma_start3A_1542 = tpu.memref_squeeze %dma_start3A_1541 : memref<1x100xi32, #tpu.memory_space<vmem>> -> memref<100xi32, #tpu.memory_space<vmem>>
    %dma_start3A_1543 = arith.constant 0 : i32
    %dma_start3A_1544 = arith.constant 0 : i32
    %dma_start3A_1545 = tpu.memref_slice %arg4[%dma_start3A_1543, %dma_start3A_1544] : memref<1000000x64xf32, #tpu.memory_space<hbm>> -> memref<1000000x64xf32, #tpu.memory_space<hbm>>
    tpu.enqueue_indirect_dma source(%dma_start3A_1545 : memref<1000000x64xf32, #tpu.memory_space<hbm>>) target(%dma_start3A_1539 : memref<100x64xf32, #tpu.memory_space<vmem>>) offsets(%dma_start3A_1542 : memref<100xi32, #tpu.memory_space<vmem>>) semaphore(%arg16 : memref<!tpu.dma_semaphore, #tpu.memory_space<semaphore_mem>>)
    %dma_start3A_1546 = arith.constant 6 : i32
    %dma_start3A_1547 = arith.constant 3 : i32
    %dma_start3A_1548 = arith.constant 0 : i32
    %dma_start3A_1549 = arith.constant 0 : i32
    %dma_start3A_1550 = tpu.memref_slice %arg10[%dma_start3A_1547, %dma_start3A_1548, %dma_start3A_1549] : memref<4x200x64xf32, #tpu.memory_space<vmem>> -> memref<1x100x64xf32, #tpu.memory_space<vmem>>
    %dma_start3A_1551 = tpu.memref_squeeze %dma_start3A_1550 : memref<1x100x64xf32, #tpu.memory_space<vmem>> -> memref<100x64xf32, #tpu.memory_space<vmem>>
    %dma_start3A_1552 = arith.constant 0 : i32
    %dma_start3A_1553 = tpu.memref_slice %arg7[%dma_start3A_1546, %dma_start3A_1552] : memref<8x100xi32, #tpu.memory_space<vmem>> -> memref<1x100xi32, #tpu.memory_space<vmem>>
    %dma_start3A_1554 = tpu.memref_squeeze %dma_start3A_1553 : memref<1x100xi32, #tpu.memory_space<vmem>> -> memref<100xi32, #tpu.memory_space<vmem>>
    %dma_start3A_1555 = arith.constant 0 : i32
    %dma_start3A_1556 = arith.constant 0 : i32
    %dma_start3A_1557 = tpu.memref_slice %arg4[%dma_start3A_1555, %dma_start3A_1556] : memref<1000000x64xf32, #tpu.memory_space<hbm>> -> memref<1000000x64xf32, #tpu.memory_space<hbm>>
    tpu.enqueue_indirect_dma source(%dma_start3A_1557 : memref<1000000x64xf32, #tpu.memory_space<hbm>>) target(%dma_start3A_1551 : memref<100x64xf32, #tpu.memory_space<vmem>>) offsets(%dma_start3A_1554 : memref<100xi32, #tpu.memory_space<vmem>>) semaphore(%arg16 : memref<!tpu.dma_semaphore, #tpu.memory_space<semaphore_mem>>)
    %dma_start3A_1558 = arith.constant 7 : i32
    %dma_start3A_1559 = arith.constant 3 : i32
    %dma_start3A_1560 = arith.constant 100 : i32
    %dma_start3A_1561 = arith.constant 0 : i32
    %dma_start3A_1562 = tpu.memref_slice %arg10[%dma_start3A_1559, %dma_start3A_1560, %dma_start3A_1561] : memref<4x200x64xf32, #tpu.memory_space<vmem>> -> memref<1x100x64xf32, #tpu.memory_space<vmem>>
    %dma_start3A_1563 = tpu.memref_squeeze %dma_start3A_1562 : memref<1x100x64xf32, #tpu.memory_space<vmem>> -> memref<100x64xf32, #tpu.memory_space<vmem>>
    %dma_start3A_1564 = arith.constant 0 : i32
    %dma_start3A_1565 = tpu.memref_slice %arg7[%dma_start3A_1558, %dma_start3A_1564] : memref<8x100xi32, #tpu.memory_space<vmem>> -> memref<1x100xi32, #tpu.memory_space<vmem>>
    %dma_start3A_1566 = tpu.memref_squeeze %dma_start3A_1565 : memref<1x100xi32, #tpu.memory_space<vmem>> -> memref<100xi32, #tpu.memory_space<vmem>>
    %dma_start3A_1567 = arith.constant 0 : i32
    %dma_start3A_1568 = arith.constant 0 : i32
    %dma_start3A_1569 = tpu.memref_slice %arg4[%dma_start3A_1567, %dma_start3A_1568] : memref<1000000x64xf32, #tpu.memory_space<hbm>> -> memref<1000000x64xf32, #tpu.memory_space<hbm>>
    tpu.enqueue_indirect_dma source(%dma_start3A_1569 : memref<1000000x64xf32, #tpu.memory_space<hbm>>) target(%dma_start3A_1563 : memref<100x64xf32, #tpu.memory_space<vmem>>) offsets(%dma_start3A_1566 : memref<100xi32, #tpu.memory_space<vmem>>) semaphore(%arg16 : memref<!tpu.dma_semaphore, #tpu.memory_space<semaphore_mem>>)
    %dma_wait3A_1570 = arith.constant 0 : i32
    %dma_wait3A_1571 = arith.constant 0 : i32
    %dma_wait3A_1572 = arith.constant 0 : i32
    %dma_wait3A_1573 = arith.constant 0 : i32
    %dma_wait3A_1574 = tpu.memref_slice %arg9[%dma_wait3A_1571, %dma_wait3A_1572, %dma_wait3A_1573] : memref<4x200x64xf32, #tpu.memory_space<vmem>> -> memref<1x100x64xf32, #tpu.memory_space<vmem>>
    %dma_wait3A_1575 = tpu.memref_squeeze %dma_wait3A_1574 : memref<1x100x64xf32, #tpu.memory_space<vmem>> -> memref<100x64xf32, #tpu.memory_space<vmem>>
    %dma_wait3A_1576 = arith.constant 0 : i32
    %dma_wait3A_1577 = tpu.memref_slice %arg6[%dma_wait3A_1570, %dma_wait3A_1576] : memref<8x100xi32, #tpu.memory_space<vmem>> -> memref<1x100xi32, #tpu.memory_space<vmem>>
    %dma_wait3A_1578 = tpu.memref_squeeze %dma_wait3A_1577 : memref<1x100xi32, #tpu.memory_space<vmem>> -> memref<100xi32, #tpu.memory_space<vmem>>
    %dma_wait3A_1579 = arith.constant 0 : i32
    %dma_wait3A_1580 = arith.constant 0 : i32
    %dma_wait3A_1581 = tpu.memref_slice %arg4[%dma_wait3A_1579, %dma_wait3A_1580] : memref<1000000x64xf32, #tpu.memory_space<hbm>> -> memref<1000000x64xf32, #tpu.memory_space<hbm>>
    tpu.wait_indirect_dma semaphore(%arg15 : memref<!tpu.dma_semaphore, #tpu.memory_space<semaphore_mem>>) src(%dma_wait3A_1581 : memref<1000000x64xf32, #tpu.memory_space<hbm>>) dst(%dma_wait3A_1575 : memref<100x64xf32, #tpu.memory_space<vmem>>)
    %dma_wait3A_1582 = arith.constant 1 : i32
    %dma_wait3A_1583 = arith.constant 0 : i32
    %dma_wait3A_1584 = arith.constant 100 : i32
    %dma_wait3A_1585 = arith.constant 0 : i32
    %dma_wait3A_1586 = tpu.memref_slice %arg9[%dma_wait3A_1583, %dma_wait3A_1584, %dma_wait3A_1585] : memref<4x200x64xf32, #tpu.memory_space<vmem>> -> memref<1x100x64xf32, #tpu.memory_space<vmem>>
    %dma_wait3A_1587 = tpu.memref_squeeze %dma_wait3A_1586 : memref<1x100x64xf32, #tpu.memory_space<vmem>> -> memref<100x64xf32, #tpu.memory_space<vmem>>
    %dma_wait3A_1588 = arith.constant 0 : i32
    %dma_wait3A_1589 = tpu.memref_slice %arg6[%dma_wait3A_1582, %dma_wait3A_1588] : memref<8x100xi32, #tpu.memory_space<vmem>> -> memref<1x100xi32, #tpu.memory_space<vmem>>
    %dma_wait3A_1590 = tpu.memref_squeeze %dma_wait3A_1589 : memref<1x100xi32, #tpu.memory_space<vmem>> -> memref<100xi32, #tpu.memory_space<vmem>>
    %dma_wait3A_1591 = arith.constant 0 : i32
    %dma_wait3A_1592 = arith.constant 0 : i32
    %dma_wait3A_1593 = tpu.memref_slice %arg4[%dma_wait3A_1591, %dma_wait3A_1592] : memref<1000000x64xf32, #tpu.memory_space<hbm>> -> memref<1000000x64xf32, #tpu.memory_space<hbm>>
    tpu.wait_indirect_dma semaphore(%arg15 : memref<!tpu.dma_semaphore, #tpu.memory_space<semaphore_mem>>) src(%dma_wait3A_1593 : memref<1000000x64xf32, #tpu.memory_space<hbm>>) dst(%dma_wait3A_1587 : memref<100x64xf32, #tpu.memory_space<vmem>>)
    %dma_wait3A_1594 = arith.constant 2 : i32
    %dma_wait3A_1595 = arith.constant 1 : i32
    %dma_wait3A_1596 = arith.constant 0 : i32
    %dma_wait3A_1597 = arith.constant 0 : i32
    %dma_wait3A_1598 = tpu.memref_slice %arg9[%dma_wait3A_1595, %dma_wait3A_1596, %dma_wait3A_1597] : memref<4x200x64xf32, #tpu.memory_space<vmem>> -> memref<1x100x64xf32, #tpu.memory_space<vmem>>
    %dma_wait3A_1599 = tpu.memref_squeeze %dma_wait3A_1598 : memref<1x100x64xf32, #tpu.memory_space<vmem>> -> memref<100x64xf32, #tpu.memory_space<vmem>>
    %dma_wait3A_1600 = arith.constant 0 : i32
    %dma_wait3A_1601 = tpu.memref_slice %arg6[%dma_wait3A_1594, %dma_wait3A_1600] : memref<8x100xi32, #tpu.memory_space<vmem>> -> memref<1x100xi32, #tpu.memory_space<vmem>>
    %dma_wait3A_1602 = tpu.memref_squeeze %dma_wait3A_1601 : memref<1x100xi32, #tpu.memory_space<vmem>> -> memref<100xi32, #tpu.memory_space<vmem>>
    %dma_wait3A_1603 = arith.constant 0 : i32
    %dma_wait3A_1604 = arith.constant 0 : i32
    %dma_wait3A_1605 = tpu.memref_slice %arg4[%dma_wait3A_1603, %dma_wait3A_1604] : memref<1000000x64xf32, #tpu.memory_space<hbm>> -> memref<1000000x64xf32, #tpu.memory_space<hbm>>
    tpu.wait_indirect_dma semaphore(%arg15 : memref<!tpu.dma_semaphore, #tpu.memory_space<semaphore_mem>>) src(%dma_wait3A_1605 : memref<1000000x64xf32, #tpu.memory_space<hbm>>) dst(%dma_wait3A_1599 : memref<100x64xf32, #tpu.memory_space<vmem>>)
    %dma_wait3A_1606 = arith.constant 3 : i32
    %dma_wait3A_1607 = arith.constant 1 : i32
    %dma_wait3A_1608 = arith.constant 100 : i32
    %dma_wait3A_1609 = arith.constant 0 : i32
    %dma_wait3A_1610 = tpu.memref_slice %arg9[%dma_wait3A_1607, %dma_wait3A_1608, %dma_wait3A_1609] : memref<4x200x64xf32, #tpu.memory_space<vmem>> -> memref<1x100x64xf32, #tpu.memory_space<vmem>>
    %dma_wait3A_1611 = tpu.memref_squeeze %dma_wait3A_1610 : memref<1x100x64xf32, #tpu.memory_space<vmem>> -> memref<100x64xf32, #tpu.memory_space<vmem>>
    %dma_wait3A_1612 = arith.constant 0 : i32
    %dma_wait3A_1613 = tpu.memref_slice %arg6[%dma_wait3A_1606, %dma_wait3A_1612] : memref<8x100xi32, #tpu.memory_space<vmem>> -> memref<1x100xi32, #tpu.memory_space<vmem>>
    %dma_wait3A_1614 = tpu.memref_squeeze %dma_wait3A_1613 : memref<1x100xi32, #tpu.memory_space<vmem>> -> memref<100xi32, #tpu.memory_space<vmem>>
    %dma_wait3A_1615 = arith.constant 0 : i32
    %dma_wait3A_1616 = arith.constant 0 : i32
    %dma_wait3A_1617 = tpu.memref_slice %arg4[%dma_wait3A_1615, %dma_wait3A_1616] : memref<1000000x64xf32, #tpu.memory_space<hbm>> -> memref<1000000x64xf32, #tpu.memory_space<hbm>>
    tpu.wait_indirect_dma semaphore(%arg15 : memref<!tpu.dma_semaphore, #tpu.memory_space<semaphore_mem>>) src(%dma_wait3A_1617 : memref<1000000x64xf32, #tpu.memory_space<hbm>>) dst(%dma_wait3A_1611 : memref<100x64xf32, #tpu.memory_space<vmem>>)
    %dma_wait3A_1618 = arith.constant 4 : i32
    %dma_wait3A_1619 = arith.constant 2 : i32
    %dma_wait3A_1620 = arith.constant 0 : i32
    %dma_wait3A_1621 = arith.constant 0 : i32
    %dma_wait3A_1622 = tpu.memref_slice %arg9[%dma_wait3A_1619, %dma_wait3A_1620, %dma_wait3A_1621] : memref<4x200x64xf32, #tpu.memory_space<vmem>> -> memref<1x100x64xf32, #tpu.memory_space<vmem>>
    %dma_wait3A_1623 = tpu.memref_squeeze %dma_wait3A_1622 : memref<1x100x64xf32, #tpu.memory_space<vmem>> -> memref<100x64xf32, #tpu.memory_space<vmem>>
    %dma_wait3A_1624 = arith.constant 0 : i32
    %dma_wait3A_1625 = tpu.memref_slice %arg6[%dma_wait3A_1618, %dma_wait3A_1624] : memref<8x100xi32, #tpu.memory_space<vmem>> -> memref<1x100xi32, #tpu.memory_space<vmem>>
    %dma_wait3A_1626 = tpu.memref_squeeze %dma_wait3A_1625 : memref<1x100xi32, #tpu.memory_space<vmem>> -> memref<100xi32, #tpu.memory_space<vmem>>
    %dma_wait3A_1627 = arith.constant 0 : i32
    %dma_wait3A_1628 = arith.constant 0 : i32
    %dma_wait3A_1629 = tpu.memref_slice %arg4[%dma_wait3A_1627, %dma_wait3A_1628] : memref<1000000x64xf32, #tpu.memory_space<hbm>> -> memref<1000000x64xf32, #tpu.memory_space<hbm>>
    tpu.wait_indirect_dma semaphore(%arg15 : memref<!tpu.dma_semaphore, #tpu.memory_space<semaphore_mem>>) src(%dma_wait3A_1629 : memref<1000000x64xf32, #tpu.memory_space<hbm>>) dst(%dma_wait3A_1623 : memref<100x64xf32, #tpu.memory_space<vmem>>)
    %dma_wait3A_1630 = arith.constant 5 : i32
    %dma_wait3A_1631 = arith.constant 2 : i32
    %dma_wait3A_1632 = arith.constant 100 : i32
    %dma_wait3A_1633 = arith.constant 0 : i32
    %dma_wait3A_1634 = tpu.memref_slice %arg9[%dma_wait3A_1631, %dma_wait3A_1632, %dma_wait3A_1633] : memref<4x200x64xf32, #tpu.memory_space<vmem>> -> memref<1x100x64xf32, #tpu.memory_space<vmem>>
    %dma_wait3A_1635 = tpu.memref_squeeze %dma_wait3A_1634 : memref<1x100x64xf32, #tpu.memory_space<vmem>> -> memref<100x64xf32, #tpu.memory_space<vmem>>
    %dma_wait3A_1636 = arith.constant 0 : i32
    %dma_wait3A_1637 = tpu.memref_slice %arg6[%dma_wait3A_1630, %dma_wait3A_1636] : memref<8x100xi32, #tpu.memory_space<vmem>> -> memref<1x100xi32, #tpu.memory_space<vmem>>
    %dma_wait3A_1638 = tpu.memref_squeeze %dma_wait3A_1637 : memref<1x100xi32, #tpu.memory_space<vmem>> -> memref<100xi32, #tpu.memory_space<vmem>>
    %dma_wait3A_1639 = arith.constant 0 : i32
    %dma_wait3A_1640 = arith.constant 0 : i32
    %dma_wait3A_1641 = tpu.memref_slice %arg4[%dma_wait3A_1639, %dma_wait3A_1640] : memref<1000000x64xf32, #tpu.memory_space<hbm>> -> memref<1000000x64xf32, #tpu.memory_space<hbm>>
    tpu.wait_indirect_dma semaphore(%arg15 : memref<!tpu.dma_semaphore, #tpu.memory_space<semaphore_mem>>) src(%dma_wait3A_1641 : memref<1000000x64xf32, #tpu.memory_space<hbm>>) dst(%dma_wait3A_1635 : memref<100x64xf32, #tpu.memory_space<vmem>>)
    %dma_wait3A_1642 = arith.constant 6 : i32
    %dma_wait3A_1643 = arith.constant 3 : i32
    %dma_wait3A_1644 = arith.constant 0 : i32
    %dma_wait3A_1645 = arith.constant 0 : i32
    %dma_wait3A_1646 = tpu.memref_slice %arg9[%dma_wait3A_1643, %dma_wait3A_1644, %dma_wait3A_1645] : memref<4x200x64xf32, #tpu.memory_space<vmem>> -> memref<1x100x64xf32, #tpu.memory_space<vmem>>
    %dma_wait3A_1647 = tpu.memref_squeeze %dma_wait3A_1646 : memref<1x100x64xf32, #tpu.memory_space<vmem>> -> memref<100x64xf32, #tpu.memory_space<vmem>>
    %dma_wait3A_1648 = arith.constant 0 : i32
    %dma_wait3A_1649 = tpu.memref_slice %arg6[%dma_wait3A_1642, %dma_wait3A_1648] : memref<8x100xi32, #tpu.memory_space<vmem>> -> memref<1x100xi32, #tpu.memory_space<vmem>>
    %dma_wait3A_1650 = tpu.memref_squeeze %dma_wait3A_1649 : memref<1x100xi32, #tpu.memory_space<vmem>> -> memref<100xi32, #tpu.memory_space<vmem>>
    %dma_wait3A_1651 = arith.constant 0 : i32
    %dma_wait3A_1652 = arith.constant 0 : i32
    %dma_wait3A_1653 = tpu.memref_slice %arg4[%dma_wait3A_1651, %dma_wait3A_1652] : memref<1000000x64xf32, #tpu.memory_space<hbm>> -> memref<1000000x64xf32, #tpu.memory_space<hbm>>
    tpu.wait_indirect_dma semaphore(%arg15 : memref<!tpu.dma_semaphore, #tpu.memory_space<semaphore_mem>>) src(%dma_wait3A_1653 : memref<1000000x64xf32, #tpu.memory_space<hbm>>) dst(%dma_wait3A_1647 : memref<100x64xf32, #tpu.memory_space<vmem>>)
    %dma_wait3A_1654 = arith.constant 7 : i32
    %dma_wait3A_1655 = arith.constant 3 : i32
    %dma_wait3A_1656 = arith.constant 100 : i32
    %dma_wait3A_1657 = arith.constant 0 : i32
    %dma_wait3A_1658 = tpu.memref_slice %arg9[%dma_wait3A_1655, %dma_wait3A_1656, %dma_wait3A_1657] : memref<4x200x64xf32, #tpu.memory_space<vmem>> -> memref<1x100x64xf32, #tpu.memory_space<vmem>>
    %dma_wait3A_1659 = tpu.memref_squeeze %dma_wait3A_1658 : memref<1x100x64xf32, #tpu.memory_space<vmem>> -> memref<100x64xf32, #tpu.memory_space<vmem>>
    %dma_wait3A_1660 = arith.constant 0 : i32
    %dma_wait3A_1661 = tpu.memref_slice %arg6[%dma_wait3A_1654, %dma_wait3A_1660] : memref<8x100xi32, #tpu.memory_space<vmem>> -> memref<1x100xi32, #tpu.memory_space<vmem>>
    %dma_wait3A_1662 = tpu.memref_squeeze %dma_wait3A_1661 : memref<1x100xi32, #tpu.memory_space<vmem>> -> memref<100xi32, #tpu.memory_space<vmem>>
    %dma_wait3A_1663 = arith.constant 0 : i32
    %dma_wait3A_1664 = arith.constant 0 : i32
    %dma_wait3A_1665 = tpu.memref_slice %arg4[%dma_wait3A_1663, %dma_wait3A_1664] : memref<1000000x64xf32, #tpu.memory_space<hbm>> -> memref<1000000x64xf32, #tpu.memory_space<hbm>>
    tpu.wait_indirect_dma semaphore(%arg15 : memref<!tpu.dma_semaphore, #tpu.memory_space<semaphore_mem>>) src(%dma_wait3A_1665 : memref<1000000x64xf32, #tpu.memory_space<hbm>>) dst(%dma_wait3A_1659 : memref<100x64xf32, #tpu.memory_space<vmem>>)
    %scan3A_1666 = arith.constant 0 : i32
    %scan3A_1667 = arith.constant 0 : i32
    %scan3A_1668 = arith.constant 200 : i32
    %scan3A_1669 = arith.addi %scan3A_1667, %scan3A_1668 : i32
    %scan3A_1670 = arith.constant 1 : i32
    scf.for %scan3A_1806 = %scan3A_1667 to %scan3A_1669 step %scan3A_1670  : i32 {
      %get3A = arith.index_cast %scan3A_1806 : i32 to index
      %get3A_1807 = arith.constant 0 : index
      %get3A_1808 = tpu.vector_load %arg11[%get3A, %get3A_1807] {strides = array<i32>} : memref<200x64xf32, #tpu.memory_space<vmem>>, vector<1x16xf32>,
      %get3A_1809 = vector.shape_cast %get3A_1808 : vector<1x16xf32> to vector<16xf32>
      %get3A_1810 = arith.constant 0 : i32
      %get3A_1811 = arith.index_cast %get3A_1810 : i32 to index
      %get3A_1812 = arith.index_cast %scan3A_1806 : i32 to index
      %get3A_1813 = arith.constant 0 : index
      %get3A_1814 = tpu.vector_load %arg9[%get3A_1811, %get3A_1812, %get3A_1813] {strides = array<i32>} : memref<4x200x64xf32, #tpu.memory_space<vmem>>, vector<1x1x16xf32>,
      %get3A_1815 = vector.shape_cast %get3A_1814 : vector<1x1x16xf32> to vector<16xf32>
      %add3A_1816 = arith.addf %get3A_1815, %get3A_1809 : vector<16xf32>
      %swap3A = arith.constant 0 : i32
      %swap3A_1817 = arith.index_cast %swap3A : i32 to index
      %swap3A_1818 = arith.index_cast %scan3A_1806 : i32 to index
      %swap3A_1819 = arith.constant 0 : index
      %swap3A_1820 = tpu.vector_load %arg9[%swap3A_1817, %swap3A_1818, %swap3A_1819] {strides = array<i32>} : memref<4x200x64xf32, #tpu.memory_space<vmem>>, vector<1x1x16xf32>,
      %swap3A_1821 = vector.shape_cast %swap3A_1820 : vector<1x1x16xf32> to vector<16xf32>
      %swap3A_1822 = vector.shape_cast %add3A_1816 : vector<16xf32> to vector<1x1x16xf32>
      tpu.vector_store %arg9[%swap3A_1817, %swap3A_1818, %swap3A_1819], %swap3A_1822 {strides = array<i32>} : memref<4x200x64xf32, #tpu.memory_space<vmem>>, vector<1x1x16xf32>,
      %get3A_1823 = arith.constant 1 : i32
      %get3A_1824 = arith.index_cast %get3A_1823 : i32 to index
      %get3A_1825 = arith.index_cast %scan3A_1806 : i32 to index
      %get3A_1826 = arith.constant 0 : index
      %get3A_1827 = tpu.vector_load %arg9[%get3A_1824, %get3A_1825, %get3A_1826] {strides = array<i32>} : memref<4x200x64xf32, #tpu.memory_space<vmem>>, vector<1x1x16xf32>,
      %get3A_1828 = vector.shape_cast %get3A_1827 : vector<1x1x16xf32> to vector<16xf32>
      %add3A_1829 = arith.addf %get3A_1828, %get3A_1809 : vector<16xf32>
      %swap3A_1830 = arith.constant 1 : i32
      %swap3A_1831 = arith.index_cast %swap3A_1830 : i32 to index
      %swap3A_1832 = arith.index_cast %scan3A_1806 : i32 to index
      %swap3A_1833 = arith.constant 0 : index
      %swap3A_1834 = tpu.vector_load %arg9[%swap3A_1831, %swap3A_1832, %swap3A_1833] {strides = array<i32>} : memref<4x200x64xf32, #tpu.memory_space<vmem>>, vector<1x1x16xf32>,
      %swap3A_1835 = vector.shape_cast %swap3A_1834 : vector<1x1x16xf32> to vector<16xf32>
      %swap3A_1836 = vector.shape_cast %add3A_1829 : vector<16xf32> to vector<1x1x16xf32>
      tpu.vector_store %arg9[%swap3A_1831, %swap3A_1832, %swap3A_1833], %swap3A_1836 {strides = array<i32>} : memref<4x200x64xf32, #tpu.memory_space<vmem>>, vector<1x1x16xf32>,
      %get3A_1837 = arith.constant 2 : i32
      %get3A_1838 = arith.index_cast %get3A_1837 : i32 to index
      %get3A_1839 = arith.index_cast %scan3A_1806 : i32 to index
      %get3A_1840 = arith.constant 0 : index
      %get3A_1841 = tpu.vector_load %arg9[%get3A_1838, %get3A_1839, %get3A_1840] {strides = array<i32>} : memref<4x200x64xf32, #tpu.memory_space<vmem>>, vector<1x1x16xf32>,
      %get3A_1842 = vector.shape_cast %get3A_1841 : vector<1x1x16xf32> to vector<16xf32>
      %add3A_1843 = arith.addf %get3A_1842, %get3A_1809 : vector<16xf32>
      %swap3A_1844 = arith.constant 2 : i32
      %swap3A_1845 = arith.index_cast %swap3A_1844 : i32 to index
      %swap3A_1846 = arith.index_cast %scan3A_1806 : i32 to index
      %swap3A_1847 = arith.constant 0 : index
      %swap3A_1848 = tpu.vector_load %arg9[%swap3A_1845, %swap3A_1846, %swap3A_1847] {strides = array<i32>} : memref<4x200x64xf32, #tpu.memory_space<vmem>>, vector<1x1x16xf32>,
      %swap3A_1849 = vector.shape_cast %swap3A_1848 : vector<1x1x16xf32> to vector<16xf32>
      %swap3A_1850 = vector.shape_cast %add3A_1843 : vector<16xf32> to vector<1x1x16xf32>
      tpu.vector_store %arg9[%swap3A_1845, %swap3A_1846, %swap3A_1847], %swap3A_1850 {strides = array<i32>} : memref<4x200x64xf32, #tpu.memory_space<vmem>>, vector<1x1x16xf32>,
      %get3A_1851 = arith.constant 3 : i32
      %get3A_1852 = arith.index_cast %get3A_1851 : i32 to index
      %get3A_1853 = arith.index_cast %scan3A_1806 : i32 to index
      %get3A_1854 = arith.constant 0 : index
      %get3A_1855 = tpu.vector_load %arg9[%get3A_1852, %get3A_1853, %get3A_1854] {strides = array<i32>} : memref<4x200x64xf32, #tpu.memory_space<vmem>>, vector<1x1x16xf32>,
      %get3A_1856 = vector.shape_cast %get3A_1855 : vector<1x1x16xf32> to vector<16xf32>
      %add3A_1857 = arith.addf %get3A_1856, %get3A_1809 : vector<16xf32>
      %swap3A_1858 = arith.constant 3 : i32
      %swap3A_1859 = arith.index_cast %swap3A_1858 : i32 to index
      %swap3A_1860 = arith.index_cast %scan3A_1806 : i32 to index
      %swap3A_1861 = arith.constant 0 : index
      %swap3A_1862 = tpu.vector_load %arg9[%swap3A_1859, %swap3A_1860, %swap3A_1861] {strides = array<i32>} : memref<4x200x64xf32, #tpu.memory_space<vmem>>, vector<1x1x16xf32>,
      %swap3A_1863 = vector.shape_cast %swap3A_1862 : vector<1x1x16xf32> to vector<16xf32>
      %swap3A_1864 = vector.shape_cast %add3A_1857 : vector<16xf32> to vector<1x1x16xf32>
      tpu.vector_store %arg9[%swap3A_1859, %swap3A_1860, %swap3A_1861], %swap3A_1864 {strides = array<i32>} : memref<4x200x64xf32, #tpu.memory_space<vmem>>, vector<1x1x16xf32>,
      %get3A_1865 = arith.index_cast %scan3A_1806 : i32 to index
      %get3A_1866 = arith.constant 16 : index
      %get3A_1867 = tpu.vector_load %arg11[%get3A_1865, %get3A_1866] {strides = array<i32>} : memref<200x64xf32, #tpu.memory_space<vmem>>, vector<1x16xf32>,
      %get3A_1868 = vector.shape_cast %get3A_1867 : vector<1x16xf32> to vector<16xf32>
      %get3A_1869 = arith.constant 0 : i32
      %get3A_1870 = arith.index_cast %get3A_1869 : i32 to index
      %get3A_1871 = arith.index_cast %scan3A_1806 : i32 to index
      %get3A_1872 = arith.constant 16 : index
      %get3A_1873 = tpu.vector_load %arg9[%get3A_1870, %get3A_1871, %get3A_1872] {strides = array<i32>} : memref<4x200x64xf32, #tpu.memory_space<vmem>>, vector<1x1x16xf32>,
      %get3A_1874 = vector.shape_cast %get3A_1873 : vector<1x1x16xf32> to vector<16xf32>
      %add3A_1875 = arith.addf %get3A_1874, %get3A_1868 : vector<16xf32>
      %swap3A_1876 = arith.constant 0 : i32
      %swap3A_1877 = arith.index_cast %swap3A_1876 : i32 to index
      %swap3A_1878 = arith.index_cast %scan3A_1806 : i32 to index
      %swap3A_1879 = arith.constant 16 : index
      %swap3A_1880 = tpu.vector_load %arg9[%swap3A_1877, %swap3A_1878, %swap3A_1879] {strides = array<i32>} : memref<4x200x64xf32, #tpu.memory_space<vmem>>, vector<1x1x16xf32>,
      %swap3A_1881 = vector.shape_cast %swap3A_1880 : vector<1x1x16xf32> to vector<16xf32>
      %swap3A_1882 = vector.shape_cast %add3A_1875 : vector<16xf32> to vector<1x1x16xf32>
      tpu.vector_store %arg9[%swap3A_1877, %swap3A_1878, %swap3A_1879], %swap3A_1882 {strides = array<i32>} : memref<4x200x64xf32, #tpu.memory_space<vmem>>, vector<1x1x16xf32>,
      %get3A_1883 = arith.constant 1 : i32
      %get3A_1884 = arith.index_cast %get3A_1883 : i32 to index
      %get3A_1885 = arith.index_cast %scan3A_1806 : i32 to index
      %get3A_1886 = arith.constant 16 : index
      %get3A_1887 = tpu.vector_load %arg9[%get3A_1884, %get3A_1885, %get3A_1886] {strides = array<i32>} : memref<4x200x64xf32, #tpu.memory_space<vmem>>, vector<1x1x16xf32>,
      %get3A_1888 = vector.shape_cast %get3A_1887 : vector<1x1x16xf32> to vector<16xf32>
      %add3A_1889 = arith.addf %get3A_1888, %get3A_1868 : vector<16xf32>
      %swap3A_1890 = arith.constant 1 : i32
      %swap3A_1891 = arith.index_cast %swap3A_1890 : i32 to index
      %swap3A_1892 = arith.index_cast %scan3A_1806 : i32 to index
      %swap3A_1893 = arith.constant 16 : index
      %swap3A_1894 = tpu.vector_load %arg9[%swap3A_1891, %swap3A_1892, %swap3A_1893] {strides = array<i32>} : memref<4x200x64xf32, #tpu.memory_space<vmem>>, vector<1x1x16xf32>,
      %swap3A_1895 = vector.shape_cast %swap3A_1894 : vector<1x1x16xf32> to vector<16xf32>
      %swap3A_1896 = vector.shape_cast %add3A_1889 : vector<16xf32> to vector<1x1x16xf32>
      tpu.vector_store %arg9[%swap3A_1891, %swap3A_1892, %swap3A_1893], %swap3A_1896 {strides = array<i32>} : memref<4x200x64xf32, #tpu.memory_space<vmem>>, vector<1x1x16xf32>,
      %get3A_1897 = arith.constant 2 : i32
      %get3A_1898 = arith.index_cast %get3A_1897 : i32 to index
      %get3A_1899 = arith.index_cast %scan3A_1806 : i32 to index
      %get3A_1900 = arith.constant 16 : index
      %get3A_1901 = tpu.vector_load %arg9[%get3A_1898, %get3A_1899, %get3A_1900] {strides = array<i32>} : memref<4x200x64xf32, #tpu.memory_space<vmem>>, vector<1x1x16xf32>,
      %get3A_1902 = vector.shape_cast %get3A_1901 : vector<1x1x16xf32> to vector<16xf32>
      %add3A_1903 = arith.addf %get3A_1902, %get3A_1868 : vector<16xf32>
      %swap3A_1904 = arith.constant 2 : i32
      %swap3A_1905 = arith.index_cast %swap3A_1904 : i32 to index
      %swap3A_1906 = arith.index_cast %scan3A_1806 : i32 to index
      %swap3A_1907 = arith.constant 16 : index
      %swap3A_1908 = tpu.vector_load %arg9[%swap3A_1905, %swap3A_1906, %swap3A_1907] {strides = array<i32>} : memref<4x200x64xf32, #tpu.memory_space<vmem>>, vector<1x1x16xf32>,
      %swap3A_1909 = vector.shape_cast %swap3A_1908 : vector<1x1x16xf32> to vector<16xf32>
      %swap3A_1910 = vector.shape_cast %add3A_1903 : vector<16xf32> to vector<1x1x16xf32>
      tpu.vector_store %arg9[%swap3A_1905, %swap3A_1906, %swap3A_1907], %swap3A_1910 {strides = array<i32>} : memref<4x200x64xf32, #tpu.memory_space<vmem>>, vector<1x1x16xf32>,
      %get3A_1911 = arith.constant 3 : i32
      %get3A_1912 = arith.index_cast %get3A_1911 : i32 to index
      %get3A_1913 = arith.index_cast %scan3A_1806 : i32 to index
      %get3A_1914 = arith.constant 16 : index
      %get3A_1915 = tpu.vector_load %arg9[%get3A_1912, %get3A_1913, %get3A_1914] {strides = array<i32>} : memref<4x200x64xf32, #tpu.memory_space<vmem>>, vector<1x1x16xf32>,
      %get3A_1916 = vector.shape_cast %get3A_1915 : vector<1x1x16xf32> to vector<16xf32>
      %add3A_1917 = arith.addf %get3A_1916, %get3A_1868 : vector<16xf32>
      %swap3A_1918 = arith.constant 3 : i32
      %swap3A_1919 = arith.index_cast %swap3A_1918 : i32 to index
      %swap3A_1920 = arith.index_cast %scan3A_1806 : i32 to index
      %swap3A_1921 = arith.constant 16 : index
      %swap3A_1922 = tpu.vector_load %arg9[%swap3A_1919, %swap3A_1920, %swap3A_1921] {strides = array<i32>} : memref<4x200x64xf32, #tpu.memory_space<vmem>>, vector<1x1x16xf32>,
      %swap3A_1923 = vector.shape_cast %swap3A_1922 : vector<1x1x16xf32> to vector<16xf32>
      %swap3A_1924 = vector.shape_cast %add3A_1917 : vector<16xf32> to vector<1x1x16xf32>
      tpu.vector_store %arg9[%swap3A_1919, %swap3A_1920, %swap3A_1921], %swap3A_1924 {strides = array<i32>} : memref<4x200x64xf32, #tpu.memory_space<vmem>>, vector<1x1x16xf32>,
      %get3A_1925 = arith.index_cast %scan3A_1806 : i32 to index
      %get3A_1926 = arith.constant 32 : index
      %get3A_1927 = tpu.vector_load %arg11[%get3A_1925, %get3A_1926] {strides = array<i32>} : memref<200x64xf32, #tpu.memory_space<vmem>>, vector<1x16xf32>,
      %get3A_1928 = vector.shape_cast %get3A_1927 : vector<1x16xf32> to vector<16xf32>
      %get3A_1929 = arith.constant 0 : i32
      %get3A_1930 = arith.index_cast %get3A_1929 : i32 to index
      %get3A_1931 = arith.index_cast %scan3A_1806 : i32 to index
      %get3A_1932 = arith.constant 32 : index
      %get3A_1933 = tpu.vector_load %arg9[%get3A_1930, %get3A_1931, %get3A_1932] {strides = array<i32>} : memref<4x200x64xf32, #tpu.memory_space<vmem>>, vector<1x1x16xf32>,
      %get3A_1934 = vector.shape_cast %get3A_1933 : vector<1x1x16xf32> to vector<16xf32>
      %add3A_1935 = arith.addf %get3A_1934, %get3A_1928 : vector<16xf32>
      %swap3A_1936 = arith.constant 0 : i32
      %swap3A_1937 = arith.index_cast %swap3A_1936 : i32 to index
      %swap3A_1938 = arith.index_cast %scan3A_1806 : i32 to index
      %swap3A_1939 = arith.constant 32 : index
      %swap3A_1940 = tpu.vector_load %arg9[%swap3A_1937, %swap3A_1938, %swap3A_1939] {strides = array<i32>} : memref<4x200x64xf32, #tpu.memory_space<vmem>>, vector<1x1x16xf32>,
      %swap3A_1941 = vector.shape_cast %swap3A_1940 : vector<1x1x16xf32> to vector<16xf32>
      %swap3A_1942 = vector.shape_cast %add3A_1935 : vector<16xf32> to vector<1x1x16xf32>
      tpu.vector_store %arg9[%swap3A_1937, %swap3A_1938, %swap3A_1939], %swap3A_1942 {strides = array<i32>} : memref<4x200x64xf32, #tpu.memory_space<vmem>>, vector<1x1x16xf32>,
      %get3A_1943 = arith.constant 1 : i32
      %get3A_1944 = arith.index_cast %get3A_1943 : i32 to index
      %get3A_1945 = arith.index_cast %scan3A_1806 : i32 to index
      %get3A_1946 = arith.constant 32 : index
      %get3A_1947 = tpu.vector_load %arg9[%get3A_1944, %get3A_1945, %get3A_1946] {strides = array<i32>} : memref<4x200x64xf32, #tpu.memory_space<vmem>>, vector<1x1x16xf32>,
      %get3A_1948 = vector.shape_cast %get3A_1947 : vector<1x1x16xf32> to vector<16xf32>
      %add3A_1949 = arith.addf %get3A_1948, %get3A_1928 : vector<16xf32>
      %swap3A_1950 = arith.constant 1 : i32
      %swap3A_1951 = arith.index_cast %swap3A_1950 : i32 to index
      %swap3A_1952 = arith.index_cast %scan3A_1806 : i32 to index
      %swap3A_1953 = arith.constant 32 : index
      %swap3A_1954 = tpu.vector_load %arg9[%swap3A_1951, %swap3A_1952, %swap3A_1953] {strides = array<i32>} : memref<4x200x64xf32, #tpu.memory_space<vmem>>, vector<1x1x16xf32>,
      %swap3A_1955 = vector.shape_cast %swap3A_1954 : vector<1x1x16xf32> to vector<16xf32>
      %swap3A_1956 = vector.shape_cast %add3A_1949 : vector<16xf32> to vector<1x1x16xf32>
      tpu.vector_store %arg9[%swap3A_1951, %swap3A_1952, %swap3A_1953], %swap3A_1956 {strides = array<i32>} : memref<4x200x64xf32, #tpu.memory_space<vmem>>, vector<1x1x16xf32>,
      %get3A_1957 = arith.constant 2 : i32
      %get3A_1958 = arith.index_cast %get3A_1957 : i32 to index
      %get3A_1959 = arith.index_cast %scan3A_1806 : i32 to index
      %get3A_1960 = arith.constant 32 : index
      %get3A_1961 = tpu.vector_load %arg9[%get3A_1958, %get3A_1959, %get3A_1960] {strides = array<i32>} : memref<4x200x64xf32, #tpu.memory_space<vmem>>, vector<1x1x16xf32>,
      %get3A_1962 = vector.shape_cast %get3A_1961 : vector<1x1x16xf32> to vector<16xf32>
      %add3A_1963 = arith.addf %get3A_1962, %get3A_1928 : vector<16xf32>
      %swap3A_1964 = arith.constant 2 : i32
      %swap3A_1965 = arith.index_cast %swap3A_1964 : i32 to index
      %swap3A_1966 = arith.index_cast %scan3A_1806 : i32 to index
      %swap3A_1967 = arith.constant 32 : index
      %swap3A_1968 = tpu.vector_load %arg9[%swap3A_1965, %swap3A_1966, %swap3A_1967] {strides = array<i32>} : memref<4x200x64xf32, #tpu.memory_space<vmem>>, vector<1x1x16xf32>,
      %swap3A_1969 = vector.shape_cast %swap3A_1968 : vector<1x1x16xf32> to vector<16xf32>
      %swap3A_1970 = vector.shape_cast %add3A_1963 : vector<16xf32> to vector<1x1x16xf32>
      tpu.vector_store %arg9[%swap3A_1965, %swap3A_1966, %swap3A_1967], %swap3A_1970 {strides = array<i32>} : memref<4x200x64xf32, #tpu.memory_space<vmem>>, vector<1x1x16xf32>,
      %get3A_1971 = arith.constant 3 : i32
      %get3A_1972 = arith.index_cast %get3A_1971 : i32 to index
      %get3A_1973 = arith.index_cast %scan3A_1806 : i32 to index
      %get3A_1974 = arith.constant 32 : index
      %get3A_1975 = tpu.vector_load %arg9[%get3A_1972, %get3A_1973, %get3A_1974] {strides = array<i32>} : memref<4x200x64xf32, #tpu.memory_space<vmem>>, vector<1x1x16xf32>,
      %get3A_1976 = vector.shape_cast %get3A_1975 : vector<1x1x16xf32> to vector<16xf32>
      %add3A_1977 = arith.addf %get3A_1976, %get3A_1928 : vector<16xf32>
      %swap3A_1978 = arith.constant 3 : i32
      %swap3A_1979 = arith.index_cast %swap3A_1978 : i32 to index
      %swap3A_1980 = arith.index_cast %scan3A_1806 : i32 to index
      %swap3A_1981 = arith.constant 32 : index
      %swap3A_1982 = tpu.vector_load %arg9[%swap3A_1979, %swap3A_1980, %swap3A_1981] {strides = array<i32>} : memref<4x200x64xf32, #tpu.memory_space<vmem>>, vector<1x1x16xf32>,
      %swap3A_1983 = vector.shape_cast %swap3A_1982 : vector<1x1x16xf32> to vector<16xf32>
      %swap3A_1984 = vector.shape_cast %add3A_1977 : vector<16xf32> to vector<1x1x16xf32>
      tpu.vector_store %arg9[%swap3A_1979, %swap3A_1980, %swap3A_1981], %swap3A_1984 {strides = array<i32>} : memref<4x200x64xf32, #tpu.memory_space<vmem>>, vector<1x1x16xf32>,
      %get3A_1985 = arith.index_cast %scan3A_1806 : i32 to index
      %get3A_1986 = arith.constant 48 : index
      %get3A_1987 = tpu.vector_load %arg11[%get3A_1985, %get3A_1986] {strides = array<i32>} : memref<200x64xf32, #tpu.memory_space<vmem>>, vector<1x16xf32>,
      %get3A_1988 = vector.shape_cast %get3A_1987 : vector<1x16xf32> to vector<16xf32>
      %get3A_1989 = arith.constant 0 : i32
      %get3A_1990 = arith.index_cast %get3A_1989 : i32 to index
      %get3A_1991 = arith.index_cast %scan3A_1806 : i32 to index
      %get3A_1992 = arith.constant 48 : index
      %get3A_1993 = tpu.vector_load %arg9[%get3A_1990, %get3A_1991, %get3A_1992] {strides = array<i32>} : memref<4x200x64xf32, #tpu.memory_space<vmem>>, vector<1x1x16xf32>,
      %get3A_1994 = vector.shape_cast %get3A_1993 : vector<1x1x16xf32> to vector<16xf32>
      %add3A_1995 = arith.addf %get3A_1994, %get3A_1988 : vector<16xf32>
      %swap3A_1996 = arith.constant 0 : i32
      %swap3A_1997 = arith.index_cast %swap3A_1996 : i32 to index
      %swap3A_1998 = arith.index_cast %scan3A_1806 : i32 to index
      %swap3A_1999 = arith.constant 48 : index
      %swap3A_2000 = tpu.vector_load %arg9[%swap3A_1997, %swap3A_1998, %swap3A_1999] {strides = array<i32>} : memref<4x200x64xf32, #tpu.memory_space<vmem>>, vector<1x1x16xf32>,
      %swap3A_2001 = vector.shape_cast %swap3A_2000 : vector<1x1x16xf32> to vector<16xf32>
      %swap3A_2002 = vector.shape_cast %add3A_1995 : vector<16xf32> to vector<1x1x16xf32>
      tpu.vector_store %arg9[%swap3A_1997, %swap3A_1998, %swap3A_1999], %swap3A_2002 {strides = array<i32>} : memref<4x200x64xf32, #tpu.memory_space<vmem>>, vector<1x1x16xf32>,
      %get3A_2003 = arith.constant 1 : i32
      %get3A_2004 = arith.index_cast %get3A_2003 : i32 to index
      %get3A_2005 = arith.index_cast %scan3A_1806 : i32 to index
      %get3A_2006 = arith.constant 48 : index
      %get3A_2007 = tpu.vector_load %arg9[%get3A_2004, %get3A_2005, %get3A_2006] {strides = array<i32>} : memref<4x200x64xf32, #tpu.memory_space<vmem>>, vector<1x1x16xf32>,
      %get3A_2008 = vector.shape_cast %get3A_2007 : vector<1x1x16xf32> to vector<16xf32>
      %add3A_2009 = arith.addf %get3A_2008, %get3A_1988 : vector<16xf32>
      %swap3A_2010 = arith.constant 1 : i32
      %swap3A_2011 = arith.index_cast %swap3A_2010 : i32 to index
      %swap3A_2012 = arith.index_cast %scan3A_1806 : i32 to index
      %swap3A_2013 = arith.constant 48 : index
      %swap3A_2014 = tpu.vector_load %arg9[%swap3A_2011, %swap3A_2012, %swap3A_2013] {strides = array<i32>} : memref<4x200x64xf32, #tpu.memory_space<vmem>>, vector<1x1x16xf32>,
      %swap3A_2015 = vector.shape_cast %swap3A_2014 : vector<1x1x16xf32> to vector<16xf32>
      %swap3A_2016 = vector.shape_cast %add3A_2009 : vector<16xf32> to vector<1x1x16xf32>
      tpu.vector_store %arg9[%swap3A_2011, %swap3A_2012, %swap3A_2013], %swap3A_2016 {strides = array<i32>} : memref<4x200x64xf32, #tpu.memory_space<vmem>>, vector<1x1x16xf32>,
      %get3A_2017 = arith.constant 2 : i32
      %get3A_2018 = arith.index_cast %get3A_2017 : i32 to index
      %get3A_2019 = arith.index_cast %scan3A_1806 : i32 to index
      %get3A_2020 = arith.constant 48 : index
      %get3A_2021 = tpu.vector_load %arg9[%get3A_2018, %get3A_2019, %get3A_2020] {strides = array<i32>} : memref<4x200x64xf32, #tpu.memory_space<vmem>>, vector<1x1x16xf32>,
      %get3A_2022 = vector.shape_cast %get3A_2021 : vector<1x1x16xf32> to vector<16xf32>
      %add3A_2023 = arith.addf %get3A_2022, %get3A_1988 : vector<16xf32>
      %swap3A_2024 = arith.constant 2 : i32
      %swap3A_2025 = arith.index_cast %swap3A_2024 : i32 to index
      %swap3A_2026 = arith.index_cast %scan3A_1806 : i32 to index
      %swap3A_2027 = arith.constant 48 : index
      %swap3A_2028 = tpu.vector_load %arg9[%swap3A_2025, %swap3A_2026, %swap3A_2027] {strides = array<i32>} : memref<4x200x64xf32, #tpu.memory_space<vmem>>, vector<1x1x16xf32>,
      %swap3A_2029 = vector.shape_cast %swap3A_2028 : vector<1x1x16xf32> to vector<16xf32>
      %swap3A_2030 = vector.shape_cast %add3A_2023 : vector<16xf32> to vector<1x1x16xf32>
      tpu.vector_store %arg9[%swap3A_2025, %swap3A_2026, %swap3A_2027], %swap3A_2030 {strides = array<i32>} : memref<4x200x64xf32, #tpu.memory_space<vmem>>, vector<1x1x16xf32>,
      %get3A_2031 = arith.constant 3 : i32
      %get3A_2032 = arith.index_cast %get3A_2031 : i32 to index
      %get3A_2033 = arith.index_cast %scan3A_1806 : i32 to index
      %get3A_2034 = arith.constant 48 : index
      %get3A_2035 = tpu.vector_load %arg9[%get3A_2032, %get3A_2033, %get3A_2034] {strides = array<i32>} : memref<4x200x64xf32, #tpu.memory_space<vmem>>, vector<1x1x16xf32>,
      %get3A_2036 = vector.shape_cast %get3A_2035 : vector<1x1x16xf32> to vector<16xf32>
      %add3A_2037 = arith.addf %get3A_2036, %get3A_1988 : vector<16xf32>
      %swap3A_2038 = arith.constant 3 : i32
      %swap3A_2039 = arith.index_cast %swap3A_2038 : i32 to index
      %swap3A_2040 = arith.index_cast %scan3A_1806 : i32 to index
      %swap3A_2041 = arith.constant 48 : index
      %swap3A_2042 = tpu.vector_load %arg9[%swap3A_2039, %swap3A_2040, %swap3A_2041] {strides = array<i32>} : memref<4x200x64xf32, #tpu.memory_space<vmem>>, vector<1x1x16xf32>,
      %swap3A_2043 = vector.shape_cast %swap3A_2042 : vector<1x1x16xf32> to vector<16xf32>
      %swap3A_2044 = vector.shape_cast %add3A_2037 : vector<16xf32> to vector<1x1x16xf32>
      tpu.vector_store %arg9[%swap3A_2039, %swap3A_2040, %swap3A_2041], %swap3A_2044 {strides = array<i32>} : memref<4x200x64xf32, #tpu.memory_space<vmem>>, vector<1x1x16xf32>,
    }
    %scan3A_1671 = arith.constant 200 : i32
    %mul3A_1672 = arith.constant 32 : i32
    %mul3A_1673 = arith.muli %add3A, %mul3A_1672 : i32
    %add3A_1674 = arith.constant 24 : i32
    %add3A_1675 = arith.addi %mul3A_1673, %add3A_1674 : i32
    %dma_start3A_1676 = arith.constant 0 : i32
    %dma_start3A_1677 = arith.constant 0 : i32
    %dma_start3A_1678 = tpu.memref_slice %arg5[%add3A_1675, %dma_start3A_1676, %dma_start3A_1677] : memref<1024x200x64xf32, #tpu.memory_space<hbm>> -> memref<4x200x64xf32, #tpu.memory_space<hbm>>
    %dma_start3A_1679 = arith.constant 0 : i32
    %dma_start3A_1680 = arith.constant 0 : i32
    %dma_start3A_1681 = tpu.memref_slice %arg5[%add3A_1675, %dma_start3A_1679, %dma_start3A_1680] : memref<1024x200x64xf32, #tpu.memory_space<hbm>> -> memref<4x200x64xf32, #tpu.memory_space<hbm>>
    tpu.enqueue_dma source(%arg9 : memref<4x200x64xf32, #tpu.memory_space<vmem>>) target(%dma_start3A_1681 : memref<4x200x64xf32, #tpu.memory_space<hbm>>) target_semaphore(%arg17 : memref<!tpu.dma_semaphore, #tpu.memory_space<semaphore_mem>>)
    %dma_wait3A_1682 = arith.constant 0 : i32
    %dma_wait3A_1683 = arith.constant 0 : i32
    %dma_wait3A_1684 = arith.constant 0 : i32
    %dma_wait3A_1685 = arith.constant 0 : i32
    %dma_wait3A_1686 = tpu.memref_slice %arg10[%dma_wait3A_1683, %dma_wait3A_1684, %dma_wait3A_1685] : memref<4x200x64xf32, #tpu.memory_space<vmem>> -> memref<1x100x64xf32, #tpu.memory_space<vmem>>
    %dma_wait3A_1687 = tpu.memref_squeeze %dma_wait3A_1686 : memref<1x100x64xf32, #tpu.memory_space<vmem>> -> memref<100x64xf32, #tpu.memory_space<vmem>>
    %dma_wait3A_1688 = arith.constant 0 : i32
    %dma_wait3A_1689 = tpu.memref_slice %arg7[%dma_wait3A_1682, %dma_wait3A_1688] : memref<8x100xi32, #tpu.memory_space<vmem>> -> memref<1x100xi32, #tpu.memory_space<vmem>>
    %dma_wait3A_1690 = tpu.memref_squeeze %dma_wait3A_1689 : memref<1x100xi32, #tpu.memory_space<vmem>> -> memref<100xi32, #tpu.memory_space<vmem>>
    %dma_wait3A_1691 = arith.constant 0 : i32
    %dma_wait3A_1692 = arith.constant 0 : i32
    %dma_wait3A_1693 = tpu.memref_slice %arg4[%dma_wait3A_1691, %dma_wait3A_1692] : memref<1000000x64xf32, #tpu.memory_space<hbm>> -> memref<1000000x64xf32, #tpu.memory_space<hbm>>
    tpu.wait_indirect_dma semaphore(%arg16 : memref<!tpu.dma_semaphore, #tpu.memory_space<semaphore_mem>>) src(%dma_wait3A_1693 : memref<1000000x64xf32, #tpu.memory_space<hbm>>) dst(%dma_wait3A_1687 : memref<100x64xf32, #tpu.memory_space<vmem>>)
    %dma_wait3A_1694 = arith.constant 1 : i32
    %dma_wait3A_1695 = arith.constant 0 : i32
    %dma_wait3A_1696 = arith.constant 100 : i32
    %dma_wait3A_1697 = arith.constant 0 : i32
    %dma_wait3A_1698 = tpu.memref_slice %arg10[%dma_wait3A_1695, %dma_wait3A_1696, %dma_wait3A_1697] : memref<4x200x64xf32, #tpu.memory_space<vmem>> -> memref<1x100x64xf32, #tpu.memory_space<vmem>>
    %dma_wait3A_1699 = tpu.memref_squeeze %dma_wait3A_1698 : memref<1x100x64xf32, #tpu.memory_space<vmem>> -> memref<100x64xf32, #tpu.memory_space<vmem>>
    %dma_wait3A_1700 = arith.constant 0 : i32
    %dma_wait3A_1701 = tpu.memref_slice %arg7[%dma_wait3A_1694, %dma_wait3A_1700] : memref<8x100xi32, #tpu.memory_space<vmem>> -> memref<1x100xi32, #tpu.memory_space<vmem>>
    %dma_wait3A_1702 = tpu.memref_squeeze %dma_wait3A_1701 : memref<1x100xi32, #tpu.memory_space<vmem>> -> memref<100xi32, #tpu.memory_space<vmem>>
    %dma_wait3A_1703 = arith.constant 0 : i32
    %dma_wait3A_1704 = arith.constant 0 : i32
    %dma_wait3A_1705 = tpu.memref_slice %arg4[%dma_wait3A_1703, %dma_wait3A_1704] : memref<1000000x64xf32, #tpu.memory_space<hbm>> -> memref<1000000x64xf32, #tpu.memory_space<hbm>>
    tpu.wait_indirect_dma semaphore(%arg16 : memref<!tpu.dma_semaphore, #tpu.memory_space<semaphore_mem>>) src(%dma_wait3A_1705 : memref<1000000x64xf32, #tpu.memory_space<hbm>>) dst(%dma_wait3A_1699 : memref<100x64xf32, #tpu.memory_space<vmem>>)
    %dma_wait3A_1706 = arith.constant 2 : i32
    %dma_wait3A_1707 = arith.constant 1 : i32
    %dma_wait3A_1708 = arith.constant 0 : i32
    %dma_wait3A_1709 = arith.constant 0 : i32
    %dma_wait3A_1710 = tpu.memref_slice %arg10[%dma_wait3A_1707, %dma_wait3A_1708, %dma_wait3A_1709] : memref<4x200x64xf32, #tpu.memory_space<vmem>> -> memref<1x100x64xf32, #tpu.memory_space<vmem>>
    %dma_wait3A_1711 = tpu.memref_squeeze %dma_wait3A_1710 : memref<1x100x64xf32, #tpu.memory_space<vmem>> -> memref<100x64xf32, #tpu.memory_space<vmem>>
    %dma_wait3A_1712 = arith.constant 0 : i32
    %dma_wait3A_1713 = tpu.memref_slice %arg7[%dma_wait3A_1706, %dma_wait3A_1712] : memref<8x100xi32, #tpu.memory_space<vmem>> -> memref<1x100xi32, #tpu.memory_space<vmem>>
    %dma_wait3A_1714 = tpu.memref_squeeze %dma_wait3A_1713 : memref<1x100xi32, #tpu.memory_space<vmem>> -> memref<100xi32, #tpu.memory_space<vmem>>
    %dma_wait3A_1715 = arith.constant 0 : i32
    %dma_wait3A_1716 = arith.constant 0 : i32
    %dma_wait3A_1717 = tpu.memref_slice %arg4[%dma_wait3A_1715, %dma_wait3A_1716] : memref<1000000x64xf32, #tpu.memory_space<hbm>> -> memref<1000000x64xf32, #tpu.memory_space<hbm>>
    tpu.wait_indirect_dma semaphore(%arg16 : memref<!tpu.dma_semaphore, #tpu.memory_space<semaphore_mem>>) src(%dma_wait3A_1717 : memref<1000000x64xf32, #tpu.memory_space<hbm>>) dst(%dma_wait3A_1711 : memref<100x64xf32, #tpu.memory_space<vmem>>)
    %dma_wait3A_1718 = arith.constant 3 : i32
    %dma_wait3A_1719 = arith.constant 1 : i32
    %dma_wait3A_1720 = arith.constant 100 : i32
    %dma_wait3A_1721 = arith.constant 0 : i32
    %dma_wait3A_1722 = tpu.memref_slice %arg10[%dma_wait3A_1719, %dma_wait3A_1720, %dma_wait3A_1721] : memref<4x200x64xf32, #tpu.memory_space<vmem>> -> memref<1x100x64xf32, #tpu.memory_space<vmem>>
    %dma_wait3A_1723 = tpu.memref_squeeze %dma_wait3A_1722 : memref<1x100x64xf32, #tpu.memory_space<vmem>> -> memref<100x64xf32, #tpu.memory_space<vmem>>
    %dma_wait3A_1724 = arith.constant 0 : i32
    %dma_wait3A_1725 = tpu.memref_slice %arg7[%dma_wait3A_1718, %dma_wait3A_1724] : memref<8x100xi32, #tpu.memory_space<vmem>> -> memref<1x100xi32, #tpu.memory_space<vmem>>
    %dma_wait3A_1726 = tpu.memref_squeeze %dma_wait3A_1725 : memref<1x100xi32, #tpu.memory_space<vmem>> -> memref<100xi32, #tpu.memory_space<vmem>>
    %dma_wait3A_1727 = arith.constant 0 : i32
    %dma_wait3A_1728 = arith.constant 0 : i32
    %dma_wait3A_1729 = tpu.memref_slice %arg4[%dma_wait3A_1727, %dma_wait3A_1728] : memref<1000000x64xf32, #tpu.memory_space<hbm>> -> memref<1000000x64xf32, #tpu.memory_space<hbm>>
    tpu.wait_indirect_dma semaphore(%arg16 : memref<!tpu.dma_semaphore, #tpu.memory_space<semaphore_mem>>) src(%dma_wait3A_1729 : memref<1000000x64xf32, #tpu.memory_space<hbm>>) dst(%dma_wait3A_1723 : memref<100x64xf32, #tpu.memory_space<vmem>>)
    %dma_wait3A_1730 = arith.constant 4 : i32
    %dma_wait3A_1731 = arith.constant 2 : i32
    %dma_wait3A_1732 = arith.constant 0 : i32
    %dma_wait3A_1733 = arith.constant 0 : i32
    %dma_wait3A_1734 = tpu.memref_slice %arg10[%dma_wait3A_1731, %dma_wait3A_1732, %dma_wait3A_1733] : memref<4x200x64xf32, #tpu.memory_space<vmem>> -> memref<1x100x64xf32, #tpu.memory_space<vmem>>
    %dma_wait3A_1735 = tpu.memref_squeeze %dma_wait3A_1734 : memref<1x100x64xf32, #tpu.memory_space<vmem>> -> memref<100x64xf32, #tpu.memory_space<vmem>>
    %dma_wait3A_1736 = arith.constant 0 : i32
    %dma_wait3A_1737 = tpu.memref_slice %arg7[%dma_wait3A_1730, %dma_wait3A_1736] : memref<8x100xi32, #tpu.memory_space<vmem>> -> memref<1x100xi32, #tpu.memory_space<vmem>>
    %dma_wait3A_1738 = tpu.memref_squeeze %dma_wait3A_1737 : memref<1x100xi32, #tpu.memory_space<vmem>> -> memref<100xi32, #tpu.memory_space<vmem>>
    %dma_wait3A_1739 = arith.constant 0 : i32
    %dma_wait3A_1740 = arith.constant 0 : i32
    %dma_wait3A_1741 = tpu.memref_slice %arg4[%dma_wait3A_1739, %dma_wait3A_1740] : memref<1000000x64xf32, #tpu.memory_space<hbm>> -> memref<1000000x64xf32, #tpu.memory_space<hbm>>
    tpu.wait_indirect_dma semaphore(%arg16 : memref<!tpu.dma_semaphore, #tpu.memory_space<semaphore_mem>>) src(%dma_wait3A_1741 : memref<1000000x64xf32, #tpu.memory_space<hbm>>) dst(%dma_wait3A_1735 : memref<100x64xf32, #tpu.memory_space<vmem>>)
    %dma_wait3A_1742 = arith.constant 5 : i32
    %dma_wait3A_1743 = arith.constant 2 : i32
    %dma_wait3A_1744 = arith.constant 100 : i32
    %dma_wait3A_1745 = arith.constant 0 : i32
    %dma_wait3A_1746 = tpu.memref_slice %arg10[%dma_wait3A_1743, %dma_wait3A_1744, %dma_wait3A_1745] : memref<4x200x64xf32, #tpu.memory_space<vmem>> -> memref<1x100x64xf32, #tpu.memory_space<vmem>>
    %dma_wait3A_1747 = tpu.memref_squeeze %dma_wait3A_1746 : memref<1x100x64xf32, #tpu.memory_space<vmem>> -> memref<100x64xf32, #tpu.memory_space<vmem>>
    %dma_wait3A_1748 = arith.constant 0 : i32
    %dma_wait3A_1749 = tpu.memref_slice %arg7[%dma_wait3A_1742, %dma_wait3A_1748] : memref<8x100xi32, #tpu.memory_space<vmem>> -> memref<1x100xi32, #tpu.memory_space<vmem>>
    %dma_wait3A_1750 = tpu.memref_squeeze %dma_wait3A_1749 : memref<1x100xi32, #tpu.memory_space<vmem>> -> memref<100xi32, #tpu.memory_space<vmem>>
    %dma_wait3A_1751 = arith.constant 0 : i32
    %dma_wait3A_1752 = arith.constant 0 : i32
    %dma_wait3A_1753 = tpu.memref_slice %arg4[%dma_wait3A_1751, %dma_wait3A_1752] : memref<1000000x64xf32, #tpu.memory_space<hbm>> -> memref<1000000x64xf32, #tpu.memory_space<hbm>>
    tpu.wait_indirect_dma semaphore(%arg16 : memref<!tpu.dma_semaphore, #tpu.memory_space<semaphore_mem>>) src(%dma_wait3A_1753 : memref<1000000x64xf32, #tpu.memory_space<hbm>>) dst(%dma_wait3A_1747 : memref<100x64xf32, #tpu.memory_space<vmem>>)
    %dma_wait3A_1754 = arith.constant 6 : i32
    %dma_wait3A_1755 = arith.constant 3 : i32
    %dma_wait3A_1756 = arith.constant 0 : i32
    %dma_wait3A_1757 = arith.constant 0 : i32
    %dma_wait3A_1758 = tpu.memref_slice %arg10[%dma_wait3A_1755, %dma_wait3A_1756, %dma_wait3A_1757] : memref<4x200x64xf32, #tpu.memory_space<vmem>> -> memref<1x100x64xf32, #tpu.memory_space<vmem>>
    %dma_wait3A_1759 = tpu.memref_squeeze %dma_wait3A_1758 : memref<1x100x64xf32, #tpu.memory_space<vmem>> -> memref<100x64xf32, #tpu.memory_space<vmem>>
    %dma_wait3A_1760 = arith.constant 0 : i32
    %dma_wait3A_1761 = tpu.memref_slice %arg7[%dma_wait3A_1754, %dma_wait3A_1760] : memref<8x100xi32, #tpu.memory_space<vmem>> -> memref<1x100xi32, #tpu.memory_space<vmem>>
    %dma_wait3A_1762 = tpu.memref_squeeze %dma_wait3A_1761 : memref<1x100xi32, #tpu.memory_space<vmem>> -> memref<100xi32, #tpu.memory_space<vmem>>
    %dma_wait3A_1763 = arith.constant 0 : i32
    %dma_wait3A_1764 = arith.constant 0 : i32
    %dma_wait3A_1765 = tpu.memref_slice %arg4[%dma_wait3A_1763, %dma_wait3A_1764] : memref<1000000x64xf32, #tpu.memory_space<hbm>> -> memref<1000000x64xf32, #tpu.memory_space<hbm>>
    tpu.wait_indirect_dma semaphore(%arg16 : memref<!tpu.dma_semaphore, #tpu.memory_space<semaphore_mem>>) src(%dma_wait3A_1765 : memref<1000000x64xf32, #tpu.memory_space<hbm>>) dst(%dma_wait3A_1759 : memref<100x64xf32, #tpu.memory_space<vmem>>)
    %dma_wait3A_1766 = arith.constant 7 : i32
    %dma_wait3A_1767 = arith.constant 3 : i32
    %dma_wait3A_1768 = arith.constant 100 : i32
    %dma_wait3A_1769 = arith.constant 0 : i32
    %dma_wait3A_1770 = tpu.memref_slice %arg10[%dma_wait3A_1767, %dma_wait3A_1768, %dma_wait3A_1769] : memref<4x200x64xf32, #tpu.memory_space<vmem>> -> memref<1x100x64xf32, #tpu.memory_space<vmem>>
    %dma_wait3A_1771 = tpu.memref_squeeze %dma_wait3A_1770 : memref<1x100x64xf32, #tpu.memory_space<vmem>> -> memref<100x64xf32, #tpu.memory_space<vmem>>
    %dma_wait3A_1772 = arith.constant 0 : i32
    %dma_wait3A_1773 = tpu.memref_slice %arg7[%dma_wait3A_1766, %dma_wait3A_1772] : memref<8x100xi32, #tpu.memory_space<vmem>> -> memref<1x100xi32, #tpu.memory_space<vmem>>
    %dma_wait3A_1774 = tpu.memref_squeeze %dma_wait3A_1773 : memref<1x100xi32, #tpu.memory_space<vmem>> -> memref<100xi32, #tpu.memory_space<vmem>>
    %dma_wait3A_1775 = arith.constant 0 : i32
    %dma_wait3A_1776 = arith.constant 0 : i32
    %dma_wait3A_1777 = tpu.memref_slice %arg4[%dma_wait3A_1775, %dma_wait3A_1776] : memref<1000000x64xf32, #tpu.memory_space<hbm>> -> memref<1000000x64xf32, #tpu.memory_space<hbm>>
    tpu.wait_indirect_dma semaphore(%arg16 : memref<!tpu.dma_semaphore, #tpu.memory_space<semaphore_mem>>) src(%dma_wait3A_1777 : memref<1000000x64xf32, #tpu.memory_space<hbm>>) dst(%dma_wait3A_1771 : memref<100x64xf32, #tpu.memory_space<vmem>>)
    %scan3A_1778 = arith.constant 0 : i32
    %scan3A_1779 = arith.constant 0 : i32
    %scan3A_1780 = arith.constant 200 : i32
    %scan3A_1781 = arith.addi %scan3A_1779, %scan3A_1780 : i32
    %scan3A_1782 = arith.constant 1 : i32
    scf.for %scan3A_1806 = %scan3A_1779 to %scan3A_1781 step %scan3A_1782  : i32 {
      %get3A = arith.index_cast %scan3A_1806 : i32 to index
      %get3A_1807 = arith.constant 0 : index
      %get3A_1808 = tpu.vector_load %arg11[%get3A, %get3A_1807] {strides = array<i32>} : memref<200x64xf32, #tpu.memory_space<vmem>>, vector<1x16xf32>,
      %get3A_1809 = vector.shape_cast %get3A_1808 : vector<1x16xf32> to vector<16xf32>
      %get3A_1810 = arith.constant 0 : i32
      %get3A_1811 = arith.index_cast %get3A_1810 : i32 to index
      %get3A_1812 = arith.index_cast %scan3A_1806 : i32 to index
      %get3A_1813 = arith.constant 0 : index
      %get3A_1814 = tpu.vector_load %arg10[%get3A_1811, %get3A_1812, %get3A_1813] {strides = array<i32>} : memref<4x200x64xf32, #tpu.memory_space<vmem>>, vector<1x1x16xf32>,
      %get3A_1815 = vector.shape_cast %get3A_1814 : vector<1x1x16xf32> to vector<16xf32>
      %add3A_1816 = arith.addf %get3A_1815, %get3A_1809 : vector<16xf32>
      %swap3A = arith.constant 0 : i32
      %swap3A_1817 = arith.index_cast %swap3A : i32 to index
      %swap3A_1818 = arith.index_cast %scan3A_1806 : i32 to index
      %swap3A_1819 = arith.constant 0 : index
      %swap3A_1820 = tpu.vector_load %arg10[%swap3A_1817, %swap3A_1818, %swap3A_1819] {strides = array<i32>} : memref<4x200x64xf32, #tpu.memory_space<vmem>>, vector<1x1x16xf32>,
      %swap3A_1821 = vector.shape_cast %swap3A_1820 : vector<1x1x16xf32> to vector<16xf32>
      %swap3A_1822 = vector.shape_cast %add3A_1816 : vector<16xf32> to vector<1x1x16xf32>
      tpu.vector_store %arg10[%swap3A_1817, %swap3A_1818, %swap3A_1819], %swap3A_1822 {strides = array<i32>} : memref<4x200x64xf32, #tpu.memory_space<vmem>>, vector<1x1x16xf32>,
      %get3A_1823 = arith.constant 1 : i32
      %get3A_1824 = arith.index_cast %get3A_1823 : i32 to index
      %get3A_1825 = arith.index_cast %scan3A_1806 : i32 to index
      %get3A_1826 = arith.constant 0 : index
      %get3A_1827 = tpu.vector_load %arg10[%get3A_1824, %get3A_1825, %get3A_1826] {strides = array<i32>} : memref<4x200x64xf32, #tpu.memory_space<vmem>>, vector<1x1x16xf32>,
      %get3A_1828 = vector.shape_cast %get3A_1827 : vector<1x1x16xf32> to vector<16xf32>
      %add3A_1829 = arith.addf %get3A_1828, %get3A_1809 : vector<16xf32>
      %swap3A_1830 = arith.constant 1 : i32
      %swap3A_1831 = arith.index_cast %swap3A_1830 : i32 to index
      %swap3A_1832 = arith.index_cast %scan3A_1806 : i32 to index
      %swap3A_1833 = arith.constant 0 : index
      %swap3A_1834 = tpu.vector_load %arg10[%swap3A_1831, %swap3A_1832, %swap3A_1833] {strides = array<i32>} : memref<4x200x64xf32, #tpu.memory_space<vmem>>, vector<1x1x16xf32>,
      %swap3A_1835 = vector.shape_cast %swap3A_1834 : vector<1x1x16xf32> to vector<16xf32>
      %swap3A_1836 = vector.shape_cast %add3A_1829 : vector<16xf32> to vector<1x1x16xf32>
      tpu.vector_store %arg10[%swap3A_1831, %swap3A_1832, %swap3A_1833], %swap3A_1836 {strides = array<i32>} : memref<4x200x64xf32, #tpu.memory_space<vmem>>, vector<1x1x16xf32>,
      %get3A_1837 = arith.constant 2 : i32
      %get3A_1838 = arith.index_cast %get3A_1837 : i32 to index
      %get3A_1839 = arith.index_cast %scan3A_1806 : i32 to index
      %get3A_1840 = arith.constant 0 : index
      %get3A_1841 = tpu.vector_load %arg10[%get3A_1838, %get3A_1839, %get3A_1840] {strides = array<i32>} : memref<4x200x64xf32, #tpu.memory_space<vmem>>, vector<1x1x16xf32>,
      %get3A_1842 = vector.shape_cast %get3A_1841 : vector<1x1x16xf32> to vector<16xf32>
      %add3A_1843 = arith.addf %get3A_1842, %get3A_1809 : vector<16xf32>
      %swap3A_1844 = arith.constant 2 : i32
      %swap3A_1845 = arith.index_cast %swap3A_1844 : i32 to index
      %swap3A_1846 = arith.index_cast %scan3A_1806 : i32 to index
      %swap3A_1847 = arith.constant 0 : index
      %swap3A_1848 = tpu.vector_load %arg10[%swap3A_1845, %swap3A_1846, %swap3A_1847] {strides = array<i32>} : memref<4x200x64xf32, #tpu.memory_space<vmem>>, vector<1x1x16xf32>,
      %swap3A_1849 = vector.shape_cast %swap3A_1848 : vector<1x1x16xf32> to vector<16xf32>
      %swap3A_1850 = vector.shape_cast %add3A_1843 : vector<16xf32> to vector<1x1x16xf32>
      tpu.vector_store %arg10[%swap3A_1845, %swap3A_1846, %swap3A_1847], %swap3A_1850 {strides = array<i32>} : memref<4x200x64xf32, #tpu.memory_space<vmem>>, vector<1x1x16xf32>,
      %get3A_1851 = arith.constant 3 : i32
      %get3A_1852 = arith.index_cast %get3A_1851 : i32 to index
      %get3A_1853 = arith.index_cast %scan3A_1806 : i32 to index
      %get3A_1854 = arith.constant 0 : index
      %get3A_1855 = tpu.vector_load %arg10[%get3A_1852, %get3A_1853, %get3A_1854] {strides = array<i32>} : memref<4x200x64xf32, #tpu.memory_space<vmem>>, vector<1x1x16xf32>,
      %get3A_1856 = vector.shape_cast %get3A_1855 : vector<1x1x16xf32> to vector<16xf32>
      %add3A_1857 = arith.addf %get3A_1856, %get3A_1809 : vector<16xf32>
      %swap3A_1858 = arith.constant 3 : i32
      %swap3A_1859 = arith.index_cast %swap3A_1858 : i32 to index
      %swap3A_1860 = arith.index_cast %scan3A_1806 : i32 to index
      %swap3A_1861 = arith.constant 0 : index
      %swap3A_1862 = tpu.vector_load %arg10[%swap3A_1859, %swap3A_1860, %swap3A_1861] {strides = array<i32>} : memref<4x200x64xf32, #tpu.memory_space<vmem>>, vector<1x1x16xf32>,
      %swap3A_1863 = vector.shape_cast %swap3A_1862 : vector<1x1x16xf32> to vector<16xf32>
      %swap3A_1864 = vector.shape_cast %add3A_1857 : vector<16xf32> to vector<1x1x16xf32>
      tpu.vector_store %arg10[%swap3A_1859, %swap3A_1860, %swap3A_1861], %swap3A_1864 {strides = array<i32>} : memref<4x200x64xf32, #tpu.memory_space<vmem>>, vector<1x1x16xf32>,
      %get3A_1865 = arith.index_cast %scan3A_1806 : i32 to index
      %get3A_1866 = arith.constant 16 : index
      %get3A_1867 = tpu.vector_load %arg11[%get3A_1865, %get3A_1866] {strides = array<i32>} : memref<200x64xf32, #tpu.memory_space<vmem>>, vector<1x16xf32>,
      %get3A_1868 = vector.shape_cast %get3A_1867 : vector<1x16xf32> to vector<16xf32>
      %get3A_1869 = arith.constant 0 : i32
      %get3A_1870 = arith.index_cast %get3A_1869 : i32 to index
      %get3A_1871 = arith.index_cast %scan3A_1806 : i32 to index
      %get3A_1872 = arith.constant 16 : index
      %get3A_1873 = tpu.vector_load %arg10[%get3A_1870, %get3A_1871, %get3A_1872] {strides = array<i32>} : memref<4x200x64xf32, #tpu.memory_space<vmem>>, vector<1x1x16xf32>,
      %get3A_1874 = vector.shape_cast %get3A_1873 : vector<1x1x16xf32> to vector<16xf32>
      %add3A_1875 = arith.addf %get3A_1874, %get3A_1868 : vector<16xf32>
      %swap3A_1876 = arith.constant 0 : i32
      %swap3A_1877 = arith.index_cast %swap3A_1876 : i32 to index
      %swap3A_1878 = arith.index_cast %scan3A_1806 : i32 to index
      %swap3A_1879 = arith.constant 16 : index
      %swap3A_1880 = tpu.vector_load %arg10[%swap3A_1877, %swap3A_1878, %swap3A_1879] {strides = array<i32>} : memref<4x200x64xf32, #tpu.memory_space<vmem>>, vector<1x1x16xf32>,
      %swap3A_1881 = vector.shape_cast %swap3A_1880 : vector<1x1x16xf32> to vector<16xf32>
      %swap3A_1882 = vector.shape_cast %add3A_1875 : vector<16xf32> to vector<1x1x16xf32>
      tpu.vector_store %arg10[%swap3A_1877, %swap3A_1878, %swap3A_1879], %swap3A_1882 {strides = array<i32>} : memref<4x200x64xf32, #tpu.memory_space<vmem>>, vector<1x1x16xf32>,
      %get3A_1883 = arith.constant 1 : i32
      %get3A_1884 = arith.index_cast %get3A_1883 : i32 to index
      %get3A_1885 = arith.index_cast %scan3A_1806 : i32 to index
      %get3A_1886 = arith.constant 16 : index
      %get3A_1887 = tpu.vector_load %arg10[%get3A_1884, %get3A_1885, %get3A_1886] {strides = array<i32>} : memref<4x200x64xf32, #tpu.memory_space<vmem>>, vector<1x1x16xf32>,
      %get3A_1888 = vector.shape_cast %get3A_1887 : vector<1x1x16xf32> to vector<16xf32>
      %add3A_1889 = arith.addf %get3A_1888, %get3A_1868 : vector<16xf32>
      %swap3A_1890 = arith.constant 1 : i32
      %swap3A_1891 = arith.index_cast %swap3A_1890 : i32 to index
      %swap3A_1892 = arith.index_cast %scan3A_1806 : i32 to index
      %swap3A_1893 = arith.constant 16 : index
      %swap3A_1894 = tpu.vector_load %arg10[%swap3A_1891, %swap3A_1892, %swap3A_1893] {strides = array<i32>} : memref<4x200x64xf32, #tpu.memory_space<vmem>>, vector<1x1x16xf32>,
      %swap3A_1895 = vector.shape_cast %swap3A_1894 : vector<1x1x16xf32> to vector<16xf32>
      %swap3A_1896 = vector.shape_cast %add3A_1889 : vector<16xf32> to vector<1x1x16xf32>
      tpu.vector_store %arg10[%swap3A_1891, %swap3A_1892, %swap3A_1893], %swap3A_1896 {strides = array<i32>} : memref<4x200x64xf32, #tpu.memory_space<vmem>>, vector<1x1x16xf32>,
      %get3A_1897 = arith.constant 2 : i32
      %get3A_1898 = arith.index_cast %get3A_1897 : i32 to index
      %get3A_1899 = arith.index_cast %scan3A_1806 : i32 to index
      %get3A_1900 = arith.constant 16 : index
      %get3A_1901 = tpu.vector_load %arg10[%get3A_1898, %get3A_1899, %get3A_1900] {strides = array<i32>} : memref<4x200x64xf32, #tpu.memory_space<vmem>>, vector<1x1x16xf32>,
      %get3A_1902 = vector.shape_cast %get3A_1901 : vector<1x1x16xf32> to vector<16xf32>
      %add3A_1903 = arith.addf %get3A_1902, %get3A_1868 : vector<16xf32>
      %swap3A_1904 = arith.constant 2 : i32
      %swap3A_1905 = arith.index_cast %swap3A_1904 : i32 to index
      %swap3A_1906 = arith.index_cast %scan3A_1806 : i32 to index
      %swap3A_1907 = arith.constant 16 : index
      %swap3A_1908 = tpu.vector_load %arg10[%swap3A_1905, %swap3A_1906, %swap3A_1907] {strides = array<i32>} : memref<4x200x64xf32, #tpu.memory_space<vmem>>, vector<1x1x16xf32>,
      %swap3A_1909 = vector.shape_cast %swap3A_1908 : vector<1x1x16xf32> to vector<16xf32>
      %swap3A_1910 = vector.shape_cast %add3A_1903 : vector<16xf32> to vector<1x1x16xf32>
      tpu.vector_store %arg10[%swap3A_1905, %swap3A_1906, %swap3A_1907], %swap3A_1910 {strides = array<i32>} : memref<4x200x64xf32, #tpu.memory_space<vmem>>, vector<1x1x16xf32>,
      %get3A_1911 = arith.constant 3 : i32
      %get3A_1912 = arith.index_cast %get3A_1911 : i32 to index
      %get3A_1913 = arith.index_cast %scan3A_1806 : i32 to index
      %get3A_1914 = arith.constant 16 : index
      %get3A_1915 = tpu.vector_load %arg10[%get3A_1912, %get3A_1913, %get3A_1914] {strides = array<i32>} : memref<4x200x64xf32, #tpu.memory_space<vmem>>, vector<1x1x16xf32>,
      %get3A_1916 = vector.shape_cast %get3A_1915 : vector<1x1x16xf32> to vector<16xf32>
      %add3A_1917 = arith.addf %get3A_1916, %get3A_1868 : vector<16xf32>
      %swap3A_1918 = arith.constant 3 : i32
      %swap3A_1919 = arith.index_cast %swap3A_1918 : i32 to index
      %swap3A_1920 = arith.index_cast %scan3A_1806 : i32 to index
      %swap3A_1921 = arith.constant 16 : index
      %swap3A_1922 = tpu.vector_load %arg10[%swap3A_1919, %swap3A_1920, %swap3A_1921] {strides = array<i32>} : memref<4x200x64xf32, #tpu.memory_space<vmem>>, vector<1x1x16xf32>,
      %swap3A_1923 = vector.shape_cast %swap3A_1922 : vector<1x1x16xf32> to vector<16xf32>
      %swap3A_1924 = vector.shape_cast %add3A_1917 : vector<16xf32> to vector<1x1x16xf32>
      tpu.vector_store %arg10[%swap3A_1919, %swap3A_1920, %swap3A_1921], %swap3A_1924 {strides = array<i32>} : memref<4x200x64xf32, #tpu.memory_space<vmem>>, vector<1x1x16xf32>,
      %get3A_1925 = arith.index_cast %scan3A_1806 : i32 to index
      %get3A_1926 = arith.constant 32 : index
      %get3A_1927 = tpu.vector_load %arg11[%get3A_1925, %get3A_1926] {strides = array<i32>} : memref<200x64xf32, #tpu.memory_space<vmem>>, vector<1x16xf32>,
      %get3A_1928 = vector.shape_cast %get3A_1927 : vector<1x16xf32> to vector<16xf32>
      %get3A_1929 = arith.constant 0 : i32
      %get3A_1930 = arith.index_cast %get3A_1929 : i32 to index
      %get3A_1931 = arith.index_cast %scan3A_1806 : i32 to index
      %get3A_1932 = arith.constant 32 : index
      %get3A_1933 = tpu.vector_load %arg10[%get3A_1930, %get3A_1931, %get3A_1932] {strides = array<i32>} : memref<4x200x64xf32, #tpu.memory_space<vmem>>, vector<1x1x16xf32>,
      %get3A_1934 = vector.shape_cast %get3A_1933 : vector<1x1x16xf32> to vector<16xf32>
      %add3A_1935 = arith.addf %get3A_1934, %get3A_1928 : vector<16xf32>
      %swap3A_1936 = arith.constant 0 : i32
      %swap3A_1937 = arith.index_cast %swap3A_1936 : i32 to index
      %swap3A_1938 = arith.index_cast %scan3A_1806 : i32 to index
      %swap3A_1939 = arith.constant 32 : index
      %swap3A_1940 = tpu.vector_load %arg10[%swap3A_1937, %swap3A_1938, %swap3A_1939] {strides = array<i32>} : memref<4x200x64xf32, #tpu.memory_space<vmem>>, vector<1x1x16xf32>,
      %swap3A_1941 = vector.shape_cast %swap3A_1940 : vector<1x1x16xf32> to vector<16xf32>
      %swap3A_1942 = vector.shape_cast %add3A_1935 : vector<16xf32> to vector<1x1x16xf32>
      tpu.vector_store %arg10[%swap3A_1937, %swap3A_1938, %swap3A_1939], %swap3A_1942 {strides = array<i32>} : memref<4x200x64xf32, #tpu.memory_space<vmem>>, vector<1x1x16xf32>,
      %get3A_1943 = arith.constant 1 : i32
      %get3A_1944 = arith.index_cast %get3A_1943 : i32 to index
      %get3A_1945 = arith.index_cast %scan3A_1806 : i32 to index
      %get3A_1946 = arith.constant 32 : index
      %get3A_1947 = tpu.vector_load %arg10[%get3A_1944, %get3A_1945, %get3A_1946] {strides = array<i32>} : memref<4x200x64xf32, #tpu.memory_space<vmem>>, vector<1x1x16xf32>,
      %get3A_1948 = vector.shape_cast %get3A_1947 : vector<1x1x16xf32> to vector<16xf32>
      %add3A_1949 = arith.addf %get3A_1948, %get3A_1928 : vector<16xf32>
      %swap3A_1950 = arith.constant 1 : i32
      %swap3A_1951 = arith.index_cast %swap3A_1950 : i32 to index
      %swap3A_1952 = arith.index_cast %scan3A_1806 : i32 to index
      %swap3A_1953 = arith.constant 32 : index
      %swap3A_1954 = tpu.vector_load %arg10[%swap3A_1951, %swap3A_1952, %swap3A_1953] {strides = array<i32>} : memref<4x200x64xf32, #tpu.memory_space<vmem>>, vector<1x1x16xf32>,
      %swap3A_1955 = vector.shape_cast %swap3A_1954 : vector<1x1x16xf32> to vector<16xf32>
      %swap3A_1956 = vector.shape_cast %add3A_1949 : vector<16xf32> to vector<1x1x16xf32>
      tpu.vector_store %arg10[%swap3A_1951, %swap3A_1952, %swap3A_1953], %swap3A_1956 {strides = array<i32>} : memref<4x200x64xf32, #tpu.memory_space<vmem>>, vector<1x1x16xf32>,
      %get3A_1957 = arith.constant 2 : i32
      %get3A_1958 = arith.index_cast %get3A_1957 : i32 to index
      %get3A_1959 = arith.index_cast %scan3A_1806 : i32 to index
      %get3A_1960 = arith.constant 32 : index
      %get3A_1961 = tpu.vector_load %arg10[%get3A_1958, %get3A_1959, %get3A_1960] {strides = array<i32>} : memref<4x200x64xf32, #tpu.memory_space<vmem>>, vector<1x1x16xf32>,
      %get3A_1962 = vector.shape_cast %get3A_1961 : vector<1x1x16xf32> to vector<16xf32>
      %add3A_1963 = arith.addf %get3A_1962, %get3A_1928 : vector<16xf32>
      %swap3A_1964 = arith.constant 2 : i32
      %swap3A_1965 = arith.index_cast %swap3A_1964 : i32 to index
      %swap3A_1966 = arith.index_cast %scan3A_1806 : i32 to index
      %swap3A_1967 = arith.constant 32 : index
      %swap3A_1968 = tpu.vector_load %arg10[%swap3A_1965, %swap3A_1966, %swap3A_1967] {strides = array<i32>} : memref<4x200x64xf32, #tpu.memory_space<vmem>>, vector<1x1x16xf32>,
      %swap3A_1969 = vector.shape_cast %swap3A_1968 : vector<1x1x16xf32> to vector<16xf32>
      %swap3A_1970 = vector.shape_cast %add3A_1963 : vector<16xf32> to vector<1x1x16xf32>
      tpu.vector_store %arg10[%swap3A_1965, %swap3A_1966, %swap3A_1967], %swap3A_1970 {strides = array<i32>} : memref<4x200x64xf32, #tpu.memory_space<vmem>>, vector<1x1x16xf32>,
      %get3A_1971 = arith.constant 3 : i32
      %get3A_1972 = arith.index_cast %get3A_1971 : i32 to index
      %get3A_1973 = arith.index_cast %scan3A_1806 : i32 to index
      %get3A_1974 = arith.constant 32 : index
      %get3A_1975 = tpu.vector_load %arg10[%get3A_1972, %get3A_1973, %get3A_1974] {strides = array<i32>} : memref<4x200x64xf32, #tpu.memory_space<vmem>>, vector<1x1x16xf32>,
      %get3A_1976 = vector.shape_cast %get3A_1975 : vector<1x1x16xf32> to vector<16xf32>
      %add3A_1977 = arith.addf %get3A_1976, %get3A_1928 : vector<16xf32>
      %swap3A_1978 = arith.constant 3 : i32
      %swap3A_1979 = arith.index_cast %swap3A_1978 : i32 to index
      %swap3A_1980 = arith.index_cast %scan3A_1806 : i32 to index
      %swap3A_1981 = arith.constant 32 : index
      %swap3A_1982 = tpu.vector_load %arg10[%swap3A_1979, %swap3A_1980, %swap3A_1981] {strides = array<i32>} : memref<4x200x64xf32, #tpu.memory_space<vmem>>, vector<1x1x16xf32>,
      %swap3A_1983 = vector.shape_cast %swap3A_1982 : vector<1x1x16xf32> to vector<16xf32>
      %swap3A_1984 = vector.shape_cast %add3A_1977 : vector<16xf32> to vector<1x1x16xf32>
      tpu.vector_store %arg10[%swap3A_1979, %swap3A_1980, %swap3A_1981], %swap3A_1984 {strides = array<i32>} : memref<4x200x64xf32, #tpu.memory_space<vmem>>, vector<1x1x16xf32>,
      %get3A_1985 = arith.index_cast %scan3A_1806 : i32 to index
      %get3A_1986 = arith.constant 48 : index
      %get3A_1987 = tpu.vector_load %arg11[%get3A_1985, %get3A_1986] {strides = array<i32>} : memref<200x64xf32, #tpu.memory_space<vmem>>, vector<1x16xf32>,
      %get3A_1988 = vector.shape_cast %get3A_1987 : vector<1x16xf32> to vector<16xf32>
      %get3A_1989 = arith.constant 0 : i32
      %get3A_1990 = arith.index_cast %get3A_1989 : i32 to index
      %get3A_1991 = arith.index_cast %scan3A_1806 : i32 to index
      %get3A_1992 = arith.constant 48 : index
      %get3A_1993 = tpu.vector_load %arg10[%get3A_1990, %get3A_1991, %get3A_1992] {strides = array<i32>} : memref<4x200x64xf32, #tpu.memory_space<vmem>>, vector<1x1x16xf32>,
      %get3A_1994 = vector.shape_cast %get3A_1993 : vector<1x1x16xf32> to vector<16xf32>
      %add3A_1995 = arith.addf %get3A_1994, %get3A_1988 : vector<16xf32>
      %swap3A_1996 = arith.constant 0 : i32
      %swap3A_1997 = arith.index_cast %swap3A_1996 : i32 to index
      %swap3A_1998 = arith.index_cast %scan3A_1806 : i32 to index
      %swap3A_1999 = arith.constant 48 : index
      %swap3A_2000 = tpu.vector_load %arg10[%swap3A_1997, %swap3A_1998, %swap3A_1999] {strides = array<i32>} : memref<4x200x64xf32, #tpu.memory_space<vmem>>, vector<1x1x16xf32>,
      %swap3A_2001 = vector.shape_cast %swap3A_2000 : vector<1x1x16xf32> to vector<16xf32>
      %swap3A_2002 = vector.shape_cast %add3A_1995 : vector<16xf32> to vector<1x1x16xf32>
      tpu.vector_store %arg10[%swap3A_1997, %swap3A_1998, %swap3A_1999], %swap3A_2002 {strides = array<i32>} : memref<4x200x64xf32, #tpu.memory_space<vmem>>, vector<1x1x16xf32>,
      %get3A_2003 = arith.constant 1 : i32
      %get3A_2004 = arith.index_cast %get3A_2003 : i32 to index
      %get3A_2005 = arith.index_cast %scan3A_1806 : i32 to index
      %get3A_2006 = arith.constant 48 : index
      %get3A_2007 = tpu.vector_load %arg10[%get3A_2004, %get3A_2005, %get3A_2006] {strides = array<i32>} : memref<4x200x64xf32, #tpu.memory_space<vmem>>, vector<1x1x16xf32>,
      %get3A_2008 = vector.shape_cast %get3A_2007 : vector<1x1x16xf32> to vector<16xf32>
      %add3A_2009 = arith.addf %get3A_2008, %get3A_1988 : vector<16xf32>
      %swap3A_2010 = arith.constant 1 : i32
      %swap3A_2011 = arith.index_cast %swap3A_2010 : i32 to index
      %swap3A_2012 = arith.index_cast %scan3A_1806 : i32 to index
      %swap3A_2013 = arith.constant 48 : index
      %swap3A_2014 = tpu.vector_load %arg10[%swap3A_2011, %swap3A_2012, %swap3A_2013] {strides = array<i32>} : memref<4x200x64xf32, #tpu.memory_space<vmem>>, vector<1x1x16xf32>,
      %swap3A_2015 = vector.shape_cast %swap3A_2014 : vector<1x1x16xf32> to vector<16xf32>
      %swap3A_2016 = vector.shape_cast %add3A_2009 : vector<16xf32> to vector<1x1x16xf32>
      tpu.vector_store %arg10[%swap3A_2011, %swap3A_2012, %swap3A_2013], %swap3A_2016 {strides = array<i32>} : memref<4x200x64xf32, #tpu.memory_space<vmem>>, vector<1x1x16xf32>,
      %get3A_2017 = arith.constant 2 : i32
      %get3A_2018 = arith.index_cast %get3A_2017 : i32 to index
      %get3A_2019 = arith.index_cast %scan3A_1806 : i32 to index
      %get3A_2020 = arith.constant 48 : index
      %get3A_2021 = tpu.vector_load %arg10[%get3A_2018, %get3A_2019, %get3A_2020] {strides = array<i32>} : memref<4x200x64xf32, #tpu.memory_space<vmem>>, vector<1x1x16xf32>,
      %get3A_2022 = vector.shape_cast %get3A_2021 : vector<1x1x16xf32> to vector<16xf32>
      %add3A_2023 = arith.addf %get3A_2022, %get3A_1988 : vector<16xf32>
      %swap3A_2024 = arith.constant 2 : i32
      %swap3A_2025 = arith.index_cast %swap3A_2024 : i32 to index
      %swap3A_2026 = arith.index_cast %scan3A_1806 : i32 to index
      %swap3A_2027 = arith.constant 48 : index
      %swap3A_2028 = tpu.vector_load %arg10[%swap3A_2025, %swap3A_2026, %swap3A_2027] {strides = array<i32>} : memref<4x200x64xf32, #tpu.memory_space<vmem>>, vector<1x1x16xf32>,
      %swap3A_2029 = vector.shape_cast %swap3A_2028 : vector<1x1x16xf32> to vector<16xf32>
      %swap3A_2030 = vector.shape_cast %add3A_2023 : vector<16xf32> to vector<1x1x16xf32>
      tpu.vector_store %arg10[%swap3A_2025, %swap3A_2026, %swap3A_2027], %swap3A_2030 {strides = array<i32>} : memref<4x200x64xf32, #tpu.memory_space<vmem>>, vector<1x1x16xf32>,
      %get3A_2031 = arith.constant 3 : i32
      %get3A_2032 = arith.index_cast %get3A_2031 : i32 to index
      %get3A_2033 = arith.index_cast %scan3A_1806 : i32 to index
      %get3A_2034 = arith.constant 48 : index
      %get3A_2035 = tpu.vector_load %arg10[%get3A_2032, %get3A_2033, %get3A_2034] {strides = array<i32>} : memref<4x200x64xf32, #tpu.memory_space<vmem>>, vector<1x1x16xf32>,
      %get3A_2036 = vector.shape_cast %get3A_2035 : vector<1x1x16xf32> to vector<16xf32>
      %add3A_2037 = arith.addf %get3A_2036, %get3A_1988 : vector<16xf32>
      %swap3A_2038 = arith.constant 3 : i32
      %swap3A_2039 = arith.index_cast %swap3A_2038 : i32 to index
      %swap3A_2040 = arith.index_cast %scan3A_1806 : i32 to index
      %swap3A_2041 = arith.constant 48 : index
      %swap3A_2042 = tpu.vector_load %arg10[%swap3A_2039, %swap3A_2040, %swap3A_2041] {strides = array<i32>} : memref<4x200x64xf32, #tpu.memory_space<vmem>>, vector<1x1x16xf32>,
      %swap3A_2043 = vector.shape_cast %swap3A_2042 : vector<1x1x16xf32> to vector<16xf32>
      %swap3A_2044 = vector.shape_cast %add3A_2037 : vector<16xf32> to vector<1x1x16xf32>
      tpu.vector_store %arg10[%swap3A_2039, %swap3A_2040, %swap3A_2041], %swap3A_2044 {strides = array<i32>} : memref<4x200x64xf32, #tpu.memory_space<vmem>>, vector<1x1x16xf32>,
    }
    %scan3A_1783 = arith.constant 200 : i32
    %mul3A_1784 = arith.constant 32 : i32
    %mul3A_1785 = arith.muli %add3A, %mul3A_1784 : i32
    %add3A_1786 = arith.constant 28 : i32
    %add3A_1787 = arith.addi %mul3A_1785, %add3A_1786 : i32
    %dma_start3A_1788 = arith.constant 0 : i32
    %dma_start3A_1789 = arith.constant 0 : i32
    %dma_start3A_1790 = tpu.memref_slice %arg5[%add3A_1787, %dma_start3A_1788, %dma_start3A_1789] : memref<1024x200x64xf32, #tpu.memory_space<hbm>> -> memref<4x200x64xf32, #tpu.memory_space<hbm>>
    %dma_start3A_1791 = arith.constant 0 : i32
    %dma_start3A_1792 = arith.constant 0 : i32
    %dma_start3A_1793 = tpu.memref_slice %arg5[%add3A_1787, %dma_start3A_1791, %dma_start3A_1792] : memref<1024x200x64xf32, #tpu.memory_space<hbm>> -> memref<4x200x64xf32, #tpu.memory_space<hbm>>
    tpu.enqueue_dma source(%arg10 : memref<4x200x64xf32, #tpu.memory_space<vmem>>) target(%dma_start3A_1793 : memref<4x200x64xf32, #tpu.memory_space<hbm>>) target_semaphore(%arg18 : memref<!tpu.dma_semaphore, #tpu.memory_space<semaphore_mem>>)
    %dma_wait3A_1794 = arith.constant 0 : i32
    %dma_wait3A_1795 = arith.constant 0 : i32
    %dma_wait3A_1796 = tpu.memref_slice %arg5[%add3A_1675, %dma_wait3A_1794, %dma_wait3A_1795] : memref<1024x200x64xf32, #tpu.memory_space<hbm>> -> memref<4x200x64xf32, #tpu.memory_space<hbm>>
    %dma_wait3A_1797 = arith.constant 0 : i32
    %dma_wait3A_1798 = arith.constant 0 : i32
    %dma_wait3A_1799 = tpu.memref_slice %arg5[%add3A_1675, %dma_wait3A_1797, %dma_wait3A_1798] : memref<1024x200x64xf32, #tpu.memory_space<hbm>> -> memref<4x200x64xf32, #tpu.memory_space<hbm>>
    tpu.wait_dma2 semaphore(%arg17 : memref<!tpu.dma_semaphore, #tpu.memory_space<semaphore_mem>>) src(%arg9 : memref<4x200x64xf32, #tpu.memory_space<vmem>>) dst(%dma_wait3A_1799 : memref<4x200x64xf32, #tpu.memory_space<hbm>>)
    %dma_wait3A_1800 = arith.constant 0 : i32
    %dma_wait3A_1801 = arith.constant 0 : i32
    %dma_wait3A_1802 = tpu.memref_slice %arg5[%add3A_1787, %dma_wait3A_1800, %dma_wait3A_1801] : memref<1024x200x64xf32, #tpu.memory_space<hbm>> -> memref<4x200x64xf32, #tpu.memory_space<hbm>>
    %dma_wait3A_1803 = arith.constant 0 : i32
    %dma_wait3A_1804 = arith.constant 0 : i32
    %dma_wait3A_1805 = tpu.memref_slice %arg5[%add3A_1787, %dma_wait3A_1803, %dma_wait3A_1804] : memref<1024x200x64xf32, #tpu.memory_space<hbm>> -> memref<4x200x64xf32, #tpu.memory_space<hbm>>
    tpu.wait_dma2 semaphore(%arg18 : memref<!tpu.dma_semaphore, #tpu.memory_space<semaphore_mem>>) src(%arg10 : memref<4x200x64xf32, #tpu.memory_space<vmem>>) dst(%dma_wait3A_1805 : memref<4x200x64xf32, #tpu.memory_space<hbm>>)
    return
  }
}

</mosaic_0001>

<sc_bundles>
// kernel: kernel.3.cloned.1.call-start
scs
__scs_entry_jumppad:
0x0: {  	(pc) =	sbr.rel $0x88, $3  }
0x1: {  	(tag) =	ssettag $0x0;
	lr =	simm.s32 $0x1  }
0x2: {  	[smem:$0x3F9F] =	sst lr;
	_ =	strace $0xD0000000  }
0x3: {  	_ = 	snop  }
0x4: {  	_ = 	snop  }
0x5: {  	_ = 	snop  }
0x6: {  	_ = 	snop  }
0x7: {  	_ = 	snop  }
__scs_overlays_trampoline_lowered:
0x8: {  	[smem:$0x3FAE] =	sst s0  }
0x9: {  	[smem:$0x3FAF] =	sst s1  }
0xa: {  	[smem:$0x3FB0] =	sst s2  }
0xb: {  	[smem:$0x3FB1] =	sst s3  }
0xc: {  	[smem:$0x3FB2] =	sst s4  }
0xd: {  	[smem:$0x3FB3] =	sst s5  }
0xe: {  	[smem:$0x3FB4] =	sst s6  }
0xf: {  	[smem:$0x3FB5] =	sst s7  }
0x10: {  	[smem:$0x3FB6] =	sst s8  }
0x11: {  	[smem:$0x3FB7] =	sst s9;
	s0 =	simm.s32 @!p0 $0x0  }
0x12: {  	s1 =	sld [smem:$0x3F9D];
	s0 =	simm.s32 @p0 $0x1  }
0x13: {  	[smem:$0x3FB8] =	sst s0;
	s0 =	simm.s32 @!p1 $0x0  }
0x14: {  	s2 =	sld [smem:$0x3F9C];
	s0 =	simm.s32 @p1 $0x1  }
0x15: {  	[smem:$0x3FB9] =	sst s0;
	s0 =	simm.s32 @!p2 $0x0  }
0x16: {  	s3 =	sld [smem:$0x3FDB];
	s0 =	simm.s32 @p2 $0x1  }
0x17: {  	s4 =	simm.s32 $0x1BF5;
	[smem:$0x3FBB] =	sst s0  }
0x18: {  	s0 =	sld [smem:$0x3F9E];
	_ =	swait.ge [sflag:s4], $0x0  }
0x19: {  	s7 =	sld [smem:$0x3F9F]  }
0x1a: {  	s8 =	sadd.s32 $0xFFFFE003, lr  }
0x1b: {  	s9 =	sadd.s32 $0xFFFFFEF7, lr;
	s5 =	simm.s32 $0xFFFFFFFF;
	p2 =	slt.u32 s8, $0xFFFFF086  }
0x1c: {  	p1 =	slt.u32 s9, $0xF7A;
	s5 =	simm.s32 @!p2 $0x0  }
0x1d: {  	s5 =	simm.s32 @p1 $0x1;
	p0 =	seq.s32 s7, s2  }
0x1e: {  	s7 =	smul.u32 @!p0 $0xF7A, s2;
	p2 =	seq.s32 @!p0 s5, $0x0  }
0x1f: {  	s9 =	smul.u32 $0xF7A, s1;
	s8 =	simm.s32 @!p0 $0x1BF5;
	p2 =	por !p2, p0  }
0x20: {  	[sflag:s8] =	ssyncset.s32 @!p0 $0xFFFFF086;
	s6 =	sadd.s32 @!p0 s3, s7;
	s7 =	simm.s32 @!p0 $0x108  }
0x21: {  	s3 =	sadd.s32 s3, s9;
	s6 =	sadd.s32 @!p0 $0x88, s6;
	s7 =	simm.s32 @p2 $0x1082  }
0x22: {  	[simem:s7], [sflag:s8] =	dma.local @!p0 [hbm:s6], $0xF7A  }
0x23: {  	s9 =	sor.u32 $0xD0000000, s2;
	s6 =	simm.s32 $0x108;
	_ =	swait.ge @!p0 [sflag:s8], $0x0  }
0x24: {  	s3 =	sadd.s32 $0x88, s3;
	s6 =	simm.s32 @!p1 $0x1082;
	[sflag:s4] =	ssyncset.s32 $0xFFFFF086  }
0x25: {  	[simem:s6], [sflag:s4] =	dma.local [hbm:s3], $0xF7A  }
0x26: {  	[smem:$0x3F9F] =	sst s1;
	(tag) =	ssettag s2;
	_ =	strace s9  }
0x27: {  	s1 =	sld [smem:$0x3FAF]  }
0x28: {  	s2 =	sld [smem:$0x3FB0]  }
0x29: {  	s4 =	sld [smem:$0x3FB2]  }
0x2a: {  	p0 =	seq.s32 s5, $0x0;
	s5 =	sld [smem:$0x3FB3]  }
0x2b: {  	s6 =	sld [smem:$0x3FB4]  }
0x2c: {  	s7 =	sld [smem:$0x3FB5]  }
0x2d: {  	s3 =	simm.s32 $0x108;
	s8 =	sld [smem:$0x3FB6]  }
0x2e: {  	s3 =	simm.s32 @!p0 $0x1082;
	s9 =	sld [smem:$0x3FB7]  }
0x2f: {  	lr =	sadd.s32 s0, s3;
	s0 =	sld [smem:$0x3FAE]  }
0x30: {  	s3 =	sld [smem:$0x3FB1]  }
0x31: {  	[smem:$0x3FBA] =	sst s10  }
0x32: {  	s10 =	sld [smem:$0x3FB8];
	_ =	sdelay $0x3  }
0x33: {  	p0 =	seq.s32 s10, $0x1;
	s10 =	sld [smem:$0x3FBA];
	_ =	sdelay $0x3  }
0x34: {  	[smem:$0x3FBA] =	sst s10  }
0x35: {  	s10 =	sld [smem:$0x3FB9];
	_ =	sdelay $0x3  }
0x36: {  	p1 =	seq.s32 s10, $0x1;
	s10 =	sld [smem:$0x3FBA];
	_ =	sdelay $0x3  }
0x37: {  	[smem:$0x3FBA] =	sst s10  }
0x38: {  	s10 =	sld [smem:$0x3FBB]  }
0x39: {  	_ = 	snop;
	(pc) =	sbr.ind lr, $3  }
0x3a: {  	_ = 	snop  }
0x3b: {  	_ = 	snop  }
0x3c: {  	p2 =	seq.s32 s10, $0x1;
	s10 =	sld [smem:$0x3FBA]  }
0x3d: {  	_ =	shalt  }
0x3e: {  	_ =	shalt  }
0x3f: {  	_ =	shalt  }
0x40: {  	_ =	shalt  }
0x41: {  	_ =	shalt  }
0x42: {  	_ =	shalt  }
0x43: {  	_ =	shalt  }
0x44: {  	_ =	shalt  }
0x45: {  	_ =	shalt  }
0x46: {  	_ =	shalt  }
0x47: {  	_ =	shalt  }
0x48: {  	_ =	shalt  }
0x49: {  	_ =	shalt  }
0x4a: {  	_ =	shalt  }
0x4b: {  	_ =	shalt  }
0x4c: {  	_ =	shalt  }
0x4d: {  	_ =	shalt  }
0x4e: {  	_ =	shalt  }
0x4f: {  	_ =	shalt  }
0x50: {  	_ =	shalt  }
0x51: {  	_ =	shalt  }
0x52: {  	_ =	shalt  }
0x53: {  	_ =	shalt  }
0x54: {  	_ =	shalt  }
0x55: {  	_ =	shalt  }
0x56: {  	_ =	shalt  }
0x57: {  	_ =	shalt  }
0x58: {  	_ =	shalt  }
0x59: {  	_ =	shalt  }
0x5a: {  	_ =	shalt  }
0x5b: {  	_ =	shalt  }
0x5c: {  	_ =	shalt  }
0x5d: {  	_ =	shalt  }
0x5e: {  	_ =	shalt  }
0x5f: {  	_ =	shalt  }
0x60: {  	_ =	shalt  }
0x61: {  	_ =	shalt  }
0x62: {  	_ =	shalt  }
0x63: {  	_ =	shalt  }
0x64: {  	_ =	shalt  }
0x65: {  	_ =	shalt  }
0x66: {  	_ =	shalt  }
0x67: {  	_ =	shalt  }
0x68: {  	_ =	shalt  }
0x69: {  	_ =	shalt  }
0x6a: {  	_ =	shalt  }
0x6b: {  	_ =	shalt  }
0x6c: {  	_ =	shalt  }
0x6d: {  	_ =	shalt  }
0x6e: {  	_ =	shalt  }
0x6f: {  	_ =	shalt  }
0x70: {  	_ =	shalt  }
0x71: {  	_ =	shalt  }
0x72: {  	_ =	shalt  }
0x73: {  	_ =	shalt  }
0x74: {  	_ =	shalt  }
0x75: {  	_ =	shalt  }
0x76: {  	_ =	shalt  }
0x77: {  	_ =	shalt  }
0x78: {  	_ =	shalt  }
0x79: {  	_ =	shalt  }
0x7a: {  	_ =	shalt  }
0x7b: {  	_ =	shalt  }
0x7c: {  	_ =	shalt  }
0x7d: {  	_ =	shalt  }
0x7e: {  	_ =	shalt  }
0x7f: {  	_ =	shalt  }
0x80: {  	_ =	shalt  }
0x81: {  	_ =	shalt  }
0x82: {  	_ =	shalt  }
0x83: {  	_ =	shalt  }
0x84: {  	_ =	shalt  }
0x85: {  	_ =	shalt  }
0x86: {  	_ =	shalt  }
0x87: {  	_ =	shalt  }
.Lfunc_end0:
.L_simem_size_0:
called_computation.1_lowered:
.L_overlay_start_0:
0x88: {  	s2 =	sld [smem:$0x3FD9]  }
0x89: {  	s3 =	sld [smem:$0x3FFE];
	_ =	sdelay $0x1  }
0x8a: {  	s1 =	srdreg.scid  }
0x8b: {  	s0 =	sand.u32 $0x1, s1  }
0x8c: {  	s17 =	sshll.u32 s0, $0xA;
	s2 =	sadd.s32 s3, s2  }
0x8d: {  	s2 =	sadd.s32 s2, s17  }
0x8e: {  	[smem:$0x3FC6] =	sst s2  }
0x8f: {  	_ = 	snop  }
0x90: {  	s2 =	sld [smem:$0x3FD0];
	(tm) =	ssettm $0x1  }
0x91: {  	s18 =	sld [smem:$0x3FFB];
	_ =	sdelay $0x3  }
0x92: {  	_ =	strace s18  }
0x93: {  	s3 =	sld [smem:$0x3FFC];
	_ =	sdelay $0x3  }
0x94: {  	_ =	strace s3  }
0x95: {  	s3 =	sld [smem:$0x3FFD];
	_ =	sdelay $0x3  }
0x96: {  	_ =	strace s3  }
0x97: {  	_ =	strace $0x8FFFFFFF  }
0x98: {  	s19 =	sld [smem:$0x3FDB];
	_ =	sdelay $0x1  }
0x99: {  	s4 =	simm.s32 $_scs_section_size  }
0x9a: {  	s5 =	simm.s32 $_size__tile_overlayer_lowered;
	s6 =	simm.s32 $_tile_overlayer_lowered  }
0x9b: {  	s22 =	simm.s32 $0x1BFF;
	s21 =	sshll.u32 s6, $0x1;
	s3 =	sadd.s32 s4, s19  }
0x9c: {  	s7 =	simm.s32 $0x0;
	s20 =	sshll.u32 s5, $0x1;
	s5 =	sadd.s32 s21, s3  }
0x9d: {  	[timem:s7], [sflag:s22] =	dma.local [hbm:s5], s20  }
0x9e: {  	_ =	swait.ge [sflag:s22], s20  }
0x9f: {  	s4 =	ssub.s32 $0x0, s20;
	[sflag:s22] =	ssyncset.done $0x0  }
0xa0: {  	[sflag:s22] =	ssyncadd.s32 s4;
	_ =	sdelay $0x1  }
0xa1: {  	s23 =	simm.s32 $0x1B8B  }
0xa2: {  	_ =	swait.ge [sflag:s23], $0x1  }
0xa3: {  	[sflag:s23] =	ssyncset.done $0x0  }
0xa4: {  	s25 =	simm.s32 $0x1B8E;
	s24 =	sld [smem:$0x3FFE];
	[sflag:s23] =	ssyncadd.s32 $0xFFFFFFFF  }
0xa5: {  	s26 =	simm.s32 $execute0_lowered;
	[smem:$0x3FD2] =	sst s25  }
0xa6: {  	s5 =	sshll.u32 s26, $0x1;
	_ =	strace $0x80000046;
	[dreg:$0x1] =	wrdreg $0xFFFFFFFF  }
0xa7: {  	s28 =	simm.s32 $_size_execute0_lowered;
	s3 =	sadd.s32 s3, s5;
	[dreg:$0x0] =	wrdreg $0x0  }
0xa8: {  	s5 =	sshll.u32 s28, $0x1;
	[dreg:$0x2] =	wrdreg s3  }
0xa9: {  	[dreg:$0x3] =	wrdreg s5  }
0xaa: {  	[dreg:$0x4] =	wrdreg $0xC0  }
0xab: {  	_ =	task [dreg:s7], $0x5FFFF  }
0xac: {  	[dreg:$0x1] =	wrdreg $0xFFFFFFFF  }
0xad: {  	[dreg:$0x0] =	wrdreg $0x60  }
0xae: {  	[dreg:$0x2] =	wrdreg s24  }
0xaf: {  	[dreg:$0x3] =	wrdreg s2  }
0xb0: {  	[dreg:$0x4] =	wrdreg $0x9  }
0xb1: {  	_ =	task.clear_ibuf [dreg:s7], $0x5FFFF;
	_ =	strace $0x90000046  }
0xb2: {  	s29 =	simm.s32 $0x9;
	_ =	strace $0x80000048  }
0xb3: {  	_ =	swait.ge [sflag:s29], $0x1  }
0xb4: {  	[sflag:s29] =	ssyncadd.s32 $0xFFFFFFFF  }
0xb5: {  	_ =	strace $0x90000048  }
0xb6: {  	_ =	sfence  }
0xb7: {  	s30 =	sld [smem:$0x0];
	_ =	sdelay $0x2  }
0xb8: {  	s31 =	sshll.u32 s1, $0xD;
	s1 =	sshrl.u32 s1, $0x2  }
0xb9: {  	s3 =	sand.u32 $0x4000, s31;
	s1 =	sadd.s32 s1, s30  }
0xba: {  	s0 =	sor.u32 s3, s0;
	s1 =	sshll.u32 s1, $0x11  }
0xbb: {  	s0 =	sor.u32 s1, s0  }
0xbc: {  	s0 =	sadd.s32 $0x8F2B, s0  }
0xbd: {  	[sflag:s0] =	ssyncadd.remote.s32 $0x1  }
0xbe: {  	_ =	sfence.sel $0xFFFF  }
0xbf: {  	[dreg:$0x0] =	wrdreg $0xFFFFFFFF;
	(pc) =	sbr.abs _section_cstart, $3  }
0xc0: {  	[dreg:$0x1] =	wrdreg $0xFFFFFFFF  }
0xc1: {  	_ =	task.clear_ibuf [dreg:s7], $0x2FFFF;
	_ =	strace $0x9FFFFFFF  }
0xc2: {  	(tm) =	ssettm $0x7FFFFFFF  }
0xc3: {  	_ =	shalt  }
tec
execute0_lowered:
.L_overlay_start_1:
0x0: {  	(tag) =	ssettag $0x1  }
0x1: {  	s0 =	rddreg [dreg:$0x0]  }
0x2: {  	s1 =	rddreg [dreg:$0x1]  }
0x3: {  	s3 =	srdreg.scid;
	s4 =	stileid.u32  }
0x4: {  	s2 =	simm.s32 $0x0;
	s3 =	sand.u32 $0x1, s3;
	s4 =	sshll.u32 s4, $0x1  }
0x5: {  	s31 =	simm.s32 $0x3BC0;
	s10 =	simm.s32 $0xB8C0;
	s5 =	sor.u32 s3, s4  }
0x6: {  	s11 =	simm.s32 $0x340;
	[smem:$0x7FF] =	sst s2;
	s7 =	smul.u32 $0x1A00, s5  }
0x7: {  	s6 =	sadd.s32 $0xC00, s0;
	s12 =	sadd.s32 $0x400, s0;
	s14 =	smul.u32 $0x340, s5  }
0x8: {  	_ =	strace $0x80000047;
	s13 =	ssub.s32 $0x2, s3;
	s9 =	smul.u32 $0x64000, s5  }
0x9: {  	[dreg:$0x3] =	wrdreg s12;
	s8 =	sshrl.u32 s13, $0x1;
	s5 =	smul.u32 $0xC800, s5  }
0xa: {  	s4 =	sadd.s32 $0xF43000, s0;
	s0 =	ssub.s32 s13, s8;
	s3 =	sadd.s32 s6, s14  }
0xb: {  	s7 =	sshrl.u32 s7, $0x3;
	s5 =	sadd.s32 s1, s5;
	[dreg:$0x4] =	wrdreg s3  }
0xc: {  	s0 =	smax.u32 s0, $0x1;
	s7 =	sadd.s32 s6, s7;
	[dreg:$0x7] =	wrdreg s5  }
0xd: {  	s28 =	simm.s32 $0x14EC0;
	[dreg:$0x14] =	wrdreg s0;
	s15 =	sadd.s32 $0x68, s7  }
0xe: {  	s16 =	sshrl.u32 s9, $0x3;
	s17 =	sadd.s32 $0xD0, s7;
	[dreg:$0x5] =	wrdreg s15  }
0xf: {  	s1 =	sadd.s32 s1, s16;
	s18 =	sadd.s32 $0x138, s7;
	[dreg:$0x6] =	wrdreg s17  }
0x10: {  	s12 =	simm.s32 $0x2;
	s19 =	sadd.s32 $0x1900, s1;
	[dreg:$0x8] =	wrdreg s18  }
0x11: {  	s8 =	simm.s32 $0x9FC0;
	s20 =	sadd.s32 $0x1A0, s7;
	[dreg:$0x9] =	wrdreg s19  }
0x12: {  	s13 =	simm.s32 $0xD1C0;
	s21 =	sadd.s32 $0x3200, s1;
	[dreg:$0xa] =	wrdreg s20  }
0x13: {  	s9 =	simm.s32 $0x4;
	s22 =	sadd.s32 $0x208, s7;
	[dreg:$0xb] =	wrdreg s21  }
0x14: {  	s14 =	simm.s32 $0x3;
	s23 =	sadd.s32 $0x4B00, s1;
	[dreg:$0xc] =	wrdreg s22  }
0x15: {  	s3 =	simm.s32 $0x6DC0;
	s24 =	sadd.s32 $0x270, s7;
	[dreg:$0xd] =	wrdreg s23  }
0x16: {  	s6 =	simm.s32 $0x86C0;
	s25 =	sadd.s32 $0x6400, s1;
	[dreg:$0xe] =	wrdreg s24  }
0x17: {  	s0 =	simm.s32 $0x167C0;
	s26 =	sadd.s32 $0x2D8, s7;
	[dreg:$0xf] =	wrdreg s25  }
0x18: {  	s5 =	simm.s32 $0x180C0;
	s29 =	sadd.s32 $0x7D00, s1;
	[dreg:$0x10] =	wrdreg s26  }
0x19: {  	s16 =	simm.s32 $0x6;
	s30 =	sadd.s32 $0x9600, s1;
	[dreg:$0x11] =	wrdreg s29  }
0x1a: {  	s1 =	sadd.s32 $0xAF00, s1;
	s7 =	simm.s32 $0x680;
	[dreg:$0x12] =	wrdreg s30  }
0x1b: {  	[dreg:$0x13] =	wrdreg s1;
	s24 =	simm.s32 $0x1;
	s25 =	simm.s32 $0x64  }
0x1c: {  	s26 =	simm.s32 $0x9C0;
	s1 =	simm.s32 $0x54C0;
	s15 =	simm.s32 $0xEAC0  }
0x1d: {  	s17 =	simm.s32 $0x103C0;
	s19 =	simm.s32 $0x11CC0;
	s21 =	simm.s32 $0x135C0  }
0x1e: {  	s18 =	simm.s32 $0x5;
	s20 =	simm.s32 $0x7;
	s23 =	simm.s32 $0x0  }
.LBB2_1:
0x1f: {  	s22 =	rddreg [dreg:$0x3];
	s29 =	simm.s32 $0x199C0  }
0x20: {  	[tilespmem:s29], [sflag:$0x8] =	stream.linear.gather [hbm4b:s22+s2], $0x3200, $0x38;
	[tilespmem:$0x1CBC0] =	vst v63  }
0x21: {  	s29 =	simm.s32 $0x8  }
0x22: {  	_ =	swait.ge [sflag:s29], $0x3200  }
0x23: {  	[sflag:s29] =	ssyncset.done $0x0  }
0x24: {  	[sflag:s29] =	ssyncadd.s32 $0xFFFFCE00;
	s29 =	rddreg [dreg:$0x4]  }
0x25: {  	[tilespmem:s2], [sflag:$0x1] =	stream.linear.gather [hbm4b:s29+s2], $0x340, $0x38;
	[tilespmem:$0x1CBC0] =	vst v63  }
0x26: {  	_ =	swait.ge [sflag:s24], $0x340  }
0x27: {  	[sflag:s24] =	ssyncset.done $0x0  }
0x28: {  	[sflag:s24] =	ssyncadd.s32 $0xFFFFFCC0  }
0x29: {  	[tilespmem:s26], [sflag:$0x4] =	stream.indirect.gather [hbm4b:s4+s25], $0x40, s2, s25, $0xb8;
	[tilespmem:$0x1CBC0] =	vst v63  }
0x2a: {  	s22 =	simm.s32 $0x68;
	s29 =	simm.s32 $0x22C0  }
0x2b: {  	[tilespmem:s29], [sflag:$0x4] =	stream.indirect.gather [hbm4b:s4+s25], $0x40, s22, s25, $0xb8;
	[tilespmem:$0x1CBC0] =	vst v63  }
0x2c: {  	s29 =	simm.s32 $0xD0  }
0x2d: {  	[tilespmem:s31], [sflag:$0x4] =	stream.indirect.gather [hbm4b:s4+s25], $0x40, s29, s25, $0xb8;
	[tilespmem:$0x1CBC0] =	vst v63  }
0x2e: {  	s29 =	simm.s32 $0x138  }
0x2f: {  	[tilespmem:s1], [sflag:$0x4] =	stream.indirect.gather [hbm4b:s4+s25], $0x40, s29, s25, $0xb8;
	[tilespmem:$0x1CBC0] =	vst v63  }
0x30: {  	s29 =	simm.s32 $0x1A0  }
0x31: {  	[tilespmem:s3], [sflag:$0x4] =	stream.indirect.gather [hbm4b:s4+s25], $0x40, s29, s25, $0xb8;
	[tilespmem:$0x1CBC0] =	vst v63  }
0x32: {  	s29 =	simm.s32 $0x208  }
0x33: {  	[tilespmem:s6], [sflag:$0x4] =	stream.indirect.gather [hbm4b:s4+s25], $0x40, s29, s25, $0xb8;
	[tilespmem:$0x1CBC0] =	vst v63  }
0x34: {  	s29 =	simm.s32 $0x270  }
0x35: {  	[tilespmem:s8], [sflag:$0x4] =	stream.indirect.gather [hbm4b:s4+s25], $0x40, s29, s25, $0xb8;
	[tilespmem:$0x1CBC0] =	vst v63  }
0x36: {  	s29 =	simm.s32 $0x2D8  }
0x37: {  	[tilespmem:s10], [sflag:$0x4] =	stream.indirect.gather [hbm4b:s4+s25], $0x40, s29, s25, $0xb8;
	[tilespmem:$0x1CBC0] =	vst v63  }
0x38: {  	s29 =	rddreg [dreg:$0x5]  }
0x39: {  	[tilespmem:s11], [sflag:$0x2] =	stream.linear.gather [hbm4b:s29+s2], $0x340, $0x38;
	[tilespmem:$0x1CBC0] =	vst v63  }
0x3a: {  	_ =	swait.ge [sflag:s12], $0x340  }
0x3b: {  	[sflag:s12] =	ssyncset.done $0x0  }
0x3c: {  	[sflag:s12] =	ssyncadd.s32 $0xFFFFFCC0  }
0x3d: {  	[tilespmem:s13], [sflag:$0x5] =	stream.indirect.gather [hbm4b:s4+s25], $0x40, s11, s25, $0xb8;
	[tilespmem:$0x1CBC0] =	vst v63  }
0x3e: {  	s29 =	simm.s32 $0x3A8  }
0x3f: {  	[tilespmem:s15], [sflag:$0x5] =	stream.indirect.gather [hbm4b:s4+s25], $0x40, s29, s25, $0xb8;
	[tilespmem:$0x1CBC0] =	vst v63  }
0x40: {  	s29 =	simm.s32 $0x410  }
0x41: {  	[tilespmem:s17], [sflag:$0x5] =	stream.indirect.gather [hbm4b:s4+s25], $0x40, s29, s25, $0xb8;
	[tilespmem:$0x1CBC0] =	vst v63  }
0x42: {  	s29 =	simm.s32 $0x478  }
0x43: {  	[tilespmem:s19], [sflag:$0x5] =	stream.indirect.gather [hbm4b:s4+s25], $0x40, s29, s25, $0xb8;
	[tilespmem:$0x1CBC0] =	vst v63  }
0x44: {  	s29 =	simm.s32 $0x4E0  }
0x45: {  	[tilespmem:s21], [sflag:$0x5] =	stream.indirect.gather [hbm4b:s4+s25], $0x40, s29, s25, $0xb8;
	[tilespmem:$0x1CBC0] =	vst v63  }
0x46: {  	s29 =	simm.s32 $0x548  }
0x47: {  	[tilespmem:s28], [sflag:$0x5] =	stream.indirect.gather [hbm4b:s4+s25], $0x40, s29, s25, $0xb8;
	[tilespmem:$0x1CBC0] =	vst v63  }
0x48: {  	s29 =	simm.s32 $0x5B0  }
0x49: {  	[tilespmem:s0], [sflag:$0x5] =	stream.indirect.gather [hbm4b:s4+s25], $0x40, s29, s25, $0xb8;
	[tilespmem:$0x1CBC0] =	vst v63  }
0x4a: {  	s29 =	simm.s32 $0x618  }
0x4b: {  	[tilespmem:s5], [sflag:$0x5] =	stream.indirect.gather [hbm4b:s4+s25], $0x40, s29, s25, $0xb8;
	[tilespmem:$0x1CBC0] =	vst v63  }
0x4c: {  	s29 =	rddreg [dreg:$0x6]  }
0x4d: {  	[tilespmem:s7], [sflag:$0x3] =	stream.linear.gather [hbm4b:s29+s2], $0x340, $0x38;
	[tilespmem:$0x1CBC0] =	vst v63  }
0x4e: {  	_ =	swait.ge [sflag:s9], $0x1900  }
0x4f: {  	[sflag:s9] =	ssyncset.done $0x0  }
0x50: {  	[sflag:s9] =	ssyncadd.s32 $0xFFFFE700  }
0x51: {  	_ =	swait.ge [sflag:s9], $0x1900  }
0x52: {  	[sflag:s9] =	ssyncset.done $0x0  }
0x53: {  	[sflag:s9] =	ssyncadd.s32 $0xFFFFE700  }
0x54: {  	_ =	swait.ge [sflag:s9], $0x1900  }
0x55: {  	[sflag:s9] =	ssyncset.done $0x0  }
0x56: {  	[sflag:s9] =	ssyncadd.s32 $0xFFFFE700  }
0x57: {  	_ =	swait.ge [sflag:s9], $0x1900  }
0x58: {  	[sflag:s9] =	ssyncset.done $0x0  }
0x59: {  	[sflag:s9] =	ssyncadd.s32 $0xFFFFE700  }
0x5a: {  	_ =	swait.ge [sflag:s9], $0x1900  }
0x5b: {  	[sflag:s9] =	ssyncset.done $0x0  }
0x5c: {  	[sflag:s9] =	ssyncadd.s32 $0xFFFFE700  }
0x5d: {  	_ =	swait.ge [sflag:s9], $0x1900  }
0x5e: {  	[sflag:s9] =	ssyncset.done $0x0  }
0x5f: {  	[sflag:s9] =	ssyncadd.s32 $0xFFFFE700  }
0x60: {  	_ =	swait.ge [sflag:s9], $0x1900  }
0x61: {  	[sflag:s9] =	ssyncset.done $0x0  }
0x62: {  	[sflag:s9] =	ssyncadd.s32 $0xFFFFE700  }
0x63: {  	_ =	swait.ge [sflag:s9], $0x1900  }
0x64: {  	[sflag:s9] =	ssyncset.done $0x0  }
0x65: {  	s30 =	simm.s32 $0x0;
	[sflag:s9] =	ssyncadd.s32 $0xFFFFE700  }
0x66: {  	v2 =	vld [tilespmem:s30+$0x199C0]  }
0x67: {  	v5 =	vld [tilespmem:s30+$0x199D0]  }
0x68: {  	v1 =	vld [tilespmem:s30+$0x199E0]  }
0x69: {  	v3 =	vld [tilespmem:s30+$0x9C0]  }
0x6a: {  	v4 =	vld [tilespmem:s30+$0x3BC0]  }
0x6b: {  	v6 =	vld [tilespmem:s30+$0x6DC0]  }
0x6c: {  	v7 =	vld [tilespmem:s30+$0x9FC0]  }
0x6d: {  	v8 =	vld [tilespmem:s30+$0x9D0]  }
0x6e: {  	v9 =	vld [tilespmem:s30+$0x3BD0]  }
0x6f: {  	v0 =	vld [tilespmem:s30+$0x199F0];
	v3 =	vadd.f32 v3, v2  }
0x70: {  	v11 =	vld [tilespmem:s30+$0x9FD0];
	v4 =	vadd.f32 v4, v2  }
0x71: {  	v10 =	vld [tilespmem:s30+$0x6DD0];
	[tilespmem:s30+$0x9C0] =	vst v3;
	v3 =	vadd.f32 v6, v2  }
0x72: {  	[tilespmem:s30+$0x3BC0] =	vst v4;
	v6 =	vld [tilespmem:s30+$0x9E0];
	v2 =	vadd.f32 v7, v2  }
0x73: {  	v7 =	vld [tilespmem:s30+$0x3BE0];
	v4 =	vadd.f32 v8, v5;
	v8 =	vadd.f32 v9, v5;
	[tilespmem:s30+$0x6DC0] =	vst v3  }
0x74: {  	[tilespmem:s30+$0x9FC0] =	vst v2;
	v3 =	vld [tilespmem:s30+$0x6DE0]  }
0x75: {  	v2 =	vld [tilespmem:s30+$0x9FE0];
	[tilespmem:s30+$0x3BD0] =	vst v8;
	v8 =	vadd.f32 v11, v5  }
0x76: {  	v9 =	vadd.f32 v10, v5;
	[tilespmem:s30+$0x9D0] =	vst v4;
	v4 =	vld [tilespmem:s30+$0x9F0]  }
0x77: {  	v5 =	vld [tilespmem:s30+$0x3BF0];
	[tilespmem:s30+$0x9FD0] =	vst v8;
	v8 =	vadd.f32 v6, v1  }
0x78: {  	s22 =	simm.s32 $0x100;
	[tilespmem:s30+$0x6DD0] =	vst v9;
	v7 =	vadd.f32 v7, v1;
	v6 =	vld [tilespmem:s30+$0x6DF0]  }
.LBB2_2:
0x79: {  	s29 =	sshra.s32 s22, $0x2;
	p0 =	sne.s32 s22, $0xC700;
	[tilespmem:s30+$0x9E0] =	vst v8;
	v3 =	vadd.f32 v3, v1;
	v8 =	vld [tilespmem:s30+$0x9FF0]  }
0x7a: {  	v9 =	vld [tilespmem:s29+$0x199C0];
	[tilespmem:s30+$0x3BE0] =	vst v7;
	v2 =	vadd.f32 v2, v1  }
0x7b: {  	v7 =	vld [tilespmem:s29+$0x199D0];
	[tilespmem:s30+$0x6DE0] =	vst v3;
	v3 =	vadd.f32 v4, v0  }
0x7c: {  	v1 =	vld [tilespmem:s29+$0x199E0];
	[tilespmem:s30+$0x9FE0] =	vst v2;
	v2 =	vadd.f32 v5, v0  }
0x7d: {  	v4 =	vld [tilespmem:s29+$0x199F0];
	[tilespmem:s30+$0x9F0] =	vst v3;
	v3 =	vadd.f32 v6, v0  }
0x7e: {  	v5 =	vld [tilespmem:s29+$0x9C0];
	[tilespmem:s30+$0x3BF0] =	vst v2;
	v0 =	vadd.f32 v8, v0  }
0x7f: {  	v2 =	vld [tilespmem:s29+$0x3BC0];
	[tilespmem:s30+$0x6DF0] =	vst v3  }
0x80: {  	v3 =	vld [tilespmem:s29+$0x6DC0];
	[tilespmem:s30+$0x9FF0] =	vst v0;
	s30 =	smov.u32 s29  }
0x81: {  	v6 =	vld [tilespmem:s30+$0x9FC0]  }
0x82: {  	v8 =	vld [tilespmem:s30+$0x9D0];
	v0 =	vmov v4  }
0x83: {  	v4 =	vadd.f32 v5, v9;
	v5 =	vld [tilespmem:s30+$0x3BD0]  }
0x84: {  	v2 =	vadd.f32 v2, v9;
	v10 =	vld [tilespmem:s30+$0x6DD0]  }
0x85: {  	[tilespmem:s30+$0x9C0] =	vst v4;
	v3 =	vadd.f32 v3, v9;
	v4 =	vld [tilespmem:s30+$0x9FD0]  }
0x86: {  	[tilespmem:s30+$0x3BC0] =	vst v2;
	v2 =	vadd.f32 v6, v9;
	v6 =	vld [tilespmem:s30+$0x9E0]  }
0x87: {  	[tilespmem:s30+$0x6DC0] =	vst v3;
	v8 =	vadd.f32 v8, v7;
	v9 =	vld [tilespmem:s30+$0x3BE0]  }
.Ltmp0:
0x88: {  	[tilespmem:s30+$0x9FC0] =	vst v2;
	v5 =	vadd.f32 v5, v7;
	v3 =	vld [tilespmem:s30+$0x6DE0];
	(pc) =	sbr.rel @p0 .LBB2_2-.Ltmp0, $4  }
0x89: {  	[tilespmem:s30+$0x9D0] =	vst v8;
	v8 =	vadd.f32 v10, v7;
	v2 =	vld [tilespmem:s30+$0x9FE0]  }
0x8a: {  	[tilespmem:s30+$0x3BD0] =	vst v5;
	v7 =	vadd.f32 v4, v7;
	v4 =	vld [tilespmem:s30+$0x9F0]  }
0x8b: {  	[tilespmem:s30+$0x6DD0] =	vst v8;
	v8 =	vadd.f32 v6, v1;
	v5 =	vld [tilespmem:s30+$0x3BF0]  }
0x8c: {  	s22 =	sadd.s32 $0x100, s22;
	[tilespmem:s30+$0x9FD0] =	vst v7;
	v7 =	vadd.f32 v9, v1;
	v6 =	vld [tilespmem:s30+$0x6DF0]  }
0x8d: {  	[tilespmem:s30+$0x9E0] =	vst v8;
	v3 =	vadd.f32 v3, v1;
	v8 =	vld [tilespmem:s30+$0x9FF0]  }
0x8e: {  	[tilespmem:s30+$0x3BE0] =	vst v7;
	v1 =	vadd.f32 v2, v1  }
0x8f: {  	[tilespmem:s30+$0x6DE0] =	vst v3;
	v2 =	vadd.f32 v4, v0  }
0x90: {  	[tilespmem:s30+$0x9FE0] =	vst v1;
	v1 =	vadd.f32 v5, v0  }
0x91: {  	[tilespmem:s30+$0x9F0] =	vst v2;
	v2 =	vadd.f32 v6, v0  }
0x92: {  	[tilespmem:s30+$0x3BF0] =	vst v1;
	v0 =	vadd.f32 v8, v0  }
0x93: {  	[tilespmem:s30+$0x6DF0] =	vst v2  }
0x94: {  	s22 =	simm.s32 $0x0;
	s29 =	rddreg [dreg:$0x7];
	[tilespmem:s30+$0x9FF0] =	vst v0  }
0x95: {  	[hbm4b:s29+s22] =	stream.linear.scatter [tilespmem:s26], [sflag:$0x6], $0xC800, $0x38;
	[tilespmem:$0x1CBC0] =	vst v63  }
0x96: {  	_ =	swait.ge [sflag:s14], $0x340  }
0x97: {  	[sflag:s14] =	ssyncset.done $0x0  }
0x98: {  	[sflag:s14] =	ssyncadd.s32 $0xFFFFFCC0  }
0x99: {  	_ =	swait.ge [sflag:s16], $0xC800  }
0x9a: {  	[sflag:s16] =	ssyncset.done $0x0  }
0x9b: {  	[sflag:s16] =	ssyncadd.s32 $0xFFFF3800  }
0x9c: {  	[tilespmem:s26], [sflag:$0x4] =	stream.indirect.gather [hbm4b:s4+s25], $0x40, s7, s25, $0xb8;
	[tilespmem:$0x1CBC0] =	vst v63  }
0x9d: {  	s30 =	simm.s32 $0x6E8;
	s29 =	simm.s32 $0x22C0  }
0x9e: {  	[tilespmem:s29], [sflag:$0x4] =	stream.indirect.gather [hbm4b:s4+s25], $0x40, s30, s25, $0xb8;
	[tilespmem:$0x1CBC0] =	vst v63  }
0x9f: {  	s29 =	simm.s32 $0x750  }
0xa0: {  	[tilespmem:s31], [sflag:$0x4] =	stream.indirect.gather [hbm4b:s4+s25], $0x40, s29, s25, $0xb8;
	[tilespmem:$0x1CBC0] =	vst v63  }
0xa1: {  	s29 =	simm.s32 $0x7B8  }
0xa2: {  	[tilespmem:s1], [sflag:$0x4] =	stream.indirect.gather [hbm4b:s4+s25], $0x40, s29, s25, $0xb8;
	[tilespmem:$0x1CBC0] =	vst v63  }
0xa3: {  	s29 =	simm.s32 $0x820  }
0xa4: {  	[tilespmem:s3], [sflag:$0x4] =	stream.indirect.gather [hbm4b:s4+s25], $0x40, s29, s25, $0xb8;
	[tilespmem:$0x1CBC0] =	vst v63  }
0xa5: {  	s29 =	simm.s32 $0x888  }
0xa6: {  	[tilespmem:s6], [sflag:$0x4] =	stream.indirect.gather [hbm4b:s4+s25], $0x40, s29, s25, $0xb8;
	[tilespmem:$0x1CBC0] =	vst v63  }
0xa7: {  	s29 =	simm.s32 $0x8F0  }
0xa8: {  	[tilespmem:s8], [sflag:$0x4] =	stream.indirect.gather [hbm4b:s4+s25], $0x40, s29, s25, $0xb8;
	[tilespmem:$0x1CBC0] =	vst v63  }
0xa9: {  	s29 =	simm.s32 $0x958  }
0xaa: {  	[tilespmem:s10], [sflag:$0x4] =	stream.indirect.gather [hbm4b:s4+s25], $0x40, s29, s25, $0xb8;
	[tilespmem:$0x1CBC0] =	vst v63  }
0xab: {  	s29 =	rddreg [dreg:$0x8]  }
0xac: {  	[tilespmem:s22], [sflag:$0x1] =	stream.linear.gather [hbm4b:s29+s22], $0x340, $0x38;
	[tilespmem:$0x1CBC0] =	vst v63  }
0xad: {  	_ =	swait.ge [sflag:s18], $0x1900  }
0xae: {  	[sflag:s18] =	ssyncset.done $0x0  }
0xaf: {  	[sflag:s18] =	ssyncadd.s32 $0xFFFFE700  }
0xb0: {  	_ =	swait.ge [sflag:s18], $0x1900  }
0xb1: {  	[sflag:s18] =	ssyncset.done $0x0  }
0xb2: {  	[sflag:s18] =	ssyncadd.s32 $0xFFFFE700  }
0xb3: {  	_ =	swait.ge [sflag:s18], $0x1900  }
0xb4: {  	[sflag:s18] =	ssyncset.done $0x0  }
0xb5: {  	[sflag:s18] =	ssyncadd.s32 $0xFFFFE700  }
0xb6: {  	_ =	swait.ge [sflag:s18], $0x1900  }
0xb7: {  	[sflag:s18] =	ssyncset.done $0x0  }
0xb8: {  	[sflag:s18] =	ssyncadd.s32 $0xFFFFE700  }
0xb9: {  	_ =	swait.ge [sflag:s18], $0x1900  }
0xba: {  	[sflag:s18] =	ssyncset.done $0x0  }
0xbb: {  	[sflag:s18] =	ssyncadd.s32 $0xFFFFE700  }
0xbc: {  	_ =	swait.ge [sflag:s18], $0x1900  }
0xbd: {  	[sflag:s18] =	ssyncset.done $0x0  }
0xbe: {  	[sflag:s18] =	ssyncadd.s32 $0xFFFFE700  }
0xbf: {  	_ =	swait.ge [sflag:s18], $0x1900  }
0xc0: {  	[sflag:s18] =	ssyncset.done $0x0  }
0xc1: {  	[sflag:s18] =	ssyncadd.s32 $0xFFFFE700  }
0xc2: {  	_ =	swait.ge [sflag:s18], $0x1900  }
0xc3: {  	[sflag:s18] =	ssyncset.done $0x0  }
0xc4: {  	s30 =	simm.s32 $0x0;
	[sflag:s18] =	ssyncadd.s32 $0xFFFFE700  }
0xc5: {  	v2 =	vld [tilespmem:s30+$0x199C0]  }
0xc6: {  	v5 =	vld [tilespmem:s30+$0x199D0]  }
0xc7: {  	v1 =	vld [tilespmem:s30+$0x199E0]  }
0xc8: {  	v3 =	vld [tilespmem:s30+$0xD1C0]  }
0xc9: {  	v4 =	vld [tilespmem:s30+$0x103C0]  }
0xca: {  	v6 =	vld [tilespmem:s30+$0x135C0]  }
0xcb: {  	v7 =	vld [tilespmem:s30+$0x167C0]  }
0xcc: {  	v8 =	vld [tilespmem:s30+$0xD1D0]  }
0xcd: {  	v9 =	vld [tilespmem:s30+$0x103D0]  }
0xce: {  	v0 =	vld [tilespmem:s30+$0x199F0];
	v3 =	vadd.f32 v3, v2  }
0xcf: {  	v11 =	vld [tilespmem:s30+$0x167D0];
	v4 =	vadd.f32 v4, v2  }
0xd0: {  	v10 =	vld [tilespmem:s30+$0x135D0];
	[tilespmem:s30+$0xD1C0] =	vst v3;
	v3 =	vadd.f32 v6, v2  }
0xd1: {  	[tilespmem:s30+$0x103C0] =	vst v4;
	v6 =	vld [tilespmem:s30+$0xD1E0];
	v2 =	vadd.f32 v7, v2  }
0xd2: {  	v7 =	vld [tilespmem:s30+$0x103E0];
	v4 =	vadd.f32 v8, v5;
	v8 =	vadd.f32 v9, v5;
	[tilespmem:s30+$0x135C0] =	vst v3  }
0xd3: {  	[tilespmem:s30+$0x167C0] =	vst v2;
	v3 =	vld [tilespmem:s30+$0x135E0]  }
0xd4: {  	v2 =	vld [tilespmem:s30+$0x167E0];
	[tilespmem:s30+$0x103D0] =	vst v8;
	v8 =	vadd.f32 v11, v5  }
0xd5: {  	v9 =	vadd.f32 v10, v5;
	[tilespmem:s30+$0xD1D0] =	vst v4;
	v4 =	vld [tilespmem:s30+$0xD1F0]  }
0xd6: {  	v5 =	vld [tilespmem:s30+$0x103F0];
	[tilespmem:s30+$0x167D0] =	vst v8;
	v8 =	vadd.f32 v6, v1  }
0xd7: {  	s22 =	simm.s32 $0x100;
	[tilespmem:s30+$0x135D0] =	vst v9;
	v7 =	vadd.f32 v7, v1;
	v6 =	vld [tilespmem:s30+$0x135F0]  }
.LBB2_4:
0xd8: {  	s29 =	sshra.s32 s22, $0x2;
	p0 =	sne.s32 s22, $0xC700;
	[tilespmem:s30+$0xD1E0] =	vst v8;
	v3 =	vadd.f32 v3, v1;
	v8 =	vld [tilespmem:s30+$0x167F0]  }
0xd9: {  	v9 =	vld [tilespmem:s29+$0x199C0];
	[tilespmem:s30+$0x103E0] =	vst v7;
	v2 =	vadd.f32 v2, v1  }
0xda: {  	v7 =	vld [tilespmem:s29+$0x199D0];
	[tilespmem:s30+$0x135E0] =	vst v3;
	v3 =	vadd.f32 v4, v0  }
0xdb: {  	v1 =	vld [tilespmem:s29+$0x199E0];
	[tilespmem:s30+$0x167E0] =	vst v2;
	v2 =	vadd.f32 v5, v0  }
0xdc: {  	v4 =	vld [tilespmem:s29+$0x199F0];
	[tilespmem:s30+$0xD1F0] =	vst v3;
	v3 =	vadd.f32 v6, v0  }
0xdd: {  	v5 =	vld [tilespmem:s29+$0xD1C0];
	[tilespmem:s30+$0x103F0] =	vst v2;
	v0 =	vadd.f32 v8, v0  }
0xde: {  	v2 =	vld [tilespmem:s29+$0x103C0];
	[tilespmem:s30+$0x135F0] =	vst v3  }
0xdf: {  	v3 =	vld [tilespmem:s29+$0x135C0];
	[tilespmem:s30+$0x167F0] =	vst v0;
	s30 =	smov.u32 s29  }
0xe0: {  	v6 =	vld [tilespmem:s30+$0x167C0]  }
0xe1: {  	v8 =	vld [tilespmem:s30+$0xD1D0];
	v0 =	vmov v4  }
0xe2: {  	v4 =	vadd.f32 v5, v9;
	v5 =	vld [tilespmem:s30+$0x103D0]  }
0xe3: {  	v2 =	vadd.f32 v2, v9;
	v10 =	vld [tilespmem:s30+$0x135D0]  }
0xe4: {  	[tilespmem:s30+$0xD1C0] =	vst v4;
	v3 =	vadd.f32 v3, v9;
	v4 =	vld [tilespmem:s30+$0x167D0]  }
0xe5: {  	[tilespmem:s30+$0x103C0] =	vst v2;
	v2 =	vadd.f32 v6, v9;
	v6 =	vld [tilespmem:s30+$0xD1E0]  }
0xe6: {  	[tilespmem:s30+$0x135C0] =	vst v3;
	v8 =	vadd.f32 v8, v7;
	v9 =	vld [tilespmem:s30+$0x103E0]  }
.Ltmp1:
0xe7: {  	[tilespmem:s30+$0x167C0] =	vst v2;
	v5 =	vadd.f32 v5, v7;
	v3 =	vld [tilespmem:s30+$0x135E0];
	(pc) =	sbr.rel @p0 .LBB2_4-.Ltmp1, $4  }
0xe8: {  	[tilespmem:s30+$0xD1D0] =	vst v8;
	v8 =	vadd.f32 v10, v7;
	v2 =	vld [tilespmem:s30+$0x167E0]  }
0xe9: {  	[tilespmem:s30+$0x103D0] =	vst v5;
	v7 =	vadd.f32 v4, v7;
	v4 =	vld [tilespmem:s30+$0xD1F0]  }
0xea: {  	[tilespmem:s30+$0x135D0] =	vst v8;
	v8 =	vadd.f32 v6, v1;
	v5 =	vld [tilespmem:s30+$0x103F0]  }
0xeb: {  	s22 =	sadd.s32 $0x100, s22;
	[tilespmem:s30+$0x167D0] =	vst v7;
	v7 =	vadd.f32 v9, v1;
	v6 =	vld [tilespmem:s30+$0x135F0]  }
0xec: {  	[tilespmem:s30+$0xD1E0] =	vst v8;
	v3 =	vadd.f32 v3, v1;
	v8 =	vld [tilespmem:s30+$0x167F0]  }
0xed: {  	[tilespmem:s30+$0x103E0] =	vst v7;
	v1 =	vadd.f32 v2, v1  }
0xee: {  	[tilespmem:s30+$0x135E0] =	vst v3;
	v2 =	vadd.f32 v4, v0  }
0xef: {  	[tilespmem:s30+$0x167E0] =	vst v1;
	v1 =	vadd.f32 v5, v0  }
0xf0: {  	[tilespmem:s30+$0xD1F0] =	vst v2;
	v2 =	vadd.f32 v6, v0  }
0xf1: {  	[tilespmem:s30+$0x103F0] =	vst v1;
	v0 =	vadd.f32 v8, v0  }
0xf2: {  	[tilespmem:s30+$0x135F0] =	vst v2  }
0xf3: {  	s22 =	simm.s32 $0x0;
	s29 =	rddreg [dreg:$0x9];
	[tilespmem:s30+$0x167F0] =	vst v0  }
0xf4: {  	[hbm4b:s29+s22] =	stream.linear.scatter [tilespmem:s13], [sflag:$0x7], $0xC800, $0x38;
	[tilespmem:$0x1CBC0] =	vst v63  }
0xf5: {  	_ =	swait.ge [sflag:s24], $0x340  }
0xf6: {  	[sflag:s24] =	ssyncset.done $0x0  }
0xf7: {  	[sflag:s24] =	ssyncadd.s32 $0xFFFFFCC0  }
0xf8: {  	_ =	swait.ge [sflag:s20], $0xC800  }
0xf9: {  	[sflag:s20] =	ssyncset.done $0x0  }
0xfa: {  	[sflag:s20] =	ssyncadd.s32 $0xFFFF3800  }
0xfb: {  	[tilespmem:s13], [sflag:$0x5] =	stream.indirect.gather [hbm4b:s4+s25], $0x40, s22, s25, $0xb8;
	[tilespmem:$0x1CBC0] =	vst v63  }
0xfc: {  	s29 =	simm.s32 $0x68  }
0xfd: {  	[tilespmem:s15], [sflag:$0x5] =	stream.indirect.gather [hbm4b:s4+s25], $0x40, s29, s25, $0xb8;
	[tilespmem:$0x1CBC0] =	vst v63  }
0xfe: {  	s29 =	simm.s32 $0xD0  }
0xff: {  	[tilespmem:s17], [sflag:$0x5] =	stream.indirect.gather [hbm4b:s4+s25], $0x40, s29, s25, $0xb8;
	[tilespmem:$0x1CBC0] =	vst v63  }
0x100: {  	s29 =	simm.s32 $0x138  }
0x101: {  	[tilespmem:s19], [sflag:$0x5] =	stream.indirect.gather [hbm4b:s4+s25], $0x40, s29, s25, $0xb8;
	[tilespmem:$0x1CBC0] =	vst v63  }
0x102: {  	s29 =	simm.s32 $0x1A0  }
0x103: {  	[tilespmem:s21], [sflag:$0x5] =	stream.indirect.gather [hbm4b:s4+s25], $0x40, s29, s25, $0xb8;
	[tilespmem:$0x1CBC0] =	vst v63  }
0x104: {  	s29 =	simm.s32 $0x208  }
0x105: {  	[tilespmem:s28], [sflag:$0x5] =	stream.indirect.gather [hbm4b:s4+s25], $0x40, s29, s25, $0xb8;
	[tilespmem:$0x1CBC0] =	vst v63  }
0x106: {  	s29 =	simm.s32 $0x270  }
0x107: {  	[tilespmem:s0], [sflag:$0x5] =	stream.indirect.gather [hbm4b:s4+s25], $0x40, s29, s25, $0xb8;
	[tilespmem:$0x1CBC0] =	vst v63  }
0x108: {  	s29 =	simm.s32 $0x2D8  }
0x109: {  	[tilespmem:s5], [sflag:$0x5] =	stream.indirect.gather [hbm4b:s4+s25], $0x40, s29, s25, $0xb8;
	[tilespmem:$0x1CBC0] =	vst v63  }
0x10a: {  	s29 =	rddreg [dreg:$0xa]  }
0x10b: {  	[tilespmem:s11], [sflag:$0x2] =	stream.linear.gather [hbm4b:s29+s22], $0x340, $0x38;
	[tilespmem:$0x1CBC0] =	vst v63  }
0x10c: {  	_ =	swait.ge [sflag:s9], $0x1900  }
0x10d: {  	[sflag:s9] =	ssyncset.done $0x0  }
0x10e: {  	[sflag:s9] =	ssyncadd.s32 $0xFFFFE700  }
0x10f: {  	_ =	swait.ge [sflag:s9], $0x1900  }
0x110: {  	[sflag:s9] =	ssyncset.done $0x0  }
0x111: {  	[sflag:s9] =	ssyncadd.s32 $0xFFFFE700  }
0x112: {  	_ =	swait.ge [sflag:s9], $0x1900  }
0x113: {  	[sflag:s9] =	ssyncset.done $0x0  }
0x114: {  	[sflag:s9] =	ssyncadd.s32 $0xFFFFE700  }
0x115: {  	_ =	swait.ge [sflag:s9], $0x1900  }
0x116: {  	[sflag:s9] =	ssyncset.done $0x0  }
0x117: {  	[sflag:s9] =	ssyncadd.s32 $0xFFFFE700  }
0x118: {  	_ =	swait.ge [sflag:s9], $0x1900  }
0x119: {  	[sflag:s9] =	ssyncset.done $0x0  }
0x11a: {  	[sflag:s9] =	ssyncadd.s32 $0xFFFFE700  }
0x11b: {  	_ =	swait.ge [sflag:s9], $0x1900  }
0x11c: {  	[sflag:s9] =	ssyncset.done $0x0  }
0x11d: {  	[sflag:s9] =	ssyncadd.s32 $0xFFFFE700  }
0x11e: {  	_ =	swait.ge [sflag:s9], $0x1900  }
0x11f: {  	[sflag:s9] =	ssyncset.done $0x0  }
0x120: {  	[sflag:s9] =	ssyncadd.s32 $0xFFFFE700  }
0x121: {  	_ =	swait.ge [sflag:s9], $0x1900  }
0x122: {  	[sflag:s9] =	ssyncset.done $0x0  }
0x123: {  	s30 =	simm.s32 $0x0;
	[sflag:s9] =	ssyncadd.s32 $0xFFFFE700  }
0x124: {  	v2 =	vld [tilespmem:s30+$0x199C0]  }
0x125: {  	v5 =	vld [tilespmem:s30+$0x199D0]  }
0x126: {  	v1 =	vld [tilespmem:s30+$0x199E0]  }
0x127: {  	v3 =	vld [tilespmem:s30+$0x9C0]  }
0x128: {  	v4 =	vld [tilespmem:s30+$0x3BC0]  }
0x129: {  	v6 =	vld [tilespmem:s30+$0x6DC0]  }
0x12a: {  	v7 =	vld [tilespmem:s30+$0x9FC0]  }
0x12b: {  	v8 =	vld [tilespmem:s30+$0x9D0]  }
0x12c: {  	v9 =	vld [tilespmem:s30+$0x3BD0]  }
0x12d: {  	v0 =	vld [tilespmem:s30+$0x199F0];
	v3 =	vadd.f32 v3, v2  }
0x12e: {  	v11 =	vld [tilespmem:s30+$0x9FD0];
	v4 =	vadd.f32 v4, v2  }
0x12f: {  	v10 =	vld [tilespmem:s30+$0x6DD0];
	[tilespmem:s30+$0x9C0] =	vst v3;
	v3 =	vadd.f32 v6, v2  }
0x130: {  	[tilespmem:s30+$0x3BC0] =	vst v4;
	v6 =	vld [tilespmem:s30+$0x9E0];
	v2 =	vadd.f32 v7, v2  }
0x131: {  	v7 =	vld [tilespmem:s30+$0x3BE0];
	v4 =	vadd.f32 v8, v5;
	v8 =	vadd.f32 v9, v5;
	[tilespmem:s30+$0x6DC0] =	vst v3  }
0x132: {  	[tilespmem:s30+$0x9FC0] =	vst v2;
	v3 =	vld [tilespmem:s30+$0x6DE0]  }
0x133: {  	v2 =	vld [tilespmem:s30+$0x9FE0];
	[tilespmem:s30+$0x3BD0] =	vst v8;
	v8 =	vadd.f32 v11, v5  }
0x134: {  	v9 =	vadd.f32 v10, v5;
	[tilespmem:s30+$0x9D0] =	vst v4;
	v4 =	vld [tilespmem:s30+$0x9F0]  }
0x135: {  	v5 =	vld [tilespmem:s30+$0x3BF0];
	[tilespmem:s30+$0x9FD0] =	vst v8;
	v8 =	vadd.f32 v6, v1  }
0x136: {  	s22 =	simm.s32 $0x100;
	[tilespmem:s30+$0x6DD0] =	vst v9;
	v7 =	vadd.f32 v7, v1;
	v6 =	vld [tilespmem:s30+$0x6DF0]  }
.LBB2_6:
0x137: {  	s29 =	sshra.s32 s22, $0x2;
	p0 =	sne.s32 s22, $0xC700;
	[tilespmem:s30+$0x9E0] =	vst v8;
	v3 =	vadd.f32 v3, v1;
	v8 =	vld [tilespmem:s30+$0x9FF0]  }
0x138: {  	v9 =	vld [tilespmem:s29+$0x199C0];
	[tilespmem:s30+$0x3BE0] =	vst v7;
	v2 =	vadd.f32 v2, v1  }
0x139: {  	v7 =	vld [tilespmem:s29+$0x199D0];
	[tilespmem:s30+$0x6DE0] =	vst v3;
	v3 =	vadd.f32 v4, v0  }
0x13a: {  	v1 =	vld [tilespmem:s29+$0x199E0];
	[tilespmem:s30+$0x9FE0] =	vst v2;
	v2 =	vadd.f32 v5, v0  }
0x13b: {  	v4 =	vld [tilespmem:s29+$0x199F0];
	[tilespmem:s30+$0x9F0] =	vst v3;
	v3 =	vadd.f32 v6, v0  }
0x13c: {  	v5 =	vld [tilespmem:s29+$0x9C0];
	[tilespmem:s30+$0x3BF0] =	vst v2;
	v0 =	vadd.f32 v8, v0  }
0x13d: {  	v2 =	vld [tilespmem:s29+$0x3BC0];
	[tilespmem:s30+$0x6DF0] =	vst v3  }
0x13e: {  	v3 =	vld [tilespmem:s29+$0x6DC0];
	[tilespmem:s30+$0x9FF0] =	vst v0;
	s30 =	smov.u32 s29  }
0x13f: {  	v6 =	vld [tilespmem:s30+$0x9FC0]  }
0x140: {  	v8 =	vld [tilespmem:s30+$0x9D0];
	v0 =	vmov v4  }
0x141: {  	v4 =	vadd.f32 v5, v9;
	v5 =	vld [tilespmem:s30+$0x3BD0]  }
0x142: {  	v2 =	vadd.f32 v2, v9;
	v10 =	vld [tilespmem:s30+$0x6DD0]  }
0x143: {  	[tilespmem:s30+$0x9C0] =	vst v4;
	v3 =	vadd.f32 v3, v9;
	v4 =	vld [tilespmem:s30+$0x9FD0]  }
0x144: {  	[tilespmem:s30+$0x3BC0] =	vst v2;
	v2 =	vadd.f32 v6, v9;
	v6 =	vld [tilespmem:s30+$0x9E0]  }
0x145: {  	[tilespmem:s30+$0x6DC0] =	vst v3;
	v8 =	vadd.f32 v8, v7;
	v9 =	vld [tilespmem:s30+$0x3BE0]  }
.Ltmp2:
0x146: {  	[tilespmem:s30+$0x9FC0] =	vst v2;
	v5 =	vadd.f32 v5, v7;
	v3 =	vld [tilespmem:s30+$0x6DE0];
	(pc) =	sbr.rel @p0 .LBB2_6-.Ltmp2, $4  }
0x147: {  	[tilespmem:s30+$0x9D0] =	vst v8;
	v8 =	vadd.f32 v10, v7;
	v2 =	vld [tilespmem:s30+$0x9FE0]  }
0x148: {  	[tilespmem:s30+$0x3BD0] =	vst v5;
	v7 =	vadd.f32 v4, v7;
	v4 =	vld [tilespmem:s30+$0x9F0]  }
0x149: {  	[tilespmem:s30+$0x6DD0] =	vst v8;
	v8 =	vadd.f32 v6, v1;
	v5 =	vld [tilespmem:s30+$0x3BF0]  }
0x14a: {  	s22 =	sadd.s32 $0x100, s22;
	[tilespmem:s30+$0x9FD0] =	vst v7;
	v7 =	vadd.f32 v9, v1;
	v6 =	vld [tilespmem:s30+$0x6DF0]  }
0x14b: {  	[tilespmem:s30+$0x9E0] =	vst v8;
	v3 =	vadd.f32 v3, v1;
	v8 =	vld [tilespmem:s30+$0x9FF0]  }
0x14c: {  	[tilespmem:s30+$0x3BE0] =	vst v7;
	v1 =	vadd.f32 v2, v1  }
0x14d: {  	[tilespmem:s30+$0x6DE0] =	vst v3;
	v2 =	vadd.f32 v4, v0  }
0x14e: {  	[tilespmem:s30+$0x9FE0] =	vst v1;
	v1 =	vadd.f32 v5, v0  }
0x14f: {  	[tilespmem:s30+$0x9F0] =	vst v2;
	v2 =	vadd.f32 v6, v0  }
0x150: {  	[tilespmem:s30+$0x3BF0] =	vst v1;
	v0 =	vadd.f32 v8, v0  }
0x151: {  	[tilespmem:s30+$0x6DF0] =	vst v2  }
0x152: {  	s22 =	simm.s32 $0x0;
	s29 =	rddreg [dreg:$0xb];
	[tilespmem:s30+$0x9FF0] =	vst v0  }
0x153: {  	[hbm4b:s29+s22] =	stream.linear.scatter [tilespmem:s26], [sflag:$0x6], $0xC800, $0x38;
	[tilespmem:$0x1CBC0] =	vst v63  }
0x154: {  	_ =	swait.ge [sflag:s12], $0x340  }
0x155: {  	[sflag:s12] =	ssyncset.done $0x0  }
0x156: {  	[sflag:s12] =	ssyncadd.s32 $0xFFFFFCC0  }
0x157: {  	_ =	swait.ge [sflag:s16], $0xC800  }
0x158: {  	[sflag:s16] =	ssyncset.done $0x0  }
0x159: {  	[sflag:s16] =	ssyncadd.s32 $0xFFFF3800  }
0x15a: {  	[tilespmem:s26], [sflag:$0x4] =	stream.indirect.gather [hbm4b:s4+s25], $0x40, s11, s25, $0xb8;
	[tilespmem:$0x1CBC0] =	vst v63  }
0x15b: {  	s30 =	simm.s32 $0x3A8;
	s29 =	simm.s32 $0x22C0  }
0x15c: {  	[tilespmem:s29], [sflag:$0x4] =	stream.indirect.gather [hbm4b:s4+s25], $0x40, s30, s25, $0xb8;
	[tilespmem:$0x1CBC0] =	vst v63  }
0x15d: {  	s29 =	simm.s32 $0x410  }
0x15e: {  	[tilespmem:s31], [sflag:$0x4] =	stream.indirect.gather [hbm4b:s4+s25], $0x40, s29, s25, $0xb8;
	[tilespmem:$0x1CBC0] =	vst v63  }
0x15f: {  	s29 =	simm.s32 $0x478  }
0x160: {  	[tilespmem:s1], [sflag:$0x4] =	stream.indirect.gather [hbm4b:s4+s25], $0x40, s29, s25, $0xb8;
	[tilespmem:$0x1CBC0] =	vst v63  }
0x161: {  	s29 =	simm.s32 $0x4E0  }
0x162: {  	[tilespmem:s3], [sflag:$0x4] =	stream.indirect.gather [hbm4b:s4+s25], $0x40, s29, s25, $0xb8;
	[tilespmem:$0x1CBC0] =	vst v63  }
0x163: {  	s29 =	simm.s32 $0x548  }
0x164: {  	[tilespmem:s6], [sflag:$0x4] =	stream.indirect.gather [hbm4b:s4+s25], $0x40, s29, s25, $0xb8;
	[tilespmem:$0x1CBC0] =	vst v63  }
0x165: {  	s29 =	simm.s32 $0x5B0  }
0x166: {  	[tilespmem:s8], [sflag:$0x4] =	stream.indirect.gather [hbm4b:s4+s25], $0x40, s29, s25, $0xb8;
	[tilespmem:$0x1CBC0] =	vst v63  }
0x167: {  	s29 =	simm.s32 $0x618  }
0x168: {  	[tilespmem:s10], [sflag:$0x4] =	stream.indirect.gather [hbm4b:s4+s25], $0x40, s29, s25, $0xb8;
	[tilespmem:$0x1CBC0] =	vst v63  }
0x169: {  	s29 =	rddreg [dreg:$0xc]  }
0x16a: {  	[tilespmem:s7], [sflag:$0x3] =	stream.linear.gather [hbm4b:s29+s22], $0x340, $0x38;
	[tilespmem:$0x1CBC0] =	vst v63  }
0x16b: {  	_ =	swait.ge [sflag:s18], $0x1900  }
0x16c: {  	[sflag:s18] =	ssyncset.done $0x0  }
0x16d: {  	[sflag:s18] =	ssyncadd.s32 $0xFFFFE700  }
0x16e: {  	_ =	swait.ge [sflag:s18], $0x1900  }
0x16f: {  	[sflag:s18] =	ssyncset.done $0x0  }
0x170: {  	[sflag:s18] =	ssyncadd.s32 $0xFFFFE700  }
0x171: {  	_ =	swait.ge [sflag:s18], $0x1900  }
0x172: {  	[sflag:s18] =	ssyncset.done $0x0  }
0x173: {  	[sflag:s18] =	ssyncadd.s32 $0xFFFFE700  }
0x174: {  	_ =	swait.ge [sflag:s18], $0x1900  }
0x175: {  	[sflag:s18] =	ssyncset.done $0x0  }
0x176: {  	[sflag:s18] =	ssyncadd.s32 $0xFFFFE700  }
0x177: {  	_ =	swait.ge [sflag:s18], $0x1900  }
0x178: {  	[sflag:s18] =	ssyncset.done $0x0  }
0x179: {  	[sflag:s18] =	ssyncadd.s32 $0xFFFFE700  }
0x17a: {  	_ =	swait.ge [sflag:s18], $0x1900  }
0x17b: {  	[sflag:s18] =	ssyncset.done $0x0  }
0x17c: {  	[sflag:s18] =	ssyncadd.s32 $0xFFFFE700  }
0x17d: {  	_ =	swait.ge [sflag:s18], $0x1900  }
0x17e: {  	[sflag:s18] =	ssyncset.done $0x0  }
0x17f: {  	[sflag:s18] =	ssyncadd.s32 $0xFFFFE700  }
0x180: {  	_ =	swait.ge [sflag:s18], $0x1900  }
0x181: {  	[sflag:s18] =	ssyncset.done $0x0  }
0x182: {  	s30 =	simm.s32 $0x0;
	[sflag:s18] =	ssyncadd.s32 $0xFFFFE700  }
0x183: {  	v2 =	vld [tilespmem:s30+$0x199C0]  }
0x184: {  	v5 =	vld [tilespmem:s30+$0x199D0]  }
0x185: {  	v1 =	vld [tilespmem:s30+$0x199E0]  }
0x186: {  	v3 =	vld [tilespmem:s30+$0xD1C0]  }
0x187: {  	v4 =	vld [tilespmem:s30+$0x103C0]  }
0x188: {  	v6 =	vld [tilespmem:s30+$0x135C0]  }
0x189: {  	v7 =	vld [tilespmem:s30+$0x167C0]  }
0x18a: {  	v8 =	vld [tilespmem:s30+$0xD1D0]  }
0x18b: {  	v9 =	vld [tilespmem:s30+$0x103D0]  }
0x18c: {  	v0 =	vld [tilespmem:s30+$0x199F0];
	v3 =	vadd.f32 v3, v2  }
0x18d: {  	v11 =	vld [tilespmem:s30+$0x167D0];
	v4 =	vadd.f32 v4, v2  }
0x18e: {  	v10 =	vld [tilespmem:s30+$0x135D0];
	[tilespmem:s30+$0xD1C0] =	vst v3;
	v3 =	vadd.f32 v6, v2  }
0x18f: {  	[tilespmem:s30+$0x103C0] =	vst v4;
	v6 =	vld [tilespmem:s30+$0xD1E0];
	v2 =	vadd.f32 v7, v2  }
0x190: {  	v7 =	vld [tilespmem:s30+$0x103E0];
	v4 =	vadd.f32 v8, v5;
	v8 =	vadd.f32 v9, v5;
	[tilespmem:s30+$0x135C0] =	vst v3  }
0x191: {  	[tilespmem:s30+$0x167C0] =	vst v2;
	v3 =	vld [tilespmem:s30+$0x135E0]  }
0x192: {  	v2 =	vld [tilespmem:s30+$0x167E0];
	[tilespmem:s30+$0x103D0] =	vst v8;
	v8 =	vadd.f32 v11, v5  }
0x193: {  	v9 =	vadd.f32 v10, v5;
	[tilespmem:s30+$0xD1D0] =	vst v4;
	v4 =	vld [tilespmem:s30+$0xD1F0]  }
0x194: {  	v5 =	vld [tilespmem:s30+$0x103F0];
	[tilespmem:s30+$0x167D0] =	vst v8;
	v8 =	vadd.f32 v6, v1  }
0x195: {  	s22 =	simm.s32 $0x100;
	[tilespmem:s30+$0x135D0] =	vst v9;
	v7 =	vadd.f32 v7, v1;
	v6 =	vld [tilespmem:s30+$0x135F0]  }
.LBB2_8:
0x196: {  	s29 =	sshra.s32 s22, $0x2;
	p0 =	sne.s32 s22, $0xC700;
	[tilespmem:s30+$0xD1E0] =	vst v8;
	v3 =	vadd.f32 v3, v1;
	v8 =	vld [tilespmem:s30+$0x167F0]  }
0x197: {  	v9 =	vld [tilespmem:s29+$0x199C0];
	[tilespmem:s30+$0x103E0] =	vst v7;
	v2 =	vadd.f32 v2, v1  }
0x198: {  	v7 =	vld [tilespmem:s29+$0x199D0];
	[tilespmem:s30+$0x135E0] =	vst v3;
	v3 =	vadd.f32 v4, v0  }
0x199: {  	v1 =	vld [tilespmem:s29+$0x199E0];
	[tilespmem:s30+$0x167E0] =	vst v2;
	v2 =	vadd.f32 v5, v0  }
0x19a: {  	v4 =	vld [tilespmem:s29+$0x199F0];
	[tilespmem:s30+$0xD1F0] =	vst v3;
	v3 =	vadd.f32 v6, v0  }
0x19b: {  	v5 =	vld [tilespmem:s29+$0xD1C0];
	[tilespmem:s30+$0x103F0] =	vst v2;
	v0 =	vadd.f32 v8, v0  }
0x19c: {  	v2 =	vld [tilespmem:s29+$0x103C0];
	[tilespmem:s30+$0x135F0] =	vst v3  }
0x19d: {  	v3 =	vld [tilespmem:s29+$0x135C0];
	[tilespmem:s30+$0x167F0] =	vst v0;
	s30 =	smov.u32 s29  }
0x19e: {  	v6 =	vld [tilespmem:s30+$0x167C0]  }
0x19f: {  	v8 =	vld [tilespmem:s30+$0xD1D0];
	v0 =	vmov v4  }
0x1a0: {  	v4 =	vadd.f32 v5, v9;
	v5 =	vld [tilespmem:s30+$0x103D0]  }
0x1a1: {  	v2 =	vadd.f32 v2, v9;
	v10 =	vld [tilespmem:s30+$0x135D0]  }
0x1a2: {  	[tilespmem:s30+$0xD1C0] =	vst v4;
	v3 =	vadd.f32 v3, v9;
	v4 =	vld [tilespmem:s30+$0x167D0]  }
0x1a3: {  	[tilespmem:s30+$0x103C0] =	vst v2;
	v2 =	vadd.f32 v6, v9;
	v6 =	vld [tilespmem:s30+$0xD1E0]  }
0x1a4: {  	[tilespmem:s30+$0x135C0] =	vst v3;
	v8 =	vadd.f32 v8, v7;
	v9 =	vld [tilespmem:s30+$0x103E0]  }
.Ltmp3:
0x1a5: {  	[tilespmem:s30+$0x167C0] =	vst v2;
	v5 =	vadd.f32 v5, v7;
	v3 =	vld [tilespmem:s30+$0x135E0];
	(pc) =	sbr.rel @p0 .LBB2_8-.Ltmp3, $4  }
0x1a6: {  	[tilespmem:s30+$0xD1D0] =	vst v8;
	v8 =	vadd.f32 v10, v7;
	v2 =	vld [tilespmem:s30+$0x167E0]  }
0x1a7: {  	[tilespmem:s30+$0x103D0] =	vst v5;
	v7 =	vadd.f32 v4, v7;
	v4 =	vld [tilespmem:s30+$0xD1F0]  }
0x1a8: {  	[tilespmem:s30+$0x135D0] =	vst v8;
	v8 =	vadd.f32 v6, v1;
	v5 =	vld [tilespmem:s30+$0x103F0]  }
0x1a9: {  	s22 =	sadd.s32 $0x100, s22;
	[tilespmem:s30+$0x167D0] =	vst v7;
	v7 =	vadd.f32 v9, v1;
	v6 =	vld [tilespmem:s30+$0x135F0]  }
0x1aa: {  	[tilespmem:s30+$0xD1E0] =	vst v8;
	v3 =	vadd.f32 v3, v1;
	v8 =	vld [tilespmem:s30+$0x167F0]  }
0x1ab: {  	[tilespmem:s30+$0x103E0] =	vst v7;
	v1 =	vadd.f32 v2, v1  }
0x1ac: {  	[tilespmem:s30+$0x135E0] =	vst v3;
	v2 =	vadd.f32 v4, v0  }
0x1ad: {  	[tilespmem:s30+$0x167E0] =	vst v1;
	v1 =	vadd.f32 v5, v0  }
0x1ae: {  	[tilespmem:s30+$0xD1F0] =	vst v2;
	v2 =	vadd.f32 v6, v0  }
0x1af: {  	[tilespmem:s30+$0x103F0] =	vst v1;
	v0 =	vadd.f32 v8, v0  }
0x1b0: {  	[tilespmem:s30+$0x135F0] =	vst v2  }
0x1b1: {  	s22 =	simm.s32 $0x0;
	s29 =	rddreg [dreg:$0xd];
	[tilespmem:s30+$0x167F0] =	vst v0  }
0x1b2: {  	[hbm4b:s29+s22] =	stream.linear.scatter [tilespmem:s13], [sflag:$0x7], $0xC800, $0x38;
	[tilespmem:$0x1CBC0] =	vst v63  }
0x1b3: {  	_ =	swait.ge [sflag:s14], $0x340  }
0x1b4: {  	[sflag:s14] =	ssyncset.done $0x0  }
0x1b5: {  	[sflag:s14] =	ssyncadd.s32 $0xFFFFFCC0  }
0x1b6: {  	_ =	swait.ge [sflag:s20], $0xC800  }
0x1b7: {  	[sflag:s20] =	ssyncset.done $0x0  }
0x1b8: {  	[sflag:s20] =	ssyncadd.s32 $0xFFFF3800  }
0x1b9: {  	[tilespmem:s13], [sflag:$0x5] =	stream.indirect.gather [hbm4b:s4+s25], $0x40, s7, s25, $0xb8;
	[tilespmem:$0x1CBC0] =	vst v63  }
0x1ba: {  	s29 =	simm.s32 $0x6E8  }
0x1bb: {  	[tilespmem:s15], [sflag:$0x5] =	stream.indirect.gather [hbm4b:s4+s25], $0x40, s29, s25, $0xb8;
	[tilespmem:$0x1CBC0] =	vst v63  }
0x1bc: {  	s29 =	simm.s32 $0x750  }
0x1bd: {  	[tilespmem:s17], [sflag:$0x5] =	stream.indirect.gather [hbm4b:s4+s25], $0x40, s29, s25, $0xb8;
	[tilespmem:$0x1CBC0] =	vst v63  }
0x1be: {  	s29 =	simm.s32 $0x7B8  }
0x1bf: {  	[tilespmem:s19], [sflag:$0x5] =	stream.indirect.gather [hbm4b:s4+s25], $0x40, s29, s25, $0xb8;
	[tilespmem:$0x1CBC0] =	vst v63  }
0x1c0: {  	s29 =	simm.s32 $0x820  }
0x1c1: {  	[tilespmem:s21], [sflag:$0x5] =	stream.indirect.gather [hbm4b:s4+s25], $0x40, s29, s25, $0xb8;
	[tilespmem:$0x1CBC0] =	vst v63  }
0x1c2: {  	s29 =	simm.s32 $0x888  }
0x1c3: {  	[tilespmem:s28], [sflag:$0x5] =	stream.indirect.gather [hbm4b:s4+s25], $0x40, s29, s25, $0xb8;
	[tilespmem:$0x1CBC0] =	vst v63  }
0x1c4: {  	s29 =	simm.s32 $0x8F0  }
0x1c5: {  	[tilespmem:s0], [sflag:$0x5] =	stream.indirect.gather [hbm4b:s4+s25], $0x40, s29, s25, $0xb8;
	[tilespmem:$0x1CBC0] =	vst v63  }
0x1c6: {  	s29 =	simm.s32 $0x958  }
0x1c7: {  	[tilespmem:s5], [sflag:$0x5] =	stream.indirect.gather [hbm4b:s4+s25], $0x40, s29, s25, $0xb8;
	[tilespmem:$0x1CBC0] =	vst v63  }
0x1c8: {  	s29 =	rddreg [dreg:$0xe]  }
0x1c9: {  	[tilespmem:s22], [sflag:$0x1] =	stream.linear.gather [hbm4b:s29+s22], $0x340, $0x38;
	[tilespmem:$0x1CBC0] =	vst v63  }
0x1ca: {  	_ =	swait.ge [sflag:s9], $0x1900  }
0x1cb: {  	[sflag:s9] =	ssyncset.done $0x0  }
0x1cc: {  	[sflag:s9] =	ssyncadd.s32 $0xFFFFE700  }
0x1cd: {  	_ =	swait.ge [sflag:s9], $0x1900  }
0x1ce: {  	[sflag:s9] =	ssyncset.done $0x0  }
0x1cf: {  	[sflag:s9] =	ssyncadd.s32 $0xFFFFE700  }
0x1d0: {  	_ =	swait.ge [sflag:s9], $0x1900  }
0x1d1: {  	[sflag:s9] =	ssyncset.done $0x0  }
0x1d2: {  	[sflag:s9] =	ssyncadd.s32 $0xFFFFE700  }
0x1d3: {  	_ =	swait.ge [sflag:s9], $0x1900  }
0x1d4: {  	[sflag:s9] =	ssyncset.done $0x0  }
0x1d5: {  	[sflag:s9] =	ssyncadd.s32 $0xFFFFE700  }
0x1d6: {  	_ =	swait.ge [sflag:s9], $0x1900  }
0x1d7: {  	[sflag:s9] =	ssyncset.done $0x0  }
0x1d8: {  	[sflag:s9] =	ssyncadd.s32 $0xFFFFE700  }
0x1d9: {  	_ =	swait.ge [sflag:s9], $0x1900  }
0x1da: {  	[sflag:s9] =	ssyncset.done $0x0  }
0x1db: {  	[sflag:s9] =	ssyncadd.s32 $0xFFFFE700  }
0x1dc: {  	_ =	swait.ge [sflag:s9], $0x1900  }
0x1dd: {  	[sflag:s9] =	ssyncset.done $0x0  }
0x1de: {  	[sflag:s9] =	ssyncadd.s32 $0xFFFFE700  }
0x1df: {  	_ =	swait.ge [sflag:s9], $0x1900  }
0x1e0: {  	[sflag:s9] =	ssyncset.done $0x0  }
0x1e1: {  	s30 =	simm.s32 $0x0;
	[sflag:s9] =	ssyncadd.s32 $0xFFFFE700  }
0x1e2: {  	v2 =	vld [tilespmem:s30+$0x199C0]  }
0x1e3: {  	v5 =	vld [tilespmem:s30+$0x199D0]  }
0x1e4: {  	v1 =	vld [tilespmem:s30+$0x199E0]  }
0x1e5: {  	v3 =	vld [tilespmem:s30+$0x9C0]  }
0x1e6: {  	v4 =	vld [tilespmem:s30+$0x3BC0]  }
0x1e7: {  	v6 =	vld [tilespmem:s30+$0x6DC0]  }
0x1e8: {  	v7 =	vld [tilespmem:s30+$0x9FC0]  }
0x1e9: {  	v8 =	vld [tilespmem:s30+$0x9D0]  }
0x1ea: {  	v9 =	vld [tilespmem:s30+$0x3BD0]  }
0x1eb: {  	v0 =	vld [tilespmem:s30+$0x199F0];
	v3 =	vadd.f32 v3, v2  }
0x1ec: {  	v11 =	vld [tilespmem:s30+$0x9FD0];
	v4 =	vadd.f32 v4, v2  }
0x1ed: {  	v10 =	vld [tilespmem:s30+$0x6DD0];
	[tilespmem:s30+$0x9C0] =	vst v3;
	v3 =	vadd.f32 v6, v2  }
0x1ee: {  	[tilespmem:s30+$0x3BC0] =	vst v4;
	v6 =	vld [tilespmem:s30+$0x9E0];
	v2 =	vadd.f32 v7, v2  }
0x1ef: {  	v7 =	vld [tilespmem:s30+$0x3BE0];
	v4 =	vadd.f32 v8, v5;
	v8 =	vadd.f32 v9, v5;
	[tilespmem:s30+$0x6DC0] =	vst v3  }
0x1f0: {  	[tilespmem:s30+$0x9FC0] =	vst v2;
	v3 =	vld [tilespmem:s30+$0x6DE0]  }
0x1f1: {  	v2 =	vld [tilespmem:s30+$0x9FE0];
	[tilespmem:s30+$0x3BD0] =	vst v8;
	v8 =	vadd.f32 v11, v5  }
0x1f2: {  	v9 =	vadd.f32 v10, v5;
	[tilespmem:s30+$0x9D0] =	vst v4;
	v4 =	vld [tilespmem:s30+$0x9F0]  }
0x1f3: {  	v5 =	vld [tilespmem:s30+$0x3BF0];
	[tilespmem:s30+$0x9FD0] =	vst v8;
	v8 =	vadd.f32 v6, v1  }
0x1f4: {  	s22 =	simm.s32 $0x100;
	[tilespmem:s30+$0x6DD0] =	vst v9;
	v7 =	vadd.f32 v7, v1;
	v6 =	vld [tilespmem:s30+$0x6DF0]  }
.LBB2_10:
0x1f5: {  	s29 =	sshra.s32 s22, $0x2;
	p0 =	sne.s32 s22, $0xC700;
	[tilespmem:s30+$0x9E0] =	vst v8;
	v3 =	vadd.f32 v3, v1;
	v8 =	vld [tilespmem:s30+$0x9FF0]  }
0x1f6: {  	v9 =	vld [tilespmem:s29+$0x199C0];
	[tilespmem:s30+$0x3BE0] =	vst v7;
	v2 =	vadd.f32 v2, v1  }
0x1f7: {  	v7 =	vld [tilespmem:s29+$0x199D0];
	[tilespmem:s30+$0x6DE0] =	vst v3;
	v3 =	vadd.f32 v4, v0  }
0x1f8: {  	v1 =	vld [tilespmem:s29+$0x199E0];
	[tilespmem:s30+$0x9FE0] =	vst v2;
	v2 =	vadd.f32 v5, v0  }
0x1f9: {  	v4 =	vld [tilespmem:s29+$0x199F0];
	[tilespmem:s30+$0x9F0] =	vst v3;
	v3 =	vadd.f32 v6, v0  }
0x1fa: {  	v5 =	vld [tilespmem:s29+$0x9C0];
	[tilespmem:s30+$0x3BF0] =	vst v2;
	v0 =	vadd.f32 v8, v0  }
0x1fb: {  	v2 =	vld [tilespmem:s29+$0x3BC0];
	[tilespmem:s30+$0x6DF0] =	vst v3  }
0x1fc: {  	v3 =	vld [tilespmem:s29+$0x6DC0];
	[tilespmem:s30+$0x9FF0] =	vst v0;
	s30 =	smov.u32 s29  }
0x1fd: {  	v6 =	vld [tilespmem:s30+$0x9FC0]  }
0x1fe: {  	v8 =	vld [tilespmem:s30+$0x9D0];
	v0 =	vmov v4  }
0x1ff: {  	v4 =	vadd.f32 v5, v9;
	v5 =	vld [tilespmem:s30+$0x3BD0]  }
0x200: {  	v2 =	vadd.f32 v2, v9;
	v10 =	vld [tilespmem:s30+$0x6DD0]  }
0x201: {  	[tilespmem:s30+$0x9C0] =	vst v4;
	v3 =	vadd.f32 v3, v9;
	v4 =	vld [tilespmem:s30+$0x9FD0]  }
0x202: {  	[tilespmem:s30+$0x3BC0] =	vst v2;
	v2 =	vadd.f32 v6, v9;
	v6 =	vld [tilespmem:s30+$0x9E0]  }
0x203: {  	[tilespmem:s30+$0x6DC0] =	vst v3;
	v8 =	vadd.f32 v8, v7;
	v9 =	vld [tilespmem:s30+$0x3BE0]  }
.Ltmp4:
0x204: {  	[tilespmem:s30+$0x9FC0] =	vst v2;
	v5 =	vadd.f32 v5, v7;
	v3 =	vld [tilespmem:s30+$0x6DE0];
	(pc) =	sbr.rel @p0 .LBB2_10-.Ltmp4, $4  }
0x205: {  	[tilespmem:s30+$0x9D0] =	vst v8;
	v8 =	vadd.f32 v10, v7;
	v2 =	vld [tilespmem:s30+$0x9FE0]  }
0x206: {  	[tilespmem:s30+$0x3BD0] =	vst v5;
	v7 =	vadd.f32 v4, v7;
	v4 =	vld [tilespmem:s30+$0x9F0]  }
0x207: {  	[tilespmem:s30+$0x6DD0] =	vst v8;
	v8 =	vadd.f32 v6, v1;
	v5 =	vld [tilespmem:s30+$0x3BF0]  }
0x208: {  	s22 =	sadd.s32 $0x100, s22;
	[tilespmem:s30+$0x9FD0] =	vst v7;
	v7 =	vadd.f32 v9, v1;
	v6 =	vld [tilespmem:s30+$0x6DF0]  }
0x209: {  	[tilespmem:s30+$0x9E0] =	vst v8;
	v3 =	vadd.f32 v3, v1;
	v8 =	vld [tilespmem:s30+$0x9FF0]  }
0x20a: {  	[tilespmem:s30+$0x3BE0] =	vst v7;
	v1 =	vadd.f32 v2, v1  }
0x20b: {  	[tilespmem:s30+$0x6DE0] =	vst v3;
	v2 =	vadd.f32 v4, v0  }
0x20c: {  	[tilespmem:s30+$0x9FE0] =	vst v1;
	v1 =	vadd.f32 v5, v0  }
0x20d: {  	[tilespmem:s30+$0x9F0] =	vst v2;
	v2 =	vadd.f32 v6, v0  }
0x20e: {  	[tilespmem:s30+$0x3BF0] =	vst v1;
	v0 =	vadd.f32 v8, v0  }
0x20f: {  	[tilespmem:s30+$0x6DF0] =	vst v2  }
0x210: {  	s22 =	simm.s32 $0x0;
	s29 =	rddreg [dreg:$0xf];
	[tilespmem:s30+$0x9FF0] =	vst v0  }
0x211: {  	[hbm4b:s29+s22] =	stream.linear.scatter [tilespmem:s26], [sflag:$0x6], $0xC800, $0x38;
	[tilespmem:$0x1CBC0] =	vst v63  }
0x212: {  	_ =	swait.ge [sflag:s24], $0x340  }
0x213: {  	[sflag:s24] =	ssyncset.done $0x0  }
0x214: {  	[sflag:s24] =	ssyncadd.s32 $0xFFFFFCC0  }
0x215: {  	_ =	swait.ge [sflag:s16], $0xC800  }
0x216: {  	[sflag:s16] =	ssyncset.done $0x0  }
0x217: {  	[sflag:s16] =	ssyncadd.s32 $0xFFFF3800  }
0x218: {  	[tilespmem:s26], [sflag:$0x4] =	stream.indirect.gather [hbm4b:s4+s25], $0x40, s22, s25, $0xb8;
	[tilespmem:$0x1CBC0] =	vst v63  }
0x219: {  	s30 =	simm.s32 $0x22C0;
	s29 =	simm.s32 $0x68  }
0x21a: {  	[tilespmem:s30], [sflag:$0x4] =	stream.indirect.gather [hbm4b:s4+s25], $0x40, s29, s25, $0xb8;
	[tilespmem:$0x1CBC0] =	vst v63  }
0x21b: {  	s29 =	simm.s32 $0xD0  }
0x21c: {  	[tilespmem:s31], [sflag:$0x4] =	stream.indirect.gather [hbm4b:s4+s25], $0x40, s29, s25, $0xb8;
	[tilespmem:$0x1CBC0] =	vst v63  }
0x21d: {  	s29 =	simm.s32 $0x138  }
0x21e: {  	[tilespmem:s1], [sflag:$0x4] =	stream.indirect.gather [hbm4b:s4+s25], $0x40, s29, s25, $0xb8;
	[tilespmem:$0x1CBC0] =	vst v63  }
0x21f: {  	s29 =	simm.s32 $0x1A0  }
0x220: {  	[tilespmem:s3], [sflag:$0x4] =	stream.indirect.gather [hbm4b:s4+s25], $0x40, s29, s25, $0xb8;
	[tilespmem:$0x1CBC0] =	vst v63  }
0x221: {  	s29 =	simm.s32 $0x208  }
0x222: {  	[tilespmem:s6], [sflag:$0x4] =	stream.indirect.gather [hbm4b:s4+s25], $0x40, s29, s25, $0xb8;
	[tilespmem:$0x1CBC0] =	vst v63  }
0x223: {  	s29 =	simm.s32 $0x270  }
0x224: {  	[tilespmem:s8], [sflag:$0x4] =	stream.indirect.gather [hbm4b:s4+s25], $0x40, s29, s25, $0xb8;
	[tilespmem:$0x1CBC0] =	vst v63  }
0x225: {  	s29 =	simm.s32 $0x2D8  }
0x226: {  	[tilespmem:s10], [sflag:$0x4] =	stream.indirect.gather [hbm4b:s4+s25], $0x40, s29, s25, $0xb8;
	[tilespmem:$0x1CBC0] =	vst v63  }
0x227: {  	s29 =	rddreg [dreg:$0x10]  }
0x228: {  	[tilespmem:s11], [sflag:$0x2] =	stream.linear.gather [hbm4b:s29+s22], $0x340, $0x38;
	[tilespmem:$0x1CBC0] =	vst v63  }
0x229: {  	_ =	swait.ge [sflag:s18], $0x1900  }
0x22a: {  	[sflag:s18] =	ssyncset.done $0x0  }
0x22b: {  	[sflag:s18] =	ssyncadd.s32 $0xFFFFE700  }
0x22c: {  	_ =	swait.ge [sflag:s18], $0x1900  }
0x22d: {  	[sflag:s18] =	ssyncset.done $0x0  }
0x22e: {  	[sflag:s18] =	ssyncadd.s32 $0xFFFFE700  }
0x22f: {  	_ =	swait.ge [sflag:s18], $0x1900  }
0x230: {  	[sflag:s18] =	ssyncset.done $0x0  }
0x231: {  	[sflag:s18] =	ssyncadd.s32 $0xFFFFE700  }
0x232: {  	_ =	swait.ge [sflag:s18], $0x1900  }
0x233: {  	[sflag:s18] =	ssyncset.done $0x0  }
0x234: {  	[sflag:s18] =	ssyncadd.s32 $0xFFFFE700  }
0x235: {  	_ =	swait.ge [sflag:s18], $0x1900  }
0x236: {  	[sflag:s18] =	ssyncset.done $0x0  }
0x237: {  	[sflag:s18] =	ssyncadd.s32 $0xFFFFE700  }
0x238: {  	_ =	swait.ge [sflag:s18], $0x1900  }
0x239: {  	[sflag:s18] =	ssyncset.done $0x0  }
0x23a: {  	[sflag:s18] =	ssyncadd.s32 $0xFFFFE700  }
0x23b: {  	_ =	swait.ge [sflag:s18], $0x1900  }
0x23c: {  	[sflag:s18] =	ssyncset.done $0x0  }
0x23d: {  	[sflag:s18] =	ssyncadd.s32 $0xFFFFE700  }
0x23e: {  	_ =	swait.ge [sflag:s18], $0x1900  }
0x23f: {  	[sflag:s18] =	ssyncset.done $0x0  }
0x240: {  	s30 =	simm.s32 $0x0;
	[sflag:s18] =	ssyncadd.s32 $0xFFFFE700  }
0x241: {  	v2 =	vld [tilespmem:s30+$0x199C0]  }
0x242: {  	v5 =	vld [tilespmem:s30+$0x199D0]  }
0x243: {  	v1 =	vld [tilespmem:s30+$0x199E0]  }
0x244: {  	v3 =	vld [tilespmem:s30+$0xD1C0]  }
0x245: {  	v4 =	vld [tilespmem:s30+$0x103C0]  }
0x246: {  	v6 =	vld [tilespmem:s30+$0x135C0]  }
0x247: {  	v7 =	vld [tilespmem:s30+$0x167C0]  }
0x248: {  	v8 =	vld [tilespmem:s30+$0xD1D0]  }
0x249: {  	v9 =	vld [tilespmem:s30+$0x103D0]  }
0x24a: {  	v0 =	vld [tilespmem:s30+$0x199F0];
	v3 =	vadd.f32 v3, v2  }
0x24b: {  	v11 =	vld [tilespmem:s30+$0x167D0];
	v4 =	vadd.f32 v4, v2  }
0x24c: {  	v10 =	vld [tilespmem:s30+$0x135D0];
	[tilespmem:s30+$0xD1C0] =	vst v3;
	v3 =	vadd.f32 v6, v2  }
0x24d: {  	[tilespmem:s30+$0x103C0] =	vst v4;
	v6 =	vld [tilespmem:s30+$0xD1E0];
	v2 =	vadd.f32 v7, v2  }
0x24e: {  	v7 =	vld [tilespmem:s30+$0x103E0];
	v4 =	vadd.f32 v8, v5;
	v8 =	vadd.f32 v9, v5;
	[tilespmem:s30+$0x135C0] =	vst v3  }
0x24f: {  	[tilespmem:s30+$0x167C0] =	vst v2;
	v3 =	vld [tilespmem:s30+$0x135E0]  }
0x250: {  	v2 =	vld [tilespmem:s30+$0x167E0];
	[tilespmem:s30+$0x103D0] =	vst v8;
	v8 =	vadd.f32 v11, v5  }
0x251: {  	v9 =	vadd.f32 v10, v5;
	[tilespmem:s30+$0xD1D0] =	vst v4;
	v4 =	vld [tilespmem:s30+$0xD1F0]  }
0x252: {  	v5 =	vld [tilespmem:s30+$0x103F0];
	[tilespmem:s30+$0x167D0] =	vst v8;
	v8 =	vadd.f32 v6, v1  }
0x253: {  	s22 =	simm.s32 $0x100;
	[tilespmem:s30+$0x135D0] =	vst v9;
	v7 =	vadd.f32 v7, v1;
	v6 =	vld [tilespmem:s30+$0x135F0]  }
.LBB2_12:
0x254: {  	s29 =	sshra.s32 s22, $0x2;
	p0 =	sne.s32 s22, $0xC700;
	[tilespmem:s30+$0xD1E0] =	vst v8;
	v3 =	vadd.f32 v3, v1;
	v8 =	vld [tilespmem:s30+$0x167F0]  }
0x255: {  	v9 =	vld [tilespmem:s29+$0x199C0];
	[tilespmem:s30+$0x103E0] =	vst v7;
	v2 =	vadd.f32 v2, v1  }
0x256: {  	v7 =	vld [tilespmem:s29+$0x199D0];
	[tilespmem:s30+$0x135E0] =	vst v3;
	v3 =	vadd.f32 v4, v0  }
0x257: {  	v1 =	vld [tilespmem:s29+$0x199E0];
	[tilespmem:s30+$0x167E0] =	vst v2;
	v2 =	vadd.f32 v5, v0  }
0x258: {  	v4 =	vld [tilespmem:s29+$0x199F0];
	[tilespmem:s30+$0xD1F0] =	vst v3;
	v3 =	vadd.f32 v6, v0  }
0x259: {  	v5 =	vld [tilespmem:s29+$0xD1C0];
	[tilespmem:s30+$0x103F0] =	vst v2;
	v0 =	vadd.f32 v8, v0  }
0x25a: {  	v2 =	vld [tilespmem:s29+$0x103C0];
	[tilespmem:s30+$0x135F0] =	vst v3  }
0x25b: {  	v3 =	vld [tilespmem:s29+$0x135C0];
	[tilespmem:s30+$0x167F0] =	vst v0;
	s30 =	smov.u32 s29  }
0x25c: {  	v6 =	vld [tilespmem:s30+$0x167C0]  }
0x25d: {  	v8 =	vld [tilespmem:s30+$0xD1D0];
	v0 =	vmov v4  }
0x25e: {  	v4 =	vadd.f32 v5, v9;
	v5 =	vld [tilespmem:s30+$0x103D0]  }
0x25f: {  	v2 =	vadd.f32 v2, v9;
	v10 =	vld [tilespmem:s30+$0x135D0]  }
0x260: {  	[tilespmem:s30+$0xD1C0] =	vst v4;
	v3 =	vadd.f32 v3, v9;
	v4 =	vld [tilespmem:s30+$0x167D0]  }
0x261: {  	[tilespmem:s30+$0x103C0] =	vst v2;
	v2 =	vadd.f32 v6, v9;
	v6 =	vld [tilespmem:s30+$0xD1E0]  }
0x262: {  	[tilespmem:s30+$0x135C0] =	vst v3;
	v8 =	vadd.f32 v8, v7;
	v9 =	vld [tilespmem:s30+$0x103E0]  }
.Ltmp5:
0x263: {  	[tilespmem:s30+$0x167C0] =	vst v2;
	v5 =	vadd.f32 v5, v7;
	v3 =	vld [tilespmem:s30+$0x135E0];
	(pc) =	sbr.rel @p0 .LBB2_12-.Ltmp5, $4  }
0x264: {  	[tilespmem:s30+$0xD1D0] =	vst v8;
	v8 =	vadd.f32 v10, v7;
	v2 =	vld [tilespmem:s30+$0x167E0]  }
0x265: {  	[tilespmem:s30+$0x103D0] =	vst v5;
	v7 =	vadd.f32 v4, v7;
	v4 =	vld [tilespmem:s30+$0xD1F0]  }
0x266: {  	[tilespmem:s30+$0x135D0] =	vst v8;
	v8 =	vadd.f32 v6, v1;
	v5 =	vld [tilespmem:s30+$0x103F0]  }
0x267: {  	s22 =	sadd.s32 $0x100, s22;
	[tilespmem:s30+$0x167D0] =	vst v7;
	v7 =	vadd.f32 v9, v1;
	v6 =	vld [tilespmem:s30+$0x135F0]  }
0x268: {  	[tilespmem:s30+$0xD1E0] =	vst v8;
	v3 =	vadd.f32 v3, v1;
	v8 =	vld [tilespmem:s30+$0x167F0]  }
0x269: {  	[tilespmem:s30+$0x103E0] =	vst v7;
	v1 =	vadd.f32 v2, v1  }
0x26a: {  	[tilespmem:s30+$0x135E0] =	vst v3;
	v2 =	vadd.f32 v4, v0  }
0x26b: {  	[tilespmem:s30+$0x167E0] =	vst v1;
	v1 =	vadd.f32 v5, v0  }
0x26c: {  	[tilespmem:s30+$0xD1F0] =	vst v2;
	v2 =	vadd.f32 v6, v0  }
0x26d: {  	[tilespmem:s30+$0x103F0] =	vst v1;
	v0 =	vadd.f32 v8, v0  }
0x26e: {  	[tilespmem:s30+$0x135F0] =	vst v2  }
0x26f: {  	s22 =	simm.s32 $0x0;
	s29 =	rddreg [dreg:$0x11];
	[tilespmem:s30+$0x167F0] =	vst v0  }
0x270: {  	[hbm4b:s29+s22] =	stream.linear.scatter [tilespmem:s13], [sflag:$0x7], $0xC800, $0x38;
	[tilespmem:$0x1CBC0] =	vst v63  }
0x271: {  	_ =	swait.ge [sflag:s12], $0x340  }
0x272: {  	[sflag:s12] =	ssyncset.done $0x0  }
0x273: {  	[sflag:s12] =	ssyncadd.s32 $0xFFFFFCC0  }
0x274: {  	_ =	swait.ge [sflag:s20], $0xC800  }
0x275: {  	[sflag:s20] =	ssyncset.done $0x0  }
0x276: {  	[sflag:s20] =	ssyncadd.s32 $0xFFFF3800  }
0x277: {  	[tilespmem:s13], [sflag:$0x5] =	stream.indirect.gather [hbm4b:s4+s25], $0x40, s11, s25, $0xb8;
	[tilespmem:$0x1CBC0] =	vst v63  }
0x278: {  	s29 =	simm.s32 $0x3A8  }
0x279: {  	[tilespmem:s15], [sflag:$0x5] =	stream.indirect.gather [hbm4b:s4+s25], $0x40, s29, s25, $0xb8;
	[tilespmem:$0x1CBC0] =	vst v63  }
0x27a: {  	s29 =	simm.s32 $0x410  }
0x27b: {  	[tilespmem:s17], [sflag:$0x5] =	stream.indirect.gather [hbm4b:s4+s25], $0x40, s29, s25, $0xb8;
	[tilespmem:$0x1CBC0] =	vst v63  }
0x27c: {  	s29 =	simm.s32 $0x478  }
0x27d: {  	[tilespmem:s19], [sflag:$0x5] =	stream.indirect.gather [hbm4b:s4+s25], $0x40, s29, s25, $0xb8;
	[tilespmem:$0x1CBC0] =	vst v63  }
0x27e: {  	s29 =	simm.s32 $0x4E0  }
0x27f: {  	[tilespmem:s21], [sflag:$0x5] =	stream.indirect.gather [hbm4b:s4+s25], $0x40, s29, s25, $0xb8;
	[tilespmem:$0x1CBC0] =	vst v63  }
0x280: {  	s29 =	simm.s32 $0x548  }
0x281: {  	[tilespmem:s28], [sflag:$0x5] =	stream.indirect.gather [hbm4b:s4+s25], $0x40, s29, s25, $0xb8;
	[tilespmem:$0x1CBC0] =	vst v63  }
0x282: {  	s29 =	simm.s32 $0x5B0  }
0x283: {  	[tilespmem:s0], [sflag:$0x5] =	stream.indirect.gather [hbm4b:s4+s25], $0x40, s29, s25, $0xb8;
	[tilespmem:$0x1CBC0] =	vst v63  }
0x284: {  	s29 =	simm.s32 $0x618  }
0x285: {  	[tilespmem:s5], [sflag:$0x5] =	stream.indirect.gather [hbm4b:s4+s25], $0x40, s29, s25, $0xb8;
	[tilespmem:$0x1CBC0] =	vst v63  }
0x286: {  	_ =	swait.ge [sflag:s9], $0x1900  }
0x287: {  	[sflag:s9] =	ssyncset.done $0x0  }
0x288: {  	[sflag:s9] =	ssyncadd.s32 $0xFFFFE700  }
0x289: {  	_ =	swait.ge [sflag:s9], $0x1900  }
0x28a: {  	[sflag:s9] =	ssyncset.done $0x0  }
0x28b: {  	[sflag:s9] =	ssyncadd.s32 $0xFFFFE700  }
0x28c: {  	_ =	swait.ge [sflag:s9], $0x1900  }
0x28d: {  	[sflag:s9] =	ssyncset.done $0x0  }
0x28e: {  	[sflag:s9] =	ssyncadd.s32 $0xFFFFE700  }
0x28f: {  	_ =	swait.ge [sflag:s9], $0x1900  }
0x290: {  	[sflag:s9] =	ssyncset.done $0x0  }
0x291: {  	[sflag:s9] =	ssyncadd.s32 $0xFFFFE700  }
0x292: {  	_ =	swait.ge [sflag:s9], $0x1900  }
0x293: {  	[sflag:s9] =	ssyncset.done $0x0  }
0x294: {  	[sflag:s9] =	ssyncadd.s32 $0xFFFFE700  }
0x295: {  	_ =	swait.ge [sflag:s9], $0x1900  }
0x296: {  	[sflag:s9] =	ssyncset.done $0x0  }
0x297: {  	[sflag:s9] =	ssyncadd.s32 $0xFFFFE700  }
0x298: {  	_ =	swait.ge [sflag:s9], $0x1900  }
0x299: {  	[sflag:s9] =	ssyncset.done $0x0  }
0x29a: {  	[sflag:s9] =	ssyncadd.s32 $0xFFFFE700  }
0x29b: {  	_ =	swait.ge [sflag:s9], $0x1900  }
0x29c: {  	[sflag:s9] =	ssyncset.done $0x0  }
0x29d: {  	s30 =	simm.s32 $0x0;
	[sflag:s9] =	ssyncadd.s32 $0xFFFFE700  }
0x29e: {  	v2 =	vld [tilespmem:s30+$0x199C0]  }
0x29f: {  	v5 =	vld [tilespmem:s30+$0x199D0]  }
0x2a0: {  	v1 =	vld [tilespmem:s30+$0x199E0]  }
0x2a1: {  	v3 =	vld [tilespmem:s30+$0x9C0]  }
0x2a2: {  	v4 =	vld [tilespmem:s30+$0x3BC0]  }
0x2a3: {  	v6 =	vld [tilespmem:s30+$0x6DC0]  }
0x2a4: {  	v7 =	vld [tilespmem:s30+$0x9FC0]  }
0x2a5: {  	v8 =	vld [tilespmem:s30+$0x9D0]  }
0x2a6: {  	v9 =	vld [tilespmem:s30+$0x3BD0]  }
0x2a7: {  	v0 =	vld [tilespmem:s30+$0x199F0];
	v3 =	vadd.f32 v3, v2  }
0x2a8: {  	v11 =	vld [tilespmem:s30+$0x9FD0];
	v4 =	vadd.f32 v4, v2  }
0x2a9: {  	v10 =	vld [tilespmem:s30+$0x6DD0];
	[tilespmem:s30+$0x9C0] =	vst v3;
	v3 =	vadd.f32 v6, v2  }
0x2aa: {  	[tilespmem:s30+$0x3BC0] =	vst v4;
	v6 =	vld [tilespmem:s30+$0x9E0];
	v2 =	vadd.f32 v7, v2  }
0x2ab: {  	v7 =	vld [tilespmem:s30+$0x3BE0];
	v4 =	vadd.f32 v8, v5;
	v8 =	vadd.f32 v9, v5;
	[tilespmem:s30+$0x6DC0] =	vst v3  }
0x2ac: {  	[tilespmem:s30+$0x9FC0] =	vst v2;
	v3 =	vld [tilespmem:s30+$0x6DE0]  }
0x2ad: {  	v2 =	vld [tilespmem:s30+$0x9FE0];
	[tilespmem:s30+$0x3BD0] =	vst v8;
	v8 =	vadd.f32 v11, v5  }
0x2ae: {  	v9 =	vadd.f32 v10, v5;
	[tilespmem:s30+$0x9D0] =	vst v4;
	v4 =	vld [tilespmem:s30+$0x9F0]  }
0x2af: {  	v5 =	vld [tilespmem:s30+$0x3BF0];
	[tilespmem:s30+$0x9FD0] =	vst v8;
	v8 =	vadd.f32 v6, v1  }
0x2b0: {  	s22 =	simm.s32 $0x100;
	[tilespmem:s30+$0x6DD0] =	vst v9;
	v7 =	vadd.f32 v7, v1;
	v6 =	vld [tilespmem:s30+$0x6DF0]  }
.LBB2_14:
0x2b1: {  	s29 =	sshra.s32 s22, $0x2;
	p0 =	sne.s32 s22, $0xC700;
	[tilespmem:s30+$0x9E0] =	vst v8;
	v3 =	vadd.f32 v3, v1;
	v8 =	vld [tilespmem:s30+$0x9FF0]  }
0x2b2: {  	v9 =	vld [tilespmem:s29+$0x199C0];
	[tilespmem:s30+$0x3BE0] =	vst v7;
	v2 =	vadd.f32 v2, v1  }
0x2b3: {  	v7 =	vld [tilespmem:s29+$0x199D0];
	[tilespmem:s30+$0x6DE0] =	vst v3;
	v3 =	vadd.f32 v4, v0  }
0x2b4: {  	v1 =	vld [tilespmem:s29+$0x199E0];
	[tilespmem:s30+$0x9FE0] =	vst v2;
	v2 =	vadd.f32 v5, v0  }
0x2b5: {  	v4 =	vld [tilespmem:s29+$0x199F0];
	[tilespmem:s30+$0x9F0] =	vst v3;
	v3 =	vadd.f32 v6, v0  }
0x2b6: {  	v5 =	vld [tilespmem:s29+$0x9C0];
	[tilespmem:s30+$0x3BF0] =	vst v2;
	v0 =	vadd.f32 v8, v0  }
0x2b7: {  	v2 =	vld [tilespmem:s29+$0x3BC0];
	[tilespmem:s30+$0x6DF0] =	vst v3  }
0x2b8: {  	v3 =	vld [tilespmem:s29+$0x6DC0];
	[tilespmem:s30+$0x9FF0] =	vst v0;
	s30 =	smov.u32 s29  }
0x2b9: {  	v6 =	vld [tilespmem:s30+$0x9FC0]  }
0x2ba: {  	v8 =	vld [tilespmem:s30+$0x9D0];
	v0 =	vmov v4  }
0x2bb: {  	v4 =	vadd.f32 v5, v9;
	v5 =	vld [tilespmem:s30+$0x3BD0]  }
0x2bc: {  	v2 =	vadd.f32 v2, v9;
	v10 =	vld [tilespmem:s30+$0x6DD0]  }
0x2bd: {  	[tilespmem:s30+$0x9C0] =	vst v4;
	v3 =	vadd.f32 v3, v9;
	v4 =	vld [tilespmem:s30+$0x9FD0]  }
0x2be: {  	[tilespmem:s30+$0x3BC0] =	vst v2;
	v2 =	vadd.f32 v6, v9;
	v6 =	vld [tilespmem:s30+$0x9E0]  }
0x2bf: {  	[tilespmem:s30+$0x6DC0] =	vst v3;
	v8 =	vadd.f32 v8, v7;
	v9 =	vld [tilespmem:s30+$0x3BE0]  }
.Ltmp6:
0x2c0: {  	[tilespmem:s30+$0x9FC0] =	vst v2;
	v5 =	vadd.f32 v5, v7;
	v3 =	vld [tilespmem:s30+$0x6DE0];
	(pc) =	sbr.rel @p0 .LBB2_14-.Ltmp6, $4  }
0x2c1: {  	[tilespmem:s30+$0x9D0] =	vst v8;
	v8 =	vadd.f32 v10, v7;
	v2 =	vld [tilespmem:s30+$0x9FE0]  }
0x2c2: {  	[tilespmem:s30+$0x3BD0] =	vst v5;
	v7 =	vadd.f32 v4, v7;
	v4 =	vld [tilespmem:s30+$0x9F0]  }
0x2c3: {  	[tilespmem:s30+$0x6DD0] =	vst v8;
	v8 =	vadd.f32 v6, v1;
	v5 =	vld [tilespmem:s30+$0x3BF0]  }
0x2c4: {  	s22 =	sadd.s32 $0x100, s22;
	[tilespmem:s30+$0x9FD0] =	vst v7;
	v7 =	vadd.f32 v9, v1;
	v6 =	vld [tilespmem:s30+$0x6DF0]  }
0x2c5: {  	[tilespmem:s30+$0x9E0] =	vst v8;
	v3 =	vadd.f32 v3, v1;
	v8 =	vld [tilespmem:s30+$0x9FF0]  }
0x2c6: {  	[tilespmem:s30+$0x3BE0] =	vst v7;
	v1 =	vadd.f32 v2, v1  }
0x2c7: {  	[tilespmem:s30+$0x6DE0] =	vst v3;
	v2 =	vadd.f32 v4, v0  }
0x2c8: {  	[tilespmem:s30+$0x9FE0] =	vst v1;
	v1 =	vadd.f32 v5, v0  }
0x2c9: {  	[tilespmem:s30+$0x9F0] =	vst v2;
	v2 =	vadd.f32 v6, v0  }
0x2ca: {  	[tilespmem:s30+$0x3BF0] =	vst v1;
	v0 =	vadd.f32 v8, v0  }
0x2cb: {  	[tilespmem:s30+$0x6DF0] =	vst v2  }
0x2cc: {  	s22 =	simm.s32 $0x0;
	s29 =	rddreg [dreg:$0x12];
	[tilespmem:s30+$0x9FF0] =	vst v0  }
0x2cd: {  	[hbm4b:s29+s22] =	stream.linear.scatter [tilespmem:s26], [sflag:$0x6], $0xC800, $0x38;
	[tilespmem:$0x1CBC0] =	vst v63  }
0x2ce: {  	_ =	swait.ge [sflag:s18], $0x1900  }
0x2cf: {  	[sflag:s18] =	ssyncset.done $0x0  }
0x2d0: {  	[sflag:s18] =	ssyncadd.s32 $0xFFFFE700  }
0x2d1: {  	_ =	swait.ge [sflag:s18], $0x1900  }
0x2d2: {  	[sflag:s18] =	ssyncset.done $0x0  }
0x2d3: {  	[sflag:s18] =	ssyncadd.s32 $0xFFFFE700  }
0x2d4: {  	_ =	swait.ge [sflag:s18], $0x1900  }
0x2d5: {  	[sflag:s18] =	ssyncset.done $0x0  }
0x2d6: {  	[sflag:s18] =	ssyncadd.s32 $0xFFFFE700  }
0x2d7: {  	_ =	swait.ge [sflag:s18], $0x1900  }
0x2d8: {  	[sflag:s18] =	ssyncset.done $0x0  }
0x2d9: {  	[sflag:s18] =	ssyncadd.s32 $0xFFFFE700  }
0x2da: {  	_ =	swait.ge [sflag:s18], $0x1900  }
0x2db: {  	[sflag:s18] =	ssyncset.done $0x0  }
0x2dc: {  	[sflag:s18] =	ssyncadd.s32 $0xFFFFE700  }
0x2dd: {  	_ =	swait.ge [sflag:s18], $0x1900  }
0x2de: {  	[sflag:s18] =	ssyncset.done $0x0  }
0x2df: {  	[sflag:s18] =	ssyncadd.s32 $0xFFFFE700  }
0x2e0: {  	_ =	swait.ge [sflag:s18], $0x1900  }
0x2e1: {  	[sflag:s18] =	ssyncset.done $0x0  }
0x2e2: {  	[sflag:s18] =	ssyncadd.s32 $0xFFFFE700  }
0x2e3: {  	_ =	swait.ge [sflag:s18], $0x1900  }
0x2e4: {  	[sflag:s18] =	ssyncset.done $0x0  }
0x2e5: {  	s30 =	simm.s32 $0x0;
	[sflag:s18] =	ssyncadd.s32 $0xFFFFE700  }
0x2e6: {  	v2 =	vld [tilespmem:s30+$0x199C0]  }
0x2e7: {  	v5 =	vld [tilespmem:s30+$0x199D0]  }
0x2e8: {  	v1 =	vld [tilespmem:s30+$0x199E0]  }
0x2e9: {  	v3 =	vld [tilespmem:s30+$0xD1C0]  }
0x2ea: {  	v4 =	vld [tilespmem:s30+$0x103C0]  }
0x2eb: {  	v6 =	vld [tilespmem:s30+$0x135C0]  }
0x2ec: {  	v7 =	vld [tilespmem:s30+$0x167C0]  }
0x2ed: {  	v8 =	vld [tilespmem:s30+$0xD1D0]  }
0x2ee: {  	v9 =	vld [tilespmem:s30+$0x103D0]  }
0x2ef: {  	v0 =	vld [tilespmem:s30+$0x199F0];
	v3 =	vadd.f32 v3, v2  }
0x2f0: {  	v11 =	vld [tilespmem:s30+$0x167D0];
	v4 =	vadd.f32 v4, v2  }
0x2f1: {  	v10 =	vld [tilespmem:s30+$0x135D0];
	[tilespmem:s30+$0xD1C0] =	vst v3;
	v3 =	vadd.f32 v6, v2  }
0x2f2: {  	[tilespmem:s30+$0x103C0] =	vst v4;
	v6 =	vld [tilespmem:s30+$0xD1E0];
	v2 =	vadd.f32 v7, v2  }
0x2f3: {  	v7 =	vld [tilespmem:s30+$0x103E0];
	v4 =	vadd.f32 v8, v5;
	v8 =	vadd.f32 v9, v5;
	[tilespmem:s30+$0x135C0] =	vst v3  }
0x2f4: {  	[tilespmem:s30+$0x167C0] =	vst v2;
	v3 =	vld [tilespmem:s30+$0x135E0]  }
0x2f5: {  	v2 =	vld [tilespmem:s30+$0x167E0];
	[tilespmem:s30+$0x103D0] =	vst v8;
	v8 =	vadd.f32 v11, v5  }
0x2f6: {  	v9 =	vadd.f32 v10, v5;
	[tilespmem:s30+$0xD1D0] =	vst v4;
	v4 =	vld [tilespmem:s30+$0xD1F0]  }
0x2f7: {  	v5 =	vld [tilespmem:s30+$0x103F0];
	[tilespmem:s30+$0x167D0] =	vst v8;
	v8 =	vadd.f32 v6, v1  }
0x2f8: {  	s22 =	simm.s32 $0x100;
	[tilespmem:s30+$0x135D0] =	vst v9;
	v7 =	vadd.f32 v7, v1;
	v6 =	vld [tilespmem:s30+$0x135F0]  }
.LBB2_16:
0x2f9: {  	s29 =	sshra.s32 s22, $0x2;
	p0 =	sne.s32 s22, $0xC700;
	[tilespmem:s30+$0xD1E0] =	vst v8;
	v3 =	vadd.f32 v3, v1;
	v8 =	vld [tilespmem:s30+$0x167F0]  }
0x2fa: {  	v9 =	vld [tilespmem:s29+$0x199C0];
	[tilespmem:s30+$0x103E0] =	vst v7;
	v2 =	vadd.f32 v2, v1  }
0x2fb: {  	v7 =	vld [tilespmem:s29+$0x199D0];
	[tilespmem:s30+$0x135E0] =	vst v3;
	v3 =	vadd.f32 v4, v0  }
0x2fc: {  	v1 =	vld [tilespmem:s29+$0x199E0];
	[tilespmem:s30+$0x167E0] =	vst v2;
	v2 =	vadd.f32 v5, v0  }
0x2fd: {  	v4 =	vld [tilespmem:s29+$0x199F0];
	[tilespmem:s30+$0xD1F0] =	vst v3;
	v3 =	vadd.f32 v6, v0  }
0x2fe: {  	v5 =	vld [tilespmem:s29+$0xD1C0];
	[tilespmem:s30+$0x103F0] =	vst v2;
	v0 =	vadd.f32 v8, v0  }
0x2ff: {  	v2 =	vld [tilespmem:s29+$0x103C0];
	[tilespmem:s30+$0x135F0] =	vst v3  }
0x300: {  	v3 =	vld [tilespmem:s29+$0x135C0];
	[tilespmem:s30+$0x167F0] =	vst v0;
	s30 =	smov.u32 s29  }
0x301: {  	v6 =	vld [tilespmem:s30+$0x167C0]  }
0x302: {  	v8 =	vld [tilespmem:s30+$0xD1D0];
	v0 =	vmov v4  }
0x303: {  	v4 =	vadd.f32 v5, v9;
	v5 =	vld [tilespmem:s30+$0x103D0]  }
0x304: {  	v2 =	vadd.f32 v2, v9;
	v10 =	vld [tilespmem:s30+$0x135D0]  }
0x305: {  	[tilespmem:s30+$0xD1C0] =	vst v4;
	v3 =	vadd.f32 v3, v9;
	v4 =	vld [tilespmem:s30+$0x167D0]  }
0x306: {  	[tilespmem:s30+$0x103C0] =	vst v2;
	v2 =	vadd.f32 v6, v9;
	v6 =	vld [tilespmem:s30+$0xD1E0]  }
0x307: {  	[tilespmem:s30+$0x135C0] =	vst v3;
	v8 =	vadd.f32 v8, v7;
	v9 =	vld [tilespmem:s30+$0x103E0]  }
.Ltmp7:
0x308: {  	[tilespmem:s30+$0x167C0] =	vst v2;
	v5 =	vadd.f32 v5, v7;
	v3 =	vld [tilespmem:s30+$0x135E0];
	(pc) =	sbr.rel @p0 .LBB2_16-.Ltmp7, $4  }
0x309: {  	[tilespmem:s30+$0xD1D0] =	vst v8;
	v8 =	vadd.f32 v10, v7;
	v2 =	vld [tilespmem:s30+$0x167E0]  }
0x30a: {  	[tilespmem:s30+$0x103D0] =	vst v5;
	v7 =	vadd.f32 v4, v7;
	v4 =	vld [tilespmem:s30+$0xD1F0]  }
0x30b: {  	[tilespmem:s30+$0x135D0] =	vst v8;
	v8 =	vadd.f32 v6, v1;
	v5 =	vld [tilespmem:s30+$0x103F0]  }
0x30c: {  	s22 =	sadd.s32 $0x100, s22;
	[tilespmem:s30+$0x167D0] =	vst v7;
	v7 =	vadd.f32 v9, v1;
	v6 =	vld [tilespmem:s30+$0x135F0]  }
0x30d: {  	[tilespmem:s30+$0xD1E0] =	vst v8;
	v3 =	vadd.f32 v3, v1;
	v58 =	vld [tilespmem:s30+$0x167F0]  }
0x30e: {  	[tilespmem:s30+$0x103E0] =	vst v7;
	v59 =	vadd.f32 v2, v1  }
0x30f: {  	[tilespmem:s30+$0x135E0] =	vst v3;
	v60 =	vadd.f32 v4, v0  }
0x310: {  	[tilespmem:s30+$0x167E0] =	vst v59;
	v61 =	vadd.f32 v5, v0  }
0x311: {  	[tilespmem:s30+$0xD1F0] =	vst v60;
	v62 =	vadd.f32 v6, v0  }
0x312: {  	[tilespmem:s30+$0x103F0] =	vst v61;
	v63 =	vadd.f32 v58, v0  }
0x313: {  	[tilespmem:s30+$0x135F0] =	vst v62  }
0x314: {  	s22 =	rddreg [dreg:$0x13];
	[tilespmem:s30+$0x167F0] =	vst v63  }
0x315: {  	[hbm4b:s22+s2] =	stream.linear.scatter [tilespmem:s13], [sflag:$0x7], $0xC800, $0x38;
	[tilespmem:$0x1CBC0] =	vst v63  }
0x316: {  	_ =	swait.ge [sflag:s16], $0xC800  }
0x317: {  	[sflag:s16] =	ssyncset.done $0x0  }
0x318: {  	[sflag:s16] =	ssyncadd.s32 $0xFFFF3800  }
0x319: {  	_ =	swait.ge [sflag:s20], $0xC800  }
0x31a: {  	s23 =	sadd.s32 $0x1, s23;
	s30 =	rddreg [dreg:$0x14]  }
0x31b: {  	p0 =	sne.s32 s23, s30  }
.Ltmp8:
0x31c: {  	_ = 	snop;
	(pc) =	sbr.rel @p0 .LBB2_1-.Ltmp8, $3  }
0x31d: {  	_ =	sdelay $0x1  }
0x31e: {  	[sflag:s20] =	ssyncset.done $0x0  }
0x31f: {  	[sflag:s20] =	ssyncadd.s32 $0xFFFF3800  }
0x320: {  	_ =	sfence.sel $0x180000  }
0x321: {  	[bflag:$0x0] =	sbarrier.arrive $0xFFFF  }
0x322: {  	_ =	strace $0x90000047  }
0x323: {  	s0 =	stileid.u32;
	[bflag:$0x2] =	sbarrier.arrive $0xFFFF  }
0x324: {  	p0 =	sne.s32 s0, $0x0;
	s0 =	rddreg [dreg:$0x2]  }
0x325: {  	s0 =	sadd.s32 @!p0 $0x100000, s0  }
0x326: {  	[sflag:s0] =	ssyncadd.tile.s32 @!p0 $0x1;
	_ =	shalt  }
.Lfunc_end2:
_tile_overlayer_lowered:
.L_overlay_start_2:
0x327: {  	(tag) =	ssettag $0x2  }
0x328: {  	s0 =	rddreg [dreg:$0x0];
	s2 =	stileid.u32  }
0x329: {  	s1 =	rddreg [dreg:$0x1];
	p0 =	sne.s32 s2, $0x0  }
0x32a: {  	s3 =	rddreg [dreg:$0x2];
	[bflag:$0x3] =	sbarrier.arrive $0xFFFF;
	s2 =	simm.s32 @!p0 $0x1C08  }
0x32b: {  	[timem:s3], [sflag:s2] =	dma.local @!p0 [hbm:s0], s1  }
0x32c: {  	s0 =	simm.s32 @!p0 $0x8  }
0x32d: {  	_ =	swait.ge @!p0 [sflag:s0], s1  }
0x32e: {  	s1 =	ssub.s32 @!p0 $0x0, s1;
	[sflag:s0] =	ssyncset.done @!p0 $0x0  }
0x32f: {  	[sflag:s0] =	ssyncadd.s32 @!p0 s1  }
0x330: {  	[bflag:$0x3] =	sbarrier.arrive $0xFFFF  }
0x331: {  	_ =	shalt  }

// kernel: sparse-core-data-format-call.cloned.1.call-start
scs
called_computation_lowered:
.L_overlay_start_0:
0x0: {  	s2 =	sld [smem:$0x3FD9]  }
0x1: {  	s3 =	sld [smem:$0x3FFE];
	_ =	sdelay $0x1  }
0x2: {  	s1 =	srdreg.scid  }
0x3: {  	s0 =	sand.u32 $0x1, s1  }
0x4: {  	s18 =	sshll.u32 s0, $0xA;
	s2 =	sadd.s32 s3, s2  }
0x5: {  	s2 =	sadd.s32 s2, s18  }
0x6: {  	[smem:$0x3FC6] =	sst s2  }
0x7: {  	_ = 	snop  }
0x8: {  	s2 =	sld [smem:$0x3FD0];
	(tm) =	ssettm $0x1  }
0x9: {  	s19 =	sld [smem:$0x3FFB];
	_ =	sdelay $0x3  }
0xa: {  	_ =	strace s19  }
0xb: {  	s3 =	sld [smem:$0x3FFC];
	_ =	sdelay $0x3  }
0xc: {  	_ =	strace s3  }
0xd: {  	s3 =	sld [smem:$0x3FFD];
	_ =	sdelay $0x3  }
0xe: {  	_ =	strace s3  }
0xf: {  	_ =	strace $0x8FFFFFFF  }
0x10: {  	s20 =	sld [smem:$0x3FDB];
	_ =	sdelay $0x1  }
0x11: {  	s4 =	simm.s32 $_scs_section_size  }
0x12: {  	s5 =	simm.s32 $_size__tile_overlayer_lowered;
	s6 =	simm.s32 $_tile_overlayer_lowered  }
0x13: {  	s23 =	simm.s32 $0x1BFF;
	s22 =	sshll.u32 s6, $0x1;
	s3 =	sadd.s32 s4, s20  }
0x14: {  	s7 =	simm.s32 $0x0;
	s21 =	sshll.u32 s5, $0x1;
	s5 =	sadd.s32 s22, s3  }
0x15: {  	[timem:s7], [sflag:s23] =	dma.local [hbm:s5], s21  }
0x16: {  	_ =	swait.ge [sflag:s23], s21  }
0x17: {  	s4 =	ssub.s32 $0x0, s21;
	[sflag:s23] =	ssyncset.done $0x0  }
0x18: {  	[sflag:s23] =	ssyncadd.s32 s4;
	_ =	sdelay $0x1  }
0x19: {  	s24 =	simm.s32 $0x1B8B  }
0x1a: {  	_ =	swait.ge [sflag:s24], $0x1  }
0x1b: {  	[sflag:s24] =	ssyncset.done $0x0  }
0x1c: {  	s26 =	simm.s32 $0x1B8E;
	s25 =	sld [smem:$0x3FFE];
	[sflag:s24] =	ssyncadd.s32 $0xFFFFFFFF  }
0x1d: {  	s27 =	simm.s32 $execute0_lowered;
	[smem:$0x3FD2] =	sst s26  }
0x1e: {  	s5 =	sshll.u32 s27, $0x1;
	_ =	strace $0x80000049;
	[dreg:$0x1] =	wrdreg $0xFFFFFFFF  }
0x1f: {  	s28 =	simm.s32 $_size_execute0_lowered;
	s3 =	sadd.s32 s3, s5;
	[dreg:$0x0] =	wrdreg $0x0  }
0x20: {  	s5 =	sshll.u32 s28, $0x1;
	[dreg:$0x2] =	wrdreg s3  }
0x21: {  	[dreg:$0x3] =	wrdreg s5  }
0x22: {  	[dreg:$0x4] =	wrdreg $0xC0  }
0x23: {  	_ =	task [dreg:s7], $0x5FFFF  }
0x24: {  	[dreg:$0x1] =	wrdreg $0xFFFFFFFF  }
0x25: {  	[dreg:$0x0] =	wrdreg $0x60  }
0x26: {  	[dreg:$0x2] =	wrdreg s25  }
0x27: {  	[dreg:$0x3] =	wrdreg s2  }
0x28: {  	[dreg:$0x4] =	wrdreg $0x9  }
0x29: {  	_ =	task.clear_ibuf [dreg:s7], $0x5FFFF;
	_ =	strace $0x90000049  }
0x2a: {  	s29 =	simm.s32 $0x9;
	_ =	strace $0x8000004B  }
0x2b: {  	_ =	swait.ge [sflag:s29], $0x1  }
0x2c: {  	[sflag:s29] =	ssyncadd.s32 $0xFFFFFFFF  }
0x2d: {  	_ =	strace $0x9000004B  }
0x2e: {  	_ =	sfence  }
0x2f: {  	s30 =	sld [smem:$0x0];
	_ =	sdelay $0x2  }
0x30: {  	s31 =	sshll.u32 s1, $0xD;
	s1 =	sshrl.u32 s1, $0x2  }
0x31: {  	s3 =	sand.u32 $0x4000, s31;
	s1 =	sadd.s32 s1, s30  }
0x32: {  	s0 =	sor.u32 s3, s0;
	s1 =	sshll.u32 s1, $0x11  }
0x33: {  	s0 =	sor.u32 s1, s0  }
0x34: {  	s0 =	sadd.s32 $0x8F2B, s0  }
0x35: {  	[sflag:s0] =	ssyncadd.remote.s32 $0x1  }
0x36: {  	_ =	sfence.sel $0xFFFF  }
0x37: {  	[dreg:$0x0] =	wrdreg $0xFFFFFFFF;
	(pc) =	sbr.abs _section_cstart, $3  }
0x38: {  	[dreg:$0x1] =	wrdreg $0xFFFFFFFF  }
0x39: {  	_ =	task.clear_ibuf [dreg:s7], $0x2FFFF;
	_ =	strace $0x9FFFFFFF  }
0x3a: {  	(tm) =	ssettm $0x7FFFFFFF  }
0x3b: {  	_ =	shalt  }
tec
execute0_lowered:
.L_overlay_start_1:
0x0: {  	(tag) =	ssettag $0x1  }
0x1: {  	s0 =	stileid.u32;
	s6 =	rddreg [dreg:$0x0]  }
0x2: {  	s2 =	rddreg [dreg:$0x1];
	s5 =	srdreg.scid  }
0x3: {  	s31 =	simm.s32 $0x2;
	s13 =	simm.s32 $0x0;
	s1 =	sshll.u32 s0, $0x7  }
0x4: {  	s14 =	simm.s32 $0x0;
	s12 =	simm.s32 $0x0;
	s3 =	sand.u32 $0x380, s1  }
0x5: {  	s5 =	sshll.u32 s5, $0x4;
	s6 =	sadd.s32 $0x400, s6;
	s4 =	ssub.s32 $0x400, s3  }
0x6: {  	s1 =	rddreg [dreg:$0x2];
	_ =	strace $0x8000004A;
	s7 =	sand.u32 $0x380, s4  }
0x7: {  	s5 =	sand.u32 $0x10, s5;
	p0 =	sne.s32 s7, $0x0;
	s7 =	simm.s32 $0x1  }
.Ltmp0:
0x8: {  	s8 =	sshrl.u32 s4, $0xA;
	s7 =	simm.s32 @!p0 $0x0;
	(pc) =	sbr.rel .LBB1_1-.Ltmp0, $4  }
0x9: {  	s9 =	sor.u32 s0, s5;
	s4 =	simm.s32 $0x1;
	s30 =	sadd.s32 s7, s8  }
0xa: {  	s11 =	smov.u32 s3;
	[sflag:s4] =	ssyncpa.u1 $0x0;
	s5 =	smul.u32 $0x32, s30  }
0xb: {  	[sflag:s31] =	ssyncpa.u1 $0x0;
	p0 =	por $0x0, $0x0;
	s7 =	sshrl.u32 s9, $0x3  }
0xc: {  	s9 =	simm.s32 $0x2000;
	s10 =	smov.u32 s7;
	s8 =	sor.u32 $0x1, s5  }
.LBB1_4:
0xd: {  	s17 =	sand.u32 $0x1F80, s14;
	s13 =	sshll.u32 s13, $0xD  }
0xe: {  	[tilespmem:s16+$0x810 ss:$0x81] =	vst.msk $0xffff, v2;
	s18 =	sshrl.u32 s14, $0x3;
	s31 =	sand.u32 $0x7, s14;
	s17 =	sadd.s32 s2, s17  }
0xf: {  	[tilespmem:s16+$0x1020 ss:$0x81] =	vst.msk $0xffff, v0;
	s18 =	sand.u32 $0xF, s18;
	s14 =	sshll.u32 s31, $0x12;
	s13 =	sadd.s32 s13, s17  }
0x10: {  	[tilespmem:s16+$0x0 ss:$0x81] =	vst.msk $0xffff, v1;
	s14 =	sor.u32 $0x400, s14;
	s13 =	sadd.s32 s18, s13  }
0x11: {  	[hbm4b:s13+s14] =	stream.strided.scatter [tilespmem:s15], [sflag:$0x2], $0x2000, s9, s14, $0x20;
	[tilespmem:$0x8080] =	vst v63  }
.LBB1_5:
0x12: {  	s15 =	sadd.s32 $0x4, s10  }
0x13: {  	s13 =	sadd.s32 $0x400, s11;
	s17 =	smov.u32 s11;
	p2 =	sgt.s32 s15, $0xC7  }
0x14: {  	s17 =	smov.u32 @p2 s13  }
0x15: {  	s15 =	smov.u32 @p2 s7;
	p2 =	sgt.s32 s17, $0x3FF  }
0x16: {  	s17 =	smov.u32 @p2 s3;
	p2 =	sne.s32 s12, s8  }
.Ltmp1:
0x17: {  	p1 =	slt.u32 s12, $0x2;
	(pc) =	sbr.rel @!p2 .LBB1_6-.Ltmp1, $4  }
0x18: {  	s16 =	simm.s32 @!p1 $0x2  }
0x19: {  	s14 =	smov.u32 s11;
	p0 =	por !p0, !p0;
	_ =	swait.ge @!p1 [sflag:s16], $0x2000  }
0x1a: {  	s13 =	smov.u32 s10;
	[sflag:s16] =	ssyncset.done @!p1 $0x0;
	s10 =	smov.u32 s15  }
0x1b: {  	s12 =	sadd.s32 $0x1, s12;
	[sflag:s16] =	ssyncadd.s32 @!p1 $0xFFFFE000;
	s11 =	smov.u32 s17  }
.LBB1_1:
0x1c: {  	p1 =	sge.u32 s12, s5  }
0x1d: {  	s15 =	sand.u32 @!p1 $0x1FFFFFF, s10  }
0x1e: {  	s16 =	smulhi.u32 @!p1 $0x147AE15, s15;
	_ =	sdelay $0x1  }
0x1f: {  	s16 =	smul.u32 @!p1 $0xC8, s16  }
0x20: {  	s17 =	sxor.u32 @!p1 $0xFFFFFFFF, s12;
	s18 =	smul.u32 @!p1 $0xC80, s11  }
0x21: {  	s31 =	sadd.s32 $0xFFFFFFFF, s12;
	s17 =	sshll.u32 @!p1 s17, $0xD;
	s15 =	ssub.s32 @!p1 s15, s16  }
0x22: {  	s16 =	sand.u32 @!p1 $0x2000, s17;
	s17 =	sadd.s32 @!p1 s6, s18;
	s15 =	sshll.u32 @!p1 s15, $0x4  }
0x23: {  	s18 =	simm.s32 @!p1 $0x6400;
	s15 =	sadd.s32 @!p1 s15, s17;
	s17 =	simm.s32 @!p1 $0x40  }
0x24: {  	[tilespmem:s16], [sflag:$0x1] =	stream.strided.gather @!p1 [hbm4b:s15+s17], $0x2000, s18, s17, $0x38;
	[tilespmem:$0x8080] =	vst v63  }
0x25: {  	p1 =	sge.u32 s31, s5  }
.Ltmp2:
0x26: {  	_ = 	snop;
	(pc) =	sbr.rel @p1 .LBB1_5-.Ltmp2, $1  }
0x27: {  	_ =	sdelay $0x3  }
0x28: {  	s15 =	simm.s32 $0x1  }
0x29: {  	_ =	swait.ge [sflag:s4], $0x2000;
	s15 =	simm.s32 @!p0 $0x0  }
0x2a: {  	[sflag:s4] =	ssyncset.done $0x0;
	s16 =	sshll.u32 s15, $0xD  }
0x2b: {  	[sflag:s4] =	ssyncadd.s32 $0xFFFFE000;
	s19 =	sor.u32 $0x20, s16  }
0x2c: {  	s15 =	smul.u32 $0x8100, s15;
	v3 =	vld [tilespmem:s19+$0x10]  }
0x2d: {  	s30 =	sand.u32 $0x1, s12;
	v2 =	vld [tilespmem:s19+$0xFFFFFFF0]  }
0x2e: {  	s16 =	smul.u32 $0x8100, s30;
	s15 =	sshrl.u32 s15, $0x2;
	v0 =	vld [tilespmem:s19+$0x0]  }
0x2f: {  	v1 =	vld [tilespmem:s19+$0xFFFFFFE0];
	s17 =	sor.u32 $0x4000, s15  }
0x30: {  	s31 =	sshrl.u32 s16, $0x2;
	s16 =	sadd.s32 $0x0, s17  }
0x31: {  	s18 =	simm.s32 $0x4;
	s19 =	sadd.s32 $0x40, s19;
	s15 =	sor.u32 $0x4000, s31;
	[tilespmem:s16+$0x1830 ss:$0x81] =	vst.msk $0xffff, v3  }
.LBB1_3:
0x32: {  	v3 =	vld [tilespmem:s19+$0x10];
	p1 =	sne.s32 s18, $0x1FC;
	[tilespmem:s16+$0x810 ss:$0x81] =	vst.msk $0xffff, v2;
	s20 =	smov.u32 s18;
	s18 =	sadd.s32 $0x4, s18  }
.Ltmp3:
0x33: {  	v2 =	vld [tilespmem:s19+$0xFFFFFFF0];
	[tilespmem:s16+$0x1020 ss:$0x81] =	vst.msk $0xffff, v0;
	(pc) =	sbr.rel @p1 .LBB1_3-.Ltmp3, $4  }
0x34: {  	v0 =	vld [tilespmem:s19+$0x0];
	[tilespmem:s16+$0x0 ss:$0x81] =	vst.msk $0xffff, v1  }
0x35: {  	s16 =	sshra.s32 s20, $0x2;
	v1 =	vld [tilespmem:s19+$0xFFFFFFE0]  }
0x36: {  	s16 =	sadd.s32 s16, s17  }
0x37: {  	s19 =	sadd.s32 $0x40, s19;
	[tilespmem:s16+$0x1830 ss:$0x81] =	vst.msk $0xffff, v3  }
.Ltmp4:
0x38: {  	_ = 	snop;
	(pc) =	sbr.rel .LBB1_4-.Ltmp4, $1  }
0x39: {  	_ =	sdelay $0x3  }
.LBB1_6:
0x3a: {  	_ =	sfence.sel $0x180000  }
0x3b: {  	s2 =	simm.s32 $0x1;
	[bflag:$0x0] =	sbarrier.arrive $0xFFFF  }
0x3c: {  	s31 =	simm.s32 $0x2;
	[sflag:s2] =	ssyncpa.u1 $0x1  }
0x3d: {  	[sflag:s31] =	ssyncpa.u1 $0x1  }
0x3e: {  	p0 =	sne.s32 s0, $0x0;
	_ =	strace $0x9000004A  }
0x3f: {  	s0 =	sadd.s32 @!p0 $0x100000, s1;
	[bflag:$0x2] =	sbarrier.arrive $0xFFFF  }
0x40: {  	[sflag:s0] =	ssyncadd.tile.s32 @!p0 $0x1;
	_ =	shalt  }
.Lfunc_end1:
_tile_overlayer_lowered:
.L_overlay_start_2:
0x41: {  	(tag) =	ssettag $0x2  }
0x42: {  	s0 =	rddreg [dreg:$0x0];
	s2 =	stileid.u32  }
0x43: {  	s1 =	rddreg [dreg:$0x1];
	p0 =	sne.s32 s2, $0x0  }
0x44: {  	s3 =	rddreg [dreg:$0x2];
	[bflag:$0x3] =	sbarrier.arrive $0xFFFF;
	s2 =	simm.s32 @!p0 $0x1C01  }
0x45: {  	[timem:s3], [sflag:s2] =	dma.local @!p0 [hbm:s0], s1  }
0x46: {  	s0 =	simm.s32 @!p0 $0x1  }
0x47: {  	_ =	swait.ge @!p0 [sflag:s0], s1  }
0x48: {  	s1 =	ssub.s32 @!p0 $0x0, s1;
	[sflag:s0] =	ssyncset.done @!p0 $0x0  }
0x49: {  	[sflag:s0] =	ssyncadd.s32 @!p0 s1  }
0x4a: {  	[bflag:$0x3] =	sbarrier.arrive $0xFFFF  }
0x4b: {  	_ =	shalt  }

</sc_bundles>
